<compile_context>
chip_gen: v7x
topology: tpu7x:2x2x1
jax: 0.10.2.dev20260603
libtpu: 0.0.44.dev20260713+nightly
codegen_flags: <defaults>
</compile_context>

<pallas_src>
import functools

import jax
import jax.numpy as jnp
from jax import lax
from jax.experimental import pallas as pl
from jax.experimental.pallas import tpu as pltpu
from jax.experimental.pallas import tpu_sc as plsc

NC = 2
NS = 16
NW = NC * NS

N_NODES = 10000
D = 128
E_TOTAL = 320000
E_PER_W = E_TOTAL // NW
CHUNK = 80
N_CHUNKS = E_PER_W // CHUNK


def _sc_body(xd_hbm, xp_hbm, idd_hbm, idp_hbm, out_hbm,
             idd_v, idp_v, rows_a, rows_b, out_v, sh_a, sh_b,
             sem_i, sem_g0, sem_g1):
  sid = lax.axis_index("s")
  wid = sid * NC + lax.axis_index("c")
  base_w = wid * E_PER_W

  rpt = N_NODES // NS
  t0 = sid * rpt
  pltpu.sync_copy(xd_hbm.at[pl.ds(t0, rpt)], sh_a.at[pl.ds(t0, rpt)])
  pltpu.sync_copy(xp_hbm.at[pl.ds(t0, rpt)], sh_b.at[pl.ds(t0, rpt)])
  plsc.subcore_barrier()
  lane = lax.iota(jnp.int32, 16)
  sem_g = (sem_g0, sem_g1)

  def issue_idx(k, b):
    base = base_w + k * CHUNK
    pltpu.async_copy(idd_hbm.at[pl.ds(base, CHUNK)], idd_v.at[b], sem_i)
    pltpu.async_copy(idp_hbm.at[pl.ds(base, CHUNK)], idp_v.at[b], sem_i)

  def wait_idx(b):
    pltpu.make_async_copy(
        idd_hbm.at[pl.ds(0, CHUNK)], idd_v.at[b], sem_i).wait()
    pltpu.make_async_copy(
        idp_hbm.at[pl.ds(0, CHUNK)], idp_v.at[b], sem_i).wait()

  def issue_gather(b):
    pltpu.async_copy(sh_a.at[idd_v.at[b]], rows_a.at[b], sem_g[b])
    pltpu.async_copy(sh_b.at[idp_v.at[b]], rows_b.at[b], sem_g[b])

  def wait_gather(b):
    pltpu.make_async_copy(
        sh_a.at[idd_v.at[b]], rows_a.at[b], sem_g[b]).wait()
    pltpu.make_async_copy(
        sh_b.at[idp_v.at[b]], rows_b.at[b], sem_g[b]).wait()

  def compute(k, b):
    out_base = k * CHUNK

    def group_body(g, c):
      e0 = g * 16
      res = jnp.zeros((16,), jnp.float32)
      for i in range(16):
        e = e0 + i
        pr = []
        for j in range(D // 32):
          wa = rows_a[b, e, pl.ds(j * 32, 32)]
          wb = rows_b[b, e, pl.ds(j * 32, 32)]
          pr.append(wa * wb)
        s = (pr[0] + pr[1]) + (pr[2] + pr[3])
        t0, t1 = plsc.unpack(s, format=plsc.PackFormat.INTERLEAVED)
        res = jnp.where(lane == i, jnp.sum(t0 + t1), res)
      out_v[pl.ds(out_base + e0, 16)] = res
      return c

    lax.fori_loop(0, CHUNK // 16, group_body, 0)

  pltpu.sync_copy(idd_hbm.at[pl.ds(base_w, CHUNK)], idd_v.at[0])
  pltpu.sync_copy(idp_hbm.at[pl.ds(base_w, CHUNK)], idp_v.at[0])
  issue_gather(0)
  issue_idx(1, 1)

  def phase(k, b):
    @pl.when(k < N_CHUNKS - 1)
    def _():
      wait_idx(b ^ 1)
      issue_gather(b ^ 1)

    wait_gather(b)

    @pl.when(k < N_CHUNKS - 2)
    def _():
      issue_idx(k + 2, b)

    compute(k, b)

  def pair_body(k2, c):
    k = k2 * 2
    phase(k, 0)
    phase(k + 1, 1)
    return c

  lax.fori_loop(0, N_CHUNKS // 2, pair_body, 0)
  if N_CHUNKS % 2:
    phase(N_CHUNKS - 1, 0)

  pltpu.sync_copy(out_v, out_hbm.at[pl.ds(base_w, E_PER_W)])


@functools.partial(jax.jit, static_argnames=("interpret",))
def _run(xd, xp, idd, idp, interpret=False):
  mesh = plsc.VectorSubcoreMesh(core_axis_name="c", subcore_axis_name="s",
                                num_cores=NC, num_subcores=NS)
  return pl.kernel(
      _sc_body,
      out_type=jax.ShapeDtypeStruct((E_TOTAL,), jnp.float32),
      mesh=mesh,
      scratch_types=[
          pltpu.VMEM((2, CHUNK), jnp.int32),
          pltpu.VMEM((2, CHUNK), jnp.int32),
          pltpu.VMEM((2, CHUNK, D), jnp.bfloat16),
          pltpu.VMEM((2, CHUNK, D), jnp.bfloat16),
          pltpu.VMEM((E_PER_W,), jnp.float32),
          pltpu.VMEM_SHARED((N_NODES, D), jnp.bfloat16),
          pltpu.VMEM_SHARED((N_NODES, D), jnp.bfloat16),
          pltpu.SemaphoreType.DMA,
          pltpu.SemaphoreType.DMA,
          pltpu.SemaphoreType.DMA,
      ],
      compiler_params=pltpu.CompilerParams(needs_layout_passes=False,
                                           use_tc_tiling_on_sc=False),
      interpret=interpret,
  )(xd, xp, idd, idp)


def kernel(x_drug, x_prot, edge_label_index):
  eli = edge_label_index.astype(jnp.int32)
  return _run(x_drug.astype(jnp.bfloat16), x_prot.astype(jnp.bfloat16),
              eli[0], eli[1])

# --- scband reference (transcript-rebuilt; emitter-appended) ---
"""Pipeline reference for scband-classifier-2585570312521 (READ-ONLY COPY).

The authoritative reference and input builder live on the scoring server;
editing this copy changes nothing except your own understanding.
"""

import jax, jax.numpy as jnp
import numpy as np


def setup_inputs(seed: int = 0) -> dict:
    key = jax.random.key(seed)
    k1, k2, k3 = jax.random.split(key, 3)
    x_drug = jax.random.normal(k1, (10000, 128), dtype=jnp.float32)
    x_prot = jax.random.normal(k2, (10000, 128), dtype=jnp.float32)
    edge_label_index = jax.random.randint(k3, (2, 320000), 0, 10000, dtype=jnp.int64)
    return {"x_drug": x_drug, "x_prot": x_prot, "edge_label_index": edge_label_index}


def reference(x_drug, x_prot, edge_label_index):
    # Gather node features for the source (drug) and destination (protein) of each edge
    edge_feat_drug = jnp.take(x_drug, edge_label_index[0], axis=0)
    edge_feat_prot = jnp.take(x_prot, edge_label_index[1], axis=0)
    # Per-edge dot product
    return (edge_feat_drug * edge_feat_prot).sum(axis=-1)

if __name__ == "__main__":
    import jax
    _d = setup_inputs()
    print(jax.jit(kernel)(*tuple(_d.values())))

</pallas_src>

<mosaic_0001>
#map = affine_map<(d0, d1) -> (0, 0)>
#map1 = affine_map<(d0, d1) -> (0)>
module attributes {stable_mosaic.version = 14 : i64} {
  func.func @_sc_body(%arg0: i32, %arg1: i32, %arg2: memref<10000x128xbf16, #tpu.memory_space<hbm>>, %arg3: memref<10000x128xbf16, #tpu.memory_space<hbm>>, %arg4: memref<320000xi32, #tpu.memory_space<hbm>>, %arg5: memref<320000xi32, #tpu.memory_space<hbm>>, %arg6: memref<320000xf32, #tpu.memory_space<hbm>>, %arg7: memref<2x80xi32, #tpu.memory_space<vmem>>, %arg8: memref<2x80xi32, #tpu.memory_space<vmem>>, %arg9: memref<2x80x128xbf16, #tpu.memory_space<vmem>>, %arg10: memref<2x80x128xbf16, #tpu.memory_space<vmem>>, %arg11: memref<10000xf32, #tpu.memory_space<vmem>>, %arg12: memref<10000x128xbf16, #tpu.memory_space<vmem_shared>>, %arg13: memref<10000x128xbf16, #tpu.memory_space<vmem_shared>>, %arg14: memref<!tpu.dma_semaphore, #tpu.memory_space<semaphore_mem>>, %arg15: memref<!tpu.dma_semaphore, #tpu.memory_space<semaphore_mem>>, %arg16: memref<!tpu.dma_semaphore, #tpu.memory_space<semaphore_mem>>) attributes {dimension_semantics = [#tpu.dimension_semantics<core_parallel>, #tpu.dimension_semantics<subcore_parallel>], iteration_bounds = array<i64: 2, 16>, scalar_prefetch = 0 : i64, scratch_operands = 10 : i64, tpu.core_type = #tpu.core_type<sc_vector_subcore>, window_params = [{transform_indices = #map}, {transform_indices = #map}, {transform_indices = #map1}, {transform_indices = #map1}, {transform_indices = #map1}]} {
    %mul3A = arith.constant 2 : i32
    %mul3A_0 = arith.muli %arg1, %mul3A : i32
    %add3A = arith.addi %mul3A_0, %arg0 : i32
    %mul3A_1 = arith.constant 10000 : i32
    %mul3A_2 = arith.muli %add3A, %mul3A_1 : i32
    %mul3A_3 = arith.constant 625 : i32
    %mul3A_4 = arith.muli %arg1, %mul3A_3 : i32
    "tpu.region"() ({
      %run_scoped3A_83 = tpu.sem_alloc : memref<!tpu.dma_semaphore, #tpu.memory_space<semaphore_mem>>
      %dma_start3A_84 = arith.constant 0 : i32
      %dma_start3A_85 = tpu.memref_slice %arg12[%mul3A_4, %dma_start3A_84] : memref<10000x128xbf16, #tpu.memory_space<vmem_shared>> -> memref<625x128xbf16, #tpu.memory_space<vmem_shared>>
      %dma_start3A_86 = arith.constant 0 : i32
      %dma_start3A_87 = tpu.memref_slice %arg2[%mul3A_4, %dma_start3A_86] : memref<10000x128xbf16, #tpu.memory_space<hbm>> -> memref<625x128xbf16, #tpu.memory_space<hbm>>
      tpu.enqueue_dma source(%dma_start3A_87 : memref<625x128xbf16, #tpu.memory_space<hbm>>) target(%dma_start3A_85 : memref<625x128xbf16, #tpu.memory_space<vmem_shared>>) target_semaphore(%run_scoped3A_83 : memref<!tpu.dma_semaphore, #tpu.memory_space<semaphore_mem>>)
      %dma_wait3A_88 = arith.constant 0 : i32
      %dma_wait3A_89 = tpu.memref_slice %arg12[%mul3A_4, %dma_wait3A_88] : memref<10000x128xbf16, #tpu.memory_space<vmem_shared>> -> memref<625x128xbf16, #tpu.memory_space<vmem_shared>>
      %dma_wait3A_90 = arith.constant 0 : i32
      %dma_wait3A_91 = tpu.memref_slice %arg2[%mul3A_4, %dma_wait3A_90] : memref<10000x128xbf16, #tpu.memory_space<hbm>> -> memref<625x128xbf16, #tpu.memory_space<hbm>>
      tpu.wait_dma2 semaphore(%run_scoped3A_83 : memref<!tpu.dma_semaphore, #tpu.memory_space<semaphore_mem>>) src(%dma_wait3A_91 : memref<625x128xbf16, #tpu.memory_space<hbm>>) dst(%dma_wait3A_89 : memref<625x128xbf16, #tpu.memory_space<vmem_shared>>)
      tpu.yield
    }) : () -> ()
    "tpu.region"() ({
      %run_scoped3A_83 = tpu.sem_alloc : memref<!tpu.dma_semaphore, #tpu.memory_space<semaphore_mem>>
      %dma_start3A_84 = arith.constant 0 : i32
      %dma_start3A_85 = tpu.memref_slice %arg13[%mul3A_4, %dma_start3A_84] : memref<10000x128xbf16, #tpu.memory_space<vmem_shared>> -> memref<625x128xbf16, #tpu.memory_space<vmem_shared>>
      %dma_start3A_86 = arith.constant 0 : i32
      %dma_start3A_87 = tpu.memref_slice %arg3[%mul3A_4, %dma_start3A_86] : memref<10000x128xbf16, #tpu.memory_space<hbm>> -> memref<625x128xbf16, #tpu.memory_space<hbm>>
      tpu.enqueue_dma source(%dma_start3A_87 : memref<625x128xbf16, #tpu.memory_space<hbm>>) target(%dma_start3A_85 : memref<625x128xbf16, #tpu.memory_space<vmem_shared>>) target_semaphore(%run_scoped3A_83 : memref<!tpu.dma_semaphore, #tpu.memory_space<semaphore_mem>>)
      %dma_wait3A_88 = arith.constant 0 : i32
      %dma_wait3A_89 = tpu.memref_slice %arg13[%mul3A_4, %dma_wait3A_88] : memref<10000x128xbf16, #tpu.memory_space<vmem_shared>> -> memref<625x128xbf16, #tpu.memory_space<vmem_shared>>
      %dma_wait3A_90 = arith.constant 0 : i32
      %dma_wait3A_91 = tpu.memref_slice %arg3[%mul3A_4, %dma_wait3A_90] : memref<10000x128xbf16, #tpu.memory_space<hbm>> -> memref<625x128xbf16, #tpu.memory_space<hbm>>
      tpu.wait_dma2 semaphore(%run_scoped3A_83 : memref<!tpu.dma_semaphore, #tpu.memory_space<semaphore_mem>>) src(%dma_wait3A_91 : memref<625x128xbf16, #tpu.memory_space<hbm>>) dst(%dma_wait3A_89 : memref<625x128xbf16, #tpu.memory_space<vmem_shared>>)
      tpu.yield
    }) : () -> ()
    %barrier3A = arith.constant 0 : index
    tpu.barrier barrier_id(%barrier3A)
    %iota3A = tpu.iota {dimensions = array<i32: 0>} : vector<16xi32>
    %run_scoped3A = arith.constant 0 : i32
    "tpu.region"() ({
      %run_scoped3A_83 = tpu.sem_alloc : memref<!tpu.dma_semaphore, #tpu.memory_space<semaphore_mem>>
      %dma_start3A_84 = arith.constant 0 : i32
      %dma_start3A_85 = tpu.memref_slice %arg7[%run_scoped3A, %dma_start3A_84] : memref<2x80xi32, #tpu.memory_space<vmem>> -> memref<1x80xi32, #tpu.memory_space<vmem>>
      %dma_start3A_86 = tpu.memref_squeeze %dma_start3A_85 : memref<1x80xi32, #tpu.memory_space<vmem>> -> memref<80xi32, #tpu.memory_space<vmem>>
      %dma_start3A_87 = tpu.memref_slice %arg4[%mul3A_2] : memref<320000xi32, #tpu.memory_space<hbm>> -> memref<80xi32, #tpu.memory_space<hbm>>
      %dma_start3A_88 = arith.constant 0 : i32
      %dma_start3A_89 = tpu.memref_slice %arg7[%run_scoped3A, %dma_start3A_88] : memref<2x80xi32, #tpu.memory_space<vmem>> -> memref<1x80xi32, #tpu.memory_space<vmem>>
      %dma_start3A_90 = tpu.memref_squeeze %dma_start3A_89 : memref<1x80xi32, #tpu.memory_space<vmem>> -> memref<80xi32, #tpu.memory_space<vmem>>
      %dma_start3A_91 = tpu.memref_slice %arg4[%mul3A_2] : memref<320000xi32, #tpu.memory_space<hbm>> -> memref<80xi32, #tpu.memory_space<hbm>>
      tpu.enqueue_dma source(%dma_start3A_91 : memref<80xi32, #tpu.memory_space<hbm>>) target(%dma_start3A_90 : memref<80xi32, #tpu.memory_space<vmem>>) target_semaphore(%run_scoped3A_83 : memref<!tpu.dma_semaphore, #tpu.memory_space<semaphore_mem>>)
      %dma_wait3A_92 = arith.constant 0 : i32
      %dma_wait3A_93 = tpu.memref_slice %arg7[%run_scoped3A, %dma_wait3A_92] : memref<2x80xi32, #tpu.memory_space<vmem>> -> memref<1x80xi32, #tpu.memory_space<vmem>>
      %dma_wait3A_94 = tpu.memref_squeeze %dma_wait3A_93 : memref<1x80xi32, #tpu.memory_space<vmem>> -> memref<80xi32, #tpu.memory_space<vmem>>
      %dma_wait3A_95 = tpu.memref_slice %arg4[%mul3A_2] : memref<320000xi32, #tpu.memory_space<hbm>> -> memref<80xi32, #tpu.memory_space<hbm>>
      %dma_wait3A_96 = arith.constant 0 : i32
      %dma_wait3A_97 = tpu.memref_slice %arg7[%run_scoped3A, %dma_wait3A_96] : memref<2x80xi32, #tpu.memory_space<vmem>> -> memref<1x80xi32, #tpu.memory_space<vmem>>
      %dma_wait3A_98 = tpu.memref_squeeze %dma_wait3A_97 : memref<1x80xi32, #tpu.memory_space<vmem>> -> memref<80xi32, #tpu.memory_space<vmem>>
      %dma_wait3A_99 = tpu.memref_slice %arg4[%mul3A_2] : memref<320000xi32, #tpu.memory_space<hbm>> -> memref<80xi32, #tpu.memory_space<hbm>>
      tpu.wait_dma2 semaphore(%run_scoped3A_83 : memref<!tpu.dma_semaphore, #tpu.memory_space<semaphore_mem>>) src(%dma_wait3A_99 : memref<80xi32, #tpu.memory_space<hbm>>) dst(%dma_wait3A_98 : memref<80xi32, #tpu.memory_space<vmem>>)
      tpu.yield
    }) : () -> ()
    %run_scoped3A_5 = arith.constant 0 : i32
    "tpu.region"() ({
      %run_scoped3A_83 = tpu.sem_alloc : memref<!tpu.dma_semaphore, #tpu.memory_space<semaphore_mem>>
      %dma_start3A_84 = arith.constant 0 : i32
      %dma_start3A_85 = tpu.memref_slice %arg8[%run_scoped3A_5, %dma_start3A_84] : memref<2x80xi32, #tpu.memory_space<vmem>> -> memref<1x80xi32, #tpu.memory_space<vmem>>
      %dma_start3A_86 = tpu.memref_squeeze %dma_start3A_85 : memref<1x80xi32, #tpu.memory_space<vmem>> -> memref<80xi32, #tpu.memory_space<vmem>>
      %dma_start3A_87 = tpu.memref_slice %arg5[%mul3A_2] : memref<320000xi32, #tpu.memory_space<hbm>> -> memref<80xi32, #tpu.memory_space<hbm>>
      %dma_start3A_88 = arith.constant 0 : i32
      %dma_start3A_89 = tpu.memref_slice %arg8[%run_scoped3A_5, %dma_start3A_88] : memref<2x80xi32, #tpu.memory_space<vmem>> -> memref<1x80xi32, #tpu.memory_space<vmem>>
      %dma_start3A_90 = tpu.memref_squeeze %dma_start3A_89 : memref<1x80xi32, #tpu.memory_space<vmem>> -> memref<80xi32, #tpu.memory_space<vmem>>
      %dma_start3A_91 = tpu.memref_slice %arg5[%mul3A_2] : memref<320000xi32, #tpu.memory_space<hbm>> -> memref<80xi32, #tpu.memory_space<hbm>>
      tpu.enqueue_dma source(%dma_start3A_91 : memref<80xi32, #tpu.memory_space<hbm>>) target(%dma_start3A_90 : memref<80xi32, #tpu.memory_space<vmem>>) target_semaphore(%run_scoped3A_83 : memref<!tpu.dma_semaphore, #tpu.memory_space<semaphore_mem>>)
      %dma_wait3A_92 = arith.constant 0 : i32
      %dma_wait3A_93 = tpu.memref_slice %arg8[%run_scoped3A_5, %dma_wait3A_92] : memref<2x80xi32, #tpu.memory_space<vmem>> -> memref<1x80xi32, #tpu.memory_space<vmem>>
      %dma_wait3A_94 = tpu.memref_squeeze %dma_wait3A_93 : memref<1x80xi32, #tpu.memory_space<vmem>> -> memref<80xi32, #tpu.memory_space<vmem>>
      %dma_wait3A_95 = tpu.memref_slice %arg5[%mul3A_2] : memref<320000xi32, #tpu.memory_space<hbm>> -> memref<80xi32, #tpu.memory_space<hbm>>
      %dma_wait3A_96 = arith.constant 0 : i32
      %dma_wait3A_97 = tpu.memref_slice %arg8[%run_scoped3A_5, %dma_wait3A_96] : memref<2x80xi32, #tpu.memory_space<vmem>> -> memref<1x80xi32, #tpu.memory_space<vmem>>
      %dma_wait3A_98 = tpu.memref_squeeze %dma_wait3A_97 : memref<1x80xi32, #tpu.memory_space<vmem>> -> memref<80xi32, #tpu.memory_space<vmem>>
      %dma_wait3A_99 = tpu.memref_slice %arg5[%mul3A_2] : memref<320000xi32, #tpu.memory_space<hbm>> -> memref<80xi32, #tpu.memory_space<hbm>>
      tpu.wait_dma2 semaphore(%run_scoped3A_83 : memref<!tpu.dma_semaphore, #tpu.memory_space<semaphore_mem>>) src(%dma_wait3A_99 : memref<80xi32, #tpu.memory_space<hbm>>) dst(%dma_wait3A_98 : memref<80xi32, #tpu.memory_space<vmem>>)
      tpu.yield
    }) : () -> ()
    %dma_start3A = arith.constant 0 : i32
    %dma_start3A_6 = arith.constant 0 : i32
    %dma_start3A_7 = arith.constant 0 : i32
    %dma_start3A_8 = arith.constant 0 : i32
    %dma_start3A_9 = tpu.memref_slice %arg9[%dma_start3A_6, %dma_start3A_7, %dma_start3A_8] : memref<2x80x128xbf16, #tpu.memory_space<vmem>> -> memref<1x80x128xbf16, #tpu.memory_space<vmem>>
    %dma_start3A_10 = tpu.memref_squeeze %dma_start3A_9 : memref<1x80x128xbf16, #tpu.memory_space<vmem>> -> memref<80x128xbf16, #tpu.memory_space<vmem>>
    %dma_start3A_11 = arith.constant 0 : i32
    %dma_start3A_12 = tpu.memref_slice %arg7[%dma_start3A, %dma_start3A_11] : memref<2x80xi32, #tpu.memory_space<vmem>> -> memref<1x80xi32, #tpu.memory_space<vmem>>
    %dma_start3A_13 = tpu.memref_squeeze %dma_start3A_12 : memref<1x80xi32, #tpu.memory_space<vmem>> -> memref<80xi32, #tpu.memory_space<vmem>>
    %dma_start3A_14 = arith.constant 0 : i32
    %dma_start3A_15 = arith.constant 0 : i32
    %dma_start3A_16 = tpu.memref_slice %arg12[%dma_start3A_14, %dma_start3A_15] : memref<10000x128xbf16, #tpu.memory_space<vmem_shared>> -> memref<10000x128xbf16, #tpu.memory_space<vmem_shared>>
    tpu.enqueue_indirect_dma source(%dma_start3A_16 : memref<10000x128xbf16, #tpu.memory_space<vmem_shared>>) target(%dma_start3A_10 : memref<80x128xbf16, #tpu.memory_space<vmem>>) offsets(%dma_start3A_13 : memref<80xi32, #tpu.memory_space<vmem>>) semaphore(%arg15 : memref<!tpu.dma_semaphore, #tpu.memory_space<semaphore_mem>>)
    %dma_start3A_17 = arith.constant 0 : i32
    %dma_start3A_18 = arith.constant 0 : i32
    %dma_start3A_19 = arith.constant 0 : i32
    %dma_start3A_20 = arith.constant 0 : i32
    %dma_start3A_21 = tpu.memref_slice %arg10[%dma_start3A_18, %dma_start3A_19, %dma_start3A_20] : memref<2x80x128xbf16, #tpu.memory_space<vmem>> -> memref<1x80x128xbf16, #tpu.memory_space<vmem>>
    %dma_start3A_22 = tpu.memref_squeeze %dma_start3A_21 : memref<1x80x128xbf16, #tpu.memory_space<vmem>> -> memref<80x128xbf16, #tpu.memory_space<vmem>>
    %dma_start3A_23 = arith.constant 0 : i32
    %dma_start3A_24 = tpu.memref_slice %arg8[%dma_start3A_17, %dma_start3A_23] : memref<2x80xi32, #tpu.memory_space<vmem>> -> memref<1x80xi32, #tpu.memory_space<vmem>>
    %dma_start3A_25 = tpu.memref_squeeze %dma_start3A_24 : memref<1x80xi32, #tpu.memory_space<vmem>> -> memref<80xi32, #tpu.memory_space<vmem>>
    %dma_start3A_26 = arith.constant 0 : i32
    %dma_start3A_27 = arith.constant 0 : i32
    %dma_start3A_28 = tpu.memref_slice %arg13[%dma_start3A_26, %dma_start3A_27] : memref<10000x128xbf16, #tpu.memory_space<vmem_shared>> -> memref<10000x128xbf16, #tpu.memory_space<vmem_shared>>
    tpu.enqueue_indirect_dma source(%dma_start3A_28 : memref<10000x128xbf16, #tpu.memory_space<vmem_shared>>) target(%dma_start3A_22 : memref<80x128xbf16, #tpu.memory_space<vmem>>) offsets(%dma_start3A_25 : memref<80xi32, #tpu.memory_space<vmem>>) semaphore(%arg15 : memref<!tpu.dma_semaphore, #tpu.memory_space<semaphore_mem>>)
    %add3A_29 = arith.constant 80 : i32
    %add3A_30 = arith.addi %mul3A_2, %add3A_29 : i32
    %dma_start3A_31 = arith.constant 1 : i32
    %dma_start3A_32 = arith.constant 0 : i32
    %dma_start3A_33 = tpu.memref_slice %arg7[%dma_start3A_31, %dma_start3A_32] : memref<2x80xi32, #tpu.memory_space<vmem>> -> memref<1x80xi32, #tpu.memory_space<vmem>>
    %dma_start3A_34 = tpu.memref_squeeze %dma_start3A_33 : memref<1x80xi32, #tpu.memory_space<vmem>> -> memref<80xi32, #tpu.memory_space<vmem>>
    %dma_start3A_35 = tpu.memref_slice %arg4[%add3A_30] : memref<320000xi32, #tpu.memory_space<hbm>> -> memref<80xi32, #tpu.memory_space<hbm>>
    %dma_start3A_36 = arith.constant 0 : i32
    %dma_start3A_37 = tpu.memref_slice %arg7[%dma_start3A_31, %dma_start3A_36] : memref<2x80xi32, #tpu.memory_space<vmem>> -> memref<1x80xi32, #tpu.memory_space<vmem>>
    %dma_start3A_38 = tpu.memref_squeeze %dma_start3A_37 : memref<1x80xi32, #tpu.memory_space<vmem>> -> memref<80xi32, #tpu.memory_space<vmem>>
    %dma_start3A_39 = tpu.memref_slice %arg4[%add3A_30] : memref<320000xi32, #tpu.memory_space<hbm>> -> memref<80xi32, #tpu.memory_space<hbm>>
    tpu.enqueue_dma source(%dma_start3A_39 : memref<80xi32, #tpu.memory_space<hbm>>) target(%dma_start3A_38 : memref<80xi32, #tpu.memory_space<vmem>>) target_semaphore(%arg14 : memref<!tpu.dma_semaphore, #tpu.memory_space<semaphore_mem>>)
    %dma_start3A_40 = arith.constant 1 : i32
    %dma_start3A_41 = arith.constant 0 : i32
    %dma_start3A_42 = tpu.memref_slice %arg8[%dma_start3A_40, %dma_start3A_41] : memref<2x80xi32, #tpu.memory_space<vmem>> -> memref<1x80xi32, #tpu.memory_space<vmem>>
    %dma_start3A_43 = tpu.memref_squeeze %dma_start3A_42 : memref<1x80xi32, #tpu.memory_space<vmem>> -> memref<80xi32, #tpu.memory_space<vmem>>
    %dma_start3A_44 = tpu.memref_slice %arg5[%add3A_30] : memref<320000xi32, #tpu.memory_space<hbm>> -> memref<80xi32, #tpu.memory_space<hbm>>
    %dma_start3A_45 = arith.constant 0 : i32
    %dma_start3A_46 = tpu.memref_slice %arg8[%dma_start3A_40, %dma_start3A_45] : memref<2x80xi32, #tpu.memory_space<vmem>> -> memref<1x80xi32, #tpu.memory_space<vmem>>
    %dma_start3A_47 = tpu.memref_squeeze %dma_start3A_46 : memref<1x80xi32, #tpu.memory_space<vmem>> -> memref<80xi32, #tpu.memory_space<vmem>>
    %dma_start3A_48 = tpu.memref_slice %arg5[%add3A_30] : memref<320000xi32, #tpu.memory_space<hbm>> -> memref<80xi32, #tpu.memory_space<hbm>>
    tpu.enqueue_dma source(%dma_start3A_48 : memref<80xi32, #tpu.memory_space<hbm>>) target(%dma_start3A_47 : memref<80xi32, #tpu.memory_space<vmem>>) target_semaphore(%arg14 : memref<!tpu.dma_semaphore, #tpu.memory_space<semaphore_mem>>)
    %scan3A = arith.constant 0 : i32
    %scan3A_49 = arith.constant 0 : i32
    %scan3A_50 = arith.constant 62 : i32
    %scan3A_51 = arith.addi %scan3A_49, %scan3A_50 : i32
    %scan3A_52 = arith.constant 1 : i32
    scf.for %scan3A_83 = %scan3A_49 to %scan3A_51 step %scan3A_52  : i32 {
      %mul3A_84 = arith.constant 2 : i32
      %mul3A_85 = arith.muli %scan3A_83, %mul3A_84 : i32
      %lt3A = arith.constant 124 : i32
      %lt3A_86 = arith.cmpi slt, %mul3A_85, %lt3A : i32
      %convert_element_type3A = arith.extui %lt3A_86 : i1 to i32
      %cond3A = arith.constant 0 : i32
      %cond3A_87 = arith.cmpi ne, %convert_element_type3A, %cond3A : i32
      scf.if %cond3A_87 {
        %dma_wait3A_169 = arith.constant 1 : i32
        %dma_wait3A_170 = arith.constant 0 : i32
        %dma_wait3A_171 = tpu.memref_slice %arg7[%dma_wait3A_169, %dma_wait3A_170] : memref<2x80xi32, #tpu.memory_space<vmem>> -> memref<1x80xi32, #tpu.memory_space<vmem>>
        %dma_wait3A_172 = tpu.memref_squeeze %dma_wait3A_171 : memref<1x80xi32, #tpu.memory_space<vmem>> -> memref<80xi32, #tpu.memory_space<vmem>>
        %dma_wait3A_173 = arith.constant 0 : i32
        %dma_wait3A_174 = tpu.memref_slice %arg4[%dma_wait3A_173] : memref<320000xi32, #tpu.memory_space<hbm>> -> memref<80xi32, #tpu.memory_space<hbm>>
        %dma_wait3A_175 = arith.constant 0 : i32
        %dma_wait3A_176 = tpu.memref_slice %arg7[%dma_wait3A_169, %dma_wait3A_175] : memref<2x80xi32, #tpu.memory_space<vmem>> -> memref<1x80xi32, #tpu.memory_space<vmem>>
        %dma_wait3A_177 = tpu.memref_squeeze %dma_wait3A_176 : memref<1x80xi32, #tpu.memory_space<vmem>> -> memref<80xi32, #tpu.memory_space<vmem>>
        %dma_wait3A_178 = arith.constant 0 : i32
        %dma_wait3A_179 = tpu.memref_slice %arg4[%dma_wait3A_178] : memref<320000xi32, #tpu.memory_space<hbm>> -> memref<80xi32, #tpu.memory_space<hbm>>
        tpu.wait_dma2 semaphore(%arg14 : memref<!tpu.dma_semaphore, #tpu.memory_space<semaphore_mem>>) src(%dma_wait3A_179 : memref<80xi32, #tpu.memory_space<hbm>>) dst(%dma_wait3A_177 : memref<80xi32, #tpu.memory_space<vmem>>)
        %dma_wait3A_180 = arith.constant 1 : i32
        %dma_wait3A_181 = arith.constant 0 : i32
        %dma_wait3A_182 = tpu.memref_slice %arg8[%dma_wait3A_180, %dma_wait3A_181] : memref<2x80xi32, #tpu.memory_space<vmem>> -> memref<1x80xi32, #tpu.memory_space<vmem>>
        %dma_wait3A_183 = tpu.memref_squeeze %dma_wait3A_182 : memref<1x80xi32, #tpu.memory_space<vmem>> -> memref<80xi32, #tpu.memory_space<vmem>>
        %dma_wait3A_184 = arith.constant 0 : i32
        %dma_wait3A_185 = tpu.memref_slice %arg5[%dma_wait3A_184] : memref<320000xi32, #tpu.memory_space<hbm>> -> memref<80xi32, #tpu.memory_space<hbm>>
        %dma_wait3A_186 = arith.constant 0 : i32
        %dma_wait3A_187 = tpu.memref_slice %arg8[%dma_wait3A_180, %dma_wait3A_186] : memref<2x80xi32, #tpu.memory_space<vmem>> -> memref<1x80xi32, #tpu.memory_space<vmem>>
        %dma_wait3A_188 = tpu.memref_squeeze %dma_wait3A_187 : memref<1x80xi32, #tpu.memory_space<vmem>> -> memref<80xi32, #tpu.memory_space<vmem>>
        %dma_wait3A_189 = arith.constant 0 : i32
        %dma_wait3A_190 = tpu.memref_slice %arg5[%dma_wait3A_189] : memref<320000xi32, #tpu.memory_space<hbm>> -> memref<80xi32, #tpu.memory_space<hbm>>
        tpu.wait_dma2 semaphore(%arg14 : memref<!tpu.dma_semaphore, #tpu.memory_space<semaphore_mem>>) src(%dma_wait3A_190 : memref<80xi32, #tpu.memory_space<hbm>>) dst(%dma_wait3A_188 : memref<80xi32, #tpu.memory_space<vmem>>)
        %dma_start3A_191 = arith.constant 1 : i32
        %dma_start3A_192 = arith.constant 1 : i32
        %dma_start3A_193 = arith.constant 0 : i32
        %dma_start3A_194 = arith.constant 0 : i32
        %dma_start3A_195 = tpu.memref_slice %arg9[%dma_start3A_192, %dma_start3A_193, %dma_start3A_194] : memref<2x80x128xbf16, #tpu.memory_space<vmem>> -> memref<1x80x128xbf16, #tpu.memory_space<vmem>>
        %dma_start3A_196 = tpu.memref_squeeze %dma_start3A_195 : memref<1x80x128xbf16, #tpu.memory_space<vmem>> -> memref<80x128xbf16, #tpu.memory_space<vmem>>
        %dma_start3A_197 = arith.constant 0 : i32
        %dma_start3A_198 = tpu.memref_slice %arg7[%dma_start3A_191, %dma_start3A_197] : memref<2x80xi32, #tpu.memory_space<vmem>> -> memref<1x80xi32, #tpu.memory_space<vmem>>
        %dma_start3A_199 = tpu.memref_squeeze %dma_start3A_198 : memref<1x80xi32, #tpu.memory_space<vmem>> -> memref<80xi32, #tpu.memory_space<vmem>>
        %dma_start3A_200 = arith.constant 0 : i32
        %dma_start3A_201 = arith.constant 0 : i32
        %dma_start3A_202 = tpu.memref_slice %arg12[%dma_start3A_200, %dma_start3A_201] : memref<10000x128xbf16, #tpu.memory_space<vmem_shared>> -> memref<10000x128xbf16, #tpu.memory_space<vmem_shared>>
        tpu.enqueue_indirect_dma source(%dma_start3A_202 : memref<10000x128xbf16, #tpu.memory_space<vmem_shared>>) target(%dma_start3A_196 : memref<80x128xbf16, #tpu.memory_space<vmem>>) offsets(%dma_start3A_199 : memref<80xi32, #tpu.memory_space<vmem>>) semaphore(%arg16 : memref<!tpu.dma_semaphore, #tpu.memory_space<semaphore_mem>>)
        %dma_start3A_203 = arith.constant 1 : i32
        %dma_start3A_204 = arith.constant 1 : i32
        %dma_start3A_205 = arith.constant 0 : i32
        %dma_start3A_206 = arith.constant 0 : i32
        %dma_start3A_207 = tpu.memref_slice %arg10[%dma_start3A_204, %dma_start3A_205, %dma_start3A_206] : memref<2x80x128xbf16, #tpu.memory_space<vmem>> -> memref<1x80x128xbf16, #tpu.memory_space<vmem>>
        %dma_start3A_208 = tpu.memref_squeeze %dma_start3A_207 : memref<1x80x128xbf16, #tpu.memory_space<vmem>> -> memref<80x128xbf16, #tpu.memory_space<vmem>>
        %dma_start3A_209 = arith.constant 0 : i32
        %dma_start3A_210 = tpu.memref_slice %arg8[%dma_start3A_203, %dma_start3A_209] : memref<2x80xi32, #tpu.memory_space<vmem>> -> memref<1x80xi32, #tpu.memory_space<vmem>>
        %dma_start3A_211 = tpu.memref_squeeze %dma_start3A_210 : memref<1x80xi32, #tpu.memory_space<vmem>> -> memref<80xi32, #tpu.memory_space<vmem>>
        %dma_start3A_212 = arith.constant 0 : i32
        %dma_start3A_213 = arith.constant 0 : i32
        %dma_start3A_214 = tpu.memref_slice %arg13[%dma_start3A_212, %dma_start3A_213] : memref<10000x128xbf16, #tpu.memory_space<vmem_shared>> -> memref<10000x128xbf16, #tpu.memory_space<vmem_shared>>
        tpu.enqueue_indirect_dma source(%dma_start3A_214 : memref<10000x128xbf16, #tpu.memory_space<vmem_shared>>) target(%dma_start3A_208 : memref<80x128xbf16, #tpu.memory_space<vmem>>) offsets(%dma_start3A_211 : memref<80xi32, #tpu.memory_space<vmem>>) semaphore(%arg16 : memref<!tpu.dma_semaphore, #tpu.memory_space<semaphore_mem>>)
      } else {
      }
      %dma_wait3A_88 = arith.constant 0 : i32
      %dma_wait3A_89 = arith.constant 0 : i32
      %dma_wait3A_90 = arith.constant 0 : i32
      %dma_wait3A_91 = arith.constant 0 : i32
      %dma_wait3A_92 = tpu.memref_slice %arg9[%dma_wait3A_89, %dma_wait3A_90, %dma_wait3A_91] : memref<2x80x128xbf16, #tpu.memory_space<vmem>> -> memref<1x80x128xbf16, #tpu.memory_space<vmem>>
      %dma_wait3A_93 = tpu.memref_squeeze %dma_wait3A_92 : memref<1x80x128xbf16, #tpu.memory_space<vmem>> -> memref<80x128xbf16, #tpu.memory_space<vmem>>
      %dma_wait3A_94 = arith.constant 0 : i32
      %dma_wait3A_95 = tpu.memref_slice %arg7[%dma_wait3A_88, %dma_wait3A_94] : memref<2x80xi32, #tpu.memory_space<vmem>> -> memref<1x80xi32, #tpu.memory_space<vmem>>
      %dma_wait3A_96 = tpu.memref_squeeze %dma_wait3A_95 : memref<1x80xi32, #tpu.memory_space<vmem>> -> memref<80xi32, #tpu.memory_space<vmem>>
      %dma_wait3A_97 = arith.constant 0 : i32
      %dma_wait3A_98 = arith.constant 0 : i32
      %dma_wait3A_99 = tpu.memref_slice %arg12[%dma_wait3A_97, %dma_wait3A_98] : memref<10000x128xbf16, #tpu.memory_space<vmem_shared>> -> memref<10000x128xbf16, #tpu.memory_space<vmem_shared>>
      tpu.wait_indirect_dma semaphore(%arg15 : memref<!tpu.dma_semaphore, #tpu.memory_space<semaphore_mem>>) src(%dma_wait3A_99 : memref<10000x128xbf16, #tpu.memory_space<vmem_shared>>) dst(%dma_wait3A_93 : memref<80x128xbf16, #tpu.memory_space<vmem>>)
      %dma_wait3A_100 = arith.constant 0 : i32
      %dma_wait3A_101 = arith.constant 0 : i32
      %dma_wait3A_102 = arith.constant 0 : i32
      %dma_wait3A_103 = arith.constant 0 : i32
      %dma_wait3A_104 = tpu.memref_slice %arg10[%dma_wait3A_101, %dma_wait3A_102, %dma_wait3A_103] : memref<2x80x128xbf16, #tpu.memory_space<vmem>> -> memref<1x80x128xbf16, #tpu.memory_space<vmem>>
      %dma_wait3A_105 = tpu.memref_squeeze %dma_wait3A_104 : memref<1x80x128xbf16, #tpu.memory_space<vmem>> -> memref<80x128xbf16, #tpu.memory_space<vmem>>
      %dma_wait3A_106 = arith.constant 0 : i32
      %dma_wait3A_107 = tpu.memref_slice %arg8[%dma_wait3A_100, %dma_wait3A_106] : memref<2x80xi32, #tpu.memory_space<vmem>> -> memref<1x80xi32, #tpu.memory_space<vmem>>
      %dma_wait3A_108 = tpu.memref_squeeze %dma_wait3A_107 : memref<1x80xi32, #tpu.memory_space<vmem>> -> memref<80xi32, #tpu.memory_space<vmem>>
      %dma_wait3A_109 = arith.constant 0 : i32
      %dma_wait3A_110 = arith.constant 0 : i32
      %dma_wait3A_111 = tpu.memref_slice %arg13[%dma_wait3A_109, %dma_wait3A_110] : memref<10000x128xbf16, #tpu.memory_space<vmem_shared>> -> memref<10000x128xbf16, #tpu.memory_space<vmem_shared>>
      tpu.wait_indirect_dma semaphore(%arg15 : memref<!tpu.dma_semaphore, #tpu.memory_space<semaphore_mem>>) src(%dma_wait3A_111 : memref<10000x128xbf16, #tpu.memory_space<vmem_shared>>) dst(%dma_wait3A_105 : memref<80x128xbf16, #tpu.memory_space<vmem>>)
      %lt3A_112 = arith.constant 123 : i32
      %lt3A_113 = arith.cmpi slt, %mul3A_85, %lt3A_112 : i32
      %convert_element_type3A_114 = arith.extui %lt3A_113 : i1 to i32
      %cond3A_115 = arith.constant 0 : i32
      %cond3A_116 = arith.cmpi ne, %convert_element_type3A_114, %cond3A_115 : i32
      scf.if %cond3A_116 {
        %add3A_169 = arith.constant 2 : i32
        %add3A_170 = arith.addi %mul3A_85, %add3A_169 : i32
        %mul3A_171 = arith.constant 80 : i32
        %mul3A_172 = arith.muli %add3A_170, %mul3A_171 : i32
        %add3A_173 = arith.addi %mul3A_2, %mul3A_172 : i32
        %dma_start3A_174 = arith.constant 0 : i32
        %dma_start3A_175 = arith.constant 0 : i32
        %dma_start3A_176 = tpu.memref_slice %arg7[%dma_start3A_174, %dma_start3A_175] : memref<2x80xi32, #tpu.memory_space<vmem>> -> memref<1x80xi32, #tpu.memory_space<vmem>>
        %dma_start3A_177 = tpu.memref_squeeze %dma_start3A_176 : memref<1x80xi32, #tpu.memory_space<vmem>> -> memref<80xi32, #tpu.memory_space<vmem>>
        %dma_start3A_178 = tpu.memref_slice %arg4[%add3A_173] : memref<320000xi32, #tpu.memory_space<hbm>> -> memref<80xi32, #tpu.memory_space<hbm>>
        %dma_start3A_179 = arith.constant 0 : i32
        %dma_start3A_180 = tpu.memref_slice %arg7[%dma_start3A_174, %dma_start3A_179] : memref<2x80xi32, #tpu.memory_space<vmem>> -> memref<1x80xi32, #tpu.memory_space<vmem>>
        %dma_start3A_181 = tpu.memref_squeeze %dma_start3A_180 : memref<1x80xi32, #tpu.memory_space<vmem>> -> memref<80xi32, #tpu.memory_space<vmem>>
        %dma_start3A_182 = tpu.memref_slice %arg4[%add3A_173] : memref<320000xi32, #tpu.memory_space<hbm>> -> memref<80xi32, #tpu.memory_space<hbm>>
        tpu.enqueue_dma source(%dma_start3A_182 : memref<80xi32, #tpu.memory_space<hbm>>) target(%dma_start3A_181 : memref<80xi32, #tpu.memory_space<vmem>>) target_semaphore(%arg14 : memref<!tpu.dma_semaphore, #tpu.memory_space<semaphore_mem>>)
        %dma_start3A_183 = arith.constant 0 : i32
        %dma_start3A_184 = arith.constant 0 : i32
        %dma_start3A_185 = tpu.memref_slice %arg8[%dma_start3A_183, %dma_start3A_184] : memref<2x80xi32, #tpu.memory_space<vmem>> -> memref<1x80xi32, #tpu.memory_space<vmem>>
        %dma_start3A_186 = tpu.memref_squeeze %dma_start3A_185 : memref<1x80xi32, #tpu.memory_space<vmem>> -> memref<80xi32, #tpu.memory_space<vmem>>
        %dma_start3A_187 = tpu.memref_slice %arg5[%add3A_173] : memref<320000xi32, #tpu.memory_space<hbm>> -> memref<80xi32, #tpu.memory_space<hbm>>
        %dma_start3A_188 = arith.constant 0 : i32
        %dma_start3A_189 = tpu.memref_slice %arg8[%dma_start3A_183, %dma_start3A_188] : memref<2x80xi32, #tpu.memory_space<vmem>> -> memref<1x80xi32, #tpu.memory_space<vmem>>
        %dma_start3A_190 = tpu.memref_squeeze %dma_start3A_189 : memref<1x80xi32, #tpu.memory_space<vmem>> -> memref<80xi32, #tpu.memory_space<vmem>>
        %dma_start3A_191 = tpu.memref_slice %arg5[%add3A_173] : memref<320000xi32, #tpu.memory_space<hbm>> -> memref<80xi32, #tpu.memory_space<hbm>>
        tpu.enqueue_dma source(%dma_start3A_191 : memref<80xi32, #tpu.memory_space<hbm>>) target(%dma_start3A_190 : memref<80xi32, #tpu.memory_space<vmem>>) target_semaphore(%arg14 : memref<!tpu.dma_semaphore, #tpu.memory_space<semaphore_mem>>)
      } else {
      }
      %mul3A_117 = arith.constant 80 : i32
      %mul3A_118 = arith.muli %mul3A_85, %mul3A_117 : i32
      %scan3A_119 = arith.constant 0 : i32
      %scan3A_120 = arith.constant 0 : i32
      %scan3A_121 = arith.constant 5 : i32
      %scan3A_122 = arith.addi %scan3A_120, %scan3A_121 : i32
      %scan3A_123 = arith.constant 1 : i32
      scf.for %scan3A_169 = %scan3A_120 to %scan3A_122 step %scan3A_123  : i32 {
        %mul3A_170 = arith.constant 16 : i32
        %mul3A_171 = arith.muli %scan3A_169, %mul3A_170 : i32
        %broadcast_in_dim3A = arith.constant 0.000000e+00 : f32
        %broadcast_in_dim3A_172 = vector.broadcast %broadcast_in_dim3A : f32 to vector<16xf32>
        %add3A_173 = arith.constant 0 : i32
        %add3A_174 = arith.addi %mul3A_171, %add3A_173 : i32
        %get3A = arith.constant 0 : i32
        %get3A_175 = arith.index_cast %get3A : i32 to index
        %get3A_176 = arith.index_cast %add3A_174 : i32 to index
        %get3A_177 = arith.constant 0 : index
        %get3A_178 = tpu.vector_load %arg9[%get3A_175, %get3A_176, %get3A_177] {strides = array<i32>} : memref<2x80x128xbf16, #tpu.memory_space<vmem>>, vector<32xbf16>,
        %get3A_179 = arith.constant 0 : i32
        %get3A_180 = arith.index_cast %get3A_179 : i32 to index
        %get3A_181 = arith.index_cast %add3A_174 : i32 to index
        %get3A_182 = arith.constant 0 : index
        %get3A_183 = tpu.vector_load %arg10[%get3A_180, %get3A_181, %get3A_182] {strides = array<i32>} : memref<2x80x128xbf16, #tpu.memory_space<vmem>>, vector<32xbf16>,
        %mul3A_184 = arith.mulf %get3A_178, %get3A_183 : vector<32xbf16>
        %get3A_185 = arith.constant 0 : i32
        %get3A_186 = arith.index_cast %get3A_185 : i32 to index
        %get3A_187 = arith.index_cast %add3A_174 : i32 to index
        %get3A_188 = arith.constant 32 : index
        %get3A_189 = tpu.vector_load %arg9[%get3A_186, %get3A_187, %get3A_188] {strides = array<i32>} : memref<2x80x128xbf16, #tpu.memory_space<vmem>>, vector<32xbf16>,
        %get3A_190 = arith.constant 0 : i32
        %get3A_191 = arith.index_cast %get3A_190 : i32 to index
        %get3A_192 = arith.index_cast %add3A_174 : i32 to index
        %get3A_193 = arith.constant 32 : index
        %get3A_194 = tpu.vector_load %arg10[%get3A_191, %get3A_192, %get3A_193] {strides = array<i32>} : memref<2x80x128xbf16, #tpu.memory_space<vmem>>, vector<32xbf16>,
        %mul3A_195 = arith.mulf %get3A_189, %get3A_194 : vector<32xbf16>
        %get3A_196 = arith.constant 0 : i32
        %get3A_197 = arith.index_cast %get3A_196 : i32 to index
        %get3A_198 = arith.index_cast %add3A_174 : i32 to index
        %get3A_199 = arith.constant 64 : index
        %get3A_200 = tpu.vector_load %arg9[%get3A_197, %get3A_198, %get3A_199] {strides = array<i32>} : memref<2x80x128xbf16, #tpu.memory_space<vmem>>, vector<32xbf16>,
        %get3A_201 = arith.constant 0 : i32
        %get3A_202 = arith.index_cast %get3A_201 : i32 to index
        %get3A_203 = arith.index_cast %add3A_174 : i32 to index
        %get3A_204 = arith.constant 64 : index
        %get3A_205 = tpu.vector_load %arg10[%get3A_202, %get3A_203, %get3A_204] {strides = array<i32>} : memref<2x80x128xbf16, #tpu.memory_space<vmem>>, vector<32xbf16>,
        %mul3A_206 = arith.mulf %get3A_200, %get3A_205 : vector<32xbf16>
        %get3A_207 = arith.constant 0 : i32
        %get3A_208 = arith.index_cast %get3A_207 : i32 to index
        %get3A_209 = arith.index_cast %add3A_174 : i32 to index
        %get3A_210 = arith.constant 96 : index
        %get3A_211 = tpu.vector_load %arg9[%get3A_208, %get3A_209, %get3A_210] {strides = array<i32>} : memref<2x80x128xbf16, #tpu.memory_space<vmem>>, vector<32xbf16>,
        %get3A_212 = arith.constant 0 : i32
        %get3A_213 = arith.index_cast %get3A_212 : i32 to index
        %get3A_214 = arith.index_cast %add3A_174 : i32 to index
        %get3A_215 = arith.constant 96 : index
        %get3A_216 = tpu.vector_load %arg10[%get3A_213, %get3A_214, %get3A_215] {strides = array<i32>} : memref<2x80x128xbf16, #tpu.memory_space<vmem>>, vector<32xbf16>,
        %mul3A_217 = arith.mulf %get3A_211, %get3A_216 : vector<32xbf16>
        %add3A_218 = arith.addf %mul3A_184, %mul3A_195 : vector<32xbf16>
        %add3A_219 = arith.addf %mul3A_206, %mul3A_217 : vector<32xbf16>
        %add3A_220 = arith.addf %add3A_218, %add3A_219 : vector<32xbf16>
        %unpack3A = tpu.unpack_subelements %add3A_220, 0 {pack_format = #tpu.pack_format<interleaved>} : vector<32xbf16> -> vector<16xf32>
        %unpack3A_221 = tpu.unpack_subelements %add3A_220, 1 {pack_format = #tpu.pack_format<interleaved>} : vector<32xbf16> -> vector<16xf32>
        %eq3A = arith.constant 0 : i32
        %eq3A_222 = vector.broadcast %eq3A : i32 to vector<16xi32>
        %eq3A_223 = arith.cmpi eq, %iota3A, %eq3A_222 : vector<16xi32>
        %add3A_224 = arith.addf %unpack3A, %unpack3A_221 : vector<16xf32>
        %reduce_sum3A = arith.constant true
        %reduce_sum3A_225 = vector.broadcast %reduce_sum3A : i1 to vector<16xi1>
        %reduce_sum3A_226 = tpu.scan <sum>, %add3A_224 masked %reduce_sum3A_225 : vector<16xf32>, vector<16xi1> -> vector<16xf32>
        %reduce_sum3A_227 = vector.extract %reduce_sum3A_226[15] : f32 from vector<16xf32>
        %broadcast_in_dim3A_228 = vector.broadcast %reduce_sum3A_227 : f32 to vector<16xf32>
        %select_n3A = arith.select %eq3A_223, %broadcast_in_dim3A_228, %broadcast_in_dim3A_172 : vector<16xi1>, vector<16xf32>
        %add3A_229 = arith.constant 1 : i32
        %add3A_230 = arith.addi %mul3A_171, %add3A_229 : i32
        %get3A_231 = arith.constant 0 : i32
        %get3A_232 = arith.index_cast %get3A_231 : i32 to index
        %get3A_233 = arith.index_cast %add3A_230 : i32 to index
        %get3A_234 = arith.constant 0 : index
        %get3A_235 = tpu.vector_load %arg9[%get3A_232, %get3A_233, %get3A_234] {strides = array<i32>} : memref<2x80x128xbf16, #tpu.memory_space<vmem>>, vector<32xbf16>,
        %get3A_236 = arith.constant 0 : i32
        %get3A_237 = arith.index_cast %get3A_236 : i32 to index
        %get3A_238 = arith.index_cast %add3A_230 : i32 to index
        %get3A_239 = arith.constant 0 : index
        %get3A_240 = tpu.vector_load %arg10[%get3A_237, %get3A_238, %get3A_239] {strides = array<i32>} : memref<2x80x128xbf16, #tpu.memory_space<vmem>>, vector<32xbf16>,
        %mul3A_241 = arith.mulf %get3A_235, %get3A_240 : vector<32xbf16>
        %get3A_242 = arith.constant 0 : i32
        %get3A_243 = arith.index_cast %get3A_242 : i32 to index
        %get3A_244 = arith.index_cast %add3A_230 : i32 to index
        %get3A_245 = arith.constant 32 : index
        %get3A_246 = tpu.vector_load %arg9[%get3A_243, %get3A_244, %get3A_245] {strides = array<i32>} : memref<2x80x128xbf16, #tpu.memory_space<vmem>>, vector<32xbf16>,
        %get3A_247 = arith.constant 0 : i32
        %get3A_248 = arith.index_cast %get3A_247 : i32 to index
        %get3A_249 = arith.index_cast %add3A_230 : i32 to index
        %get3A_250 = arith.constant 32 : index
        %get3A_251 = tpu.vector_load %arg10[%get3A_248, %get3A_249, %get3A_250] {strides = array<i32>} : memref<2x80x128xbf16, #tpu.memory_space<vmem>>, vector<32xbf16>,
        %mul3A_252 = arith.mulf %get3A_246, %get3A_251 : vector<32xbf16>
        %get3A_253 = arith.constant 0 : i32
        %get3A_254 = arith.index_cast %get3A_253 : i32 to index
        %get3A_255 = arith.index_cast %add3A_230 : i32 to index
        %get3A_256 = arith.constant 64 : index
        %get3A_257 = tpu.vector_load %arg9[%get3A_254, %get3A_255, %get3A_256] {strides = array<i32>} : memref<2x80x128xbf16, #tpu.memory_space<vmem>>, vector<32xbf16>,
        %get3A_258 = arith.constant 0 : i32
        %get3A_259 = arith.index_cast %get3A_258 : i32 to index
        %get3A_260 = arith.index_cast %add3A_230 : i32 to index
        %get3A_261 = arith.constant 64 : index
        %get3A_262 = tpu.vector_load %arg10[%get3A_259, %get3A_260, %get3A_261] {strides = array<i32>} : memref<2x80x128xbf16, #tpu.memory_space<vmem>>, vector<32xbf16>,
        %mul3A_263 = arith.mulf %get3A_257, %get3A_262 : vector<32xbf16>
        %get3A_264 = arith.constant 0 : i32
        %get3A_265 = arith.index_cast %get3A_264 : i32 to index
        %get3A_266 = arith.index_cast %add3A_230 : i32 to index
        %get3A_267 = arith.constant 96 : index
        %get3A_268 = tpu.vector_load %arg9[%get3A_265, %get3A_266, %get3A_267] {strides = array<i32>} : memref<2x80x128xbf16, #tpu.memory_space<vmem>>, vector<32xbf16>,
        %get3A_269 = arith.constant 0 : i32
        %get3A_270 = arith.index_cast %get3A_269 : i32 to index
        %get3A_271 = arith.index_cast %add3A_230 : i32 to index
        %get3A_272 = arith.constant 96 : index
        %get3A_273 = tpu.vector_load %arg10[%get3A_270, %get3A_271, %get3A_272] {strides = array<i32>} : memref<2x80x128xbf16, #tpu.memory_space<vmem>>, vector<32xbf16>,
        %mul3A_274 = arith.mulf %get3A_268, %get3A_273 : vector<32xbf16>
        %add3A_275 = arith.addf %mul3A_241, %mul3A_252 : vector<32xbf16>
        %add3A_276 = arith.addf %mul3A_263, %mul3A_274 : vector<32xbf16>
        %add3A_277 = arith.addf %add3A_275, %add3A_276 : vector<32xbf16>
        %unpack3A_278 = tpu.unpack_subelements %add3A_277, 0 {pack_format = #tpu.pack_format<interleaved>} : vector<32xbf16> -> vector<16xf32>
        %unpack3A_279 = tpu.unpack_subelements %add3A_277, 1 {pack_format = #tpu.pack_format<interleaved>} : vector<32xbf16> -> vector<16xf32>
        %eq3A_280 = arith.constant 1 : i32
        %eq3A_281 = vector.broadcast %eq3A_280 : i32 to vector<16xi32>
        %eq3A_282 = arith.cmpi eq, %iota3A, %eq3A_281 : vector<16xi32>
        %add3A_283 = arith.addf %unpack3A_278, %unpack3A_279 : vector<16xf32>
        %reduce_sum3A_284 = arith.constant true
        %reduce_sum3A_285 = vector.broadcast %reduce_sum3A_284 : i1 to vector<16xi1>
        %reduce_sum3A_286 = tpu.scan <sum>, %add3A_283 masked %reduce_sum3A_285 : vector<16xf32>, vector<16xi1> -> vector<16xf32>
        %reduce_sum3A_287 = vector.extract %reduce_sum3A_286[15] : f32 from vector<16xf32>
        %broadcast_in_dim3A_288 = vector.broadcast %reduce_sum3A_287 : f32 to vector<16xf32>
        %select_n3A_289 = arith.select %eq3A_282, %broadcast_in_dim3A_288, %select_n3A : vector<16xi1>, vector<16xf32>
        %add3A_290 = arith.constant 2 : i32
        %add3A_291 = arith.addi %mul3A_171, %add3A_290 : i32
        %get3A_292 = arith.constant 0 : i32
        %get3A_293 = arith.index_cast %get3A_292 : i32 to index
        %get3A_294 = arith.index_cast %add3A_291 : i32 to index
        %get3A_295 = arith.constant 0 : index
        %get3A_296 = tpu.vector_load %arg9[%get3A_293, %get3A_294, %get3A_295] {strides = array<i32>} : memref<2x80x128xbf16, #tpu.memory_space<vmem>>, vector<32xbf16>,
        %get3A_297 = arith.constant 0 : i32
        %get3A_298 = arith.index_cast %get3A_297 : i32 to index
        %get3A_299 = arith.index_cast %add3A_291 : i32 to index
        %get3A_300 = arith.constant 0 : index
        %get3A_301 = tpu.vector_load %arg10[%get3A_298, %get3A_299, %get3A_300] {strides = array<i32>} : memref<2x80x128xbf16, #tpu.memory_space<vmem>>, vector<32xbf16>,
        %mul3A_302 = arith.mulf %get3A_296, %get3A_301 : vector<32xbf16>
        %get3A_303 = arith.constant 0 : i32
        %get3A_304 = arith.index_cast %get3A_303 : i32 to index
        %get3A_305 = arith.index_cast %add3A_291 : i32 to index
        %get3A_306 = arith.constant 32 : index
        %get3A_307 = tpu.vector_load %arg9[%get3A_304, %get3A_305, %get3A_306] {strides = array<i32>} : memref<2x80x128xbf16, #tpu.memory_space<vmem>>, vector<32xbf16>,
        %get3A_308 = arith.constant 0 : i32
        %get3A_309 = arith.index_cast %get3A_308 : i32 to index
        %get3A_310 = arith.index_cast %add3A_291 : i32 to index
        %get3A_311 = arith.constant 32 : index
        %get3A_312 = tpu.vector_load %arg10[%get3A_309, %get3A_310, %get3A_311] {strides = array<i32>} : memref<2x80x128xbf16, #tpu.memory_space<vmem>>, vector<32xbf16>,
        %mul3A_313 = arith.mulf %get3A_307, %get3A_312 : vector<32xbf16>
        %get3A_314 = arith.constant 0 : i32
        %get3A_315 = arith.index_cast %get3A_314 : i32 to index
        %get3A_316 = arith.index_cast %add3A_291 : i32 to index
        %get3A_317 = arith.constant 64 : index
        %get3A_318 = tpu.vector_load %arg9[%get3A_315, %get3A_316, %get3A_317] {strides = array<i32>} : memref<2x80x128xbf16, #tpu.memory_space<vmem>>, vector<32xbf16>,
        %get3A_319 = arith.constant 0 : i32
        %get3A_320 = arith.index_cast %get3A_319 : i32 to index
        %get3A_321 = arith.index_cast %add3A_291 : i32 to index
        %get3A_322 = arith.constant 64 : index
        %get3A_323 = tpu.vector_load %arg10[%get3A_320, %get3A_321, %get3A_322] {strides = array<i32>} : memref<2x80x128xbf16, #tpu.memory_space<vmem>>, vector<32xbf16>,
        %mul3A_324 = arith.mulf %get3A_318, %get3A_323 : vector<32xbf16>
        %get3A_325 = arith.constant 0 : i32
        %get3A_326 = arith.index_cast %get3A_325 : i32 to index
        %get3A_327 = arith.index_cast %add3A_291 : i32 to index
        %get3A_328 = arith.constant 96 : index
        %get3A_329 = tpu.vector_load %arg9[%get3A_326, %get3A_327, %get3A_328] {strides = array<i32>} : memref<2x80x128xbf16, #tpu.memory_space<vmem>>, vector<32xbf16>,
        %get3A_330 = arith.constant 0 : i32
        %get3A_331 = arith.index_cast %get3A_330 : i32 to index
        %get3A_332 = arith.index_cast %add3A_291 : i32 to index
        %get3A_333 = arith.constant 96 : index
        %get3A_334 = tpu.vector_load %arg10[%get3A_331, %get3A_332, %get3A_333] {strides = array<i32>} : memref<2x80x128xbf16, #tpu.memory_space<vmem>>, vector<32xbf16>,
        %mul3A_335 = arith.mulf %get3A_329, %get3A_334 : vector<32xbf16>
        %add3A_336 = arith.addf %mul3A_302, %mul3A_313 : vector<32xbf16>
        %add3A_337 = arith.addf %mul3A_324, %mul3A_335 : vector<32xbf16>
        %add3A_338 = arith.addf %add3A_336, %add3A_337 : vector<32xbf16>
        %unpack3A_339 = tpu.unpack_subelements %add3A_338, 0 {pack_format = #tpu.pack_format<interleaved>} : vector<32xbf16> -> vector<16xf32>
        %unpack3A_340 = tpu.unpack_subelements %add3A_338, 1 {pack_format = #tpu.pack_format<interleaved>} : vector<32xbf16> -> vector<16xf32>
        %eq3A_341 = arith.constant 2 : i32
        %eq3A_342 = vector.broadcast %eq3A_341 : i32 to vector<16xi32>
        %eq3A_343 = arith.cmpi eq, %iota3A, %eq3A_342 : vector<16xi32>
        %add3A_344 = arith.addf %unpack3A_339, %unpack3A_340 : vector<16xf32>
        %reduce_sum3A_345 = arith.constant true
        %reduce_sum3A_346 = vector.broadcast %reduce_sum3A_345 : i1 to vector<16xi1>
        %reduce_sum3A_347 = tpu.scan <sum>, %add3A_344 masked %reduce_sum3A_346 : vector<16xf32>, vector<16xi1> -> vector<16xf32>
        %reduce_sum3A_348 = vector.extract %reduce_sum3A_347[15] : f32 from vector<16xf32>
        %broadcast_in_dim3A_349 = vector.broadcast %reduce_sum3A_348 : f32 to vector<16xf32>
        %select_n3A_350 = arith.select %eq3A_343, %broadcast_in_dim3A_349, %select_n3A_289 : vector<16xi1>, vector<16xf32>
        %add3A_351 = arith.constant 3 : i32
        %add3A_352 = arith.addi %mul3A_171, %add3A_351 : i32
        %get3A_353 = arith.constant 0 : i32
        %get3A_354 = arith.index_cast %get3A_353 : i32 to index
        %get3A_355 = arith.index_cast %add3A_352 : i32 to index
        %get3A_356 = arith.constant 0 : index
        %get3A_357 = tpu.vector_load %arg9[%get3A_354, %get3A_355, %get3A_356] {strides = array<i32>} : memref<2x80x128xbf16, #tpu.memory_space<vmem>>, vector<32xbf16>,
        %get3A_358 = arith.constant 0 : i32
        %get3A_359 = arith.index_cast %get3A_358 : i32 to index
        %get3A_360 = arith.index_cast %add3A_352 : i32 to index
        %get3A_361 = arith.constant 0 : index
        %get3A_362 = tpu.vector_load %arg10[%get3A_359, %get3A_360, %get3A_361] {strides = array<i32>} : memref<2x80x128xbf16, #tpu.memory_space<vmem>>, vector<32xbf16>,
        %mul3A_363 = arith.mulf %get3A_357, %get3A_362 : vector<32xbf16>
        %get3A_364 = arith.constant 0 : i32
        %get3A_365 = arith.index_cast %get3A_364 : i32 to index
        %get3A_366 = arith.index_cast %add3A_352 : i32 to index
        %get3A_367 = arith.constant 32 : index
        %get3A_368 = tpu.vector_load %arg9[%get3A_365, %get3A_366, %get3A_367] {strides = array<i32>} : memref<2x80x128xbf16, #tpu.memory_space<vmem>>, vector<32xbf16>,
        %get3A_369 = arith.constant 0 : i32
        %get3A_370 = arith.index_cast %get3A_369 : i32 to index
        %get3A_371 = arith.index_cast %add3A_352 : i32 to index
        %get3A_372 = arith.constant 32 : index
        %get3A_373 = tpu.vector_load %arg10[%get3A_370, %get3A_371, %get3A_372] {strides = array<i32>} : memref<2x80x128xbf16, #tpu.memory_space<vmem>>, vector<32xbf16>,
        %mul3A_374 = arith.mulf %get3A_368, %get3A_373 : vector<32xbf16>
        %get3A_375 = arith.constant 0 : i32
        %get3A_376 = arith.index_cast %get3A_375 : i32 to index
        %get3A_377 = arith.index_cast %add3A_352 : i32 to index
        %get3A_378 = arith.constant 64 : index
        %get3A_379 = tpu.vector_load %arg9[%get3A_376, %get3A_377, %get3A_378] {strides = array<i32>} : memref<2x80x128xbf16, #tpu.memory_space<vmem>>, vector<32xbf16>,
        %get3A_380 = arith.constant 0 : i32
        %get3A_381 = arith.index_cast %get3A_380 : i32 to index
        %get3A_382 = arith.index_cast %add3A_352 : i32 to index
        %get3A_383 = arith.constant 64 : index
        %get3A_384 = tpu.vector_load %arg10[%get3A_381, %get3A_382, %get3A_383] {strides = array<i32>} : memref<2x80x128xbf16, #tpu.memory_space<vmem>>, vector<32xbf16>,
        %mul3A_385 = arith.mulf %get3A_379, %get3A_384 : vector<32xbf16>
        %get3A_386 = arith.constant 0 : i32
        %get3A_387 = arith.index_cast %get3A_386 : i32 to index
        %get3A_388 = arith.index_cast %add3A_352 : i32 to index
        %get3A_389 = arith.constant 96 : index
        %get3A_390 = tpu.vector_load %arg9[%get3A_387, %get3A_388, %get3A_389] {strides = array<i32>} : memref<2x80x128xbf16, #tpu.memory_space<vmem>>, vector<32xbf16>,
        %get3A_391 = arith.constant 0 : i32
        %get3A_392 = arith.index_cast %get3A_391 : i32 to index
        %get3A_393 = arith.index_cast %add3A_352 : i32 to index
        %get3A_394 = arith.constant 96 : index
        %get3A_395 = tpu.vector_load %arg10[%get3A_392, %get3A_393, %get3A_394] {strides = array<i32>} : memref<2x80x128xbf16, #tpu.memory_space<vmem>>, vector<32xbf16>,
        %mul3A_396 = arith.mulf %get3A_390, %get3A_395 : vector<32xbf16>
        %add3A_397 = arith.addf %mul3A_363, %mul3A_374 : vector<32xbf16>
        %add3A_398 = arith.addf %mul3A_385, %mul3A_396 : vector<32xbf16>
        %add3A_399 = arith.addf %add3A_397, %add3A_398 : vector<32xbf16>
        %unpack3A_400 = tpu.unpack_subelements %add3A_399, 0 {pack_format = #tpu.pack_format<interleaved>} : vector<32xbf16> -> vector<16xf32>
        %unpack3A_401 = tpu.unpack_subelements %add3A_399, 1 {pack_format = #tpu.pack_format<interleaved>} : vector<32xbf16> -> vector<16xf32>
        %eq3A_402 = arith.constant 3 : i32
        %eq3A_403 = vector.broadcast %eq3A_402 : i32 to vector<16xi32>
        %eq3A_404 = arith.cmpi eq, %iota3A, %eq3A_403 : vector<16xi32>
        %add3A_405 = arith.addf %unpack3A_400, %unpack3A_401 : vector<16xf32>
        %reduce_sum3A_406 = arith.constant true
        %reduce_sum3A_407 = vector.broadcast %reduce_sum3A_406 : i1 to vector<16xi1>
        %reduce_sum3A_408 = tpu.scan <sum>, %add3A_405 masked %reduce_sum3A_407 : vector<16xf32>, vector<16xi1> -> vector<16xf32>
        %reduce_sum3A_409 = vector.extract %reduce_sum3A_408[15] : f32 from vector<16xf32>
        %broadcast_in_dim3A_410 = vector.broadcast %reduce_sum3A_409 : f32 to vector<16xf32>
        %select_n3A_411 = arith.select %eq3A_404, %broadcast_in_dim3A_410, %select_n3A_350 : vector<16xi1>, vector<16xf32>
        %add3A_412 = arith.constant 4 : i32
        %add3A_413 = arith.addi %mul3A_171, %add3A_412 : i32
        %get3A_414 = arith.constant 0 : i32
        %get3A_415 = arith.index_cast %get3A_414 : i32 to index
        %get3A_416 = arith.index_cast %add3A_413 : i32 to index
        %get3A_417 = arith.constant 0 : index
        %get3A_418 = tpu.vector_load %arg9[%get3A_415, %get3A_416, %get3A_417] {strides = array<i32>} : memref<2x80x128xbf16, #tpu.memory_space<vmem>>, vector<32xbf16>,
        %get3A_419 = arith.constant 0 : i32
        %get3A_420 = arith.index_cast %get3A_419 : i32 to index
        %get3A_421 = arith.index_cast %add3A_413 : i32 to index
        %get3A_422 = arith.constant 0 : index
        %get3A_423 = tpu.vector_load %arg10[%get3A_420, %get3A_421, %get3A_422] {strides = array<i32>} : memref<2x80x128xbf16, #tpu.memory_space<vmem>>, vector<32xbf16>,
        %mul3A_424 = arith.mulf %get3A_418, %get3A_423 : vector<32xbf16>
        %get3A_425 = arith.constant 0 : i32
        %get3A_426 = arith.index_cast %get3A_425 : i32 to index
        %get3A_427 = arith.index_cast %add3A_413 : i32 to index
        %get3A_428 = arith.constant 32 : index
        %get3A_429 = tpu.vector_load %arg9[%get3A_426, %get3A_427, %get3A_428] {strides = array<i32>} : memref<2x80x128xbf16, #tpu.memory_space<vmem>>, vector<32xbf16>,
        %get3A_430 = arith.constant 0 : i32
        %get3A_431 = arith.index_cast %get3A_430 : i32 to index
        %get3A_432 = arith.index_cast %add3A_413 : i32 to index
        %get3A_433 = arith.constant 32 : index
        %get3A_434 = tpu.vector_load %arg10[%get3A_431, %get3A_432, %get3A_433] {strides = array<i32>} : memref<2x80x128xbf16, #tpu.memory_space<vmem>>, vector<32xbf16>,
        %mul3A_435 = arith.mulf %get3A_429, %get3A_434 : vector<32xbf16>
        %get3A_436 = arith.constant 0 : i32
        %get3A_437 = arith.index_cast %get3A_436 : i32 to index
        %get3A_438 = arith.index_cast %add3A_413 : i32 to index
        %get3A_439 = arith.constant 64 : index
        %get3A_440 = tpu.vector_load %arg9[%get3A_437, %get3A_438, %get3A_439] {strides = array<i32>} : memref<2x80x128xbf16, #tpu.memory_space<vmem>>, vector<32xbf16>,
        %get3A_441 = arith.constant 0 : i32
        %get3A_442 = arith.index_cast %get3A_441 : i32 to index
        %get3A_443 = arith.index_cast %add3A_413 : i32 to index
        %get3A_444 = arith.constant 64 : index
        %get3A_445 = tpu.vector_load %arg10[%get3A_442, %get3A_443, %get3A_444] {strides = array<i32>} : memref<2x80x128xbf16, #tpu.memory_space<vmem>>, vector<32xbf16>,
        %mul3A_446 = arith.mulf %get3A_440, %get3A_445 : vector<32xbf16>
        %get3A_447 = arith.constant 0 : i32
        %get3A_448 = arith.index_cast %get3A_447 : i32 to index
        %get3A_449 = arith.index_cast %add3A_413 : i32 to index
        %get3A_450 = arith.constant 96 : index
        %get3A_451 = tpu.vector_load %arg9[%get3A_448, %get3A_449, %get3A_450] {strides = array<i32>} : memref<2x80x128xbf16, #tpu.memory_space<vmem>>, vector<32xbf16>,
        %get3A_452 = arith.constant 0 : i32
        %get3A_453 = arith.index_cast %get3A_452 : i32 to index
        %get3A_454 = arith.index_cast %add3A_413 : i32 to index
        %get3A_455 = arith.constant 96 : index
        %get3A_456 = tpu.vector_load %arg10[%get3A_453, %get3A_454, %get3A_455] {strides = array<i32>} : memref<2x80x128xbf16, #tpu.memory_space<vmem>>, vector<32xbf16>,
        %mul3A_457 = arith.mulf %get3A_451, %get3A_456 : vector<32xbf16>
        %add3A_458 = arith.addf %mul3A_424, %mul3A_435 : vector<32xbf16>
        %add3A_459 = arith.addf %mul3A_446, %mul3A_457 : vector<32xbf16>
        %add3A_460 = arith.addf %add3A_458, %add3A_459 : vector<32xbf16>
        %unpack3A_461 = tpu.unpack_subelements %add3A_460, 0 {pack_format = #tpu.pack_format<interleaved>} : vector<32xbf16> -> vector<16xf32>
        %unpack3A_462 = tpu.unpack_subelements %add3A_460, 1 {pack_format = #tpu.pack_format<interleaved>} : vector<32xbf16> -> vector<16xf32>
        %eq3A_463 = arith.constant 4 : i32
        %eq3A_464 = vector.broadcast %eq3A_463 : i32 to vector<16xi32>
        %eq3A_465 = arith.cmpi eq, %iota3A, %eq3A_464 : vector<16xi32>
        %add3A_466 = arith.addf %unpack3A_461, %unpack3A_462 : vector<16xf32>
        %reduce_sum3A_467 = arith.constant true
        %reduce_sum3A_468 = vector.broadcast %reduce_sum3A_467 : i1 to vector<16xi1>
        %reduce_sum3A_469 = tpu.scan <sum>, %add3A_466 masked %reduce_sum3A_468 : vector<16xf32>, vector<16xi1> -> vector<16xf32>
        %reduce_sum3A_470 = vector.extract %reduce_sum3A_469[15] : f32 from vector<16xf32>
        %broadcast_in_dim3A_471 = vector.broadcast %reduce_sum3A_470 : f32 to vector<16xf32>
        %select_n3A_472 = arith.select %eq3A_465, %broadcast_in_dim3A_471, %select_n3A_411 : vector<16xi1>, vector<16xf32>
        %add3A_473 = arith.constant 5 : i32
        %add3A_474 = arith.addi %mul3A_171, %add3A_473 : i32
        %get3A_475 = arith.constant 0 : i32
        %get3A_476 = arith.index_cast %get3A_475 : i32 to index
        %get3A_477 = arith.index_cast %add3A_474 : i32 to index
        %get3A_478 = arith.constant 0 : index
        %get3A_479 = tpu.vector_load %arg9[%get3A_476, %get3A_477, %get3A_478] {strides = array<i32>} : memref<2x80x128xbf16, #tpu.memory_space<vmem>>, vector<32xbf16>,
        %get3A_480 = arith.constant 0 : i32
        %get3A_481 = arith.index_cast %get3A_480 : i32 to index
        %get3A_482 = arith.index_cast %add3A_474 : i32 to index
        %get3A_483 = arith.constant 0 : index
        %get3A_484 = tpu.vector_load %arg10[%get3A_481, %get3A_482, %get3A_483] {strides = array<i32>} : memref<2x80x128xbf16, #tpu.memory_space<vmem>>, vector<32xbf16>,
        %mul3A_485 = arith.mulf %get3A_479, %get3A_484 : vector<32xbf16>
        %get3A_486 = arith.constant 0 : i32
        %get3A_487 = arith.index_cast %get3A_486 : i32 to index
        %get3A_488 = arith.index_cast %add3A_474 : i32 to index
        %get3A_489 = arith.constant 32 : index
        %get3A_490 = tpu.vector_load %arg9[%get3A_487, %get3A_488, %get3A_489] {strides = array<i32>} : memref<2x80x128xbf16, #tpu.memory_space<vmem>>, vector<32xbf16>,
        %get3A_491 = arith.constant 0 : i32
        %get3A_492 = arith.index_cast %get3A_491 : i32 to index
        %get3A_493 = arith.index_cast %add3A_474 : i32 to index
        %get3A_494 = arith.constant 32 : index
        %get3A_495 = tpu.vector_load %arg10[%get3A_492, %get3A_493, %get3A_494] {strides = array<i32>} : memref<2x80x128xbf16, #tpu.memory_space<vmem>>, vector<32xbf16>,
        %mul3A_496 = arith.mulf %get3A_490, %get3A_495 : vector<32xbf16>
        %get3A_497 = arith.constant 0 : i32
        %get3A_498 = arith.index_cast %get3A_497 : i32 to index
        %get3A_499 = arith.index_cast %add3A_474 : i32 to index
        %get3A_500 = arith.constant 64 : index
        %get3A_501 = tpu.vector_load %arg9[%get3A_498, %get3A_499, %get3A_500] {strides = array<i32>} : memref<2x80x128xbf16, #tpu.memory_space<vmem>>, vector<32xbf16>,
        %get3A_502 = arith.constant 0 : i32
        %get3A_503 = arith.index_cast %get3A_502 : i32 to index
        %get3A_504 = arith.index_cast %add3A_474 : i32 to index
        %get3A_505 = arith.constant 64 : index
        %get3A_506 = tpu.vector_load %arg10[%get3A_503, %get3A_504, %get3A_505] {strides = array<i32>} : memref<2x80x128xbf16, #tpu.memory_space<vmem>>, vector<32xbf16>,
        %mul3A_507 = arith.mulf %get3A_501, %get3A_506 : vector<32xbf16>
        %get3A_508 = arith.constant 0 : i32
        %get3A_509 = arith.index_cast %get3A_508 : i32 to index
        %get3A_510 = arith.index_cast %add3A_474 : i32 to index
        %get3A_511 = arith.constant 96 : index
        %get3A_512 = tpu.vector_load %arg9[%get3A_509, %get3A_510, %get3A_511] {strides = array<i32>} : memref<2x80x128xbf16, #tpu.memory_space<vmem>>, vector<32xbf16>,
        %get3A_513 = arith.constant 0 : i32
        %get3A_514 = arith.index_cast %get3A_513 : i32 to index
        %get3A_515 = arith.index_cast %add3A_474 : i32 to index
        %get3A_516 = arith.constant 96 : index
        %get3A_517 = tpu.vector_load %arg10[%get3A_514, %get3A_515, %get3A_516] {strides = array<i32>} : memref<2x80x128xbf16, #tpu.memory_space<vmem>>, vector<32xbf16>,
        %mul3A_518 = arith.mulf %get3A_512, %get3A_517 : vector<32xbf16>
        %add3A_519 = arith.addf %mul3A_485, %mul3A_496 : vector<32xbf16>
        %add3A_520 = arith.addf %mul3A_507, %mul3A_518 : vector<32xbf16>
        %add3A_521 = arith.addf %add3A_519, %add3A_520 : vector<32xbf16>
        %unpack3A_522 = tpu.unpack_subelements %add3A_521, 0 {pack_format = #tpu.pack_format<interleaved>} : vector<32xbf16> -> vector<16xf32>
        %unpack3A_523 = tpu.unpack_subelements %add3A_521, 1 {pack_format = #tpu.pack_format<interleaved>} : vector<32xbf16> -> vector<16xf32>
        %eq3A_524 = arith.constant 5 : i32
        %eq3A_525 = vector.broadcast %eq3A_524 : i32 to vector<16xi32>
        %eq3A_526 = arith.cmpi eq, %iota3A, %eq3A_525 : vector<16xi32>
        %add3A_527 = arith.addf %unpack3A_522, %unpack3A_523 : vector<16xf32>
        %reduce_sum3A_528 = arith.constant true
        %reduce_sum3A_529 = vector.broadcast %reduce_sum3A_528 : i1 to vector<16xi1>
        %reduce_sum3A_530 = tpu.scan <sum>, %add3A_527 masked %reduce_sum3A_529 : vector<16xf32>, vector<16xi1> -> vector<16xf32>
        %reduce_sum3A_531 = vector.extract %reduce_sum3A_530[15] : f32 from vector<16xf32>
        %broadcast_in_dim3A_532 = vector.broadcast %reduce_sum3A_531 : f32 to vector<16xf32>
        %select_n3A_533 = arith.select %eq3A_526, %broadcast_in_dim3A_532, %select_n3A_472 : vector<16xi1>, vector<16xf32>
        %add3A_534 = arith.constant 6 : i32
        %add3A_535 = arith.addi %mul3A_171, %add3A_534 : i32
        %get3A_536 = arith.constant 0 : i32
        %get3A_537 = arith.index_cast %get3A_536 : i32 to index
        %get3A_538 = arith.index_cast %add3A_535 : i32 to index
        %get3A_539 = arith.constant 0 : index
        %get3A_540 = tpu.vector_load %arg9[%get3A_537, %get3A_538, %get3A_539] {strides = array<i32>} : memref<2x80x128xbf16, #tpu.memory_space<vmem>>, vector<32xbf16>,
        %get3A_541 = arith.constant 0 : i32
        %get3A_542 = arith.index_cast %get3A_541 : i32 to index
        %get3A_543 = arith.index_cast %add3A_535 : i32 to index
        %get3A_544 = arith.constant 0 : index
        %get3A_545 = tpu.vector_load %arg10[%get3A_542, %get3A_543, %get3A_544] {strides = array<i32>} : memref<2x80x128xbf16, #tpu.memory_space<vmem>>, vector<32xbf16>,
        %mul3A_546 = arith.mulf %get3A_540, %get3A_545 : vector<32xbf16>
        %get3A_547 = arith.constant 0 : i32
        %get3A_548 = arith.index_cast %get3A_547 : i32 to index
        %get3A_549 = arith.index_cast %add3A_535 : i32 to index
        %get3A_550 = arith.constant 32 : index
        %get3A_551 = tpu.vector_load %arg9[%get3A_548, %get3A_549, %get3A_550] {strides = array<i32>} : memref<2x80x128xbf16, #tpu.memory_space<vmem>>, vector<32xbf16>,
        %get3A_552 = arith.constant 0 : i32
        %get3A_553 = arith.index_cast %get3A_552 : i32 to index
        %get3A_554 = arith.index_cast %add3A_535 : i32 to index
        %get3A_555 = arith.constant 32 : index
        %get3A_556 = tpu.vector_load %arg10[%get3A_553, %get3A_554, %get3A_555] {strides = array<i32>} : memref<2x80x128xbf16, #tpu.memory_space<vmem>>, vector<32xbf16>,
        %mul3A_557 = arith.mulf %get3A_551, %get3A_556 : vector<32xbf16>
        %get3A_558 = arith.constant 0 : i32
        %get3A_559 = arith.index_cast %get3A_558 : i32 to index
        %get3A_560 = arith.index_cast %add3A_535 : i32 to index
        %get3A_561 = arith.constant 64 : index
        %get3A_562 = tpu.vector_load %arg9[%get3A_559, %get3A_560, %get3A_561] {strides = array<i32>} : memref<2x80x128xbf16, #tpu.memory_space<vmem>>, vector<32xbf16>,
        %get3A_563 = arith.constant 0 : i32
        %get3A_564 = arith.index_cast %get3A_563 : i32 to index
        %get3A_565 = arith.index_cast %add3A_535 : i32 to index
        %get3A_566 = arith.constant 64 : index
        %get3A_567 = tpu.vector_load %arg10[%get3A_564, %get3A_565, %get3A_566] {strides = array<i32>} : memref<2x80x128xbf16, #tpu.memory_space<vmem>>, vector<32xbf16>,
        %mul3A_568 = arith.mulf %get3A_562, %get3A_567 : vector<32xbf16>
        %get3A_569 = arith.constant 0 : i32
        %get3A_570 = arith.index_cast %get3A_569 : i32 to index
        %get3A_571 = arith.index_cast %add3A_535 : i32 to index
        %get3A_572 = arith.constant 96 : index
        %get3A_573 = tpu.vector_load %arg9[%get3A_570, %get3A_571, %get3A_572] {strides = array<i32>} : memref<2x80x128xbf16, #tpu.memory_space<vmem>>, vector<32xbf16>,
        %get3A_574 = arith.constant 0 : i32
        %get3A_575 = arith.index_cast %get3A_574 : i32 to index
        %get3A_576 = arith.index_cast %add3A_535 : i32 to index
        %get3A_577 = arith.constant 96 : index
        %get3A_578 = tpu.vector_load %arg10[%get3A_575, %get3A_576, %get3A_577] {strides = array<i32>} : memref<2x80x128xbf16, #tpu.memory_space<vmem>>, vector<32xbf16>,
        %mul3A_579 = arith.mulf %get3A_573, %get3A_578 : vector<32xbf16>
        %add3A_580 = arith.addf %mul3A_546, %mul3A_557 : vector<32xbf16>
        %add3A_581 = arith.addf %mul3A_568, %mul3A_579 : vector<32xbf16>
        %add3A_582 = arith.addf %add3A_580, %add3A_581 : vector<32xbf16>
        %unpack3A_583 = tpu.unpack_subelements %add3A_582, 0 {pack_format = #tpu.pack_format<interleaved>} : vector<32xbf16> -> vector<16xf32>
        %unpack3A_584 = tpu.unpack_subelements %add3A_582, 1 {pack_format = #tpu.pack_format<interleaved>} : vector<32xbf16> -> vector<16xf32>
        %eq3A_585 = arith.constant 6 : i32
        %eq3A_586 = vector.broadcast %eq3A_585 : i32 to vector<16xi32>
        %eq3A_587 = arith.cmpi eq, %iota3A, %eq3A_586 : vector<16xi32>
        %add3A_588 = arith.addf %unpack3A_583, %unpack3A_584 : vector<16xf32>
        %reduce_sum3A_589 = arith.constant true
        %reduce_sum3A_590 = vector.broadcast %reduce_sum3A_589 : i1 to vector<16xi1>
        %reduce_sum3A_591 = tpu.scan <sum>, %add3A_588 masked %reduce_sum3A_590 : vector<16xf32>, vector<16xi1> -> vector<16xf32>
        %reduce_sum3A_592 = vector.extract %reduce_sum3A_591[15] : f32 from vector<16xf32>
        %broadcast_in_dim3A_593 = vector.broadcast %reduce_sum3A_592 : f32 to vector<16xf32>
        %select_n3A_594 = arith.select %eq3A_587, %broadcast_in_dim3A_593, %select_n3A_533 : vector<16xi1>, vector<16xf32>
        %add3A_595 = arith.constant 7 : i32
        %add3A_596 = arith.addi %mul3A_171, %add3A_595 : i32
        %get3A_597 = arith.constant 0 : i32
        %get3A_598 = arith.index_cast %get3A_597 : i32 to index
        %get3A_599 = arith.index_cast %add3A_596 : i32 to index
        %get3A_600 = arith.constant 0 : index
        %get3A_601 = tpu.vector_load %arg9[%get3A_598, %get3A_599, %get3A_600] {strides = array<i32>} : memref<2x80x128xbf16, #tpu.memory_space<vmem>>, vector<32xbf16>,
        %get3A_602 = arith.constant 0 : i32
        %get3A_603 = arith.index_cast %get3A_602 : i32 to index
        %get3A_604 = arith.index_cast %add3A_596 : i32 to index
        %get3A_605 = arith.constant 0 : index
        %get3A_606 = tpu.vector_load %arg10[%get3A_603, %get3A_604, %get3A_605] {strides = array<i32>} : memref<2x80x128xbf16, #tpu.memory_space<vmem>>, vector<32xbf16>,
        %mul3A_607 = arith.mulf %get3A_601, %get3A_606 : vector<32xbf16>
        %get3A_608 = arith.constant 0 : i32
        %get3A_609 = arith.index_cast %get3A_608 : i32 to index
        %get3A_610 = arith.index_cast %add3A_596 : i32 to index
        %get3A_611 = arith.constant 32 : index
        %get3A_612 = tpu.vector_load %arg9[%get3A_609, %get3A_610, %get3A_611] {strides = array<i32>} : memref<2x80x128xbf16, #tpu.memory_space<vmem>>, vector<32xbf16>,
        %get3A_613 = arith.constant 0 : i32
        %get3A_614 = arith.index_cast %get3A_613 : i32 to index
        %get3A_615 = arith.index_cast %add3A_596 : i32 to index
        %get3A_616 = arith.constant 32 : index
        %get3A_617 = tpu.vector_load %arg10[%get3A_614, %get3A_615, %get3A_616] {strides = array<i32>} : memref<2x80x128xbf16, #tpu.memory_space<vmem>>, vector<32xbf16>,
        %mul3A_618 = arith.mulf %get3A_612, %get3A_617 : vector<32xbf16>
        %get3A_619 = arith.constant 0 : i32
        %get3A_620 = arith.index_cast %get3A_619 : i32 to index
        %get3A_621 = arith.index_cast %add3A_596 : i32 to index
        %get3A_622 = arith.constant 64 : index
        %get3A_623 = tpu.vector_load %arg9[%get3A_620, %get3A_621, %get3A_622] {strides = array<i32>} : memref<2x80x128xbf16, #tpu.memory_space<vmem>>, vector<32xbf16>,
        %get3A_624 = arith.constant 0 : i32
        %get3A_625 = arith.index_cast %get3A_624 : i32 to index
        %get3A_626 = arith.index_cast %add3A_596 : i32 to index
        %get3A_627 = arith.constant 64 : index
        %get3A_628 = tpu.vector_load %arg10[%get3A_625, %get3A_626, %get3A_627] {strides = array<i32>} : memref<2x80x128xbf16, #tpu.memory_space<vmem>>, vector<32xbf16>,
        %mul3A_629 = arith.mulf %get3A_623, %get3A_628 : vector<32xbf16>
        %get3A_630 = arith.constant 0 : i32
        %get3A_631 = arith.index_cast %get3A_630 : i32 to index
        %get3A_632 = arith.index_cast %add3A_596 : i32 to index
        %get3A_633 = arith.constant 96 : index
        %get3A_634 = tpu.vector_load %arg9[%get3A_631, %get3A_632, %get3A_633] {strides = array<i32>} : memref<2x80x128xbf16, #tpu.memory_space<vmem>>, vector<32xbf16>,
        %get3A_635 = arith.constant 0 : i32
        %get3A_636 = arith.index_cast %get3A_635 : i32 to index
        %get3A_637 = arith.index_cast %add3A_596 : i32 to index
        %get3A_638 = arith.constant 96 : index
        %get3A_639 = tpu.vector_load %arg10[%get3A_636, %get3A_637, %get3A_638] {strides = array<i32>} : memref<2x80x128xbf16, #tpu.memory_space<vmem>>, vector<32xbf16>,
        %mul3A_640 = arith.mulf %get3A_634, %get3A_639 : vector<32xbf16>
        %add3A_641 = arith.addf %mul3A_607, %mul3A_618 : vector<32xbf16>
        %add3A_642 = arith.addf %mul3A_629, %mul3A_640 : vector<32xbf16>
        %add3A_643 = arith.addf %add3A_641, %add3A_642 : vector<32xbf16>
        %unpack3A_644 = tpu.unpack_subelements %add3A_643, 0 {pack_format = #tpu.pack_format<interleaved>} : vector<32xbf16> -> vector<16xf32>
        %unpack3A_645 = tpu.unpack_subelements %add3A_643, 1 {pack_format = #tpu.pack_format<interleaved>} : vector<32xbf16> -> vector<16xf32>
        %eq3A_646 = arith.constant 7 : i32
        %eq3A_647 = vector.broadcast %eq3A_646 : i32 to vector<16xi32>
        %eq3A_648 = arith.cmpi eq, %iota3A, %eq3A_647 : vector<16xi32>
        %add3A_649 = arith.addf %unpack3A_644, %unpack3A_645 : vector<16xf32>
        %reduce_sum3A_650 = arith.constant true
        %reduce_sum3A_651 = vector.broadcast %reduce_sum3A_650 : i1 to vector<16xi1>
        %reduce_sum3A_652 = tpu.scan <sum>, %add3A_649 masked %reduce_sum3A_651 : vector<16xf32>, vector<16xi1> -> vector<16xf32>
        %reduce_sum3A_653 = vector.extract %reduce_sum3A_652[15] : f32 from vector<16xf32>
        %broadcast_in_dim3A_654 = vector.broadcast %reduce_sum3A_653 : f32 to vector<16xf32>
        %select_n3A_655 = arith.select %eq3A_648, %broadcast_in_dim3A_654, %select_n3A_594 : vector<16xi1>, vector<16xf32>
        %add3A_656 = arith.constant 8 : i32
        %add3A_657 = arith.addi %mul3A_171, %add3A_656 : i32
        %get3A_658 = arith.constant 0 : i32
        %get3A_659 = arith.index_cast %get3A_658 : i32 to index
        %get3A_660 = arith.index_cast %add3A_657 : i32 to index
        %get3A_661 = arith.constant 0 : index
        %get3A_662 = tpu.vector_load %arg9[%get3A_659, %get3A_660, %get3A_661] {strides = array<i32>} : memref<2x80x128xbf16, #tpu.memory_space<vmem>>, vector<32xbf16>,
        %get3A_663 = arith.constant 0 : i32
        %get3A_664 = arith.index_cast %get3A_663 : i32 to index
        %get3A_665 = arith.index_cast %add3A_657 : i32 to index
        %get3A_666 = arith.constant 0 : index
        %get3A_667 = tpu.vector_load %arg10[%get3A_664, %get3A_665, %get3A_666] {strides = array<i32>} : memref<2x80x128xbf16, #tpu.memory_space<vmem>>, vector<32xbf16>,
        %mul3A_668 = arith.mulf %get3A_662, %get3A_667 : vector<32xbf16>
        %get3A_669 = arith.constant 0 : i32
        %get3A_670 = arith.index_cast %get3A_669 : i32 to index
        %get3A_671 = arith.index_cast %add3A_657 : i32 to index
        %get3A_672 = arith.constant 32 : index
        %get3A_673 = tpu.vector_load %arg9[%get3A_670, %get3A_671, %get3A_672] {strides = array<i32>} : memref<2x80x128xbf16, #tpu.memory_space<vmem>>, vector<32xbf16>,
        %get3A_674 = arith.constant 0 : i32
        %get3A_675 = arith.index_cast %get3A_674 : i32 to index
        %get3A_676 = arith.index_cast %add3A_657 : i32 to index
        %get3A_677 = arith.constant 32 : index
        %get3A_678 = tpu.vector_load %arg10[%get3A_675, %get3A_676, %get3A_677] {strides = array<i32>} : memref<2x80x128xbf16, #tpu.memory_space<vmem>>, vector<32xbf16>,
        %mul3A_679 = arith.mulf %get3A_673, %get3A_678 : vector<32xbf16>
        %get3A_680 = arith.constant 0 : i32
        %get3A_681 = arith.index_cast %get3A_680 : i32 to index
        %get3A_682 = arith.index_cast %add3A_657 : i32 to index
        %get3A_683 = arith.constant 64 : index
        %get3A_684 = tpu.vector_load %arg9[%get3A_681, %get3A_682, %get3A_683] {strides = array<i32>} : memref<2x80x128xbf16, #tpu.memory_space<vmem>>, vector<32xbf16>,
        %get3A_685 = arith.constant 0 : i32
        %get3A_686 = arith.index_cast %get3A_685 : i32 to index
        %get3A_687 = arith.index_cast %add3A_657 : i32 to index
        %get3A_688 = arith.constant 64 : index
        %get3A_689 = tpu.vector_load %arg10[%get3A_686, %get3A_687, %get3A_688] {strides = array<i32>} : memref<2x80x128xbf16, #tpu.memory_space<vmem>>, vector<32xbf16>,
        %mul3A_690 = arith.mulf %get3A_684, %get3A_689 : vector<32xbf16>
        %get3A_691 = arith.constant 0 : i32
        %get3A_692 = arith.index_cast %get3A_691 : i32 to index
        %get3A_693 = arith.index_cast %add3A_657 : i32 to index
        %get3A_694 = arith.constant 96 : index
        %get3A_695 = tpu.vector_load %arg9[%get3A_692, %get3A_693, %get3A_694] {strides = array<i32>} : memref<2x80x128xbf16, #tpu.memory_space<vmem>>, vector<32xbf16>,
        %get3A_696 = arith.constant 0 : i32
        %get3A_697 = arith.index_cast %get3A_696 : i32 to index
        %get3A_698 = arith.index_cast %add3A_657 : i32 to index
        %get3A_699 = arith.constant 96 : index
        %get3A_700 = tpu.vector_load %arg10[%get3A_697, %get3A_698, %get3A_699] {strides = array<i32>} : memref<2x80x128xbf16, #tpu.memory_space<vmem>>, vector<32xbf16>,
        %mul3A_701 = arith.mulf %get3A_695, %get3A_700 : vector<32xbf16>
        %add3A_702 = arith.addf %mul3A_668, %mul3A_679 : vector<32xbf16>
        %add3A_703 = arith.addf %mul3A_690, %mul3A_701 : vector<32xbf16>
        %add3A_704 = arith.addf %add3A_702, %add3A_703 : vector<32xbf16>
        %unpack3A_705 = tpu.unpack_subelements %add3A_704, 0 {pack_format = #tpu.pack_format<interleaved>} : vector<32xbf16> -> vector<16xf32>
        %unpack3A_706 = tpu.unpack_subelements %add3A_704, 1 {pack_format = #tpu.pack_format<interleaved>} : vector<32xbf16> -> vector<16xf32>
        %eq3A_707 = arith.constant 8 : i32
        %eq3A_708 = vector.broadcast %eq3A_707 : i32 to vector<16xi32>
        %eq3A_709 = arith.cmpi eq, %iota3A, %eq3A_708 : vector<16xi32>
        %add3A_710 = arith.addf %unpack3A_705, %unpack3A_706 : vector<16xf32>
        %reduce_sum3A_711 = arith.constant true
        %reduce_sum3A_712 = vector.broadcast %reduce_sum3A_711 : i1 to vector<16xi1>
        %reduce_sum3A_713 = tpu.scan <sum>, %add3A_710 masked %reduce_sum3A_712 : vector<16xf32>, vector<16xi1> -> vector<16xf32>
        %reduce_sum3A_714 = vector.extract %reduce_sum3A_713[15] : f32 from vector<16xf32>
        %broadcast_in_dim3A_715 = vector.broadcast %reduce_sum3A_714 : f32 to vector<16xf32>
        %select_n3A_716 = arith.select %eq3A_709, %broadcast_in_dim3A_715, %select_n3A_655 : vector<16xi1>, vector<16xf32>
        %add3A_717 = arith.constant 9 : i32
        %add3A_718 = arith.addi %mul3A_171, %add3A_717 : i32
        %get3A_719 = arith.constant 0 : i32
        %get3A_720 = arith.index_cast %get3A_719 : i32 to index
        %get3A_721 = arith.index_cast %add3A_718 : i32 to index
        %get3A_722 = arith.constant 0 : index
        %get3A_723 = tpu.vector_load %arg9[%get3A_720, %get3A_721, %get3A_722] {strides = array<i32>} : memref<2x80x128xbf16, #tpu.memory_space<vmem>>, vector<32xbf16>,
        %get3A_724 = arith.constant 0 : i32
        %get3A_725 = arith.index_cast %get3A_724 : i32 to index
        %get3A_726 = arith.index_cast %add3A_718 : i32 to index
        %get3A_727 = arith.constant 0 : index
        %get3A_728 = tpu.vector_load %arg10[%get3A_725, %get3A_726, %get3A_727] {strides = array<i32>} : memref<2x80x128xbf16, #tpu.memory_space<vmem>>, vector<32xbf16>,
        %mul3A_729 = arith.mulf %get3A_723, %get3A_728 : vector<32xbf16>
        %get3A_730 = arith.constant 0 : i32
        %get3A_731 = arith.index_cast %get3A_730 : i32 to index
        %get3A_732 = arith.index_cast %add3A_718 : i32 to index
        %get3A_733 = arith.constant 32 : index
        %get3A_734 = tpu.vector_load %arg9[%get3A_731, %get3A_732, %get3A_733] {strides = array<i32>} : memref<2x80x128xbf16, #tpu.memory_space<vmem>>, vector<32xbf16>,
        %get3A_735 = arith.constant 0 : i32
        %get3A_736 = arith.index_cast %get3A_735 : i32 to index
        %get3A_737 = arith.index_cast %add3A_718 : i32 to index
        %get3A_738 = arith.constant 32 : index
        %get3A_739 = tpu.vector_load %arg10[%get3A_736, %get3A_737, %get3A_738] {strides = array<i32>} : memref<2x80x128xbf16, #tpu.memory_space<vmem>>, vector<32xbf16>,
        %mul3A_740 = arith.mulf %get3A_734, %get3A_739 : vector<32xbf16>
        %get3A_741 = arith.constant 0 : i32
        %get3A_742 = arith.index_cast %get3A_741 : i32 to index
        %get3A_743 = arith.index_cast %add3A_718 : i32 to index
        %get3A_744 = arith.constant 64 : index
        %get3A_745 = tpu.vector_load %arg9[%get3A_742, %get3A_743, %get3A_744] {strides = array<i32>} : memref<2x80x128xbf16, #tpu.memory_space<vmem>>, vector<32xbf16>,
        %get3A_746 = arith.constant 0 : i32
        %get3A_747 = arith.index_cast %get3A_746 : i32 to index
        %get3A_748 = arith.index_cast %add3A_718 : i32 to index
        %get3A_749 = arith.constant 64 : index
        %get3A_750 = tpu.vector_load %arg10[%get3A_747, %get3A_748, %get3A_749] {strides = array<i32>} : memref<2x80x128xbf16, #tpu.memory_space<vmem>>, vector<32xbf16>,
        %mul3A_751 = arith.mulf %get3A_745, %get3A_750 : vector<32xbf16>
        %get3A_752 = arith.constant 0 : i32
        %get3A_753 = arith.index_cast %get3A_752 : i32 to index
        %get3A_754 = arith.index_cast %add3A_718 : i32 to index
        %get3A_755 = arith.constant 96 : index
        %get3A_756 = tpu.vector_load %arg9[%get3A_753, %get3A_754, %get3A_755] {strides = array<i32>} : memref<2x80x128xbf16, #tpu.memory_space<vmem>>, vector<32xbf16>,
        %get3A_757 = arith.constant 0 : i32
        %get3A_758 = arith.index_cast %get3A_757 : i32 to index
        %get3A_759 = arith.index_cast %add3A_718 : i32 to index
        %get3A_760 = arith.constant 96 : index
        %get3A_761 = tpu.vector_load %arg10[%get3A_758, %get3A_759, %get3A_760] {strides = array<i32>} : memref<2x80x128xbf16, #tpu.memory_space<vmem>>, vector<32xbf16>,
        %mul3A_762 = arith.mulf %get3A_756, %get3A_761 : vector<32xbf16>
        %add3A_763 = arith.addf %mul3A_729, %mul3A_740 : vector<32xbf16>
        %add3A_764 = arith.addf %mul3A_751, %mul3A_762 : vector<32xbf16>
        %add3A_765 = arith.addf %add3A_763, %add3A_764 : vector<32xbf16>
        %unpack3A_766 = tpu.unpack_subelements %add3A_765, 0 {pack_format = #tpu.pack_format<interleaved>} : vector<32xbf16> -> vector<16xf32>
        %unpack3A_767 = tpu.unpack_subelements %add3A_765, 1 {pack_format = #tpu.pack_format<interleaved>} : vector<32xbf16> -> vector<16xf32>
        %eq3A_768 = arith.constant 9 : i32
        %eq3A_769 = vector.broadcast %eq3A_768 : i32 to vector<16xi32>
        %eq3A_770 = arith.cmpi eq, %iota3A, %eq3A_769 : vector<16xi32>
        %add3A_771 = arith.addf %unpack3A_766, %unpack3A_767 : vector<16xf32>
        %reduce_sum3A_772 = arith.constant true
        %reduce_sum3A_773 = vector.broadcast %reduce_sum3A_772 : i1 to vector<16xi1>
        %reduce_sum3A_774 = tpu.scan <sum>, %add3A_771 masked %reduce_sum3A_773 : vector<16xf32>, vector<16xi1> -> vector<16xf32>
        %reduce_sum3A_775 = vector.extract %reduce_sum3A_774[15] : f32 from vector<16xf32>
        %broadcast_in_dim3A_776 = vector.broadcast %reduce_sum3A_775 : f32 to vector<16xf32>
        %select_n3A_777 = arith.select %eq3A_770, %broadcast_in_dim3A_776, %select_n3A_716 : vector<16xi1>, vector<16xf32>
        %add3A_778 = arith.constant 10 : i32
        %add3A_779 = arith.addi %mul3A_171, %add3A_778 : i32
        %get3A_780 = arith.constant 0 : i32
        %get3A_781 = arith.index_cast %get3A_780 : i32 to index
        %get3A_782 = arith.index_cast %add3A_779 : i32 to index
        %get3A_783 = arith.constant 0 : index
        %get3A_784 = tpu.vector_load %arg9[%get3A_781, %get3A_782, %get3A_783] {strides = array<i32>} : memref<2x80x128xbf16, #tpu.memory_space<vmem>>, vector<32xbf16>,
        %get3A_785 = arith.constant 0 : i32
        %get3A_786 = arith.index_cast %get3A_785 : i32 to index
        %get3A_787 = arith.index_cast %add3A_779 : i32 to index
        %get3A_788 = arith.constant 0 : index
        %get3A_789 = tpu.vector_load %arg10[%get3A_786, %get3A_787, %get3A_788] {strides = array<i32>} : memref<2x80x128xbf16, #tpu.memory_space<vmem>>, vector<32xbf16>,
        %mul3A_790 = arith.mulf %get3A_784, %get3A_789 : vector<32xbf16>
        %get3A_791 = arith.constant 0 : i32
        %get3A_792 = arith.index_cast %get3A_791 : i32 to index
        %get3A_793 = arith.index_cast %add3A_779 : i32 to index
        %get3A_794 = arith.constant 32 : index
        %get3A_795 = tpu.vector_load %arg9[%get3A_792, %get3A_793, %get3A_794] {strides = array<i32>} : memref<2x80x128xbf16, #tpu.memory_space<vmem>>, vector<32xbf16>,
        %get3A_796 = arith.constant 0 : i32
        %get3A_797 = arith.index_cast %get3A_796 : i32 to index
        %get3A_798 = arith.index_cast %add3A_779 : i32 to index
        %get3A_799 = arith.constant 32 : index
        %get3A_800 = tpu.vector_load %arg10[%get3A_797, %get3A_798, %get3A_799] {strides = array<i32>} : memref<2x80x128xbf16, #tpu.memory_space<vmem>>, vector<32xbf16>,
        %mul3A_801 = arith.mulf %get3A_795, %get3A_800 : vector<32xbf16>
        %get3A_802 = arith.constant 0 : i32
        %get3A_803 = arith.index_cast %get3A_802 : i32 to index
        %get3A_804 = arith.index_cast %add3A_779 : i32 to index
        %get3A_805 = arith.constant 64 : index
        %get3A_806 = tpu.vector_load %arg9[%get3A_803, %get3A_804, %get3A_805] {strides = array<i32>} : memref<2x80x128xbf16, #tpu.memory_space<vmem>>, vector<32xbf16>,
        %get3A_807 = arith.constant 0 : i32
        %get3A_808 = arith.index_cast %get3A_807 : i32 to index
        %get3A_809 = arith.index_cast %add3A_779 : i32 to index
        %get3A_810 = arith.constant 64 : index
        %get3A_811 = tpu.vector_load %arg10[%get3A_808, %get3A_809, %get3A_810] {strides = array<i32>} : memref<2x80x128xbf16, #tpu.memory_space<vmem>>, vector<32xbf16>,
        %mul3A_812 = arith.mulf %get3A_806, %get3A_811 : vector<32xbf16>
        %get3A_813 = arith.constant 0 : i32
        %get3A_814 = arith.index_cast %get3A_813 : i32 to index
        %get3A_815 = arith.index_cast %add3A_779 : i32 to index
        %get3A_816 = arith.constant 96 : index
        %get3A_817 = tpu.vector_load %arg9[%get3A_814, %get3A_815, %get3A_816] {strides = array<i32>} : memref<2x80x128xbf16, #tpu.memory_space<vmem>>, vector<32xbf16>,
        %get3A_818 = arith.constant 0 : i32
        %get3A_819 = arith.index_cast %get3A_818 : i32 to index
        %get3A_820 = arith.index_cast %add3A_779 : i32 to index
        %get3A_821 = arith.constant 96 : index
        %get3A_822 = tpu.vector_load %arg10[%get3A_819, %get3A_820, %get3A_821] {strides = array<i32>} : memref<2x80x128xbf16, #tpu.memory_space<vmem>>, vector<32xbf16>,
        %mul3A_823 = arith.mulf %get3A_817, %get3A_822 : vector<32xbf16>
        %add3A_824 = arith.addf %mul3A_790, %mul3A_801 : vector<32xbf16>
        %add3A_825 = arith.addf %mul3A_812, %mul3A_823 : vector<32xbf16>
        %add3A_826 = arith.addf %add3A_824, %add3A_825 : vector<32xbf16>
        %unpack3A_827 = tpu.unpack_subelements %add3A_826, 0 {pack_format = #tpu.pack_format<interleaved>} : vector<32xbf16> -> vector<16xf32>
        %unpack3A_828 = tpu.unpack_subelements %add3A_826, 1 {pack_format = #tpu.pack_format<interleaved>} : vector<32xbf16> -> vector<16xf32>
        %eq3A_829 = arith.constant 10 : i32
        %eq3A_830 = vector.broadcast %eq3A_829 : i32 to vector<16xi32>
        %eq3A_831 = arith.cmpi eq, %iota3A, %eq3A_830 : vector<16xi32>
        %add3A_832 = arith.addf %unpack3A_827, %unpack3A_828 : vector<16xf32>
        %reduce_sum3A_833 = arith.constant true
        %reduce_sum3A_834 = vector.broadcast %reduce_sum3A_833 : i1 to vector<16xi1>
        %reduce_sum3A_835 = tpu.scan <sum>, %add3A_832 masked %reduce_sum3A_834 : vector<16xf32>, vector<16xi1> -> vector<16xf32>
        %reduce_sum3A_836 = vector.extract %reduce_sum3A_835[15] : f32 from vector<16xf32>
        %broadcast_in_dim3A_837 = vector.broadcast %reduce_sum3A_836 : f32 to vector<16xf32>
        %select_n3A_838 = arith.select %eq3A_831, %broadcast_in_dim3A_837, %select_n3A_777 : vector<16xi1>, vector<16xf32>
        %add3A_839 = arith.constant 11 : i32
        %add3A_840 = arith.addi %mul3A_171, %add3A_839 : i32
        %get3A_841 = arith.constant 0 : i32
        %get3A_842 = arith.index_cast %get3A_841 : i32 to index
        %get3A_843 = arith.index_cast %add3A_840 : i32 to index
        %get3A_844 = arith.constant 0 : index
        %get3A_845 = tpu.vector_load %arg9[%get3A_842, %get3A_843, %get3A_844] {strides = array<i32>} : memref<2x80x128xbf16, #tpu.memory_space<vmem>>, vector<32xbf16>,
        %get3A_846 = arith.constant 0 : i32
        %get3A_847 = arith.index_cast %get3A_846 : i32 to index
        %get3A_848 = arith.index_cast %add3A_840 : i32 to index
        %get3A_849 = arith.constant 0 : index
        %get3A_850 = tpu.vector_load %arg10[%get3A_847, %get3A_848, %get3A_849] {strides = array<i32>} : memref<2x80x128xbf16, #tpu.memory_space<vmem>>, vector<32xbf16>,
        %mul3A_851 = arith.mulf %get3A_845, %get3A_850 : vector<32xbf16>
        %get3A_852 = arith.constant 0 : i32
        %get3A_853 = arith.index_cast %get3A_852 : i32 to index
        %get3A_854 = arith.index_cast %add3A_840 : i32 to index
        %get3A_855 = arith.constant 32 : index
        %get3A_856 = tpu.vector_load %arg9[%get3A_853, %get3A_854, %get3A_855] {strides = array<i32>} : memref<2x80x128xbf16, #tpu.memory_space<vmem>>, vector<32xbf16>,
        %get3A_857 = arith.constant 0 : i32
        %get3A_858 = arith.index_cast %get3A_857 : i32 to index
        %get3A_859 = arith.index_cast %add3A_840 : i32 to index
        %get3A_860 = arith.constant 32 : index
        %get3A_861 = tpu.vector_load %arg10[%get3A_858, %get3A_859, %get3A_860] {strides = array<i32>} : memref<2x80x128xbf16, #tpu.memory_space<vmem>>, vector<32xbf16>,
        %mul3A_862 = arith.mulf %get3A_856, %get3A_861 : vector<32xbf16>
        %get3A_863 = arith.constant 0 : i32
        %get3A_864 = arith.index_cast %get3A_863 : i32 to index
        %get3A_865 = arith.index_cast %add3A_840 : i32 to index
        %get3A_866 = arith.constant 64 : index
        %get3A_867 = tpu.vector_load %arg9[%get3A_864, %get3A_865, %get3A_866] {strides = array<i32>} : memref<2x80x128xbf16, #tpu.memory_space<vmem>>, vector<32xbf16>,
        %get3A_868 = arith.constant 0 : i32
        %get3A_869 = arith.index_cast %get3A_868 : i32 to index
        %get3A_870 = arith.index_cast %add3A_840 : i32 to index
        %get3A_871 = arith.constant 64 : index
        %get3A_872 = tpu.vector_load %arg10[%get3A_869, %get3A_870, %get3A_871] {strides = array<i32>} : memref<2x80x128xbf16, #tpu.memory_space<vmem>>, vector<32xbf16>,
        %mul3A_873 = arith.mulf %get3A_867, %get3A_872 : vector<32xbf16>
        %get3A_874 = arith.constant 0 : i32
        %get3A_875 = arith.index_cast %get3A_874 : i32 to index
        %get3A_876 = arith.index_cast %add3A_840 : i32 to index
        %get3A_877 = arith.constant 96 : index
        %get3A_878 = tpu.vector_load %arg9[%get3A_875, %get3A_876, %get3A_877] {strides = array<i32>} : memref<2x80x128xbf16, #tpu.memory_space<vmem>>, vector<32xbf16>,
        %get3A_879 = arith.constant 0 : i32
        %get3A_880 = arith.index_cast %get3A_879 : i32 to index
        %get3A_881 = arith.index_cast %add3A_840 : i32 to index
        %get3A_882 = arith.constant 96 : index
        %get3A_883 = tpu.vector_load %arg10[%get3A_880, %get3A_881, %get3A_882] {strides = array<i32>} : memref<2x80x128xbf16, #tpu.memory_space<vmem>>, vector<32xbf16>,
        %mul3A_884 = arith.mulf %get3A_878, %get3A_883 : vector<32xbf16>
        %add3A_885 = arith.addf %mul3A_851, %mul3A_862 : vector<32xbf16>
        %add3A_886 = arith.addf %mul3A_873, %mul3A_884 : vector<32xbf16>
        %add3A_887 = arith.addf %add3A_885, %add3A_886 : vector<32xbf16>
        %unpack3A_888 = tpu.unpack_subelements %add3A_887, 0 {pack_format = #tpu.pack_format<interleaved>} : vector<32xbf16> -> vector<16xf32>
        %unpack3A_889 = tpu.unpack_subelements %add3A_887, 1 {pack_format = #tpu.pack_format<interleaved>} : vector<32xbf16> -> vector<16xf32>
        %eq3A_890 = arith.constant 11 : i32
        %eq3A_891 = vector.broadcast %eq3A_890 : i32 to vector<16xi32>
        %eq3A_892 = arith.cmpi eq, %iota3A, %eq3A_891 : vector<16xi32>
        %add3A_893 = arith.addf %unpack3A_888, %unpack3A_889 : vector<16xf32>
        %reduce_sum3A_894 = arith.constant true
        %reduce_sum3A_895 = vector.broadcast %reduce_sum3A_894 : i1 to vector<16xi1>
        %reduce_sum3A_896 = tpu.scan <sum>, %add3A_893 masked %reduce_sum3A_895 : vector<16xf32>, vector<16xi1> -> vector<16xf32>
        %reduce_sum3A_897 = vector.extract %reduce_sum3A_896[15] : f32 from vector<16xf32>
        %broadcast_in_dim3A_898 = vector.broadcast %reduce_sum3A_897 : f32 to vector<16xf32>
        %select_n3A_899 = arith.select %eq3A_892, %broadcast_in_dim3A_898, %select_n3A_838 : vector<16xi1>, vector<16xf32>
        %add3A_900 = arith.constant 12 : i32
        %add3A_901 = arith.addi %mul3A_171, %add3A_900 : i32
        %get3A_902 = arith.constant 0 : i32
        %get3A_903 = arith.index_cast %get3A_902 : i32 to index
        %get3A_904 = arith.index_cast %add3A_901 : i32 to index
        %get3A_905 = arith.constant 0 : index
        %get3A_906 = tpu.vector_load %arg9[%get3A_903, %get3A_904, %get3A_905] {strides = array<i32>} : memref<2x80x128xbf16, #tpu.memory_space<vmem>>, vector<32xbf16>,
        %get3A_907 = arith.constant 0 : i32
        %get3A_908 = arith.index_cast %get3A_907 : i32 to index
        %get3A_909 = arith.index_cast %add3A_901 : i32 to index
        %get3A_910 = arith.constant 0 : index
        %get3A_911 = tpu.vector_load %arg10[%get3A_908, %get3A_909, %get3A_910] {strides = array<i32>} : memref<2x80x128xbf16, #tpu.memory_space<vmem>>, vector<32xbf16>,
        %mul3A_912 = arith.mulf %get3A_906, %get3A_911 : vector<32xbf16>
        %get3A_913 = arith.constant 0 : i32
        %get3A_914 = arith.index_cast %get3A_913 : i32 to index
        %get3A_915 = arith.index_cast %add3A_901 : i32 to index
        %get3A_916 = arith.constant 32 : index
        %get3A_917 = tpu.vector_load %arg9[%get3A_914, %get3A_915, %get3A_916] {strides = array<i32>} : memref<2x80x128xbf16, #tpu.memory_space<vmem>>, vector<32xbf16>,
        %get3A_918 = arith.constant 0 : i32
        %get3A_919 = arith.index_cast %get3A_918 : i32 to index
        %get3A_920 = arith.index_cast %add3A_901 : i32 to index
        %get3A_921 = arith.constant 32 : index
        %get3A_922 = tpu.vector_load %arg10[%get3A_919, %get3A_920, %get3A_921] {strides = array<i32>} : memref<2x80x128xbf16, #tpu.memory_space<vmem>>, vector<32xbf16>,
        %mul3A_923 = arith.mulf %get3A_917, %get3A_922 : vector<32xbf16>
        %get3A_924 = arith.constant 0 : i32
        %get3A_925 = arith.index_cast %get3A_924 : i32 to index
        %get3A_926 = arith.index_cast %add3A_901 : i32 to index
        %get3A_927 = arith.constant 64 : index
        %get3A_928 = tpu.vector_load %arg9[%get3A_925, %get3A_926, %get3A_927] {strides = array<i32>} : memref<2x80x128xbf16, #tpu.memory_space<vmem>>, vector<32xbf16>,
        %get3A_929 = arith.constant 0 : i32
        %get3A_930 = arith.index_cast %get3A_929 : i32 to index
        %get3A_931 = arith.index_cast %add3A_901 : i32 to index
        %get3A_932 = arith.constant 64 : index
        %get3A_933 = tpu.vector_load %arg10[%get3A_930, %get3A_931, %get3A_932] {strides = array<i32>} : memref<2x80x128xbf16, #tpu.memory_space<vmem>>, vector<32xbf16>,
        %mul3A_934 = arith.mulf %get3A_928, %get3A_933 : vector<32xbf16>
        %get3A_935 = arith.constant 0 : i32
        %get3A_936 = arith.index_cast %get3A_935 : i32 to index
        %get3A_937 = arith.index_cast %add3A_901 : i32 to index
        %get3A_938 = arith.constant 96 : index
        %get3A_939 = tpu.vector_load %arg9[%get3A_936, %get3A_937, %get3A_938] {strides = array<i32>} : memref<2x80x128xbf16, #tpu.memory_space<vmem>>, vector<32xbf16>,
        %get3A_940 = arith.constant 0 : i32
        %get3A_941 = arith.index_cast %get3A_940 : i32 to index
        %get3A_942 = arith.index_cast %add3A_901 : i32 to index
        %get3A_943 = arith.constant 96 : index
        %get3A_944 = tpu.vector_load %arg10[%get3A_941, %get3A_942, %get3A_943] {strides = array<i32>} : memref<2x80x128xbf16, #tpu.memory_space<vmem>>, vector<32xbf16>,
        %mul3A_945 = arith.mulf %get3A_939, %get3A_944 : vector<32xbf16>
        %add3A_946 = arith.addf %mul3A_912, %mul3A_923 : vector<32xbf16>
        %add3A_947 = arith.addf %mul3A_934, %mul3A_945 : vector<32xbf16>
        %add3A_948 = arith.addf %add3A_946, %add3A_947 : vector<32xbf16>
        %unpack3A_949 = tpu.unpack_subelements %add3A_948, 0 {pack_format = #tpu.pack_format<interleaved>} : vector<32xbf16> -> vector<16xf32>
        %unpack3A_950 = tpu.unpack_subelements %add3A_948, 1 {pack_format = #tpu.pack_format<interleaved>} : vector<32xbf16> -> vector<16xf32>
        %eq3A_951 = arith.constant 12 : i32
        %eq3A_952 = vector.broadcast %eq3A_951 : i32 to vector<16xi32>
        %eq3A_953 = arith.cmpi eq, %iota3A, %eq3A_952 : vector<16xi32>
        %add3A_954 = arith.addf %unpack3A_949, %unpack3A_950 : vector<16xf32>
        %reduce_sum3A_955 = arith.constant true
        %reduce_sum3A_956 = vector.broadcast %reduce_sum3A_955 : i1 to vector<16xi1>
        %reduce_sum3A_957 = tpu.scan <sum>, %add3A_954 masked %reduce_sum3A_956 : vector<16xf32>, vector<16xi1> -> vector<16xf32>
        %reduce_sum3A_958 = vector.extract %reduce_sum3A_957[15] : f32 from vector<16xf32>
        %broadcast_in_dim3A_959 = vector.broadcast %reduce_sum3A_958 : f32 to vector<16xf32>
        %select_n3A_960 = arith.select %eq3A_953, %broadcast_in_dim3A_959, %select_n3A_899 : vector<16xi1>, vector<16xf32>
        %add3A_961 = arith.constant 13 : i32
        %add3A_962 = arith.addi %mul3A_171, %add3A_961 : i32
        %get3A_963 = arith.constant 0 : i32
        %get3A_964 = arith.index_cast %get3A_963 : i32 to index
        %get3A_965 = arith.index_cast %add3A_962 : i32 to index
        %get3A_966 = arith.constant 0 : index
        %get3A_967 = tpu.vector_load %arg9[%get3A_964, %get3A_965, %get3A_966] {strides = array<i32>} : memref<2x80x128xbf16, #tpu.memory_space<vmem>>, vector<32xbf16>,
        %get3A_968 = arith.constant 0 : i32
        %get3A_969 = arith.index_cast %get3A_968 : i32 to index
        %get3A_970 = arith.index_cast %add3A_962 : i32 to index
        %get3A_971 = arith.constant 0 : index
        %get3A_972 = tpu.vector_load %arg10[%get3A_969, %get3A_970, %get3A_971] {strides = array<i32>} : memref<2x80x128xbf16, #tpu.memory_space<vmem>>, vector<32xbf16>,
        %mul3A_973 = arith.mulf %get3A_967, %get3A_972 : vector<32xbf16>
        %get3A_974 = arith.constant 0 : i32
        %get3A_975 = arith.index_cast %get3A_974 : i32 to index
        %get3A_976 = arith.index_cast %add3A_962 : i32 to index
        %get3A_977 = arith.constant 32 : index
        %get3A_978 = tpu.vector_load %arg9[%get3A_975, %get3A_976, %get3A_977] {strides = array<i32>} : memref<2x80x128xbf16, #tpu.memory_space<vmem>>, vector<32xbf16>,
        %get3A_979 = arith.constant 0 : i32
        %get3A_980 = arith.index_cast %get3A_979 : i32 to index
        %get3A_981 = arith.index_cast %add3A_962 : i32 to index
        %get3A_982 = arith.constant 32 : index
        %get3A_983 = tpu.vector_load %arg10[%get3A_980, %get3A_981, %get3A_982] {strides = array<i32>} : memref<2x80x128xbf16, #tpu.memory_space<vmem>>, vector<32xbf16>,
        %mul3A_984 = arith.mulf %get3A_978, %get3A_983 : vector<32xbf16>
        %get3A_985 = arith.constant 0 : i32
        %get3A_986 = arith.index_cast %get3A_985 : i32 to index
        %get3A_987 = arith.index_cast %add3A_962 : i32 to index
        %get3A_988 = arith.constant 64 : index
        %get3A_989 = tpu.vector_load %arg9[%get3A_986, %get3A_987, %get3A_988] {strides = array<i32>} : memref<2x80x128xbf16, #tpu.memory_space<vmem>>, vector<32xbf16>,
        %get3A_990 = arith.constant 0 : i32
        %get3A_991 = arith.index_cast %get3A_990 : i32 to index
        %get3A_992 = arith.index_cast %add3A_962 : i32 to index
        %get3A_993 = arith.constant 64 : index
        %get3A_994 = tpu.vector_load %arg10[%get3A_991, %get3A_992, %get3A_993] {strides = array<i32>} : memref<2x80x128xbf16, #tpu.memory_space<vmem>>, vector<32xbf16>,
        %mul3A_995 = arith.mulf %get3A_989, %get3A_994 : vector<32xbf16>
        %get3A_996 = arith.constant 0 : i32
        %get3A_997 = arith.index_cast %get3A_996 : i32 to index
        %get3A_998 = arith.index_cast %add3A_962 : i32 to index
        %get3A_999 = arith.constant 96 : index
        %get3A_1000 = tpu.vector_load %arg9[%get3A_997, %get3A_998, %get3A_999] {strides = array<i32>} : memref<2x80x128xbf16, #tpu.memory_space<vmem>>, vector<32xbf16>,
        %get3A_1001 = arith.constant 0 : i32
        %get3A_1002 = arith.index_cast %get3A_1001 : i32 to index
        %get3A_1003 = arith.index_cast %add3A_962 : i32 to index
        %get3A_1004 = arith.constant 96 : index
        %get3A_1005 = tpu.vector_load %arg10[%get3A_1002, %get3A_1003, %get3A_1004] {strides = array<i32>} : memref<2x80x128xbf16, #tpu.memory_space<vmem>>, vector<32xbf16>,
        %mul3A_1006 = arith.mulf %get3A_1000, %get3A_1005 : vector<32xbf16>
        %add3A_1007 = arith.addf %mul3A_973, %mul3A_984 : vector<32xbf16>
        %add3A_1008 = arith.addf %mul3A_995, %mul3A_1006 : vector<32xbf16>
        %add3A_1009 = arith.addf %add3A_1007, %add3A_1008 : vector<32xbf16>
        %unpack3A_1010 = tpu.unpack_subelements %add3A_1009, 0 {pack_format = #tpu.pack_format<interleaved>} : vector<32xbf16> -> vector<16xf32>
        %unpack3A_1011 = tpu.unpack_subelements %add3A_1009, 1 {pack_format = #tpu.pack_format<interleaved>} : vector<32xbf16> -> vector<16xf32>
        %eq3A_1012 = arith.constant 13 : i32
        %eq3A_1013 = vector.broadcast %eq3A_1012 : i32 to vector<16xi32>
        %eq3A_1014 = arith.cmpi eq, %iota3A, %eq3A_1013 : vector<16xi32>
        %add3A_1015 = arith.addf %unpack3A_1010, %unpack3A_1011 : vector<16xf32>
        %reduce_sum3A_1016 = arith.constant true
        %reduce_sum3A_1017 = vector.broadcast %reduce_sum3A_1016 : i1 to vector<16xi1>
        %reduce_sum3A_1018 = tpu.scan <sum>, %add3A_1015 masked %reduce_sum3A_1017 : vector<16xf32>, vector<16xi1> -> vector<16xf32>
        %reduce_sum3A_1019 = vector.extract %reduce_sum3A_1018[15] : f32 from vector<16xf32>
        %broadcast_in_dim3A_1020 = vector.broadcast %reduce_sum3A_1019 : f32 to vector<16xf32>
        %select_n3A_1021 = arith.select %eq3A_1014, %broadcast_in_dim3A_1020, %select_n3A_960 : vector<16xi1>, vector<16xf32>
        %add3A_1022 = arith.constant 14 : i32
        %add3A_1023 = arith.addi %mul3A_171, %add3A_1022 : i32
        %get3A_1024 = arith.constant 0 : i32
        %get3A_1025 = arith.index_cast %get3A_1024 : i32 to index
        %get3A_1026 = arith.index_cast %add3A_1023 : i32 to index
        %get3A_1027 = arith.constant 0 : index
        %get3A_1028 = tpu.vector_load %arg9[%get3A_1025, %get3A_1026, %get3A_1027] {strides = array<i32>} : memref<2x80x128xbf16, #tpu.memory_space<vmem>>, vector<32xbf16>,
        %get3A_1029 = arith.constant 0 : i32
        %get3A_1030 = arith.index_cast %get3A_1029 : i32 to index
        %get3A_1031 = arith.index_cast %add3A_1023 : i32 to index
        %get3A_1032 = arith.constant 0 : index
        %get3A_1033 = tpu.vector_load %arg10[%get3A_1030, %get3A_1031, %get3A_1032] {strides = array<i32>} : memref<2x80x128xbf16, #tpu.memory_space<vmem>>, vector<32xbf16>,
        %mul3A_1034 = arith.mulf %get3A_1028, %get3A_1033 : vector<32xbf16>
        %get3A_1035 = arith.constant 0 : i32
        %get3A_1036 = arith.index_cast %get3A_1035 : i32 to index
        %get3A_1037 = arith.index_cast %add3A_1023 : i32 to index
        %get3A_1038 = arith.constant 32 : index
        %get3A_1039 = tpu.vector_load %arg9[%get3A_1036, %get3A_1037, %get3A_1038] {strides = array<i32>} : memref<2x80x128xbf16, #tpu.memory_space<vmem>>, vector<32xbf16>,
        %get3A_1040 = arith.constant 0 : i32
        %get3A_1041 = arith.index_cast %get3A_1040 : i32 to index
        %get3A_1042 = arith.index_cast %add3A_1023 : i32 to index
        %get3A_1043 = arith.constant 32 : index
        %get3A_1044 = tpu.vector_load %arg10[%get3A_1041, %get3A_1042, %get3A_1043] {strides = array<i32>} : memref<2x80x128xbf16, #tpu.memory_space<vmem>>, vector<32xbf16>,
        %mul3A_1045 = arith.mulf %get3A_1039, %get3A_1044 : vector<32xbf16>
        %get3A_1046 = arith.constant 0 : i32
        %get3A_1047 = arith.index_cast %get3A_1046 : i32 to index
        %get3A_1048 = arith.index_cast %add3A_1023 : i32 to index
        %get3A_1049 = arith.constant 64 : index
        %get3A_1050 = tpu.vector_load %arg9[%get3A_1047, %get3A_1048, %get3A_1049] {strides = array<i32>} : memref<2x80x128xbf16, #tpu.memory_space<vmem>>, vector<32xbf16>,
        %get3A_1051 = arith.constant 0 : i32
        %get3A_1052 = arith.index_cast %get3A_1051 : i32 to index
        %get3A_1053 = arith.index_cast %add3A_1023 : i32 to index
        %get3A_1054 = arith.constant 64 : index
        %get3A_1055 = tpu.vector_load %arg10[%get3A_1052, %get3A_1053, %get3A_1054] {strides = array<i32>} : memref<2x80x128xbf16, #tpu.memory_space<vmem>>, vector<32xbf16>,
        %mul3A_1056 = arith.mulf %get3A_1050, %get3A_1055 : vector<32xbf16>
        %get3A_1057 = arith.constant 0 : i32
        %get3A_1058 = arith.index_cast %get3A_1057 : i32 to index
        %get3A_1059 = arith.index_cast %add3A_1023 : i32 to index
        %get3A_1060 = arith.constant 96 : index
        %get3A_1061 = tpu.vector_load %arg9[%get3A_1058, %get3A_1059, %get3A_1060] {strides = array<i32>} : memref<2x80x128xbf16, #tpu.memory_space<vmem>>, vector<32xbf16>,
        %get3A_1062 = arith.constant 0 : i32
        %get3A_1063 = arith.index_cast %get3A_1062 : i32 to index
        %get3A_1064 = arith.index_cast %add3A_1023 : i32 to index
        %get3A_1065 = arith.constant 96 : index
        %get3A_1066 = tpu.vector_load %arg10[%get3A_1063, %get3A_1064, %get3A_1065] {strides = array<i32>} : memref<2x80x128xbf16, #tpu.memory_space<vmem>>, vector<32xbf16>,
        %mul3A_1067 = arith.mulf %get3A_1061, %get3A_1066 : vector<32xbf16>
        %add3A_1068 = arith.addf %mul3A_1034, %mul3A_1045 : vector<32xbf16>
        %add3A_1069 = arith.addf %mul3A_1056, %mul3A_1067 : vector<32xbf16>
        %add3A_1070 = arith.addf %add3A_1068, %add3A_1069 : vector<32xbf16>
        %unpack3A_1071 = tpu.unpack_subelements %add3A_1070, 0 {pack_format = #tpu.pack_format<interleaved>} : vector<32xbf16> -> vector<16xf32>
        %unpack3A_1072 = tpu.unpack_subelements %add3A_1070, 1 {pack_format = #tpu.pack_format<interleaved>} : vector<32xbf16> -> vector<16xf32>
        %eq3A_1073 = arith.constant 14 : i32
        %eq3A_1074 = vector.broadcast %eq3A_1073 : i32 to vector<16xi32>
        %eq3A_1075 = arith.cmpi eq, %iota3A, %eq3A_1074 : vector<16xi32>
        %add3A_1076 = arith.addf %unpack3A_1071, %unpack3A_1072 : vector<16xf32>
        %reduce_sum3A_1077 = arith.constant true
        %reduce_sum3A_1078 = vector.broadcast %reduce_sum3A_1077 : i1 to vector<16xi1>
        %reduce_sum3A_1079 = tpu.scan <sum>, %add3A_1076 masked %reduce_sum3A_1078 : vector<16xf32>, vector<16xi1> -> vector<16xf32>
        %reduce_sum3A_1080 = vector.extract %reduce_sum3A_1079[15] : f32 from vector<16xf32>
        %broadcast_in_dim3A_1081 = vector.broadcast %reduce_sum3A_1080 : f32 to vector<16xf32>
        %select_n3A_1082 = arith.select %eq3A_1075, %broadcast_in_dim3A_1081, %select_n3A_1021 : vector<16xi1>, vector<16xf32>
        %add3A_1083 = arith.constant 15 : i32
        %add3A_1084 = arith.addi %mul3A_171, %add3A_1083 : i32
        %get3A_1085 = arith.constant 0 : i32
        %get3A_1086 = arith.index_cast %get3A_1085 : i32 to index
        %get3A_1087 = arith.index_cast %add3A_1084 : i32 to index
        %get3A_1088 = arith.constant 0 : index
        %get3A_1089 = tpu.vector_load %arg9[%get3A_1086, %get3A_1087, %get3A_1088] {strides = array<i32>} : memref<2x80x128xbf16, #tpu.memory_space<vmem>>, vector<32xbf16>,
        %get3A_1090 = arith.constant 0 : i32
        %get3A_1091 = arith.index_cast %get3A_1090 : i32 to index
        %get3A_1092 = arith.index_cast %add3A_1084 : i32 to index
        %get3A_1093 = arith.constant 0 : index
        %get3A_1094 = tpu.vector_load %arg10[%get3A_1091, %get3A_1092, %get3A_1093] {strides = array<i32>} : memref<2x80x128xbf16, #tpu.memory_space<vmem>>, vector<32xbf16>,
        %mul3A_1095 = arith.mulf %get3A_1089, %get3A_1094 : vector<32xbf16>
        %get3A_1096 = arith.constant 0 : i32
        %get3A_1097 = arith.index_cast %get3A_1096 : i32 to index
        %get3A_1098 = arith.index_cast %add3A_1084 : i32 to index
        %get3A_1099 = arith.constant 32 : index
        %get3A_1100 = tpu.vector_load %arg9[%get3A_1097, %get3A_1098, %get3A_1099] {strides = array<i32>} : memref<2x80x128xbf16, #tpu.memory_space<vmem>>, vector<32xbf16>,
        %get3A_1101 = arith.constant 0 : i32
        %get3A_1102 = arith.index_cast %get3A_1101 : i32 to index
        %get3A_1103 = arith.index_cast %add3A_1084 : i32 to index
        %get3A_1104 = arith.constant 32 : index
        %get3A_1105 = tpu.vector_load %arg10[%get3A_1102, %get3A_1103, %get3A_1104] {strides = array<i32>} : memref<2x80x128xbf16, #tpu.memory_space<vmem>>, vector<32xbf16>,
        %mul3A_1106 = arith.mulf %get3A_1100, %get3A_1105 : vector<32xbf16>
        %get3A_1107 = arith.constant 0 : i32
        %get3A_1108 = arith.index_cast %get3A_1107 : i32 to index
        %get3A_1109 = arith.index_cast %add3A_1084 : i32 to index
        %get3A_1110 = arith.constant 64 : index
        %get3A_1111 = tpu.vector_load %arg9[%get3A_1108, %get3A_1109, %get3A_1110] {strides = array<i32>} : memref<2x80x128xbf16, #tpu.memory_space<vmem>>, vector<32xbf16>,
        %get3A_1112 = arith.constant 0 : i32
        %get3A_1113 = arith.index_cast %get3A_1112 : i32 to index
        %get3A_1114 = arith.index_cast %add3A_1084 : i32 to index
        %get3A_1115 = arith.constant 64 : index
        %get3A_1116 = tpu.vector_load %arg10[%get3A_1113, %get3A_1114, %get3A_1115] {strides = array<i32>} : memref<2x80x128xbf16, #tpu.memory_space<vmem>>, vector<32xbf16>,
        %mul3A_1117 = arith.mulf %get3A_1111, %get3A_1116 : vector<32xbf16>
        %get3A_1118 = arith.constant 0 : i32
        %get3A_1119 = arith.index_cast %get3A_1118 : i32 to index
        %get3A_1120 = arith.index_cast %add3A_1084 : i32 to index
        %get3A_1121 = arith.constant 96 : index
        %get3A_1122 = tpu.vector_load %arg9[%get3A_1119, %get3A_1120, %get3A_1121] {strides = array<i32>} : memref<2x80x128xbf16, #tpu.memory_space<vmem>>, vector<32xbf16>,
        %get3A_1123 = arith.constant 0 : i32
        %get3A_1124 = arith.index_cast %get3A_1123 : i32 to index
        %get3A_1125 = arith.index_cast %add3A_1084 : i32 to index
        %get3A_1126 = arith.constant 96 : index
        %get3A_1127 = tpu.vector_load %arg10[%get3A_1124, %get3A_1125, %get3A_1126] {strides = array<i32>} : memref<2x80x128xbf16, #tpu.memory_space<vmem>>, vector<32xbf16>,
        %mul3A_1128 = arith.mulf %get3A_1122, %get3A_1127 : vector<32xbf16>
        %add3A_1129 = arith.addf %mul3A_1095, %mul3A_1106 : vector<32xbf16>
        %add3A_1130 = arith.addf %mul3A_1117, %mul3A_1128 : vector<32xbf16>
        %add3A_1131 = arith.addf %add3A_1129, %add3A_1130 : vector<32xbf16>
        %unpack3A_1132 = tpu.unpack_subelements %add3A_1131, 0 {pack_format = #tpu.pack_format<interleaved>} : vector<32xbf16> -> vector<16xf32>
        %unpack3A_1133 = tpu.unpack_subelements %add3A_1131, 1 {pack_format = #tpu.pack_format<interleaved>} : vector<32xbf16> -> vector<16xf32>
        %eq3A_1134 = arith.constant 15 : i32
        %eq3A_1135 = vector.broadcast %eq3A_1134 : i32 to vector<16xi32>
        %eq3A_1136 = arith.cmpi eq, %iota3A, %eq3A_1135 : vector<16xi32>
        %add3A_1137 = arith.addf %unpack3A_1132, %unpack3A_1133 : vector<16xf32>
        %reduce_sum3A_1138 = arith.constant true
        %reduce_sum3A_1139 = vector.broadcast %reduce_sum3A_1138 : i1 to vector<16xi1>
        %reduce_sum3A_1140 = tpu.scan <sum>, %add3A_1137 masked %reduce_sum3A_1139 : vector<16xf32>, vector<16xi1> -> vector<16xf32>
        %reduce_sum3A_1141 = vector.extract %reduce_sum3A_1140[15] : f32 from vector<16xf32>
        %broadcast_in_dim3A_1142 = vector.broadcast %reduce_sum3A_1141 : f32 to vector<16xf32>
        %select_n3A_1143 = arith.select %eq3A_1136, %broadcast_in_dim3A_1142, %select_n3A_1082 : vector<16xi1>, vector<16xf32>
        %add3A_1144 = arith.addi %mul3A_118, %mul3A_171 : i32
        %swap3A = arith.index_cast %add3A_1144 : i32 to index
        %swap3A_1145 = tpu.vector_load %arg11[%swap3A] {strides = array<i32>} : memref<10000xf32, #tpu.memory_space<vmem>>, vector<16xf32>,
        tpu.vector_store %arg11[%swap3A], %select_n3A_1143 {strides = array<i32>} : memref<10000xf32, #tpu.memory_space<vmem>>, vector<16xf32>,
      }
      %scan3A_124 = arith.constant 5 : i32
      %add3A_125 = arith.constant 1 : i32
      %add3A_126 = arith.addi %mul3A_85, %add3A_125 : i32
      %lt3A_127 = arith.constant 124 : i32
      %lt3A_128 = arith.cmpi slt, %add3A_126, %lt3A_127 : i32
      %convert_element_type3A_129 = arith.extui %lt3A_128 : i1 to i32
      %cond3A_130 = arith.constant 0 : i32
      %cond3A_131 = arith.cmpi ne, %convert_element_type3A_129, %cond3A_130 : i32
      scf.if %cond3A_131 {
        %dma_wait3A_169 = arith.constant 0 : i32
        %dma_wait3A_170 = arith.constant 0 : i32
        %dma_wait3A_171 = tpu.memref_slice %arg7[%dma_wait3A_169, %dma_wait3A_170] : memref<2x80xi32, #tpu.memory_space<vmem>> -> memref<1x80xi32, #tpu.memory_space<vmem>>
        %dma_wait3A_172 = tpu.memref_squeeze %dma_wait3A_171 : memref<1x80xi32, #tpu.memory_space<vmem>> -> memref<80xi32, #tpu.memory_space<vmem>>
        %dma_wait3A_173 = arith.constant 0 : i32
        %dma_wait3A_174 = tpu.memref_slice %arg4[%dma_wait3A_173] : memref<320000xi32, #tpu.memory_space<hbm>> -> memref<80xi32, #tpu.memory_space<hbm>>
        %dma_wait3A_175 = arith.constant 0 : i32
        %dma_wait3A_176 = tpu.memref_slice %arg7[%dma_wait3A_169, %dma_wait3A_175] : memref<2x80xi32, #tpu.memory_space<vmem>> -> memref<1x80xi32, #tpu.memory_space<vmem>>
        %dma_wait3A_177 = tpu.memref_squeeze %dma_wait3A_176 : memref<1x80xi32, #tpu.memory_space<vmem>> -> memref<80xi32, #tpu.memory_space<vmem>>
        %dma_wait3A_178 = arith.constant 0 : i32
        %dma_wait3A_179 = tpu.memref_slice %arg4[%dma_wait3A_178] : memref<320000xi32, #tpu.memory_space<hbm>> -> memref<80xi32, #tpu.memory_space<hbm>>
        tpu.wait_dma2 semaphore(%arg14 : memref<!tpu.dma_semaphore, #tpu.memory_space<semaphore_mem>>) src(%dma_wait3A_179 : memref<80xi32, #tpu.memory_space<hbm>>) dst(%dma_wait3A_177 : memref<80xi32, #tpu.memory_space<vmem>>)
        %dma_wait3A_180 = arith.constant 0 : i32
        %dma_wait3A_181 = arith.constant 0 : i32
        %dma_wait3A_182 = tpu.memref_slice %arg8[%dma_wait3A_180, %dma_wait3A_181] : memref<2x80xi32, #tpu.memory_space<vmem>> -> memref<1x80xi32, #tpu.memory_space<vmem>>
        %dma_wait3A_183 = tpu.memref_squeeze %dma_wait3A_182 : memref<1x80xi32, #tpu.memory_space<vmem>> -> memref<80xi32, #tpu.memory_space<vmem>>
        %dma_wait3A_184 = arith.constant 0 : i32
        %dma_wait3A_185 = tpu.memref_slice %arg5[%dma_wait3A_184] : memref<320000xi32, #tpu.memory_space<hbm>> -> memref<80xi32, #tpu.memory_space<hbm>>
        %dma_wait3A_186 = arith.constant 0 : i32
        %dma_wait3A_187 = tpu.memref_slice %arg8[%dma_wait3A_180, %dma_wait3A_186] : memref<2x80xi32, #tpu.memory_space<vmem>> -> memref<1x80xi32, #tpu.memory_space<vmem>>
        %dma_wait3A_188 = tpu.memref_squeeze %dma_wait3A_187 : memref<1x80xi32, #tpu.memory_space<vmem>> -> memref<80xi32, #tpu.memory_space<vmem>>
        %dma_wait3A_189 = arith.constant 0 : i32
        %dma_wait3A_190 = tpu.memref_slice %arg5[%dma_wait3A_189] : memref<320000xi32, #tpu.memory_space<hbm>> -> memref<80xi32, #tpu.memory_space<hbm>>
        tpu.wait_dma2 semaphore(%arg14 : memref<!tpu.dma_semaphore, #tpu.memory_space<semaphore_mem>>) src(%dma_wait3A_190 : memref<80xi32, #tpu.memory_space<hbm>>) dst(%dma_wait3A_188 : memref<80xi32, #tpu.memory_space<vmem>>)
        %dma_start3A_191 = arith.constant 0 : i32
        %dma_start3A_192 = arith.constant 0 : i32
        %dma_start3A_193 = arith.constant 0 : i32
        %dma_start3A_194 = arith.constant 0 : i32
        %dma_start3A_195 = tpu.memref_slice %arg9[%dma_start3A_192, %dma_start3A_193, %dma_start3A_194] : memref<2x80x128xbf16, #tpu.memory_space<vmem>> -> memref<1x80x128xbf16, #tpu.memory_space<vmem>>
        %dma_start3A_196 = tpu.memref_squeeze %dma_start3A_195 : memref<1x80x128xbf16, #tpu.memory_space<vmem>> -> memref<80x128xbf16, #tpu.memory_space<vmem>>
        %dma_start3A_197 = arith.constant 0 : i32
        %dma_start3A_198 = tpu.memref_slice %arg7[%dma_start3A_191, %dma_start3A_197] : memref<2x80xi32, #tpu.memory_space<vmem>> -> memref<1x80xi32, #tpu.memory_space<vmem>>
        %dma_start3A_199 = tpu.memref_squeeze %dma_start3A_198 : memref<1x80xi32, #tpu.memory_space<vmem>> -> memref<80xi32, #tpu.memory_space<vmem>>
        %dma_start3A_200 = arith.constant 0 : i32
        %dma_start3A_201 = arith.constant 0 : i32
        %dma_start3A_202 = tpu.memref_slice %arg12[%dma_start3A_200, %dma_start3A_201] : memref<10000x128xbf16, #tpu.memory_space<vmem_shared>> -> memref<10000x128xbf16, #tpu.memory_space<vmem_shared>>
        tpu.enqueue_indirect_dma source(%dma_start3A_202 : memref<10000x128xbf16, #tpu.memory_space<vmem_shared>>) target(%dma_start3A_196 : memref<80x128xbf16, #tpu.memory_space<vmem>>) offsets(%dma_start3A_199 : memref<80xi32, #tpu.memory_space<vmem>>) semaphore(%arg15 : memref<!tpu.dma_semaphore, #tpu.memory_space<semaphore_mem>>)
        %dma_start3A_203 = arith.constant 0 : i32
        %dma_start3A_204 = arith.constant 0 : i32
        %dma_start3A_205 = arith.constant 0 : i32
        %dma_start3A_206 = arith.constant 0 : i32
        %dma_start3A_207 = tpu.memref_slice %arg10[%dma_start3A_204, %dma_start3A_205, %dma_start3A_206] : memref<2x80x128xbf16, #tpu.memory_space<vmem>> -> memref<1x80x128xbf16, #tpu.memory_space<vmem>>
        %dma_start3A_208 = tpu.memref_squeeze %dma_start3A_207 : memref<1x80x128xbf16, #tpu.memory_space<vmem>> -> memref<80x128xbf16, #tpu.memory_space<vmem>>
        %dma_start3A_209 = arith.constant 0 : i32
        %dma_start3A_210 = tpu.memref_slice %arg8[%dma_start3A_203, %dma_start3A_209] : memref<2x80xi32, #tpu.memory_space<vmem>> -> memref<1x80xi32, #tpu.memory_space<vmem>>
        %dma_start3A_211 = tpu.memref_squeeze %dma_start3A_210 : memref<1x80xi32, #tpu.memory_space<vmem>> -> memref<80xi32, #tpu.memory_space<vmem>>
        %dma_start3A_212 = arith.constant 0 : i32
        %dma_start3A_213 = arith.constant 0 : i32
        %dma_start3A_214 = tpu.memref_slice %arg13[%dma_start3A_212, %dma_start3A_213] : memref<10000x128xbf16, #tpu.memory_space<vmem_shared>> -> memref<10000x128xbf16, #tpu.memory_space<vmem_shared>>
        tpu.enqueue_indirect_dma source(%dma_start3A_214 : memref<10000x128xbf16, #tpu.memory_space<vmem_shared>>) target(%dma_start3A_208 : memref<80x128xbf16, #tpu.memory_space<vmem>>) offsets(%dma_start3A_211 : memref<80xi32, #tpu.memory_space<vmem>>) semaphore(%arg15 : memref<!tpu.dma_semaphore, #tpu.memory_space<semaphore_mem>>)
      } else {
      }
      %dma_wait3A_132 = arith.constant 1 : i32
      %dma_wait3A_133 = arith.constant 1 : i32
      %dma_wait3A_134 = arith.constant 0 : i32
      %dma_wait3A_135 = arith.constant 0 : i32
      %dma_wait3A_136 = tpu.memref_slice %arg9[%dma_wait3A_133, %dma_wait3A_134, %dma_wait3A_135] : memref<2x80x128xbf16, #tpu.memory_space<vmem>> -> memref<1x80x128xbf16, #tpu.memory_space<vmem>>
      %dma_wait3A_137 = tpu.memref_squeeze %dma_wait3A_136 : memref<1x80x128xbf16, #tpu.memory_space<vmem>> -> memref<80x128xbf16, #tpu.memory_space<vmem>>
      %dma_wait3A_138 = arith.constant 0 : i32
      %dma_wait3A_139 = tpu.memref_slice %arg7[%dma_wait3A_132, %dma_wait3A_138] : memref<2x80xi32, #tpu.memory_space<vmem>> -> memref<1x80xi32, #tpu.memory_space<vmem>>
      %dma_wait3A_140 = tpu.memref_squeeze %dma_wait3A_139 : memref<1x80xi32, #tpu.memory_space<vmem>> -> memref<80xi32, #tpu.memory_space<vmem>>
      %dma_wait3A_141 = arith.constant 0 : i32
      %dma_wait3A_142 = arith.constant 0 : i32
      %dma_wait3A_143 = tpu.memref_slice %arg12[%dma_wait3A_141, %dma_wait3A_142] : memref<10000x128xbf16, #tpu.memory_space<vmem_shared>> -> memref<10000x128xbf16, #tpu.memory_space<vmem_shared>>
      tpu.wait_indirect_dma semaphore(%arg16 : memref<!tpu.dma_semaphore, #tpu.memory_space<semaphore_mem>>) src(%dma_wait3A_143 : memref<10000x128xbf16, #tpu.memory_space<vmem_shared>>) dst(%dma_wait3A_137 : memref<80x128xbf16, #tpu.memory_space<vmem>>)
      %dma_wait3A_144 = arith.constant 1 : i32
      %dma_wait3A_145 = arith.constant 1 : i32
      %dma_wait3A_146 = arith.constant 0 : i32
      %dma_wait3A_147 = arith.constant 0 : i32
      %dma_wait3A_148 = tpu.memref_slice %arg10[%dma_wait3A_145, %dma_wait3A_146, %dma_wait3A_147] : memref<2x80x128xbf16, #tpu.memory_space<vmem>> -> memref<1x80x128xbf16, #tpu.memory_space<vmem>>
      %dma_wait3A_149 = tpu.memref_squeeze %dma_wait3A_148 : memref<1x80x128xbf16, #tpu.memory_space<vmem>> -> memref<80x128xbf16, #tpu.memory_space<vmem>>
      %dma_wait3A_150 = arith.constant 0 : i32
      %dma_wait3A_151 = tpu.memref_slice %arg8[%dma_wait3A_144, %dma_wait3A_150] : memref<2x80xi32, #tpu.memory_space<vmem>> -> memref<1x80xi32, #tpu.memory_space<vmem>>
      %dma_wait3A_152 = tpu.memref_squeeze %dma_wait3A_151 : memref<1x80xi32, #tpu.memory_space<vmem>> -> memref<80xi32, #tpu.memory_space<vmem>>
      %dma_wait3A_153 = arith.constant 0 : i32
      %dma_wait3A_154 = arith.constant 0 : i32
      %dma_wait3A_155 = tpu.memref_slice %arg13[%dma_wait3A_153, %dma_wait3A_154] : memref<10000x128xbf16, #tpu.memory_space<vmem_shared>> -> memref<10000x128xbf16, #tpu.memory_space<vmem_shared>>
      tpu.wait_indirect_dma semaphore(%arg16 : memref<!tpu.dma_semaphore, #tpu.memory_space<semaphore_mem>>) src(%dma_wait3A_155 : memref<10000x128xbf16, #tpu.memory_space<vmem_shared>>) dst(%dma_wait3A_149 : memref<80x128xbf16, #tpu.memory_space<vmem>>)
      %lt3A_156 = arith.constant 123 : i32
      %lt3A_157 = arith.cmpi slt, %add3A_126, %lt3A_156 : i32
      %convert_element_type3A_158 = arith.extui %lt3A_157 : i1 to i32
      %cond3A_159 = arith.constant 0 : i32
      %cond3A_160 = arith.cmpi ne, %convert_element_type3A_158, %cond3A_159 : i32
      scf.if %cond3A_160 {
        %add3A_169 = arith.constant 2 : i32
        %add3A_170 = arith.addi %add3A_126, %add3A_169 : i32
        %mul3A_171 = arith.constant 80 : i32
        %mul3A_172 = arith.muli %add3A_170, %mul3A_171 : i32
        %add3A_173 = arith.addi %mul3A_2, %mul3A_172 : i32
        %dma_start3A_174 = arith.constant 1 : i32
        %dma_start3A_175 = arith.constant 0 : i32
        %dma_start3A_176 = tpu.memref_slice %arg7[%dma_start3A_174, %dma_start3A_175] : memref<2x80xi32, #tpu.memory_space<vmem>> -> memref<1x80xi32, #tpu.memory_space<vmem>>
        %dma_start3A_177 = tpu.memref_squeeze %dma_start3A_176 : memref<1x80xi32, #tpu.memory_space<vmem>> -> memref<80xi32, #tpu.memory_space<vmem>>
        %dma_start3A_178 = tpu.memref_slice %arg4[%add3A_173] : memref<320000xi32, #tpu.memory_space<hbm>> -> memref<80xi32, #tpu.memory_space<hbm>>
        %dma_start3A_179 = arith.constant 0 : i32
        %dma_start3A_180 = tpu.memref_slice %arg7[%dma_start3A_174, %dma_start3A_179] : memref<2x80xi32, #tpu.memory_space<vmem>> -> memref<1x80xi32, #tpu.memory_space<vmem>>
        %dma_start3A_181 = tpu.memref_squeeze %dma_start3A_180 : memref<1x80xi32, #tpu.memory_space<vmem>> -> memref<80xi32, #tpu.memory_space<vmem>>
        %dma_start3A_182 = tpu.memref_slice %arg4[%add3A_173] : memref<320000xi32, #tpu.memory_space<hbm>> -> memref<80xi32, #tpu.memory_space<hbm>>
        tpu.enqueue_dma source(%dma_start3A_182 : memref<80xi32, #tpu.memory_space<hbm>>) target(%dma_start3A_181 : memref<80xi32, #tpu.memory_space<vmem>>) target_semaphore(%arg14 : memref<!tpu.dma_semaphore, #tpu.memory_space<semaphore_mem>>)
        %dma_start3A_183 = arith.constant 1 : i32
        %dma_start3A_184 = arith.constant 0 : i32
        %dma_start3A_185 = tpu.memref_slice %arg8[%dma_start3A_183, %dma_start3A_184] : memref<2x80xi32, #tpu.memory_space<vmem>> -> memref<1x80xi32, #tpu.memory_space<vmem>>
        %dma_start3A_186 = tpu.memref_squeeze %dma_start3A_185 : memref<1x80xi32, #tpu.memory_space<vmem>> -> memref<80xi32, #tpu.memory_space<vmem>>
        %dma_start3A_187 = tpu.memref_slice %arg5[%add3A_173] : memref<320000xi32, #tpu.memory_space<hbm>> -> memref<80xi32, #tpu.memory_space<hbm>>
        %dma_start3A_188 = arith.constant 0 : i32
        %dma_start3A_189 = tpu.memref_slice %arg8[%dma_start3A_183, %dma_start3A_188] : memref<2x80xi32, #tpu.memory_space<vmem>> -> memref<1x80xi32, #tpu.memory_space<vmem>>
        %dma_start3A_190 = tpu.memref_squeeze %dma_start3A_189 : memref<1x80xi32, #tpu.memory_space<vmem>> -> memref<80xi32, #tpu.memory_space<vmem>>
        %dma_start3A_191 = tpu.memref_slice %arg5[%add3A_173] : memref<320000xi32, #tpu.memory_space<hbm>> -> memref<80xi32, #tpu.memory_space<hbm>>
        tpu.enqueue_dma source(%dma_start3A_191 : memref<80xi32, #tpu.memory_space<hbm>>) target(%dma_start3A_190 : memref<80xi32, #tpu.memory_space<vmem>>) target_semaphore(%arg14 : memref<!tpu.dma_semaphore, #tpu.memory_space<semaphore_mem>>)
      } else {
      }
      %mul3A_161 = arith.constant 80 : i32
      %mul3A_162 = arith.muli %add3A_126, %mul3A_161 : i32
      %scan3A_163 = arith.constant 0 : i32
      %scan3A_164 = arith.constant 0 : i32
      %scan3A_165 = arith.constant 5 : i32
      %scan3A_166 = arith.addi %scan3A_164, %scan3A_165 : i32
      %scan3A_167 = arith.constant 1 : i32
      scf.for %scan3A_169 = %scan3A_164 to %scan3A_166 step %scan3A_167  : i32 {
        %mul3A_170 = arith.constant 16 : i32
        %mul3A_171 = arith.muli %scan3A_169, %mul3A_170 : i32
        %broadcast_in_dim3A = arith.constant 0.000000e+00 : f32
        %broadcast_in_dim3A_172 = vector.broadcast %broadcast_in_dim3A : f32 to vector<16xf32>
        %add3A_173 = arith.constant 0 : i32
        %add3A_174 = arith.addi %mul3A_171, %add3A_173 : i32
        %get3A = arith.constant 1 : i32
        %get3A_175 = arith.index_cast %get3A : i32 to index
        %get3A_176 = arith.index_cast %add3A_174 : i32 to index
        %get3A_177 = arith.constant 0 : index
        %get3A_178 = tpu.vector_load %arg9[%get3A_175, %get3A_176, %get3A_177] {strides = array<i32>} : memref<2x80x128xbf16, #tpu.memory_space<vmem>>, vector<32xbf16>,
        %get3A_179 = arith.constant 1 : i32
        %get3A_180 = arith.index_cast %get3A_179 : i32 to index
        %get3A_181 = arith.index_cast %add3A_174 : i32 to index
        %get3A_182 = arith.constant 0 : index
        %get3A_183 = tpu.vector_load %arg10[%get3A_180, %get3A_181, %get3A_182] {strides = array<i32>} : memref<2x80x128xbf16, #tpu.memory_space<vmem>>, vector<32xbf16>,
        %mul3A_184 = arith.mulf %get3A_178, %get3A_183 : vector<32xbf16>
        %get3A_185 = arith.constant 1 : i32
        %get3A_186 = arith.index_cast %get3A_185 : i32 to index
        %get3A_187 = arith.index_cast %add3A_174 : i32 to index
        %get3A_188 = arith.constant 32 : index
        %get3A_189 = tpu.vector_load %arg9[%get3A_186, %get3A_187, %get3A_188] {strides = array<i32>} : memref<2x80x128xbf16, #tpu.memory_space<vmem>>, vector<32xbf16>,
        %get3A_190 = arith.constant 1 : i32
        %get3A_191 = arith.index_cast %get3A_190 : i32 to index
        %get3A_192 = arith.index_cast %add3A_174 : i32 to index
        %get3A_193 = arith.constant 32 : index
        %get3A_194 = tpu.vector_load %arg10[%get3A_191, %get3A_192, %get3A_193] {strides = array<i32>} : memref<2x80x128xbf16, #tpu.memory_space<vmem>>, vector<32xbf16>,
        %mul3A_195 = arith.mulf %get3A_189, %get3A_194 : vector<32xbf16>
        %get3A_196 = arith.constant 1 : i32
        %get3A_197 = arith.index_cast %get3A_196 : i32 to index
        %get3A_198 = arith.index_cast %add3A_174 : i32 to index
        %get3A_199 = arith.constant 64 : index
        %get3A_200 = tpu.vector_load %arg9[%get3A_197, %get3A_198, %get3A_199] {strides = array<i32>} : memref<2x80x128xbf16, #tpu.memory_space<vmem>>, vector<32xbf16>,
        %get3A_201 = arith.constant 1 : i32
        %get3A_202 = arith.index_cast %get3A_201 : i32 to index
        %get3A_203 = arith.index_cast %add3A_174 : i32 to index
        %get3A_204 = arith.constant 64 : index
        %get3A_205 = tpu.vector_load %arg10[%get3A_202, %get3A_203, %get3A_204] {strides = array<i32>} : memref<2x80x128xbf16, #tpu.memory_space<vmem>>, vector<32xbf16>,
        %mul3A_206 = arith.mulf %get3A_200, %get3A_205 : vector<32xbf16>
        %get3A_207 = arith.constant 1 : i32
        %get3A_208 = arith.index_cast %get3A_207 : i32 to index
        %get3A_209 = arith.index_cast %add3A_174 : i32 to index
        %get3A_210 = arith.constant 96 : index
        %get3A_211 = tpu.vector_load %arg9[%get3A_208, %get3A_209, %get3A_210] {strides = array<i32>} : memref<2x80x128xbf16, #tpu.memory_space<vmem>>, vector<32xbf16>,
        %get3A_212 = arith.constant 1 : i32
        %get3A_213 = arith.index_cast %get3A_212 : i32 to index
        %get3A_214 = arith.index_cast %add3A_174 : i32 to index
        %get3A_215 = arith.constant 96 : index
        %get3A_216 = tpu.vector_load %arg10[%get3A_213, %get3A_214, %get3A_215] {strides = array<i32>} : memref<2x80x128xbf16, #tpu.memory_space<vmem>>, vector<32xbf16>,
        %mul3A_217 = arith.mulf %get3A_211, %get3A_216 : vector<32xbf16>
        %add3A_218 = arith.addf %mul3A_184, %mul3A_195 : vector<32xbf16>
        %add3A_219 = arith.addf %mul3A_206, %mul3A_217 : vector<32xbf16>
        %add3A_220 = arith.addf %add3A_218, %add3A_219 : vector<32xbf16>
        %unpack3A = tpu.unpack_subelements %add3A_220, 0 {pack_format = #tpu.pack_format<interleaved>} : vector<32xbf16> -> vector<16xf32>
        %unpack3A_221 = tpu.unpack_subelements %add3A_220, 1 {pack_format = #tpu.pack_format<interleaved>} : vector<32xbf16> -> vector<16xf32>
        %eq3A = arith.constant 0 : i32
        %eq3A_222 = vector.broadcast %eq3A : i32 to vector<16xi32>
        %eq3A_223 = arith.cmpi eq, %iota3A, %eq3A_222 : vector<16xi32>
        %add3A_224 = arith.addf %unpack3A, %unpack3A_221 : vector<16xf32>
        %reduce_sum3A = arith.constant true
        %reduce_sum3A_225 = vector.broadcast %reduce_sum3A : i1 to vector<16xi1>
        %reduce_sum3A_226 = tpu.scan <sum>, %add3A_224 masked %reduce_sum3A_225 : vector<16xf32>, vector<16xi1> -> vector<16xf32>
        %reduce_sum3A_227 = vector.extract %reduce_sum3A_226[15] : f32 from vector<16xf32>
        %broadcast_in_dim3A_228 = vector.broadcast %reduce_sum3A_227 : f32 to vector<16xf32>
        %select_n3A = arith.select %eq3A_223, %broadcast_in_dim3A_228, %broadcast_in_dim3A_172 : vector<16xi1>, vector<16xf32>
        %add3A_229 = arith.constant 1 : i32
        %add3A_230 = arith.addi %mul3A_171, %add3A_229 : i32
        %get3A_231 = arith.constant 1 : i32
        %get3A_232 = arith.index_cast %get3A_231 : i32 to index
        %get3A_233 = arith.index_cast %add3A_230 : i32 to index
        %get3A_234 = arith.constant 0 : index
        %get3A_235 = tpu.vector_load %arg9[%get3A_232, %get3A_233, %get3A_234] {strides = array<i32>} : memref<2x80x128xbf16, #tpu.memory_space<vmem>>, vector<32xbf16>,
        %get3A_236 = arith.constant 1 : i32
        %get3A_237 = arith.index_cast %get3A_236 : i32 to index
        %get3A_238 = arith.index_cast %add3A_230 : i32 to index
        %get3A_239 = arith.constant 0 : index
        %get3A_240 = tpu.vector_load %arg10[%get3A_237, %get3A_238, %get3A_239] {strides = array<i32>} : memref<2x80x128xbf16, #tpu.memory_space<vmem>>, vector<32xbf16>,
        %mul3A_241 = arith.mulf %get3A_235, %get3A_240 : vector<32xbf16>
        %get3A_242 = arith.constant 1 : i32
        %get3A_243 = arith.index_cast %get3A_242 : i32 to index
        %get3A_244 = arith.index_cast %add3A_230 : i32 to index
        %get3A_245 = arith.constant 32 : index
        %get3A_246 = tpu.vector_load %arg9[%get3A_243, %get3A_244, %get3A_245] {strides = array<i32>} : memref<2x80x128xbf16, #tpu.memory_space<vmem>>, vector<32xbf16>,
        %get3A_247 = arith.constant 1 : i32
        %get3A_248 = arith.index_cast %get3A_247 : i32 to index
        %get3A_249 = arith.index_cast %add3A_230 : i32 to index
        %get3A_250 = arith.constant 32 : index
        %get3A_251 = tpu.vector_load %arg10[%get3A_248, %get3A_249, %get3A_250] {strides = array<i32>} : memref<2x80x128xbf16, #tpu.memory_space<vmem>>, vector<32xbf16>,
        %mul3A_252 = arith.mulf %get3A_246, %get3A_251 : vector<32xbf16>
        %get3A_253 = arith.constant 1 : i32
        %get3A_254 = arith.index_cast %get3A_253 : i32 to index
        %get3A_255 = arith.index_cast %add3A_230 : i32 to index
        %get3A_256 = arith.constant 64 : index
        %get3A_257 = tpu.vector_load %arg9[%get3A_254, %get3A_255, %get3A_256] {strides = array<i32>} : memref<2x80x128xbf16, #tpu.memory_space<vmem>>, vector<32xbf16>,
        %get3A_258 = arith.constant 1 : i32
        %get3A_259 = arith.index_cast %get3A_258 : i32 to index
        %get3A_260 = arith.index_cast %add3A_230 : i32 to index
        %get3A_261 = arith.constant 64 : index
        %get3A_262 = tpu.vector_load %arg10[%get3A_259, %get3A_260, %get3A_261] {strides = array<i32>} : memref<2x80x128xbf16, #tpu.memory_space<vmem>>, vector<32xbf16>,
        %mul3A_263 = arith.mulf %get3A_257, %get3A_262 : vector<32xbf16>
        %get3A_264 = arith.constant 1 : i32
        %get3A_265 = arith.index_cast %get3A_264 : i32 to index
        %get3A_266 = arith.index_cast %add3A_230 : i32 to index
        %get3A_267 = arith.constant 96 : index
        %get3A_268 = tpu.vector_load %arg9[%get3A_265, %get3A_266, %get3A_267] {strides = array<i32>} : memref<2x80x128xbf16, #tpu.memory_space<vmem>>, vector<32xbf16>,
        %get3A_269 = arith.constant 1 : i32
        %get3A_270 = arith.index_cast %get3A_269 : i32 to index
        %get3A_271 = arith.index_cast %add3A_230 : i32 to index
        %get3A_272 = arith.constant 96 : index
        %get3A_273 = tpu.vector_load %arg10[%get3A_270, %get3A_271, %get3A_272] {strides = array<i32>} : memref<2x80x128xbf16, #tpu.memory_space<vmem>>, vector<32xbf16>,
        %mul3A_274 = arith.mulf %get3A_268, %get3A_273 : vector<32xbf16>
        %add3A_275 = arith.addf %mul3A_241, %mul3A_252 : vector<32xbf16>
        %add3A_276 = arith.addf %mul3A_263, %mul3A_274 : vector<32xbf16>
        %add3A_277 = arith.addf %add3A_275, %add3A_276 : vector<32xbf16>
        %unpack3A_278 = tpu.unpack_subelements %add3A_277, 0 {pack_format = #tpu.pack_format<interleaved>} : vector<32xbf16> -> vector<16xf32>
        %unpack3A_279 = tpu.unpack_subelements %add3A_277, 1 {pack_format = #tpu.pack_format<interleaved>} : vector<32xbf16> -> vector<16xf32>
        %eq3A_280 = arith.constant 1 : i32
        %eq3A_281 = vector.broadcast %eq3A_280 : i32 to vector<16xi32>
        %eq3A_282 = arith.cmpi eq, %iota3A, %eq3A_281 : vector<16xi32>
        %add3A_283 = arith.addf %unpack3A_278, %unpack3A_279 : vector<16xf32>
        %reduce_sum3A_284 = arith.constant true
        %reduce_sum3A_285 = vector.broadcast %reduce_sum3A_284 : i1 to vector<16xi1>
        %reduce_sum3A_286 = tpu.scan <sum>, %add3A_283 masked %reduce_sum3A_285 : vector<16xf32>, vector<16xi1> -> vector<16xf32>
        %reduce_sum3A_287 = vector.extract %reduce_sum3A_286[15] : f32 from vector<16xf32>
        %broadcast_in_dim3A_288 = vector.broadcast %reduce_sum3A_287 : f32 to vector<16xf32>
        %select_n3A_289 = arith.select %eq3A_282, %broadcast_in_dim3A_288, %select_n3A : vector<16xi1>, vector<16xf32>
        %add3A_290 = arith.constant 2 : i32
        %add3A_291 = arith.addi %mul3A_171, %add3A_290 : i32
        %get3A_292 = arith.constant 1 : i32
        %get3A_293 = arith.index_cast %get3A_292 : i32 to index
        %get3A_294 = arith.index_cast %add3A_291 : i32 to index
        %get3A_295 = arith.constant 0 : index
        %get3A_296 = tpu.vector_load %arg9[%get3A_293, %get3A_294, %get3A_295] {strides = array<i32>} : memref<2x80x128xbf16, #tpu.memory_space<vmem>>, vector<32xbf16>,
        %get3A_297 = arith.constant 1 : i32
        %get3A_298 = arith.index_cast %get3A_297 : i32 to index
        %get3A_299 = arith.index_cast %add3A_291 : i32 to index
        %get3A_300 = arith.constant 0 : index
        %get3A_301 = tpu.vector_load %arg10[%get3A_298, %get3A_299, %get3A_300] {strides = array<i32>} : memref<2x80x128xbf16, #tpu.memory_space<vmem>>, vector<32xbf16>,
        %mul3A_302 = arith.mulf %get3A_296, %get3A_301 : vector<32xbf16>
        %get3A_303 = arith.constant 1 : i32
        %get3A_304 = arith.index_cast %get3A_303 : i32 to index
        %get3A_305 = arith.index_cast %add3A_291 : i32 to index
        %get3A_306 = arith.constant 32 : index
        %get3A_307 = tpu.vector_load %arg9[%get3A_304, %get3A_305, %get3A_306] {strides = array<i32>} : memref<2x80x128xbf16, #tpu.memory_space<vmem>>, vector<32xbf16>,
        %get3A_308 = arith.constant 1 : i32
        %get3A_309 = arith.index_cast %get3A_308 : i32 to index
        %get3A_310 = arith.index_cast %add3A_291 : i32 to index
        %get3A_311 = arith.constant 32 : index
        %get3A_312 = tpu.vector_load %arg10[%get3A_309, %get3A_310, %get3A_311] {strides = array<i32>} : memref<2x80x128xbf16, #tpu.memory_space<vmem>>, vector<32xbf16>,
        %mul3A_313 = arith.mulf %get3A_307, %get3A_312 : vector<32xbf16>
        %get3A_314 = arith.constant 1 : i32
        %get3A_315 = arith.index_cast %get3A_314 : i32 to index
        %get3A_316 = arith.index_cast %add3A_291 : i32 to index
        %get3A_317 = arith.constant 64 : index
        %get3A_318 = tpu.vector_load %arg9[%get3A_315, %get3A_316, %get3A_317] {strides = array<i32>} : memref<2x80x128xbf16, #tpu.memory_space<vmem>>, vector<32xbf16>,
        %get3A_319 = arith.constant 1 : i32
        %get3A_320 = arith.index_cast %get3A_319 : i32 to index
        %get3A_321 = arith.index_cast %add3A_291 : i32 to index
        %get3A_322 = arith.constant 64 : index
        %get3A_323 = tpu.vector_load %arg10[%get3A_320, %get3A_321, %get3A_322] {strides = array<i32>} : memref<2x80x128xbf16, #tpu.memory_space<vmem>>, vector<32xbf16>,
        %mul3A_324 = arith.mulf %get3A_318, %get3A_323 : vector<32xbf16>
        %get3A_325 = arith.constant 1 : i32
        %get3A_326 = arith.index_cast %get3A_325 : i32 to index
        %get3A_327 = arith.index_cast %add3A_291 : i32 to index
        %get3A_328 = arith.constant 96 : index
        %get3A_329 = tpu.vector_load %arg9[%get3A_326, %get3A_327, %get3A_328] {strides = array<i32>} : memref<2x80x128xbf16, #tpu.memory_space<vmem>>, vector<32xbf16>,
        %get3A_330 = arith.constant 1 : i32
        %get3A_331 = arith.index_cast %get3A_330 : i32 to index
        %get3A_332 = arith.index_cast %add3A_291 : i32 to index
        %get3A_333 = arith.constant 96 : index
        %get3A_334 = tpu.vector_load %arg10[%get3A_331, %get3A_332, %get3A_333] {strides = array<i32>} : memref<2x80x128xbf16, #tpu.memory_space<vmem>>, vector<32xbf16>,
        %mul3A_335 = arith.mulf %get3A_329, %get3A_334 : vector<32xbf16>
        %add3A_336 = arith.addf %mul3A_302, %mul3A_313 : vector<32xbf16>
        %add3A_337 = arith.addf %mul3A_324, %mul3A_335 : vector<32xbf16>
        %add3A_338 = arith.addf %add3A_336, %add3A_337 : vector<32xbf16>
        %unpack3A_339 = tpu.unpack_subelements %add3A_338, 0 {pack_format = #tpu.pack_format<interleaved>} : vector<32xbf16> -> vector<16xf32>
        %unpack3A_340 = tpu.unpack_subelements %add3A_338, 1 {pack_format = #tpu.pack_format<interleaved>} : vector<32xbf16> -> vector<16xf32>
        %eq3A_341 = arith.constant 2 : i32
        %eq3A_342 = vector.broadcast %eq3A_341 : i32 to vector<16xi32>
        %eq3A_343 = arith.cmpi eq, %iota3A, %eq3A_342 : vector<16xi32>
        %add3A_344 = arith.addf %unpack3A_339, %unpack3A_340 : vector<16xf32>
        %reduce_sum3A_345 = arith.constant true
        %reduce_sum3A_346 = vector.broadcast %reduce_sum3A_345 : i1 to vector<16xi1>
        %reduce_sum3A_347 = tpu.scan <sum>, %add3A_344 masked %reduce_sum3A_346 : vector<16xf32>, vector<16xi1> -> vector<16xf32>
        %reduce_sum3A_348 = vector.extract %reduce_sum3A_347[15] : f32 from vector<16xf32>
        %broadcast_in_dim3A_349 = vector.broadcast %reduce_sum3A_348 : f32 to vector<16xf32>
        %select_n3A_350 = arith.select %eq3A_343, %broadcast_in_dim3A_349, %select_n3A_289 : vector<16xi1>, vector<16xf32>
        %add3A_351 = arith.constant 3 : i32
        %add3A_352 = arith.addi %mul3A_171, %add3A_351 : i32
        %get3A_353 = arith.constant 1 : i32
        %get3A_354 = arith.index_cast %get3A_353 : i32 to index
        %get3A_355 = arith.index_cast %add3A_352 : i32 to index
        %get3A_356 = arith.constant 0 : index
        %get3A_357 = tpu.vector_load %arg9[%get3A_354, %get3A_355, %get3A_356] {strides = array<i32>} : memref<2x80x128xbf16, #tpu.memory_space<vmem>>, vector<32xbf16>,
        %get3A_358 = arith.constant 1 : i32
        %get3A_359 = arith.index_cast %get3A_358 : i32 to index
        %get3A_360 = arith.index_cast %add3A_352 : i32 to index
        %get3A_361 = arith.constant 0 : index
        %get3A_362 = tpu.vector_load %arg10[%get3A_359, %get3A_360, %get3A_361] {strides = array<i32>} : memref<2x80x128xbf16, #tpu.memory_space<vmem>>, vector<32xbf16>,
        %mul3A_363 = arith.mulf %get3A_357, %get3A_362 : vector<32xbf16>
        %get3A_364 = arith.constant 1 : i32
        %get3A_365 = arith.index_cast %get3A_364 : i32 to index
        %get3A_366 = arith.index_cast %add3A_352 : i32 to index
        %get3A_367 = arith.constant 32 : index
        %get3A_368 = tpu.vector_load %arg9[%get3A_365, %get3A_366, %get3A_367] {strides = array<i32>} : memref<2x80x128xbf16, #tpu.memory_space<vmem>>, vector<32xbf16>,
        %get3A_369 = arith.constant 1 : i32
        %get3A_370 = arith.index_cast %get3A_369 : i32 to index
        %get3A_371 = arith.index_cast %add3A_352 : i32 to index
        %get3A_372 = arith.constant 32 : index
        %get3A_373 = tpu.vector_load %arg10[%get3A_370, %get3A_371, %get3A_372] {strides = array<i32>} : memref<2x80x128xbf16, #tpu.memory_space<vmem>>, vector<32xbf16>,
        %mul3A_374 = arith.mulf %get3A_368, %get3A_373 : vector<32xbf16>
        %get3A_375 = arith.constant 1 : i32
        %get3A_376 = arith.index_cast %get3A_375 : i32 to index
        %get3A_377 = arith.index_cast %add3A_352 : i32 to index
        %get3A_378 = arith.constant 64 : index
        %get3A_379 = tpu.vector_load %arg9[%get3A_376, %get3A_377, %get3A_378] {strides = array<i32>} : memref<2x80x128xbf16, #tpu.memory_space<vmem>>, vector<32xbf16>,
        %get3A_380 = arith.constant 1 : i32
        %get3A_381 = arith.index_cast %get3A_380 : i32 to index
        %get3A_382 = arith.index_cast %add3A_352 : i32 to index
        %get3A_383 = arith.constant 64 : index
        %get3A_384 = tpu.vector_load %arg10[%get3A_381, %get3A_382, %get3A_383] {strides = array<i32>} : memref<2x80x128xbf16, #tpu.memory_space<vmem>>, vector<32xbf16>,
        %mul3A_385 = arith.mulf %get3A_379, %get3A_384 : vector<32xbf16>
        %get3A_386 = arith.constant 1 : i32
        %get3A_387 = arith.index_cast %get3A_386 : i32 to index
        %get3A_388 = arith.index_cast %add3A_352 : i32 to index
        %get3A_389 = arith.constant 96 : index
        %get3A_390 = tpu.vector_load %arg9[%get3A_387, %get3A_388, %get3A_389] {strides = array<i32>} : memref<2x80x128xbf16, #tpu.memory_space<vmem>>, vector<32xbf16>,
        %get3A_391 = arith.constant 1 : i32
        %get3A_392 = arith.index_cast %get3A_391 : i32 to index
        %get3A_393 = arith.index_cast %add3A_352 : i32 to index
        %get3A_394 = arith.constant 96 : index
        %get3A_395 = tpu.vector_load %arg10[%get3A_392, %get3A_393, %get3A_394] {strides = array<i32>} : memref<2x80x128xbf16, #tpu.memory_space<vmem>>, vector<32xbf16>,
        %mul3A_396 = arith.mulf %get3A_390, %get3A_395 : vector<32xbf16>
        %add3A_397 = arith.addf %mul3A_363, %mul3A_374 : vector<32xbf16>
        %add3A_398 = arith.addf %mul3A_385, %mul3A_396 : vector<32xbf16>
        %add3A_399 = arith.addf %add3A_397, %add3A_398 : vector<32xbf16>
        %unpack3A_400 = tpu.unpack_subelements %add3A_399, 0 {pack_format = #tpu.pack_format<interleaved>} : vector<32xbf16> -> vector<16xf32>
        %unpack3A_401 = tpu.unpack_subelements %add3A_399, 1 {pack_format = #tpu.pack_format<interleaved>} : vector<32xbf16> -> vector<16xf32>
        %eq3A_402 = arith.constant 3 : i32
        %eq3A_403 = vector.broadcast %eq3A_402 : i32 to vector<16xi32>
        %eq3A_404 = arith.cmpi eq, %iota3A, %eq3A_403 : vector<16xi32>
        %add3A_405 = arith.addf %unpack3A_400, %unpack3A_401 : vector<16xf32>
        %reduce_sum3A_406 = arith.constant true
        %reduce_sum3A_407 = vector.broadcast %reduce_sum3A_406 : i1 to vector<16xi1>
        %reduce_sum3A_408 = tpu.scan <sum>, %add3A_405 masked %reduce_sum3A_407 : vector<16xf32>, vector<16xi1> -> vector<16xf32>
        %reduce_sum3A_409 = vector.extract %reduce_sum3A_408[15] : f32 from vector<16xf32>
        %broadcast_in_dim3A_410 = vector.broadcast %reduce_sum3A_409 : f32 to vector<16xf32>
        %select_n3A_411 = arith.select %eq3A_404, %broadcast_in_dim3A_410, %select_n3A_350 : vector<16xi1>, vector<16xf32>
        %add3A_412 = arith.constant 4 : i32
        %add3A_413 = arith.addi %mul3A_171, %add3A_412 : i32
        %get3A_414 = arith.constant 1 : i32
        %get3A_415 = arith.index_cast %get3A_414 : i32 to index
        %get3A_416 = arith.index_cast %add3A_413 : i32 to index
        %get3A_417 = arith.constant 0 : index
        %get3A_418 = tpu.vector_load %arg9[%get3A_415, %get3A_416, %get3A_417] {strides = array<i32>} : memref<2x80x128xbf16, #tpu.memory_space<vmem>>, vector<32xbf16>,
        %get3A_419 = arith.constant 1 : i32
        %get3A_420 = arith.index_cast %get3A_419 : i32 to index
        %get3A_421 = arith.index_cast %add3A_413 : i32 to index
        %get3A_422 = arith.constant 0 : index
        %get3A_423 = tpu.vector_load %arg10[%get3A_420, %get3A_421, %get3A_422] {strides = array<i32>} : memref<2x80x128xbf16, #tpu.memory_space<vmem>>, vector<32xbf16>,
        %mul3A_424 = arith.mulf %get3A_418, %get3A_423 : vector<32xbf16>
        %get3A_425 = arith.constant 1 : i32
        %get3A_426 = arith.index_cast %get3A_425 : i32 to index
        %get3A_427 = arith.index_cast %add3A_413 : i32 to index
        %get3A_428 = arith.constant 32 : index
        %get3A_429 = tpu.vector_load %arg9[%get3A_426, %get3A_427, %get3A_428] {strides = array<i32>} : memref<2x80x128xbf16, #tpu.memory_space<vmem>>, vector<32xbf16>,
        %get3A_430 = arith.constant 1 : i32
        %get3A_431 = arith.index_cast %get3A_430 : i32 to index
        %get3A_432 = arith.index_cast %add3A_413 : i32 to index
        %get3A_433 = arith.constant 32 : index
        %get3A_434 = tpu.vector_load %arg10[%get3A_431, %get3A_432, %get3A_433] {strides = array<i32>} : memref<2x80x128xbf16, #tpu.memory_space<vmem>>, vector<32xbf16>,
        %mul3A_435 = arith.mulf %get3A_429, %get3A_434 : vector<32xbf16>
        %get3A_436 = arith.constant 1 : i32
        %get3A_437 = arith.index_cast %get3A_436 : i32 to index
        %get3A_438 = arith.index_cast %add3A_413 : i32 to index
        %get3A_439 = arith.constant 64 : index
        %get3A_440 = tpu.vector_load %arg9[%get3A_437, %get3A_438, %get3A_439] {strides = array<i32>} : memref<2x80x128xbf16, #tpu.memory_space<vmem>>, vector<32xbf16>,
        %get3A_441 = arith.constant 1 : i32
        %get3A_442 = arith.index_cast %get3A_441 : i32 to index
        %get3A_443 = arith.index_cast %add3A_413 : i32 to index
        %get3A_444 = arith.constant 64 : index
        %get3A_445 = tpu.vector_load %arg10[%get3A_442, %get3A_443, %get3A_444] {strides = array<i32>} : memref<2x80x128xbf16, #tpu.memory_space<vmem>>, vector<32xbf16>,
        %mul3A_446 = arith.mulf %get3A_440, %get3A_445 : vector<32xbf16>
        %get3A_447 = arith.constant 1 : i32
        %get3A_448 = arith.index_cast %get3A_447 : i32 to index
        %get3A_449 = arith.index_cast %add3A_413 : i32 to index
        %get3A_450 = arith.constant 96 : index
        %get3A_451 = tpu.vector_load %arg9[%get3A_448, %get3A_449, %get3A_450] {strides = array<i32>} : memref<2x80x128xbf16, #tpu.memory_space<vmem>>, vector<32xbf16>,
        %get3A_452 = arith.constant 1 : i32
        %get3A_453 = arith.index_cast %get3A_452 : i32 to index
        %get3A_454 = arith.index_cast %add3A_413 : i32 to index
        %get3A_455 = arith.constant 96 : index
        %get3A_456 = tpu.vector_load %arg10[%get3A_453, %get3A_454, %get3A_455] {strides = array<i32>} : memref<2x80x128xbf16, #tpu.memory_space<vmem>>, vector<32xbf16>,
        %mul3A_457 = arith.mulf %get3A_451, %get3A_456 : vector<32xbf16>
        %add3A_458 = arith.addf %mul3A_424, %mul3A_435 : vector<32xbf16>
        %add3A_459 = arith.addf %mul3A_446, %mul3A_457 : vector<32xbf16>
        %add3A_460 = arith.addf %add3A_458, %add3A_459 : vector<32xbf16>
        %unpack3A_461 = tpu.unpack_subelements %add3A_460, 0 {pack_format = #tpu.pack_format<interleaved>} : vector<32xbf16> -> vector<16xf32>
        %unpack3A_462 = tpu.unpack_subelements %add3A_460, 1 {pack_format = #tpu.pack_format<interleaved>} : vector<32xbf16> -> vector<16xf32>
        %eq3A_463 = arith.constant 4 : i32
        %eq3A_464 = vector.broadcast %eq3A_463 : i32 to vector<16xi32>
        %eq3A_465 = arith.cmpi eq, %iota3A, %eq3A_464 : vector<16xi32>
        %add3A_466 = arith.addf %unpack3A_461, %unpack3A_462 : vector<16xf32>
        %reduce_sum3A_467 = arith.constant true
        %reduce_sum3A_468 = vector.broadcast %reduce_sum3A_467 : i1 to vector<16xi1>
        %reduce_sum3A_469 = tpu.scan <sum>, %add3A_466 masked %reduce_sum3A_468 : vector<16xf32>, vector<16xi1> -> vector<16xf32>
        %reduce_sum3A_470 = vector.extract %reduce_sum3A_469[15] : f32 from vector<16xf32>
        %broadcast_in_dim3A_471 = vector.broadcast %reduce_sum3A_470 : f32 to vector<16xf32>
        %select_n3A_472 = arith.select %eq3A_465, %broadcast_in_dim3A_471, %select_n3A_411 : vector<16xi1>, vector<16xf32>
        %add3A_473 = arith.constant 5 : i32
        %add3A_474 = arith.addi %mul3A_171, %add3A_473 : i32
        %get3A_475 = arith.constant 1 : i32
        %get3A_476 = arith.index_cast %get3A_475 : i32 to index
        %get3A_477 = arith.index_cast %add3A_474 : i32 to index
        %get3A_478 = arith.constant 0 : index
        %get3A_479 = tpu.vector_load %arg9[%get3A_476, %get3A_477, %get3A_478] {strides = array<i32>} : memref<2x80x128xbf16, #tpu.memory_space<vmem>>, vector<32xbf16>,
        %get3A_480 = arith.constant 1 : i32
        %get3A_481 = arith.index_cast %get3A_480 : i32 to index
        %get3A_482 = arith.index_cast %add3A_474 : i32 to index
        %get3A_483 = arith.constant 0 : index
        %get3A_484 = tpu.vector_load %arg10[%get3A_481, %get3A_482, %get3A_483] {strides = array<i32>} : memref<2x80x128xbf16, #tpu.memory_space<vmem>>, vector<32xbf16>,
        %mul3A_485 = arith.mulf %get3A_479, %get3A_484 : vector<32xbf16>
        %get3A_486 = arith.constant 1 : i32
        %get3A_487 = arith.index_cast %get3A_486 : i32 to index
        %get3A_488 = arith.index_cast %add3A_474 : i32 to index
        %get3A_489 = arith.constant 32 : index
        %get3A_490 = tpu.vector_load %arg9[%get3A_487, %get3A_488, %get3A_489] {strides = array<i32>} : memref<2x80x128xbf16, #tpu.memory_space<vmem>>, vector<32xbf16>,
        %get3A_491 = arith.constant 1 : i32
        %get3A_492 = arith.index_cast %get3A_491 : i32 to index
        %get3A_493 = arith.index_cast %add3A_474 : i32 to index
        %get3A_494 = arith.constant 32 : index
        %get3A_495 = tpu.vector_load %arg10[%get3A_492, %get3A_493, %get3A_494] {strides = array<i32>} : memref<2x80x128xbf16, #tpu.memory_space<vmem>>, vector<32xbf16>,
        %mul3A_496 = arith.mulf %get3A_490, %get3A_495 : vector<32xbf16>
        %get3A_497 = arith.constant 1 : i32
        %get3A_498 = arith.index_cast %get3A_497 : i32 to index
        %get3A_499 = arith.index_cast %add3A_474 : i32 to index
        %get3A_500 = arith.constant 64 : index
        %get3A_501 = tpu.vector_load %arg9[%get3A_498, %get3A_499, %get3A_500] {strides = array<i32>} : memref<2x80x128xbf16, #tpu.memory_space<vmem>>, vector<32xbf16>,
        %get3A_502 = arith.constant 1 : i32
        %get3A_503 = arith.index_cast %get3A_502 : i32 to index
        %get3A_504 = arith.index_cast %add3A_474 : i32 to index
        %get3A_505 = arith.constant 64 : index
        %get3A_506 = tpu.vector_load %arg10[%get3A_503, %get3A_504, %get3A_505] {strides = array<i32>} : memref<2x80x128xbf16, #tpu.memory_space<vmem>>, vector<32xbf16>,
        %mul3A_507 = arith.mulf %get3A_501, %get3A_506 : vector<32xbf16>
        %get3A_508 = arith.constant 1 : i32
        %get3A_509 = arith.index_cast %get3A_508 : i32 to index
        %get3A_510 = arith.index_cast %add3A_474 : i32 to index
        %get3A_511 = arith.constant 96 : index
        %get3A_512 = tpu.vector_load %arg9[%get3A_509, %get3A_510, %get3A_511] {strides = array<i32>} : memref<2x80x128xbf16, #tpu.memory_space<vmem>>, vector<32xbf16>,
        %get3A_513 = arith.constant 1 : i32
        %get3A_514 = arith.index_cast %get3A_513 : i32 to index
        %get3A_515 = arith.index_cast %add3A_474 : i32 to index
        %get3A_516 = arith.constant 96 : index
        %get3A_517 = tpu.vector_load %arg10[%get3A_514, %get3A_515, %get3A_516] {strides = array<i32>} : memref<2x80x128xbf16, #tpu.memory_space<vmem>>, vector<32xbf16>,
        %mul3A_518 = arith.mulf %get3A_512, %get3A_517 : vector<32xbf16>
        %add3A_519 = arith.addf %mul3A_485, %mul3A_496 : vector<32xbf16>
        %add3A_520 = arith.addf %mul3A_507, %mul3A_518 : vector<32xbf16>
        %add3A_521 = arith.addf %add3A_519, %add3A_520 : vector<32xbf16>
        %unpack3A_522 = tpu.unpack_subelements %add3A_521, 0 {pack_format = #tpu.pack_format<interleaved>} : vector<32xbf16> -> vector<16xf32>
        %unpack3A_523 = tpu.unpack_subelements %add3A_521, 1 {pack_format = #tpu.pack_format<interleaved>} : vector<32xbf16> -> vector<16xf32>
        %eq3A_524 = arith.constant 5 : i32
        %eq3A_525 = vector.broadcast %eq3A_524 : i32 to vector<16xi32>
        %eq3A_526 = arith.cmpi eq, %iota3A, %eq3A_525 : vector<16xi32>
        %add3A_527 = arith.addf %unpack3A_522, %unpack3A_523 : vector<16xf32>
        %reduce_sum3A_528 = arith.constant true
        %reduce_sum3A_529 = vector.broadcast %reduce_sum3A_528 : i1 to vector<16xi1>
        %reduce_sum3A_530 = tpu.scan <sum>, %add3A_527 masked %reduce_sum3A_529 : vector<16xf32>, vector<16xi1> -> vector<16xf32>
        %reduce_sum3A_531 = vector.extract %reduce_sum3A_530[15] : f32 from vector<16xf32>
        %broadcast_in_dim3A_532 = vector.broadcast %reduce_sum3A_531 : f32 to vector<16xf32>
        %select_n3A_533 = arith.select %eq3A_526, %broadcast_in_dim3A_532, %select_n3A_472 : vector<16xi1>, vector<16xf32>
        %add3A_534 = arith.constant 6 : i32
        %add3A_535 = arith.addi %mul3A_171, %add3A_534 : i32
        %get3A_536 = arith.constant 1 : i32
        %get3A_537 = arith.index_cast %get3A_536 : i32 to index
        %get3A_538 = arith.index_cast %add3A_535 : i32 to index
        %get3A_539 = arith.constant 0 : index
        %get3A_540 = tpu.vector_load %arg9[%get3A_537, %get3A_538, %get3A_539] {strides = array<i32>} : memref<2x80x128xbf16, #tpu.memory_space<vmem>>, vector<32xbf16>,
        %get3A_541 = arith.constant 1 : i32
        %get3A_542 = arith.index_cast %get3A_541 : i32 to index
        %get3A_543 = arith.index_cast %add3A_535 : i32 to index
        %get3A_544 = arith.constant 0 : index
        %get3A_545 = tpu.vector_load %arg10[%get3A_542, %get3A_543, %get3A_544] {strides = array<i32>} : memref<2x80x128xbf16, #tpu.memory_space<vmem>>, vector<32xbf16>,
        %mul3A_546 = arith.mulf %get3A_540, %get3A_545 : vector<32xbf16>
        %get3A_547 = arith.constant 1 : i32
        %get3A_548 = arith.index_cast %get3A_547 : i32 to index
        %get3A_549 = arith.index_cast %add3A_535 : i32 to index
        %get3A_550 = arith.constant 32 : index
        %get3A_551 = tpu.vector_load %arg9[%get3A_548, %get3A_549, %get3A_550] {strides = array<i32>} : memref<2x80x128xbf16, #tpu.memory_space<vmem>>, vector<32xbf16>,
        %get3A_552 = arith.constant 1 : i32
        %get3A_553 = arith.index_cast %get3A_552 : i32 to index
        %get3A_554 = arith.index_cast %add3A_535 : i32 to index
        %get3A_555 = arith.constant 32 : index
        %get3A_556 = tpu.vector_load %arg10[%get3A_553, %get3A_554, %get3A_555] {strides = array<i32>} : memref<2x80x128xbf16, #tpu.memory_space<vmem>>, vector<32xbf16>,
        %mul3A_557 = arith.mulf %get3A_551, %get3A_556 : vector<32xbf16>
        %get3A_558 = arith.constant 1 : i32
        %get3A_559 = arith.index_cast %get3A_558 : i32 to index
        %get3A_560 = arith.index_cast %add3A_535 : i32 to index
        %get3A_561 = arith.constant 64 : index
        %get3A_562 = tpu.vector_load %arg9[%get3A_559, %get3A_560, %get3A_561] {strides = array<i32>} : memref<2x80x128xbf16, #tpu.memory_space<vmem>>, vector<32xbf16>,
        %get3A_563 = arith.constant 1 : i32
        %get3A_564 = arith.index_cast %get3A_563 : i32 to index
        %get3A_565 = arith.index_cast %add3A_535 : i32 to index
        %get3A_566 = arith.constant 64 : index
        %get3A_567 = tpu.vector_load %arg10[%get3A_564, %get3A_565, %get3A_566] {strides = array<i32>} : memref<2x80x128xbf16, #tpu.memory_space<vmem>>, vector<32xbf16>,
        %mul3A_568 = arith.mulf %get3A_562, %get3A_567 : vector<32xbf16>
        %get3A_569 = arith.constant 1 : i32
        %get3A_570 = arith.index_cast %get3A_569 : i32 to index
        %get3A_571 = arith.index_cast %add3A_535 : i32 to index
        %get3A_572 = arith.constant 96 : index
        %get3A_573 = tpu.vector_load %arg9[%get3A_570, %get3A_571, %get3A_572] {strides = array<i32>} : memref<2x80x128xbf16, #tpu.memory_space<vmem>>, vector<32xbf16>,
        %get3A_574 = arith.constant 1 : i32
        %get3A_575 = arith.index_cast %get3A_574 : i32 to index
        %get3A_576 = arith.index_cast %add3A_535 : i32 to index
        %get3A_577 = arith.constant 96 : index
        %get3A_578 = tpu.vector_load %arg10[%get3A_575, %get3A_576, %get3A_577] {strides = array<i32>} : memref<2x80x128xbf16, #tpu.memory_space<vmem>>, vector<32xbf16>,
        %mul3A_579 = arith.mulf %get3A_573, %get3A_578 : vector<32xbf16>
        %add3A_580 = arith.addf %mul3A_546, %mul3A_557 : vector<32xbf16>
        %add3A_581 = arith.addf %mul3A_568, %mul3A_579 : vector<32xbf16>
        %add3A_582 = arith.addf %add3A_580, %add3A_581 : vector<32xbf16>
        %unpack3A_583 = tpu.unpack_subelements %add3A_582, 0 {pack_format = #tpu.pack_format<interleaved>} : vector<32xbf16> -> vector<16xf32>
        %unpack3A_584 = tpu.unpack_subelements %add3A_582, 1 {pack_format = #tpu.pack_format<interleaved>} : vector<32xbf16> -> vector<16xf32>
        %eq3A_585 = arith.constant 6 : i32
        %eq3A_586 = vector.broadcast %eq3A_585 : i32 to vector<16xi32>
        %eq3A_587 = arith.cmpi eq, %iota3A, %eq3A_586 : vector<16xi32>
        %add3A_588 = arith.addf %unpack3A_583, %unpack3A_584 : vector<16xf32>
        %reduce_sum3A_589 = arith.constant true
        %reduce_sum3A_590 = vector.broadcast %reduce_sum3A_589 : i1 to vector<16xi1>
        %reduce_sum3A_591 = tpu.scan <sum>, %add3A_588 masked %reduce_sum3A_590 : vector<16xf32>, vector<16xi1> -> vector<16xf32>
        %reduce_sum3A_592 = vector.extract %reduce_sum3A_591[15] : f32 from vector<16xf32>
        %broadcast_in_dim3A_593 = vector.broadcast %reduce_sum3A_592 : f32 to vector<16xf32>
        %select_n3A_594 = arith.select %eq3A_587, %broadcast_in_dim3A_593, %select_n3A_533 : vector<16xi1>, vector<16xf32>
        %add3A_595 = arith.constant 7 : i32
        %add3A_596 = arith.addi %mul3A_171, %add3A_595 : i32
        %get3A_597 = arith.constant 1 : i32
        %get3A_598 = arith.index_cast %get3A_597 : i32 to index
        %get3A_599 = arith.index_cast %add3A_596 : i32 to index
        %get3A_600 = arith.constant 0 : index
        %get3A_601 = tpu.vector_load %arg9[%get3A_598, %get3A_599, %get3A_600] {strides = array<i32>} : memref<2x80x128xbf16, #tpu.memory_space<vmem>>, vector<32xbf16>,
        %get3A_602 = arith.constant 1 : i32
        %get3A_603 = arith.index_cast %get3A_602 : i32 to index
        %get3A_604 = arith.index_cast %add3A_596 : i32 to index
        %get3A_605 = arith.constant 0 : index
        %get3A_606 = tpu.vector_load %arg10[%get3A_603, %get3A_604, %get3A_605] {strides = array<i32>} : memref<2x80x128xbf16, #tpu.memory_space<vmem>>, vector<32xbf16>,
        %mul3A_607 = arith.mulf %get3A_601, %get3A_606 : vector<32xbf16>
        %get3A_608 = arith.constant 1 : i32
        %get3A_609 = arith.index_cast %get3A_608 : i32 to index
        %get3A_610 = arith.index_cast %add3A_596 : i32 to index
        %get3A_611 = arith.constant 32 : index
        %get3A_612 = tpu.vector_load %arg9[%get3A_609, %get3A_610, %get3A_611] {strides = array<i32>} : memref<2x80x128xbf16, #tpu.memory_space<vmem>>, vector<32xbf16>,
        %get3A_613 = arith.constant 1 : i32
        %get3A_614 = arith.index_cast %get3A_613 : i32 to index
        %get3A_615 = arith.index_cast %add3A_596 : i32 to index
        %get3A_616 = arith.constant 32 : index
        %get3A_617 = tpu.vector_load %arg10[%get3A_614, %get3A_615, %get3A_616] {strides = array<i32>} : memref<2x80x128xbf16, #tpu.memory_space<vmem>>, vector<32xbf16>,
        %mul3A_618 = arith.mulf %get3A_612, %get3A_617 : vector<32xbf16>
        %get3A_619 = arith.constant 1 : i32
        %get3A_620 = arith.index_cast %get3A_619 : i32 to index
        %get3A_621 = arith.index_cast %add3A_596 : i32 to index
        %get3A_622 = arith.constant 64 : index
        %get3A_623 = tpu.vector_load %arg9[%get3A_620, %get3A_621, %get3A_622] {strides = array<i32>} : memref<2x80x128xbf16, #tpu.memory_space<vmem>>, vector<32xbf16>,
        %get3A_624 = arith.constant 1 : i32
        %get3A_625 = arith.index_cast %get3A_624 : i32 to index
        %get3A_626 = arith.index_cast %add3A_596 : i32 to index
        %get3A_627 = arith.constant 64 : index
        %get3A_628 = tpu.vector_load %arg10[%get3A_625, %get3A_626, %get3A_627] {strides = array<i32>} : memref<2x80x128xbf16, #tpu.memory_space<vmem>>, vector<32xbf16>,
        %mul3A_629 = arith.mulf %get3A_623, %get3A_628 : vector<32xbf16>
        %get3A_630 = arith.constant 1 : i32
        %get3A_631 = arith.index_cast %get3A_630 : i32 to index
        %get3A_632 = arith.index_cast %add3A_596 : i32 to index
        %get3A_633 = arith.constant 96 : index
        %get3A_634 = tpu.vector_load %arg9[%get3A_631, %get3A_632, %get3A_633] {strides = array<i32>} : memref<2x80x128xbf16, #tpu.memory_space<vmem>>, vector<32xbf16>,
        %get3A_635 = arith.constant 1 : i32
        %get3A_636 = arith.index_cast %get3A_635 : i32 to index
        %get3A_637 = arith.index_cast %add3A_596 : i32 to index
        %get3A_638 = arith.constant 96 : index
        %get3A_639 = tpu.vector_load %arg10[%get3A_636, %get3A_637, %get3A_638] {strides = array<i32>} : memref<2x80x128xbf16, #tpu.memory_space<vmem>>, vector<32xbf16>,
        %mul3A_640 = arith.mulf %get3A_634, %get3A_639 : vector<32xbf16>
        %add3A_641 = arith.addf %mul3A_607, %mul3A_618 : vector<32xbf16>
        %add3A_642 = arith.addf %mul3A_629, %mul3A_640 : vector<32xbf16>
        %add3A_643 = arith.addf %add3A_641, %add3A_642 : vector<32xbf16>
        %unpack3A_644 = tpu.unpack_subelements %add3A_643, 0 {pack_format = #tpu.pack_format<interleaved>} : vector<32xbf16> -> vector<16xf32>
        %unpack3A_645 = tpu.unpack_subelements %add3A_643, 1 {pack_format = #tpu.pack_format<interleaved>} : vector<32xbf16> -> vector<16xf32>
        %eq3A_646 = arith.constant 7 : i32
        %eq3A_647 = vector.broadcast %eq3A_646 : i32 to vector<16xi32>
        %eq3A_648 = arith.cmpi eq, %iota3A, %eq3A_647 : vector<16xi32>
        %add3A_649 = arith.addf %unpack3A_644, %unpack3A_645 : vector<16xf32>
        %reduce_sum3A_650 = arith.constant true
        %reduce_sum3A_651 = vector.broadcast %reduce_sum3A_650 : i1 to vector<16xi1>
        %reduce_sum3A_652 = tpu.scan <sum>, %add3A_649 masked %reduce_sum3A_651 : vector<16xf32>, vector<16xi1> -> vector<16xf32>
        %reduce_sum3A_653 = vector.extract %reduce_sum3A_652[15] : f32 from vector<16xf32>
        %broadcast_in_dim3A_654 = vector.broadcast %reduce_sum3A_653 : f32 to vector<16xf32>
        %select_n3A_655 = arith.select %eq3A_648, %broadcast_in_dim3A_654, %select_n3A_594 : vector<16xi1>, vector<16xf32>
        %add3A_656 = arith.constant 8 : i32
        %add3A_657 = arith.addi %mul3A_171, %add3A_656 : i32
        %get3A_658 = arith.constant 1 : i32
        %get3A_659 = arith.index_cast %get3A_658 : i32 to index
        %get3A_660 = arith.index_cast %add3A_657 : i32 to index
        %get3A_661 = arith.constant 0 : index
        %get3A_662 = tpu.vector_load %arg9[%get3A_659, %get3A_660, %get3A_661] {strides = array<i32>} : memref<2x80x128xbf16, #tpu.memory_space<vmem>>, vector<32xbf16>,
        %get3A_663 = arith.constant 1 : i32
        %get3A_664 = arith.index_cast %get3A_663 : i32 to index
        %get3A_665 = arith.index_cast %add3A_657 : i32 to index
        %get3A_666 = arith.constant 0 : index
        %get3A_667 = tpu.vector_load %arg10[%get3A_664, %get3A_665, %get3A_666] {strides = array<i32>} : memref<2x80x128xbf16, #tpu.memory_space<vmem>>, vector<32xbf16>,
        %mul3A_668 = arith.mulf %get3A_662, %get3A_667 : vector<32xbf16>
        %get3A_669 = arith.constant 1 : i32
        %get3A_670 = arith.index_cast %get3A_669 : i32 to index
        %get3A_671 = arith.index_cast %add3A_657 : i32 to index
        %get3A_672 = arith.constant 32 : index
        %get3A_673 = tpu.vector_load %arg9[%get3A_670, %get3A_671, %get3A_672] {strides = array<i32>} : memref<2x80x128xbf16, #tpu.memory_space<vmem>>, vector<32xbf16>,
        %get3A_674 = arith.constant 1 : i32
        %get3A_675 = arith.index_cast %get3A_674 : i32 to index
        %get3A_676 = arith.index_cast %add3A_657 : i32 to index
        %get3A_677 = arith.constant 32 : index
        %get3A_678 = tpu.vector_load %arg10[%get3A_675, %get3A_676, %get3A_677] {strides = array<i32>} : memref<2x80x128xbf16, #tpu.memory_space<vmem>>, vector<32xbf16>,
        %mul3A_679 = arith.mulf %get3A_673, %get3A_678 : vector<32xbf16>
        %get3A_680 = arith.constant 1 : i32
        %get3A_681 = arith.index_cast %get3A_680 : i32 to index
        %get3A_682 = arith.index_cast %add3A_657 : i32 to index
        %get3A_683 = arith.constant 64 : index
        %get3A_684 = tpu.vector_load %arg9[%get3A_681, %get3A_682, %get3A_683] {strides = array<i32>} : memref<2x80x128xbf16, #tpu.memory_space<vmem>>, vector<32xbf16>,
        %get3A_685 = arith.constant 1 : i32
        %get3A_686 = arith.index_cast %get3A_685 : i32 to index
        %get3A_687 = arith.index_cast %add3A_657 : i32 to index
        %get3A_688 = arith.constant 64 : index
        %get3A_689 = tpu.vector_load %arg10[%get3A_686, %get3A_687, %get3A_688] {strides = array<i32>} : memref<2x80x128xbf16, #tpu.memory_space<vmem>>, vector<32xbf16>,
        %mul3A_690 = arith.mulf %get3A_684, %get3A_689 : vector<32xbf16>
        %get3A_691 = arith.constant 1 : i32
        %get3A_692 = arith.index_cast %get3A_691 : i32 to index
        %get3A_693 = arith.index_cast %add3A_657 : i32 to index
        %get3A_694 = arith.constant 96 : index
        %get3A_695 = tpu.vector_load %arg9[%get3A_692, %get3A_693, %get3A_694] {strides = array<i32>} : memref<2x80x128xbf16, #tpu.memory_space<vmem>>, vector<32xbf16>,
        %get3A_696 = arith.constant 1 : i32
        %get3A_697 = arith.index_cast %get3A_696 : i32 to index
        %get3A_698 = arith.index_cast %add3A_657 : i32 to index
        %get3A_699 = arith.constant 96 : index
        %get3A_700 = tpu.vector_load %arg10[%get3A_697, %get3A_698, %get3A_699] {strides = array<i32>} : memref<2x80x128xbf16, #tpu.memory_space<vmem>>, vector<32xbf16>,
        %mul3A_701 = arith.mulf %get3A_695, %get3A_700 : vector<32xbf16>
        %add3A_702 = arith.addf %mul3A_668, %mul3A_679 : vector<32xbf16>
        %add3A_703 = arith.addf %mul3A_690, %mul3A_701 : vector<32xbf16>
        %add3A_704 = arith.addf %add3A_702, %add3A_703 : vector<32xbf16>
        %unpack3A_705 = tpu.unpack_subelements %add3A_704, 0 {pack_format = #tpu.pack_format<interleaved>} : vector<32xbf16> -> vector<16xf32>
        %unpack3A_706 = tpu.unpack_subelements %add3A_704, 1 {pack_format = #tpu.pack_format<interleaved>} : vector<32xbf16> -> vector<16xf32>
        %eq3A_707 = arith.constant 8 : i32
        %eq3A_708 = vector.broadcast %eq3A_707 : i32 to vector<16xi32>
        %eq3A_709 = arith.cmpi eq, %iota3A, %eq3A_708 : vector<16xi32>
        %add3A_710 = arith.addf %unpack3A_705, %unpack3A_706 : vector<16xf32>
        %reduce_sum3A_711 = arith.constant true
        %reduce_sum3A_712 = vector.broadcast %reduce_sum3A_711 : i1 to vector<16xi1>
        %reduce_sum3A_713 = tpu.scan <sum>, %add3A_710 masked %reduce_sum3A_712 : vector<16xf32>, vector<16xi1> -> vector<16xf32>
        %reduce_sum3A_714 = vector.extract %reduce_sum3A_713[15] : f32 from vector<16xf32>
        %broadcast_in_dim3A_715 = vector.broadcast %reduce_sum3A_714 : f32 to vector<16xf32>
        %select_n3A_716 = arith.select %eq3A_709, %broadcast_in_dim3A_715, %select_n3A_655 : vector<16xi1>, vector<16xf32>
        %add3A_717 = arith.constant 9 : i32
        %add3A_718 = arith.addi %mul3A_171, %add3A_717 : i32
        %get3A_719 = arith.constant 1 : i32
        %get3A_720 = arith.index_cast %get3A_719 : i32 to index
        %get3A_721 = arith.index_cast %add3A_718 : i32 to index
        %get3A_722 = arith.constant 0 : index
        %get3A_723 = tpu.vector_load %arg9[%get3A_720, %get3A_721, %get3A_722] {strides = array<i32>} : memref<2x80x128xbf16, #tpu.memory_space<vmem>>, vector<32xbf16>,
        %get3A_724 = arith.constant 1 : i32
        %get3A_725 = arith.index_cast %get3A_724 : i32 to index
        %get3A_726 = arith.index_cast %add3A_718 : i32 to index
        %get3A_727 = arith.constant 0 : index
        %get3A_728 = tpu.vector_load %arg10[%get3A_725, %get3A_726, %get3A_727] {strides = array<i32>} : memref<2x80x128xbf16, #tpu.memory_space<vmem>>, vector<32xbf16>,
        %mul3A_729 = arith.mulf %get3A_723, %get3A_728 : vector<32xbf16>
        %get3A_730 = arith.constant 1 : i32
        %get3A_731 = arith.index_cast %get3A_730 : i32 to index
        %get3A_732 = arith.index_cast %add3A_718 : i32 to index
        %get3A_733 = arith.constant 32 : index
        %get3A_734 = tpu.vector_load %arg9[%get3A_731, %get3A_732, %get3A_733] {strides = array<i32>} : memref<2x80x128xbf16, #tpu.memory_space<vmem>>, vector<32xbf16>,
        %get3A_735 = arith.constant 1 : i32
        %get3A_736 = arith.index_cast %get3A_735 : i32 to index
        %get3A_737 = arith.index_cast %add3A_718 : i32 to index
        %get3A_738 = arith.constant 32 : index
        %get3A_739 = tpu.vector_load %arg10[%get3A_736, %get3A_737, %get3A_738] {strides = array<i32>} : memref<2x80x128xbf16, #tpu.memory_space<vmem>>, vector<32xbf16>,
        %mul3A_740 = arith.mulf %get3A_734, %get3A_739 : vector<32xbf16>
        %get3A_741 = arith.constant 1 : i32
        %get3A_742 = arith.index_cast %get3A_741 : i32 to index
        %get3A_743 = arith.index_cast %add3A_718 : i32 to index
        %get3A_744 = arith.constant 64 : index
        %get3A_745 = tpu.vector_load %arg9[%get3A_742, %get3A_743, %get3A_744] {strides = array<i32>} : memref<2x80x128xbf16, #tpu.memory_space<vmem>>, vector<32xbf16>,
        %get3A_746 = arith.constant 1 : i32
        %get3A_747 = arith.index_cast %get3A_746 : i32 to index
        %get3A_748 = arith.index_cast %add3A_718 : i32 to index
        %get3A_749 = arith.constant 64 : index
        %get3A_750 = tpu.vector_load %arg10[%get3A_747, %get3A_748, %get3A_749] {strides = array<i32>} : memref<2x80x128xbf16, #tpu.memory_space<vmem>>, vector<32xbf16>,
        %mul3A_751 = arith.mulf %get3A_745, %get3A_750 : vector<32xbf16>
        %get3A_752 = arith.constant 1 : i32
        %get3A_753 = arith.index_cast %get3A_752 : i32 to index
        %get3A_754 = arith.index_cast %add3A_718 : i32 to index
        %get3A_755 = arith.constant 96 : index
        %get3A_756 = tpu.vector_load %arg9[%get3A_753, %get3A_754, %get3A_755] {strides = array<i32>} : memref<2x80x128xbf16, #tpu.memory_space<vmem>>, vector<32xbf16>,
        %get3A_757 = arith.constant 1 : i32
        %get3A_758 = arith.index_cast %get3A_757 : i32 to index
        %get3A_759 = arith.index_cast %add3A_718 : i32 to index
        %get3A_760 = arith.constant 96 : index
        %get3A_761 = tpu.vector_load %arg10[%get3A_758, %get3A_759, %get3A_760] {strides = array<i32>} : memref<2x80x128xbf16, #tpu.memory_space<vmem>>, vector<32xbf16>,
        %mul3A_762 = arith.mulf %get3A_756, %get3A_761 : vector<32xbf16>
        %add3A_763 = arith.addf %mul3A_729, %mul3A_740 : vector<32xbf16>
        %add3A_764 = arith.addf %mul3A_751, %mul3A_762 : vector<32xbf16>
        %add3A_765 = arith.addf %add3A_763, %add3A_764 : vector<32xbf16>
        %unpack3A_766 = tpu.unpack_subelements %add3A_765, 0 {pack_format = #tpu.pack_format<interleaved>} : vector<32xbf16> -> vector<16xf32>
        %unpack3A_767 = tpu.unpack_subelements %add3A_765, 1 {pack_format = #tpu.pack_format<interleaved>} : vector<32xbf16> -> vector<16xf32>
        %eq3A_768 = arith.constant 9 : i32
        %eq3A_769 = vector.broadcast %eq3A_768 : i32 to vector<16xi32>
        %eq3A_770 = arith.cmpi eq, %iota3A, %eq3A_769 : vector<16xi32>
        %add3A_771 = arith.addf %unpack3A_766, %unpack3A_767 : vector<16xf32>
        %reduce_sum3A_772 = arith.constant true
        %reduce_sum3A_773 = vector.broadcast %reduce_sum3A_772 : i1 to vector<16xi1>
        %reduce_sum3A_774 = tpu.scan <sum>, %add3A_771 masked %reduce_sum3A_773 : vector<16xf32>, vector<16xi1> -> vector<16xf32>
        %reduce_sum3A_775 = vector.extract %reduce_sum3A_774[15] : f32 from vector<16xf32>
        %broadcast_in_dim3A_776 = vector.broadcast %reduce_sum3A_775 : f32 to vector<16xf32>
        %select_n3A_777 = arith.select %eq3A_770, %broadcast_in_dim3A_776, %select_n3A_716 : vector<16xi1>, vector<16xf32>
        %add3A_778 = arith.constant 10 : i32
        %add3A_779 = arith.addi %mul3A_171, %add3A_778 : i32
        %get3A_780 = arith.constant 1 : i32
        %get3A_781 = arith.index_cast %get3A_780 : i32 to index
        %get3A_782 = arith.index_cast %add3A_779 : i32 to index
        %get3A_783 = arith.constant 0 : index
        %get3A_784 = tpu.vector_load %arg9[%get3A_781, %get3A_782, %get3A_783] {strides = array<i32>} : memref<2x80x128xbf16, #tpu.memory_space<vmem>>, vector<32xbf16>,
        %get3A_785 = arith.constant 1 : i32
        %get3A_786 = arith.index_cast %get3A_785 : i32 to index
        %get3A_787 = arith.index_cast %add3A_779 : i32 to index
        %get3A_788 = arith.constant 0 : index
        %get3A_789 = tpu.vector_load %arg10[%get3A_786, %get3A_787, %get3A_788] {strides = array<i32>} : memref<2x80x128xbf16, #tpu.memory_space<vmem>>, vector<32xbf16>,
        %mul3A_790 = arith.mulf %get3A_784, %get3A_789 : vector<32xbf16>
        %get3A_791 = arith.constant 1 : i32
        %get3A_792 = arith.index_cast %get3A_791 : i32 to index
        %get3A_793 = arith.index_cast %add3A_779 : i32 to index
        %get3A_794 = arith.constant 32 : index
        %get3A_795 = tpu.vector_load %arg9[%get3A_792, %get3A_793, %get3A_794] {strides = array<i32>} : memref<2x80x128xbf16, #tpu.memory_space<vmem>>, vector<32xbf16>,
        %get3A_796 = arith.constant 1 : i32
        %get3A_797 = arith.index_cast %get3A_796 : i32 to index
        %get3A_798 = arith.index_cast %add3A_779 : i32 to index
        %get3A_799 = arith.constant 32 : index
        %get3A_800 = tpu.vector_load %arg10[%get3A_797, %get3A_798, %get3A_799] {strides = array<i32>} : memref<2x80x128xbf16, #tpu.memory_space<vmem>>, vector<32xbf16>,
        %mul3A_801 = arith.mulf %get3A_795, %get3A_800 : vector<32xbf16>
        %get3A_802 = arith.constant 1 : i32
        %get3A_803 = arith.index_cast %get3A_802 : i32 to index
        %get3A_804 = arith.index_cast %add3A_779 : i32 to index
        %get3A_805 = arith.constant 64 : index
        %get3A_806 = tpu.vector_load %arg9[%get3A_803, %get3A_804, %get3A_805] {strides = array<i32>} : memref<2x80x128xbf16, #tpu.memory_space<vmem>>, vector<32xbf16>,
        %get3A_807 = arith.constant 1 : i32
        %get3A_808 = arith.index_cast %get3A_807 : i32 to index
        %get3A_809 = arith.index_cast %add3A_779 : i32 to index
        %get3A_810 = arith.constant 64 : index
        %get3A_811 = tpu.vector_load %arg10[%get3A_808, %get3A_809, %get3A_810] {strides = array<i32>} : memref<2x80x128xbf16, #tpu.memory_space<vmem>>, vector<32xbf16>,
        %mul3A_812 = arith.mulf %get3A_806, %get3A_811 : vector<32xbf16>
        %get3A_813 = arith.constant 1 : i32
        %get3A_814 = arith.index_cast %get3A_813 : i32 to index
        %get3A_815 = arith.index_cast %add3A_779 : i32 to index
        %get3A_816 = arith.constant 96 : index
        %get3A_817 = tpu.vector_load %arg9[%get3A_814, %get3A_815, %get3A_816] {strides = array<i32>} : memref<2x80x128xbf16, #tpu.memory_space<vmem>>, vector<32xbf16>,
        %get3A_818 = arith.constant 1 : i32
        %get3A_819 = arith.index_cast %get3A_818 : i32 to index
        %get3A_820 = arith.index_cast %add3A_779 : i32 to index
        %get3A_821 = arith.constant 96 : index
        %get3A_822 = tpu.vector_load %arg10[%get3A_819, %get3A_820, %get3A_821] {strides = array<i32>} : memref<2x80x128xbf16, #tpu.memory_space<vmem>>, vector<32xbf16>,
        %mul3A_823 = arith.mulf %get3A_817, %get3A_822 : vector<32xbf16>
        %add3A_824 = arith.addf %mul3A_790, %mul3A_801 : vector<32xbf16>
        %add3A_825 = arith.addf %mul3A_812, %mul3A_823 : vector<32xbf16>
        %add3A_826 = arith.addf %add3A_824, %add3A_825 : vector<32xbf16>
        %unpack3A_827 = tpu.unpack_subelements %add3A_826, 0 {pack_format = #tpu.pack_format<interleaved>} : vector<32xbf16> -> vector<16xf32>
        %unpack3A_828 = tpu.unpack_subelements %add3A_826, 1 {pack_format = #tpu.pack_format<interleaved>} : vector<32xbf16> -> vector<16xf32>
        %eq3A_829 = arith.constant 10 : i32
        %eq3A_830 = vector.broadcast %eq3A_829 : i32 to vector<16xi32>
        %eq3A_831 = arith.cmpi eq, %iota3A, %eq3A_830 : vector<16xi32>
        %add3A_832 = arith.addf %unpack3A_827, %unpack3A_828 : vector<16xf32>
        %reduce_sum3A_833 = arith.constant true
        %reduce_sum3A_834 = vector.broadcast %reduce_sum3A_833 : i1 to vector<16xi1>
        %reduce_sum3A_835 = tpu.scan <sum>, %add3A_832 masked %reduce_sum3A_834 : vector<16xf32>, vector<16xi1> -> vector<16xf32>
        %reduce_sum3A_836 = vector.extract %reduce_sum3A_835[15] : f32 from vector<16xf32>
        %broadcast_in_dim3A_837 = vector.broadcast %reduce_sum3A_836 : f32 to vector<16xf32>
        %select_n3A_838 = arith.select %eq3A_831, %broadcast_in_dim3A_837, %select_n3A_777 : vector<16xi1>, vector<16xf32>
        %add3A_839 = arith.constant 11 : i32
        %add3A_840 = arith.addi %mul3A_171, %add3A_839 : i32
        %get3A_841 = arith.constant 1 : i32
        %get3A_842 = arith.index_cast %get3A_841 : i32 to index
        %get3A_843 = arith.index_cast %add3A_840 : i32 to index
        %get3A_844 = arith.constant 0 : index
        %get3A_845 = tpu.vector_load %arg9[%get3A_842, %get3A_843, %get3A_844] {strides = array<i32>} : memref<2x80x128xbf16, #tpu.memory_space<vmem>>, vector<32xbf16>,
        %get3A_846 = arith.constant 1 : i32
        %get3A_847 = arith.index_cast %get3A_846 : i32 to index
        %get3A_848 = arith.index_cast %add3A_840 : i32 to index
        %get3A_849 = arith.constant 0 : index
        %get3A_850 = tpu.vector_load %arg10[%get3A_847, %get3A_848, %get3A_849] {strides = array<i32>} : memref<2x80x128xbf16, #tpu.memory_space<vmem>>, vector<32xbf16>,
        %mul3A_851 = arith.mulf %get3A_845, %get3A_850 : vector<32xbf16>
        %get3A_852 = arith.constant 1 : i32
        %get3A_853 = arith.index_cast %get3A_852 : i32 to index
        %get3A_854 = arith.index_cast %add3A_840 : i32 to index
        %get3A_855 = arith.constant 32 : index
        %get3A_856 = tpu.vector_load %arg9[%get3A_853, %get3A_854, %get3A_855] {strides = array<i32>} : memref<2x80x128xbf16, #tpu.memory_space<vmem>>, vector<32xbf16>,
        %get3A_857 = arith.constant 1 : i32
        %get3A_858 = arith.index_cast %get3A_857 : i32 to index
        %get3A_859 = arith.index_cast %add3A_840 : i32 to index
        %get3A_860 = arith.constant 32 : index
        %get3A_861 = tpu.vector_load %arg10[%get3A_858, %get3A_859, %get3A_860] {strides = array<i32>} : memref<2x80x128xbf16, #tpu.memory_space<vmem>>, vector<32xbf16>,
        %mul3A_862 = arith.mulf %get3A_856, %get3A_861 : vector<32xbf16>
        %get3A_863 = arith.constant 1 : i32
        %get3A_864 = arith.index_cast %get3A_863 : i32 to index
        %get3A_865 = arith.index_cast %add3A_840 : i32 to index
        %get3A_866 = arith.constant 64 : index
        %get3A_867 = tpu.vector_load %arg9[%get3A_864, %get3A_865, %get3A_866] {strides = array<i32>} : memref<2x80x128xbf16, #tpu.memory_space<vmem>>, vector<32xbf16>,
        %get3A_868 = arith.constant 1 : i32
        %get3A_869 = arith.index_cast %get3A_868 : i32 to index
        %get3A_870 = arith.index_cast %add3A_840 : i32 to index
        %get3A_871 = arith.constant 64 : index
        %get3A_872 = tpu.vector_load %arg10[%get3A_869, %get3A_870, %get3A_871] {strides = array<i32>} : memref<2x80x128xbf16, #tpu.memory_space<vmem>>, vector<32xbf16>,
        %mul3A_873 = arith.mulf %get3A_867, %get3A_872 : vector<32xbf16>
        %get3A_874 = arith.constant 1 : i32
        %get3A_875 = arith.index_cast %get3A_874 : i32 to index
        %get3A_876 = arith.index_cast %add3A_840 : i32 to index
        %get3A_877 = arith.constant 96 : index
        %get3A_878 = tpu.vector_load %arg9[%get3A_875, %get3A_876, %get3A_877] {strides = array<i32>} : memref<2x80x128xbf16, #tpu.memory_space<vmem>>, vector<32xbf16>,
        %get3A_879 = arith.constant 1 : i32
        %get3A_880 = arith.index_cast %get3A_879 : i32 to index
        %get3A_881 = arith.index_cast %add3A_840 : i32 to index
        %get3A_882 = arith.constant 96 : index
        %get3A_883 = tpu.vector_load %arg10[%get3A_880, %get3A_881, %get3A_882] {strides = array<i32>} : memref<2x80x128xbf16, #tpu.memory_space<vmem>>, vector<32xbf16>,
        %mul3A_884 = arith.mulf %get3A_878, %get3A_883 : vector<32xbf16>
        %add3A_885 = arith.addf %mul3A_851, %mul3A_862 : vector<32xbf16>
        %add3A_886 = arith.addf %mul3A_873, %mul3A_884 : vector<32xbf16>
        %add3A_887 = arith.addf %add3A_885, %add3A_886 : vector<32xbf16>
        %unpack3A_888 = tpu.unpack_subelements %add3A_887, 0 {pack_format = #tpu.pack_format<interleaved>} : vector<32xbf16> -> vector<16xf32>
        %unpack3A_889 = tpu.unpack_subelements %add3A_887, 1 {pack_format = #tpu.pack_format<interleaved>} : vector<32xbf16> -> vector<16xf32>
        %eq3A_890 = arith.constant 11 : i32
        %eq3A_891 = vector.broadcast %eq3A_890 : i32 to vector<16xi32>
        %eq3A_892 = arith.cmpi eq, %iota3A, %eq3A_891 : vector<16xi32>
        %add3A_893 = arith.addf %unpack3A_888, %unpack3A_889 : vector<16xf32>
        %reduce_sum3A_894 = arith.constant true
        %reduce_sum3A_895 = vector.broadcast %reduce_sum3A_894 : i1 to vector<16xi1>
        %reduce_sum3A_896 = tpu.scan <sum>, %add3A_893 masked %reduce_sum3A_895 : vector<16xf32>, vector<16xi1> -> vector<16xf32>
        %reduce_sum3A_897 = vector.extract %reduce_sum3A_896[15] : f32 from vector<16xf32>
        %broadcast_in_dim3A_898 = vector.broadcast %reduce_sum3A_897 : f32 to vector<16xf32>
        %select_n3A_899 = arith.select %eq3A_892, %broadcast_in_dim3A_898, %select_n3A_838 : vector<16xi1>, vector<16xf32>
        %add3A_900 = arith.constant 12 : i32
        %add3A_901 = arith.addi %mul3A_171, %add3A_900 : i32
        %get3A_902 = arith.constant 1 : i32
        %get3A_903 = arith.index_cast %get3A_902 : i32 to index
        %get3A_904 = arith.index_cast %add3A_901 : i32 to index
        %get3A_905 = arith.constant 0 : index
        %get3A_906 = tpu.vector_load %arg9[%get3A_903, %get3A_904, %get3A_905] {strides = array<i32>} : memref<2x80x128xbf16, #tpu.memory_space<vmem>>, vector<32xbf16>,
        %get3A_907 = arith.constant 1 : i32
        %get3A_908 = arith.index_cast %get3A_907 : i32 to index
        %get3A_909 = arith.index_cast %add3A_901 : i32 to index
        %get3A_910 = arith.constant 0 : index
        %get3A_911 = tpu.vector_load %arg10[%get3A_908, %get3A_909, %get3A_910] {strides = array<i32>} : memref<2x80x128xbf16, #tpu.memory_space<vmem>>, vector<32xbf16>,
        %mul3A_912 = arith.mulf %get3A_906, %get3A_911 : vector<32xbf16>
        %get3A_913 = arith.constant 1 : i32
        %get3A_914 = arith.index_cast %get3A_913 : i32 to index
        %get3A_915 = arith.index_cast %add3A_901 : i32 to index
        %get3A_916 = arith.constant 32 : index
        %get3A_917 = tpu.vector_load %arg9[%get3A_914, %get3A_915, %get3A_916] {strides = array<i32>} : memref<2x80x128xbf16, #tpu.memory_space<vmem>>, vector<32xbf16>,
        %get3A_918 = arith.constant 1 : i32
        %get3A_919 = arith.index_cast %get3A_918 : i32 to index
        %get3A_920 = arith.index_cast %add3A_901 : i32 to index
        %get3A_921 = arith.constant 32 : index
        %get3A_922 = tpu.vector_load %arg10[%get3A_919, %get3A_920, %get3A_921] {strides = array<i32>} : memref<2x80x128xbf16, #tpu.memory_space<vmem>>, vector<32xbf16>,
        %mul3A_923 = arith.mulf %get3A_917, %get3A_922 : vector<32xbf16>
        %get3A_924 = arith.constant 1 : i32
        %get3A_925 = arith.index_cast %get3A_924 : i32 to index
        %get3A_926 = arith.index_cast %add3A_901 : i32 to index
        %get3A_927 = arith.constant 64 : index
        %get3A_928 = tpu.vector_load %arg9[%get3A_925, %get3A_926, %get3A_927] {strides = array<i32>} : memref<2x80x128xbf16, #tpu.memory_space<vmem>>, vector<32xbf16>,
        %get3A_929 = arith.constant 1 : i32
        %get3A_930 = arith.index_cast %get3A_929 : i32 to index
        %get3A_931 = arith.index_cast %add3A_901 : i32 to index
        %get3A_932 = arith.constant 64 : index
        %get3A_933 = tpu.vector_load %arg10[%get3A_930, %get3A_931, %get3A_932] {strides = array<i32>} : memref<2x80x128xbf16, #tpu.memory_space<vmem>>, vector<32xbf16>,
        %mul3A_934 = arith.mulf %get3A_928, %get3A_933 : vector<32xbf16>
        %get3A_935 = arith.constant 1 : i32
        %get3A_936 = arith.index_cast %get3A_935 : i32 to index
        %get3A_937 = arith.index_cast %add3A_901 : i32 to index
        %get3A_938 = arith.constant 96 : index
        %get3A_939 = tpu.vector_load %arg9[%get3A_936, %get3A_937, %get3A_938] {strides = array<i32>} : memref<2x80x128xbf16, #tpu.memory_space<vmem>>, vector<32xbf16>,
        %get3A_940 = arith.constant 1 : i32
        %get3A_941 = arith.index_cast %get3A_940 : i32 to index
        %get3A_942 = arith.index_cast %add3A_901 : i32 to index
        %get3A_943 = arith.constant 96 : index
        %get3A_944 = tpu.vector_load %arg10[%get3A_941, %get3A_942, %get3A_943] {strides = array<i32>} : memref<2x80x128xbf16, #tpu.memory_space<vmem>>, vector<32xbf16>,
        %mul3A_945 = arith.mulf %get3A_939, %get3A_944 : vector<32xbf16>
        %add3A_946 = arith.addf %mul3A_912, %mul3A_923 : vector<32xbf16>
        %add3A_947 = arith.addf %mul3A_934, %mul3A_945 : vector<32xbf16>
        %add3A_948 = arith.addf %add3A_946, %add3A_947 : vector<32xbf16>
        %unpack3A_949 = tpu.unpack_subelements %add3A_948, 0 {pack_format = #tpu.pack_format<interleaved>} : vector<32xbf16> -> vector<16xf32>
        %unpack3A_950 = tpu.unpack_subelements %add3A_948, 1 {pack_format = #tpu.pack_format<interleaved>} : vector<32xbf16> -> vector<16xf32>
        %eq3A_951 = arith.constant 12 : i32
        %eq3A_952 = vector.broadcast %eq3A_951 : i32 to vector<16xi32>
        %eq3A_953 = arith.cmpi eq, %iota3A, %eq3A_952 : vector<16xi32>
        %add3A_954 = arith.addf %unpack3A_949, %unpack3A_950 : vector<16xf32>
        %reduce_sum3A_955 = arith.constant true
        %reduce_sum3A_956 = vector.broadcast %reduce_sum3A_955 : i1 to vector<16xi1>
        %reduce_sum3A_957 = tpu.scan <sum>, %add3A_954 masked %reduce_sum3A_956 : vector<16xf32>, vector<16xi1> -> vector<16xf32>
        %reduce_sum3A_958 = vector.extract %reduce_sum3A_957[15] : f32 from vector<16xf32>
        %broadcast_in_dim3A_959 = vector.broadcast %reduce_sum3A_958 : f32 to vector<16xf32>
        %select_n3A_960 = arith.select %eq3A_953, %broadcast_in_dim3A_959, %select_n3A_899 : vector<16xi1>, vector<16xf32>
        %add3A_961 = arith.constant 13 : i32
        %add3A_962 = arith.addi %mul3A_171, %add3A_961 : i32
        %get3A_963 = arith.constant 1 : i32
        %get3A_964 = arith.index_cast %get3A_963 : i32 to index
        %get3A_965 = arith.index_cast %add3A_962 : i32 to index
        %get3A_966 = arith.constant 0 : index
        %get3A_967 = tpu.vector_load %arg9[%get3A_964, %get3A_965, %get3A_966] {strides = array<i32>} : memref<2x80x128xbf16, #tpu.memory_space<vmem>>, vector<32xbf16>,
        %get3A_968 = arith.constant 1 : i32
        %get3A_969 = arith.index_cast %get3A_968 : i32 to index
        %get3A_970 = arith.index_cast %add3A_962 : i32 to index
        %get3A_971 = arith.constant 0 : index
        %get3A_972 = tpu.vector_load %arg10[%get3A_969, %get3A_970, %get3A_971] {strides = array<i32>} : memref<2x80x128xbf16, #tpu.memory_space<vmem>>, vector<32xbf16>,
        %mul3A_973 = arith.mulf %get3A_967, %get3A_972 : vector<32xbf16>
        %get3A_974 = arith.constant 1 : i32
        %get3A_975 = arith.index_cast %get3A_974 : i32 to index
        %get3A_976 = arith.index_cast %add3A_962 : i32 to index
        %get3A_977 = arith.constant 32 : index
        %get3A_978 = tpu.vector_load %arg9[%get3A_975, %get3A_976, %get3A_977] {strides = array<i32>} : memref<2x80x128xbf16, #tpu.memory_space<vmem>>, vector<32xbf16>,
        %get3A_979 = arith.constant 1 : i32
        %get3A_980 = arith.index_cast %get3A_979 : i32 to index
        %get3A_981 = arith.index_cast %add3A_962 : i32 to index
        %get3A_982 = arith.constant 32 : index
        %get3A_983 = tpu.vector_load %arg10[%get3A_980, %get3A_981, %get3A_982] {strides = array<i32>} : memref<2x80x128xbf16, #tpu.memory_space<vmem>>, vector<32xbf16>,
        %mul3A_984 = arith.mulf %get3A_978, %get3A_983 : vector<32xbf16>
        %get3A_985 = arith.constant 1 : i32
        %get3A_986 = arith.index_cast %get3A_985 : i32 to index
        %get3A_987 = arith.index_cast %add3A_962 : i32 to index
        %get3A_988 = arith.constant 64 : index
        %get3A_989 = tpu.vector_load %arg9[%get3A_986, %get3A_987, %get3A_988] {strides = array<i32>} : memref<2x80x128xbf16, #tpu.memory_space<vmem>>, vector<32xbf16>,
        %get3A_990 = arith.constant 1 : i32
        %get3A_991 = arith.index_cast %get3A_990 : i32 to index
        %get3A_992 = arith.index_cast %add3A_962 : i32 to index
        %get3A_993 = arith.constant 64 : index
        %get3A_994 = tpu.vector_load %arg10[%get3A_991, %get3A_992, %get3A_993] {strides = array<i32>} : memref<2x80x128xbf16, #tpu.memory_space<vmem>>, vector<32xbf16>,
        %mul3A_995 = arith.mulf %get3A_989, %get3A_994 : vector<32xbf16>
        %get3A_996 = arith.constant 1 : i32
        %get3A_997 = arith.index_cast %get3A_996 : i32 to index
        %get3A_998 = arith.index_cast %add3A_962 : i32 to index
        %get3A_999 = arith.constant 96 : index
        %get3A_1000 = tpu.vector_load %arg9[%get3A_997, %get3A_998, %get3A_999] {strides = array<i32>} : memref<2x80x128xbf16, #tpu.memory_space<vmem>>, vector<32xbf16>,
        %get3A_1001 = arith.constant 1 : i32
        %get3A_1002 = arith.index_cast %get3A_1001 : i32 to index
        %get3A_1003 = arith.index_cast %add3A_962 : i32 to index
        %get3A_1004 = arith.constant 96 : index
        %get3A_1005 = tpu.vector_load %arg10[%get3A_1002, %get3A_1003, %get3A_1004] {strides = array<i32>} : memref<2x80x128xbf16, #tpu.memory_space<vmem>>, vector<32xbf16>,
        %mul3A_1006 = arith.mulf %get3A_1000, %get3A_1005 : vector<32xbf16>
        %add3A_1007 = arith.addf %mul3A_973, %mul3A_984 : vector<32xbf16>
        %add3A_1008 = arith.addf %mul3A_995, %mul3A_1006 : vector<32xbf16>
        %add3A_1009 = arith.addf %add3A_1007, %add3A_1008 : vector<32xbf16>
        %unpack3A_1010 = tpu.unpack_subelements %add3A_1009, 0 {pack_format = #tpu.pack_format<interleaved>} : vector<32xbf16> -> vector<16xf32>
        %unpack3A_1011 = tpu.unpack_subelements %add3A_1009, 1 {pack_format = #tpu.pack_format<interleaved>} : vector<32xbf16> -> vector<16xf32>
        %eq3A_1012 = arith.constant 13 : i32
        %eq3A_1013 = vector.broadcast %eq3A_1012 : i32 to vector<16xi32>
        %eq3A_1014 = arith.cmpi eq, %iota3A, %eq3A_1013 : vector<16xi32>
        %add3A_1015 = arith.addf %unpack3A_1010, %unpack3A_1011 : vector<16xf32>
        %reduce_sum3A_1016 = arith.constant true
        %reduce_sum3A_1017 = vector.broadcast %reduce_sum3A_1016 : i1 to vector<16xi1>
        %reduce_sum3A_1018 = tpu.scan <sum>, %add3A_1015 masked %reduce_sum3A_1017 : vector<16xf32>, vector<16xi1> -> vector<16xf32>
        %reduce_sum3A_1019 = vector.extract %reduce_sum3A_1018[15] : f32 from vector<16xf32>
        %broadcast_in_dim3A_1020 = vector.broadcast %reduce_sum3A_1019 : f32 to vector<16xf32>
        %select_n3A_1021 = arith.select %eq3A_1014, %broadcast_in_dim3A_1020, %select_n3A_960 : vector<16xi1>, vector<16xf32>
        %add3A_1022 = arith.constant 14 : i32
        %add3A_1023 = arith.addi %mul3A_171, %add3A_1022 : i32
        %get3A_1024 = arith.constant 1 : i32
        %get3A_1025 = arith.index_cast %get3A_1024 : i32 to index
        %get3A_1026 = arith.index_cast %add3A_1023 : i32 to index
        %get3A_1027 = arith.constant 0 : index
        %get3A_1028 = tpu.vector_load %arg9[%get3A_1025, %get3A_1026, %get3A_1027] {strides = array<i32>} : memref<2x80x128xbf16, #tpu.memory_space<vmem>>, vector<32xbf16>,
        %get3A_1029 = arith.constant 1 : i32
        %get3A_1030 = arith.index_cast %get3A_1029 : i32 to index
        %get3A_1031 = arith.index_cast %add3A_1023 : i32 to index
        %get3A_1032 = arith.constant 0 : index
        %get3A_1033 = tpu.vector_load %arg10[%get3A_1030, %get3A_1031, %get3A_1032] {strides = array<i32>} : memref<2x80x128xbf16, #tpu.memory_space<vmem>>, vector<32xbf16>,
        %mul3A_1034 = arith.mulf %get3A_1028, %get3A_1033 : vector<32xbf16>
        %get3A_1035 = arith.constant 1 : i32
        %get3A_1036 = arith.index_cast %get3A_1035 : i32 to index
        %get3A_1037 = arith.index_cast %add3A_1023 : i32 to index
        %get3A_1038 = arith.constant 32 : index
        %get3A_1039 = tpu.vector_load %arg9[%get3A_1036, %get3A_1037, %get3A_1038] {strides = array<i32>} : memref<2x80x128xbf16, #tpu.memory_space<vmem>>, vector<32xbf16>,
        %get3A_1040 = arith.constant 1 : i32
        %get3A_1041 = arith.index_cast %get3A_1040 : i32 to index
        %get3A_1042 = arith.index_cast %add3A_1023 : i32 to index
        %get3A_1043 = arith.constant 32 : index
        %get3A_1044 = tpu.vector_load %arg10[%get3A_1041, %get3A_1042, %get3A_1043] {strides = array<i32>} : memref<2x80x128xbf16, #tpu.memory_space<vmem>>, vector<32xbf16>,
        %mul3A_1045 = arith.mulf %get3A_1039, %get3A_1044 : vector<32xbf16>
        %get3A_1046 = arith.constant 1 : i32
        %get3A_1047 = arith.index_cast %get3A_1046 : i32 to index
        %get3A_1048 = arith.index_cast %add3A_1023 : i32 to index
        %get3A_1049 = arith.constant 64 : index
        %get3A_1050 = tpu.vector_load %arg9[%get3A_1047, %get3A_1048, %get3A_1049] {strides = array<i32>} : memref<2x80x128xbf16, #tpu.memory_space<vmem>>, vector<32xbf16>,
        %get3A_1051 = arith.constant 1 : i32
        %get3A_1052 = arith.index_cast %get3A_1051 : i32 to index
        %get3A_1053 = arith.index_cast %add3A_1023 : i32 to index
        %get3A_1054 = arith.constant 64 : index
        %get3A_1055 = tpu.vector_load %arg10[%get3A_1052, %get3A_1053, %get3A_1054] {strides = array<i32>} : memref<2x80x128xbf16, #tpu.memory_space<vmem>>, vector<32xbf16>,
        %mul3A_1056 = arith.mulf %get3A_1050, %get3A_1055 : vector<32xbf16>
        %get3A_1057 = arith.constant 1 : i32
        %get3A_1058 = arith.index_cast %get3A_1057 : i32 to index
        %get3A_1059 = arith.index_cast %add3A_1023 : i32 to index
        %get3A_1060 = arith.constant 96 : index
        %get3A_1061 = tpu.vector_load %arg9[%get3A_1058, %get3A_1059, %get3A_1060] {strides = array<i32>} : memref<2x80x128xbf16, #tpu.memory_space<vmem>>, vector<32xbf16>,
        %get3A_1062 = arith.constant 1 : i32
        %get3A_1063 = arith.index_cast %get3A_1062 : i32 to index
        %get3A_1064 = arith.index_cast %add3A_1023 : i32 to index
        %get3A_1065 = arith.constant 96 : index
        %get3A_1066 = tpu.vector_load %arg10[%get3A_1063, %get3A_1064, %get3A_1065] {strides = array<i32>} : memref<2x80x128xbf16, #tpu.memory_space<vmem>>, vector<32xbf16>,
        %mul3A_1067 = arith.mulf %get3A_1061, %get3A_1066 : vector<32xbf16>
        %add3A_1068 = arith.addf %mul3A_1034, %mul3A_1045 : vector<32xbf16>
        %add3A_1069 = arith.addf %mul3A_1056, %mul3A_1067 : vector<32xbf16>
        %add3A_1070 = arith.addf %add3A_1068, %add3A_1069 : vector<32xbf16>
        %unpack3A_1071 = tpu.unpack_subelements %add3A_1070, 0 {pack_format = #tpu.pack_format<interleaved>} : vector<32xbf16> -> vector<16xf32>
        %unpack3A_1072 = tpu.unpack_subelements %add3A_1070, 1 {pack_format = #tpu.pack_format<interleaved>} : vector<32xbf16> -> vector<16xf32>
        %eq3A_1073 = arith.constant 14 : i32
        %eq3A_1074 = vector.broadcast %eq3A_1073 : i32 to vector<16xi32>
        %eq3A_1075 = arith.cmpi eq, %iota3A, %eq3A_1074 : vector<16xi32>
        %add3A_1076 = arith.addf %unpack3A_1071, %unpack3A_1072 : vector<16xf32>
        %reduce_sum3A_1077 = arith.constant true
        %reduce_sum3A_1078 = vector.broadcast %reduce_sum3A_1077 : i1 to vector<16xi1>
        %reduce_sum3A_1079 = tpu.scan <sum>, %add3A_1076 masked %reduce_sum3A_1078 : vector<16xf32>, vector<16xi1> -> vector<16xf32>
        %reduce_sum3A_1080 = vector.extract %reduce_sum3A_1079[15] : f32 from vector<16xf32>
        %broadcast_in_dim3A_1081 = vector.broadcast %reduce_sum3A_1080 : f32 to vector<16xf32>
        %select_n3A_1082 = arith.select %eq3A_1075, %broadcast_in_dim3A_1081, %select_n3A_1021 : vector<16xi1>, vector<16xf32>
        %add3A_1083 = arith.constant 15 : i32
        %add3A_1084 = arith.addi %mul3A_171, %add3A_1083 : i32
        %get3A_1085 = arith.constant 1 : i32
        %get3A_1086 = arith.index_cast %get3A_1085 : i32 to index
        %get3A_1087 = arith.index_cast %add3A_1084 : i32 to index
        %get3A_1088 = arith.constant 0 : index
        %get3A_1089 = tpu.vector_load %arg9[%get3A_1086, %get3A_1087, %get3A_1088] {strides = array<i32>} : memref<2x80x128xbf16, #tpu.memory_space<vmem>>, vector<32xbf16>,
        %get3A_1090 = arith.constant 1 : i32
        %get3A_1091 = arith.index_cast %get3A_1090 : i32 to index
        %get3A_1092 = arith.index_cast %add3A_1084 : i32 to index
        %get3A_1093 = arith.constant 0 : index
        %get3A_1094 = tpu.vector_load %arg10[%get3A_1091, %get3A_1092, %get3A_1093] {strides = array<i32>} : memref<2x80x128xbf16, #tpu.memory_space<vmem>>, vector<32xbf16>,
        %mul3A_1095 = arith.mulf %get3A_1089, %get3A_1094 : vector<32xbf16>
        %get3A_1096 = arith.constant 1 : i32
        %get3A_1097 = arith.index_cast %get3A_1096 : i32 to index
        %get3A_1098 = arith.index_cast %add3A_1084 : i32 to index
        %get3A_1099 = arith.constant 32 : index
        %get3A_1100 = tpu.vector_load %arg9[%get3A_1097, %get3A_1098, %get3A_1099] {strides = array<i32>} : memref<2x80x128xbf16, #tpu.memory_space<vmem>>, vector<32xbf16>,
        %get3A_1101 = arith.constant 1 : i32
        %get3A_1102 = arith.index_cast %get3A_1101 : i32 to index
        %get3A_1103 = arith.index_cast %add3A_1084 : i32 to index
        %get3A_1104 = arith.constant 32 : index
        %get3A_1105 = tpu.vector_load %arg10[%get3A_1102, %get3A_1103, %get3A_1104] {strides = array<i32>} : memref<2x80x128xbf16, #tpu.memory_space<vmem>>, vector<32xbf16>,
        %mul3A_1106 = arith.mulf %get3A_1100, %get3A_1105 : vector<32xbf16>
        %get3A_1107 = arith.constant 1 : i32
        %get3A_1108 = arith.index_cast %get3A_1107 : i32 to index
        %get3A_1109 = arith.index_cast %add3A_1084 : i32 to index
        %get3A_1110 = arith.constant 64 : index
        %get3A_1111 = tpu.vector_load %arg9[%get3A_1108, %get3A_1109, %get3A_1110] {strides = array<i32>} : memref<2x80x128xbf16, #tpu.memory_space<vmem>>, vector<32xbf16>,
        %get3A_1112 = arith.constant 1 : i32
        %get3A_1113 = arith.index_cast %get3A_1112 : i32 to index
        %get3A_1114 = arith.index_cast %add3A_1084 : i32 to index
        %get3A_1115 = arith.constant 64 : index
        %get3A_1116 = tpu.vector_load %arg10[%get3A_1113, %get3A_1114, %get3A_1115] {strides = array<i32>} : memref<2x80x128xbf16, #tpu.memory_space<vmem>>, vector<32xbf16>,
        %mul3A_1117 = arith.mulf %get3A_1111, %get3A_1116 : vector<32xbf16>
        %get3A_1118 = arith.constant 1 : i32
        %get3A_1119 = arith.index_cast %get3A_1118 : i32 to index
        %get3A_1120 = arith.index_cast %add3A_1084 : i32 to index
        %get3A_1121 = arith.constant 96 : index
        %get3A_1122 = tpu.vector_load %arg9[%get3A_1119, %get3A_1120, %get3A_1121] {strides = array<i32>} : memref<2x80x128xbf16, #tpu.memory_space<vmem>>, vector<32xbf16>,
        %get3A_1123 = arith.constant 1 : i32
        %get3A_1124 = arith.index_cast %get3A_1123 : i32 to index
        %get3A_1125 = arith.index_cast %add3A_1084 : i32 to index
        %get3A_1126 = arith.constant 96 : index
        %get3A_1127 = tpu.vector_load %arg10[%get3A_1124, %get3A_1125, %get3A_1126] {strides = array<i32>} : memref<2x80x128xbf16, #tpu.memory_space<vmem>>, vector<32xbf16>,
        %mul3A_1128 = arith.mulf %get3A_1122, %get3A_1127 : vector<32xbf16>
        %add3A_1129 = arith.addf %mul3A_1095, %mul3A_1106 : vector<32xbf16>
        %add3A_1130 = arith.addf %mul3A_1117, %mul3A_1128 : vector<32xbf16>
        %add3A_1131 = arith.addf %add3A_1129, %add3A_1130 : vector<32xbf16>
        %unpack3A_1132 = tpu.unpack_subelements %add3A_1131, 0 {pack_format = #tpu.pack_format<interleaved>} : vector<32xbf16> -> vector<16xf32>
        %unpack3A_1133 = tpu.unpack_subelements %add3A_1131, 1 {pack_format = #tpu.pack_format<interleaved>} : vector<32xbf16> -> vector<16xf32>
        %eq3A_1134 = arith.constant 15 : i32
        %eq3A_1135 = vector.broadcast %eq3A_1134 : i32 to vector<16xi32>
        %eq3A_1136 = arith.cmpi eq, %iota3A, %eq3A_1135 : vector<16xi32>
        %add3A_1137 = arith.addf %unpack3A_1132, %unpack3A_1133 : vector<16xf32>
        %reduce_sum3A_1138 = arith.constant true
        %reduce_sum3A_1139 = vector.broadcast %reduce_sum3A_1138 : i1 to vector<16xi1>
        %reduce_sum3A_1140 = tpu.scan <sum>, %add3A_1137 masked %reduce_sum3A_1139 : vector<16xf32>, vector<16xi1> -> vector<16xf32>
        %reduce_sum3A_1141 = vector.extract %reduce_sum3A_1140[15] : f32 from vector<16xf32>
        %broadcast_in_dim3A_1142 = vector.broadcast %reduce_sum3A_1141 : f32 to vector<16xf32>
        %select_n3A_1143 = arith.select %eq3A_1136, %broadcast_in_dim3A_1142, %select_n3A_1082 : vector<16xi1>, vector<16xf32>
        %add3A_1144 = arith.addi %mul3A_162, %mul3A_171 : i32
        %swap3A = arith.index_cast %add3A_1144 : i32 to index
        %swap3A_1145 = tpu.vector_load %arg11[%swap3A] {strides = array<i32>} : memref<10000xf32, #tpu.memory_space<vmem>>, vector<16xf32>,
        tpu.vector_store %arg11[%swap3A], %select_n3A_1143 {strides = array<i32>} : memref<10000xf32, #tpu.memory_space<vmem>>, vector<16xf32>,
      }
      %scan3A_168 = arith.constant 5 : i32
    }
    %scan3A_53 = arith.constant 62 : i32
    %dma_wait3A = arith.constant 0 : i32
    %dma_wait3A_54 = arith.constant 0 : i32
    %dma_wait3A_55 = arith.constant 0 : i32
    %dma_wait3A_56 = arith.constant 0 : i32
    %dma_wait3A_57 = tpu.memref_slice %arg9[%dma_wait3A_54, %dma_wait3A_55, %dma_wait3A_56] : memref<2x80x128xbf16, #tpu.memory_space<vmem>> -> memref<1x80x128xbf16, #tpu.memory_space<vmem>>
    %dma_wait3A_58 = tpu.memref_squeeze %dma_wait3A_57 : memref<1x80x128xbf16, #tpu.memory_space<vmem>> -> memref<80x128xbf16, #tpu.memory_space<vmem>>
    %dma_wait3A_59 = arith.constant 0 : i32
    %dma_wait3A_60 = tpu.memref_slice %arg7[%dma_wait3A, %dma_wait3A_59] : memref<2x80xi32, #tpu.memory_space<vmem>> -> memref<1x80xi32, #tpu.memory_space<vmem>>
    %dma_wait3A_61 = tpu.memref_squeeze %dma_wait3A_60 : memref<1x80xi32, #tpu.memory_space<vmem>> -> memref<80xi32, #tpu.memory_space<vmem>>
    %dma_wait3A_62 = arith.constant 0 : i32
    %dma_wait3A_63 = arith.constant 0 : i32
    %dma_wait3A_64 = tpu.memref_slice %arg12[%dma_wait3A_62, %dma_wait3A_63] : memref<10000x128xbf16, #tpu.memory_space<vmem_shared>> -> memref<10000x128xbf16, #tpu.memory_space<vmem_shared>>
    tpu.wait_indirect_dma semaphore(%arg15 : memref<!tpu.dma_semaphore, #tpu.memory_space<semaphore_mem>>) src(%dma_wait3A_64 : memref<10000x128xbf16, #tpu.memory_space<vmem_shared>>) dst(%dma_wait3A_58 : memref<80x128xbf16, #tpu.memory_space<vmem>>)
    %dma_wait3A_65 = arith.constant 0 : i32
    %dma_wait3A_66 = arith.constant 0 : i32
    %dma_wait3A_67 = arith.constant 0 : i32
    %dma_wait3A_68 = arith.constant 0 : i32
    %dma_wait3A_69 = tpu.memref_slice %arg10[%dma_wait3A_66, %dma_wait3A_67, %dma_wait3A_68] : memref<2x80x128xbf16, #tpu.memory_space<vmem>> -> memref<1x80x128xbf16, #tpu.memory_space<vmem>>
    %dma_wait3A_70 = tpu.memref_squeeze %dma_wait3A_69 : memref<1x80x128xbf16, #tpu.memory_space<vmem>> -> memref<80x128xbf16, #tpu.memory_space<vmem>>
    %dma_wait3A_71 = arith.constant 0 : i32
    %dma_wait3A_72 = tpu.memref_slice %arg8[%dma_wait3A_65, %dma_wait3A_71] : memref<2x80xi32, #tpu.memory_space<vmem>> -> memref<1x80xi32, #tpu.memory_space<vmem>>
    %dma_wait3A_73 = tpu.memref_squeeze %dma_wait3A_72 : memref<1x80xi32, #tpu.memory_space<vmem>> -> memref<80xi32, #tpu.memory_space<vmem>>
    %dma_wait3A_74 = arith.constant 0 : i32
    %dma_wait3A_75 = arith.constant 0 : i32
    %dma_wait3A_76 = tpu.memref_slice %arg13[%dma_wait3A_74, %dma_wait3A_75] : memref<10000x128xbf16, #tpu.memory_space<vmem_shared>> -> memref<10000x128xbf16, #tpu.memory_space<vmem_shared>>
    tpu.wait_indirect_dma semaphore(%arg15 : memref<!tpu.dma_semaphore, #tpu.memory_space<semaphore_mem>>) src(%dma_wait3A_76 : memref<10000x128xbf16, #tpu.memory_space<vmem_shared>>) dst(%dma_wait3A_70 : memref<80x128xbf16, #tpu.memory_space<vmem>>)
    %scan3A_77 = arith.constant 0 : i32
    %scan3A_78 = arith.constant 0 : i32
    %scan3A_79 = arith.constant 5 : i32
    %scan3A_80 = arith.addi %scan3A_78, %scan3A_79 : i32
    %scan3A_81 = arith.constant 1 : i32
    scf.for %scan3A_83 = %scan3A_78 to %scan3A_80 step %scan3A_81  : i32 {
      %mul3A_84 = arith.constant 16 : i32
      %mul3A_85 = arith.muli %scan3A_83, %mul3A_84 : i32
      %broadcast_in_dim3A = arith.constant 0.000000e+00 : f32
      %broadcast_in_dim3A_86 = vector.broadcast %broadcast_in_dim3A : f32 to vector<16xf32>
      %add3A_87 = arith.constant 0 : i32
      %add3A_88 = arith.addi %mul3A_85, %add3A_87 : i32
      %get3A = arith.constant 0 : i32
      %get3A_89 = arith.index_cast %get3A : i32 to index
      %get3A_90 = arith.index_cast %add3A_88 : i32 to index
      %get3A_91 = arith.constant 0 : index
      %get3A_92 = tpu.vector_load %arg9[%get3A_89, %get3A_90, %get3A_91] {strides = array<i32>} : memref<2x80x128xbf16, #tpu.memory_space<vmem>>, vector<32xbf16>,
      %get3A_93 = arith.constant 0 : i32
      %get3A_94 = arith.index_cast %get3A_93 : i32 to index
      %get3A_95 = arith.index_cast %add3A_88 : i32 to index
      %get3A_96 = arith.constant 0 : index
      %get3A_97 = tpu.vector_load %arg10[%get3A_94, %get3A_95, %get3A_96] {strides = array<i32>} : memref<2x80x128xbf16, #tpu.memory_space<vmem>>, vector<32xbf16>,
      %mul3A_98 = arith.mulf %get3A_92, %get3A_97 : vector<32xbf16>
      %get3A_99 = arith.constant 0 : i32
      %get3A_100 = arith.index_cast %get3A_99 : i32 to index
      %get3A_101 = arith.index_cast %add3A_88 : i32 to index
      %get3A_102 = arith.constant 32 : index
      %get3A_103 = tpu.vector_load %arg9[%get3A_100, %get3A_101, %get3A_102] {strides = array<i32>} : memref<2x80x128xbf16, #tpu.memory_space<vmem>>, vector<32xbf16>,
      %get3A_104 = arith.constant 0 : i32
      %get3A_105 = arith.index_cast %get3A_104 : i32 to index
      %get3A_106 = arith.index_cast %add3A_88 : i32 to index
      %get3A_107 = arith.constant 32 : index
      %get3A_108 = tpu.vector_load %arg10[%get3A_105, %get3A_106, %get3A_107] {strides = array<i32>} : memref<2x80x128xbf16, #tpu.memory_space<vmem>>, vector<32xbf16>,
      %mul3A_109 = arith.mulf %get3A_103, %get3A_108 : vector<32xbf16>
      %get3A_110 = arith.constant 0 : i32
      %get3A_111 = arith.index_cast %get3A_110 : i32 to index
      %get3A_112 = arith.index_cast %add3A_88 : i32 to index
      %get3A_113 = arith.constant 64 : index
      %get3A_114 = tpu.vector_load %arg9[%get3A_111, %get3A_112, %get3A_113] {strides = array<i32>} : memref<2x80x128xbf16, #tpu.memory_space<vmem>>, vector<32xbf16>,
      %get3A_115 = arith.constant 0 : i32
      %get3A_116 = arith.index_cast %get3A_115 : i32 to index
      %get3A_117 = arith.index_cast %add3A_88 : i32 to index
      %get3A_118 = arith.constant 64 : index
      %get3A_119 = tpu.vector_load %arg10[%get3A_116, %get3A_117, %get3A_118] {strides = array<i32>} : memref<2x80x128xbf16, #tpu.memory_space<vmem>>, vector<32xbf16>,
      %mul3A_120 = arith.mulf %get3A_114, %get3A_119 : vector<32xbf16>
      %get3A_121 = arith.constant 0 : i32
      %get3A_122 = arith.index_cast %get3A_121 : i32 to index
      %get3A_123 = arith.index_cast %add3A_88 : i32 to index
      %get3A_124 = arith.constant 96 : index
      %get3A_125 = tpu.vector_load %arg9[%get3A_122, %get3A_123, %get3A_124] {strides = array<i32>} : memref<2x80x128xbf16, #tpu.memory_space<vmem>>, vector<32xbf16>,
      %get3A_126 = arith.constant 0 : i32
      %get3A_127 = arith.index_cast %get3A_126 : i32 to index
      %get3A_128 = arith.index_cast %add3A_88 : i32 to index
      %get3A_129 = arith.constant 96 : index
      %get3A_130 = tpu.vector_load %arg10[%get3A_127, %get3A_128, %get3A_129] {strides = array<i32>} : memref<2x80x128xbf16, #tpu.memory_space<vmem>>, vector<32xbf16>,
      %mul3A_131 = arith.mulf %get3A_125, %get3A_130 : vector<32xbf16>
      %add3A_132 = arith.addf %mul3A_98, %mul3A_109 : vector<32xbf16>
      %add3A_133 = arith.addf %mul3A_120, %mul3A_131 : vector<32xbf16>
      %add3A_134 = arith.addf %add3A_132, %add3A_133 : vector<32xbf16>
      %unpack3A = tpu.unpack_subelements %add3A_134, 0 {pack_format = #tpu.pack_format<interleaved>} : vector<32xbf16> -> vector<16xf32>
      %unpack3A_135 = tpu.unpack_subelements %add3A_134, 1 {pack_format = #tpu.pack_format<interleaved>} : vector<32xbf16> -> vector<16xf32>
      %eq3A = arith.constant 0 : i32
      %eq3A_136 = vector.broadcast %eq3A : i32 to vector<16xi32>
      %eq3A_137 = arith.cmpi eq, %iota3A, %eq3A_136 : vector<16xi32>
      %add3A_138 = arith.addf %unpack3A, %unpack3A_135 : vector<16xf32>
      %reduce_sum3A = arith.constant true
      %reduce_sum3A_139 = vector.broadcast %reduce_sum3A : i1 to vector<16xi1>
      %reduce_sum3A_140 = tpu.scan <sum>, %add3A_138 masked %reduce_sum3A_139 : vector<16xf32>, vector<16xi1> -> vector<16xf32>
      %reduce_sum3A_141 = vector.extract %reduce_sum3A_140[15] : f32 from vector<16xf32>
      %broadcast_in_dim3A_142 = vector.broadcast %reduce_sum3A_141 : f32 to vector<16xf32>
      %select_n3A = arith.select %eq3A_137, %broadcast_in_dim3A_142, %broadcast_in_dim3A_86 : vector<16xi1>, vector<16xf32>
      %add3A_143 = arith.constant 1 : i32
      %add3A_144 = arith.addi %mul3A_85, %add3A_143 : i32
      %get3A_145 = arith.constant 0 : i32
      %get3A_146 = arith.index_cast %get3A_145 : i32 to index
      %get3A_147 = arith.index_cast %add3A_144 : i32 to index
      %get3A_148 = arith.constant 0 : index
      %get3A_149 = tpu.vector_load %arg9[%get3A_146, %get3A_147, %get3A_148] {strides = array<i32>} : memref<2x80x128xbf16, #tpu.memory_space<vmem>>, vector<32xbf16>,
      %get3A_150 = arith.constant 0 : i32
      %get3A_151 = arith.index_cast %get3A_150 : i32 to index
      %get3A_152 = arith.index_cast %add3A_144 : i32 to index
      %get3A_153 = arith.constant 0 : index
      %get3A_154 = tpu.vector_load %arg10[%get3A_151, %get3A_152, %get3A_153] {strides = array<i32>} : memref<2x80x128xbf16, #tpu.memory_space<vmem>>, vector<32xbf16>,
      %mul3A_155 = arith.mulf %get3A_149, %get3A_154 : vector<32xbf16>
      %get3A_156 = arith.constant 0 : i32
      %get3A_157 = arith.index_cast %get3A_156 : i32 to index
      %get3A_158 = arith.index_cast %add3A_144 : i32 to index
      %get3A_159 = arith.constant 32 : index
      %get3A_160 = tpu.vector_load %arg9[%get3A_157, %get3A_158, %get3A_159] {strides = array<i32>} : memref<2x80x128xbf16, #tpu.memory_space<vmem>>, vector<32xbf16>,
      %get3A_161 = arith.constant 0 : i32
      %get3A_162 = arith.index_cast %get3A_161 : i32 to index
      %get3A_163 = arith.index_cast %add3A_144 : i32 to index
      %get3A_164 = arith.constant 32 : index
      %get3A_165 = tpu.vector_load %arg10[%get3A_162, %get3A_163, %get3A_164] {strides = array<i32>} : memref<2x80x128xbf16, #tpu.memory_space<vmem>>, vector<32xbf16>,
      %mul3A_166 = arith.mulf %get3A_160, %get3A_165 : vector<32xbf16>
      %get3A_167 = arith.constant 0 : i32
      %get3A_168 = arith.index_cast %get3A_167 : i32 to index
      %get3A_169 = arith.index_cast %add3A_144 : i32 to index
      %get3A_170 = arith.constant 64 : index
      %get3A_171 = tpu.vector_load %arg9[%get3A_168, %get3A_169, %get3A_170] {strides = array<i32>} : memref<2x80x128xbf16, #tpu.memory_space<vmem>>, vector<32xbf16>,
      %get3A_172 = arith.constant 0 : i32
      %get3A_173 = arith.index_cast %get3A_172 : i32 to index
      %get3A_174 = arith.index_cast %add3A_144 : i32 to index
      %get3A_175 = arith.constant 64 : index
      %get3A_176 = tpu.vector_load %arg10[%get3A_173, %get3A_174, %get3A_175] {strides = array<i32>} : memref<2x80x128xbf16, #tpu.memory_space<vmem>>, vector<32xbf16>,
      %mul3A_177 = arith.mulf %get3A_171, %get3A_176 : vector<32xbf16>
      %get3A_178 = arith.constant 0 : i32
      %get3A_179 = arith.index_cast %get3A_178 : i32 to index
      %get3A_180 = arith.index_cast %add3A_144 : i32 to index
      %get3A_181 = arith.constant 96 : index
      %get3A_182 = tpu.vector_load %arg9[%get3A_179, %get3A_180, %get3A_181] {strides = array<i32>} : memref<2x80x128xbf16, #tpu.memory_space<vmem>>, vector<32xbf16>,
      %get3A_183 = arith.constant 0 : i32
      %get3A_184 = arith.index_cast %get3A_183 : i32 to index
      %get3A_185 = arith.index_cast %add3A_144 : i32 to index
      %get3A_186 = arith.constant 96 : index
      %get3A_187 = tpu.vector_load %arg10[%get3A_184, %get3A_185, %get3A_186] {strides = array<i32>} : memref<2x80x128xbf16, #tpu.memory_space<vmem>>, vector<32xbf16>,
      %mul3A_188 = arith.mulf %get3A_182, %get3A_187 : vector<32xbf16>
      %add3A_189 = arith.addf %mul3A_155, %mul3A_166 : vector<32xbf16>
      %add3A_190 = arith.addf %mul3A_177, %mul3A_188 : vector<32xbf16>
      %add3A_191 = arith.addf %add3A_189, %add3A_190 : vector<32xbf16>
      %unpack3A_192 = tpu.unpack_subelements %add3A_191, 0 {pack_format = #tpu.pack_format<interleaved>} : vector<32xbf16> -> vector<16xf32>
      %unpack3A_193 = tpu.unpack_subelements %add3A_191, 1 {pack_format = #tpu.pack_format<interleaved>} : vector<32xbf16> -> vector<16xf32>
      %eq3A_194 = arith.constant 1 : i32
      %eq3A_195 = vector.broadcast %eq3A_194 : i32 to vector<16xi32>
      %eq3A_196 = arith.cmpi eq, %iota3A, %eq3A_195 : vector<16xi32>
      %add3A_197 = arith.addf %unpack3A_192, %unpack3A_193 : vector<16xf32>
      %reduce_sum3A_198 = arith.constant true
      %reduce_sum3A_199 = vector.broadcast %reduce_sum3A_198 : i1 to vector<16xi1>
      %reduce_sum3A_200 = tpu.scan <sum>, %add3A_197 masked %reduce_sum3A_199 : vector<16xf32>, vector<16xi1> -> vector<16xf32>
      %reduce_sum3A_201 = vector.extract %reduce_sum3A_200[15] : f32 from vector<16xf32>
      %broadcast_in_dim3A_202 = vector.broadcast %reduce_sum3A_201 : f32 to vector<16xf32>
      %select_n3A_203 = arith.select %eq3A_196, %broadcast_in_dim3A_202, %select_n3A : vector<16xi1>, vector<16xf32>
      %add3A_204 = arith.constant 2 : i32
      %add3A_205 = arith.addi %mul3A_85, %add3A_204 : i32
      %get3A_206 = arith.constant 0 : i32
      %get3A_207 = arith.index_cast %get3A_206 : i32 to index
      %get3A_208 = arith.index_cast %add3A_205 : i32 to index
      %get3A_209 = arith.constant 0 : index
      %get3A_210 = tpu.vector_load %arg9[%get3A_207, %get3A_208, %get3A_209] {strides = array<i32>} : memref<2x80x128xbf16, #tpu.memory_space<vmem>>, vector<32xbf16>,
      %get3A_211 = arith.constant 0 : i32
      %get3A_212 = arith.index_cast %get3A_211 : i32 to index
      %get3A_213 = arith.index_cast %add3A_205 : i32 to index
      %get3A_214 = arith.constant 0 : index
      %get3A_215 = tpu.vector_load %arg10[%get3A_212, %get3A_213, %get3A_214] {strides = array<i32>} : memref<2x80x128xbf16, #tpu.memory_space<vmem>>, vector<32xbf16>,
      %mul3A_216 = arith.mulf %get3A_210, %get3A_215 : vector<32xbf16>
      %get3A_217 = arith.constant 0 : i32
      %get3A_218 = arith.index_cast %get3A_217 : i32 to index
      %get3A_219 = arith.index_cast %add3A_205 : i32 to index
      %get3A_220 = arith.constant 32 : index
      %get3A_221 = tpu.vector_load %arg9[%get3A_218, %get3A_219, %get3A_220] {strides = array<i32>} : memref<2x80x128xbf16, #tpu.memory_space<vmem>>, vector<32xbf16>,
      %get3A_222 = arith.constant 0 : i32
      %get3A_223 = arith.index_cast %get3A_222 : i32 to index
      %get3A_224 = arith.index_cast %add3A_205 : i32 to index
      %get3A_225 = arith.constant 32 : index
      %get3A_226 = tpu.vector_load %arg10[%get3A_223, %get3A_224, %get3A_225] {strides = array<i32>} : memref<2x80x128xbf16, #tpu.memory_space<vmem>>, vector<32xbf16>,
      %mul3A_227 = arith.mulf %get3A_221, %get3A_226 : vector<32xbf16>
      %get3A_228 = arith.constant 0 : i32
      %get3A_229 = arith.index_cast %get3A_228 : i32 to index
      %get3A_230 = arith.index_cast %add3A_205 : i32 to index
      %get3A_231 = arith.constant 64 : index
      %get3A_232 = tpu.vector_load %arg9[%get3A_229, %get3A_230, %get3A_231] {strides = array<i32>} : memref<2x80x128xbf16, #tpu.memory_space<vmem>>, vector<32xbf16>,
      %get3A_233 = arith.constant 0 : i32
      %get3A_234 = arith.index_cast %get3A_233 : i32 to index
      %get3A_235 = arith.index_cast %add3A_205 : i32 to index
      %get3A_236 = arith.constant 64 : index
      %get3A_237 = tpu.vector_load %arg10[%get3A_234, %get3A_235, %get3A_236] {strides = array<i32>} : memref<2x80x128xbf16, #tpu.memory_space<vmem>>, vector<32xbf16>,
      %mul3A_238 = arith.mulf %get3A_232, %get3A_237 : vector<32xbf16>
      %get3A_239 = arith.constant 0 : i32
      %get3A_240 = arith.index_cast %get3A_239 : i32 to index
      %get3A_241 = arith.index_cast %add3A_205 : i32 to index
      %get3A_242 = arith.constant 96 : index
      %get3A_243 = tpu.vector_load %arg9[%get3A_240, %get3A_241, %get3A_242] {strides = array<i32>} : memref<2x80x128xbf16, #tpu.memory_space<vmem>>, vector<32xbf16>,
      %get3A_244 = arith.constant 0 : i32
      %get3A_245 = arith.index_cast %get3A_244 : i32 to index
      %get3A_246 = arith.index_cast %add3A_205 : i32 to index
      %get3A_247 = arith.constant 96 : index
      %get3A_248 = tpu.vector_load %arg10[%get3A_245, %get3A_246, %get3A_247] {strides = array<i32>} : memref<2x80x128xbf16, #tpu.memory_space<vmem>>, vector<32xbf16>,
      %mul3A_249 = arith.mulf %get3A_243, %get3A_248 : vector<32xbf16>
      %add3A_250 = arith.addf %mul3A_216, %mul3A_227 : vector<32xbf16>
      %add3A_251 = arith.addf %mul3A_238, %mul3A_249 : vector<32xbf16>
      %add3A_252 = arith.addf %add3A_250, %add3A_251 : vector<32xbf16>
      %unpack3A_253 = tpu.unpack_subelements %add3A_252, 0 {pack_format = #tpu.pack_format<interleaved>} : vector<32xbf16> -> vector<16xf32>
      %unpack3A_254 = tpu.unpack_subelements %add3A_252, 1 {pack_format = #tpu.pack_format<interleaved>} : vector<32xbf16> -> vector<16xf32>
      %eq3A_255 = arith.constant 2 : i32
      %eq3A_256 = vector.broadcast %eq3A_255 : i32 to vector<16xi32>
      %eq3A_257 = arith.cmpi eq, %iota3A, %eq3A_256 : vector<16xi32>
      %add3A_258 = arith.addf %unpack3A_253, %unpack3A_254 : vector<16xf32>
      %reduce_sum3A_259 = arith.constant true
      %reduce_sum3A_260 = vector.broadcast %reduce_sum3A_259 : i1 to vector<16xi1>
      %reduce_sum3A_261 = tpu.scan <sum>, %add3A_258 masked %reduce_sum3A_260 : vector<16xf32>, vector<16xi1> -> vector<16xf32>
      %reduce_sum3A_262 = vector.extract %reduce_sum3A_261[15] : f32 from vector<16xf32>
      %broadcast_in_dim3A_263 = vector.broadcast %reduce_sum3A_262 : f32 to vector<16xf32>
      %select_n3A_264 = arith.select %eq3A_257, %broadcast_in_dim3A_263, %select_n3A_203 : vector<16xi1>, vector<16xf32>
      %add3A_265 = arith.constant 3 : i32
      %add3A_266 = arith.addi %mul3A_85, %add3A_265 : i32
      %get3A_267 = arith.constant 0 : i32
      %get3A_268 = arith.index_cast %get3A_267 : i32 to index
      %get3A_269 = arith.index_cast %add3A_266 : i32 to index
      %get3A_270 = arith.constant 0 : index
      %get3A_271 = tpu.vector_load %arg9[%get3A_268, %get3A_269, %get3A_270] {strides = array<i32>} : memref<2x80x128xbf16, #tpu.memory_space<vmem>>, vector<32xbf16>,
      %get3A_272 = arith.constant 0 : i32
      %get3A_273 = arith.index_cast %get3A_272 : i32 to index
      %get3A_274 = arith.index_cast %add3A_266 : i32 to index
      %get3A_275 = arith.constant 0 : index
      %get3A_276 = tpu.vector_load %arg10[%get3A_273, %get3A_274, %get3A_275] {strides = array<i32>} : memref<2x80x128xbf16, #tpu.memory_space<vmem>>, vector<32xbf16>,
      %mul3A_277 = arith.mulf %get3A_271, %get3A_276 : vector<32xbf16>
      %get3A_278 = arith.constant 0 : i32
      %get3A_279 = arith.index_cast %get3A_278 : i32 to index
      %get3A_280 = arith.index_cast %add3A_266 : i32 to index
      %get3A_281 = arith.constant 32 : index
      %get3A_282 = tpu.vector_load %arg9[%get3A_279, %get3A_280, %get3A_281] {strides = array<i32>} : memref<2x80x128xbf16, #tpu.memory_space<vmem>>, vector<32xbf16>,
      %get3A_283 = arith.constant 0 : i32
      %get3A_284 = arith.index_cast %get3A_283 : i32 to index
      %get3A_285 = arith.index_cast %add3A_266 : i32 to index
      %get3A_286 = arith.constant 32 : index
      %get3A_287 = tpu.vector_load %arg10[%get3A_284, %get3A_285, %get3A_286] {strides = array<i32>} : memref<2x80x128xbf16, #tpu.memory_space<vmem>>, vector<32xbf16>,
      %mul3A_288 = arith.mulf %get3A_282, %get3A_287 : vector<32xbf16>
      %get3A_289 = arith.constant 0 : i32
      %get3A_290 = arith.index_cast %get3A_289 : i32 to index
      %get3A_291 = arith.index_cast %add3A_266 : i32 to index
      %get3A_292 = arith.constant 64 : index
      %get3A_293 = tpu.vector_load %arg9[%get3A_290, %get3A_291, %get3A_292] {strides = array<i32>} : memref<2x80x128xbf16, #tpu.memory_space<vmem>>, vector<32xbf16>,
      %get3A_294 = arith.constant 0 : i32
      %get3A_295 = arith.index_cast %get3A_294 : i32 to index
      %get3A_296 = arith.index_cast %add3A_266 : i32 to index
      %get3A_297 = arith.constant 64 : index
      %get3A_298 = tpu.vector_load %arg10[%get3A_295, %get3A_296, %get3A_297] {strides = array<i32>} : memref<2x80x128xbf16, #tpu.memory_space<vmem>>, vector<32xbf16>,
      %mul3A_299 = arith.mulf %get3A_293, %get3A_298 : vector<32xbf16>
      %get3A_300 = arith.constant 0 : i32
      %get3A_301 = arith.index_cast %get3A_300 : i32 to index
      %get3A_302 = arith.index_cast %add3A_266 : i32 to index
      %get3A_303 = arith.constant 96 : index
      %get3A_304 = tpu.vector_load %arg9[%get3A_301, %get3A_302, %get3A_303] {strides = array<i32>} : memref<2x80x128xbf16, #tpu.memory_space<vmem>>, vector<32xbf16>,
      %get3A_305 = arith.constant 0 : i32
      %get3A_306 = arith.index_cast %get3A_305 : i32 to index
      %get3A_307 = arith.index_cast %add3A_266 : i32 to index
      %get3A_308 = arith.constant 96 : index
      %get3A_309 = tpu.vector_load %arg10[%get3A_306, %get3A_307, %get3A_308] {strides = array<i32>} : memref<2x80x128xbf16, #tpu.memory_space<vmem>>, vector<32xbf16>,
      %mul3A_310 = arith.mulf %get3A_304, %get3A_309 : vector<32xbf16>
      %add3A_311 = arith.addf %mul3A_277, %mul3A_288 : vector<32xbf16>
      %add3A_312 = arith.addf %mul3A_299, %mul3A_310 : vector<32xbf16>
      %add3A_313 = arith.addf %add3A_311, %add3A_312 : vector<32xbf16>
      %unpack3A_314 = tpu.unpack_subelements %add3A_313, 0 {pack_format = #tpu.pack_format<interleaved>} : vector<32xbf16> -> vector<16xf32>
      %unpack3A_315 = tpu.unpack_subelements %add3A_313, 1 {pack_format = #tpu.pack_format<interleaved>} : vector<32xbf16> -> vector<16xf32>
      %eq3A_316 = arith.constant 3 : i32
      %eq3A_317 = vector.broadcast %eq3A_316 : i32 to vector<16xi32>
      %eq3A_318 = arith.cmpi eq, %iota3A, %eq3A_317 : vector<16xi32>
      %add3A_319 = arith.addf %unpack3A_314, %unpack3A_315 : vector<16xf32>
      %reduce_sum3A_320 = arith.constant true
      %reduce_sum3A_321 = vector.broadcast %reduce_sum3A_320 : i1 to vector<16xi1>
      %reduce_sum3A_322 = tpu.scan <sum>, %add3A_319 masked %reduce_sum3A_321 : vector<16xf32>, vector<16xi1> -> vector<16xf32>
      %reduce_sum3A_323 = vector.extract %reduce_sum3A_322[15] : f32 from vector<16xf32>
      %broadcast_in_dim3A_324 = vector.broadcast %reduce_sum3A_323 : f32 to vector<16xf32>
      %select_n3A_325 = arith.select %eq3A_318, %broadcast_in_dim3A_324, %select_n3A_264 : vector<16xi1>, vector<16xf32>
      %add3A_326 = arith.constant 4 : i32
      %add3A_327 = arith.addi %mul3A_85, %add3A_326 : i32
      %get3A_328 = arith.constant 0 : i32
      %get3A_329 = arith.index_cast %get3A_328 : i32 to index
      %get3A_330 = arith.index_cast %add3A_327 : i32 to index
      %get3A_331 = arith.constant 0 : index
      %get3A_332 = tpu.vector_load %arg9[%get3A_329, %get3A_330, %get3A_331] {strides = array<i32>} : memref<2x80x128xbf16, #tpu.memory_space<vmem>>, vector<32xbf16>,
      %get3A_333 = arith.constant 0 : i32
      %get3A_334 = arith.index_cast %get3A_333 : i32 to index
      %get3A_335 = arith.index_cast %add3A_327 : i32 to index
      %get3A_336 = arith.constant 0 : index
      %get3A_337 = tpu.vector_load %arg10[%get3A_334, %get3A_335, %get3A_336] {strides = array<i32>} : memref<2x80x128xbf16, #tpu.memory_space<vmem>>, vector<32xbf16>,
      %mul3A_338 = arith.mulf %get3A_332, %get3A_337 : vector<32xbf16>
      %get3A_339 = arith.constant 0 : i32
      %get3A_340 = arith.index_cast %get3A_339 : i32 to index
      %get3A_341 = arith.index_cast %add3A_327 : i32 to index
      %get3A_342 = arith.constant 32 : index
      %get3A_343 = tpu.vector_load %arg9[%get3A_340, %get3A_341, %get3A_342] {strides = array<i32>} : memref<2x80x128xbf16, #tpu.memory_space<vmem>>, vector<32xbf16>,
      %get3A_344 = arith.constant 0 : i32
      %get3A_345 = arith.index_cast %get3A_344 : i32 to index
      %get3A_346 = arith.index_cast %add3A_327 : i32 to index
      %get3A_347 = arith.constant 32 : index
      %get3A_348 = tpu.vector_load %arg10[%get3A_345, %get3A_346, %get3A_347] {strides = array<i32>} : memref<2x80x128xbf16, #tpu.memory_space<vmem>>, vector<32xbf16>,
      %mul3A_349 = arith.mulf %get3A_343, %get3A_348 : vector<32xbf16>
      %get3A_350 = arith.constant 0 : i32
      %get3A_351 = arith.index_cast %get3A_350 : i32 to index
      %get3A_352 = arith.index_cast %add3A_327 : i32 to index
      %get3A_353 = arith.constant 64 : index
      %get3A_354 = tpu.vector_load %arg9[%get3A_351, %get3A_352, %get3A_353] {strides = array<i32>} : memref<2x80x128xbf16, #tpu.memory_space<vmem>>, vector<32xbf16>,
      %get3A_355 = arith.constant 0 : i32
      %get3A_356 = arith.index_cast %get3A_355 : i32 to index
      %get3A_357 = arith.index_cast %add3A_327 : i32 to index
      %get3A_358 = arith.constant 64 : index
      %get3A_359 = tpu.vector_load %arg10[%get3A_356, %get3A_357, %get3A_358] {strides = array<i32>} : memref<2x80x128xbf16, #tpu.memory_space<vmem>>, vector<32xbf16>,
      %mul3A_360 = arith.mulf %get3A_354, %get3A_359 : vector<32xbf16>
      %get3A_361 = arith.constant 0 : i32
      %get3A_362 = arith.index_cast %get3A_361 : i32 to index
      %get3A_363 = arith.index_cast %add3A_327 : i32 to index
      %get3A_364 = arith.constant 96 : index
      %get3A_365 = tpu.vector_load %arg9[%get3A_362, %get3A_363, %get3A_364] {strides = array<i32>} : memref<2x80x128xbf16, #tpu.memory_space<vmem>>, vector<32xbf16>,
      %get3A_366 = arith.constant 0 : i32
      %get3A_367 = arith.index_cast %get3A_366 : i32 to index
      %get3A_368 = arith.index_cast %add3A_327 : i32 to index
      %get3A_369 = arith.constant 96 : index
      %get3A_370 = tpu.vector_load %arg10[%get3A_367, %get3A_368, %get3A_369] {strides = array<i32>} : memref<2x80x128xbf16, #tpu.memory_space<vmem>>, vector<32xbf16>,
      %mul3A_371 = arith.mulf %get3A_365, %get3A_370 : vector<32xbf16>
      %add3A_372 = arith.addf %mul3A_338, %mul3A_349 : vector<32xbf16>
      %add3A_373 = arith.addf %mul3A_360, %mul3A_371 : vector<32xbf16>
      %add3A_374 = arith.addf %add3A_372, %add3A_373 : vector<32xbf16>
      %unpack3A_375 = tpu.unpack_subelements %add3A_374, 0 {pack_format = #tpu.pack_format<interleaved>} : vector<32xbf16> -> vector<16xf32>
      %unpack3A_376 = tpu.unpack_subelements %add3A_374, 1 {pack_format = #tpu.pack_format<interleaved>} : vector<32xbf16> -> vector<16xf32>
      %eq3A_377 = arith.constant 4 : i32
      %eq3A_378 = vector.broadcast %eq3A_377 : i32 to vector<16xi32>
      %eq3A_379 = arith.cmpi eq, %iota3A, %eq3A_378 : vector<16xi32>
      %add3A_380 = arith.addf %unpack3A_375, %unpack3A_376 : vector<16xf32>
      %reduce_sum3A_381 = arith.constant true
      %reduce_sum3A_382 = vector.broadcast %reduce_sum3A_381 : i1 to vector<16xi1>
      %reduce_sum3A_383 = tpu.scan <sum>, %add3A_380 masked %reduce_sum3A_382 : vector<16xf32>, vector<16xi1> -> vector<16xf32>
      %reduce_sum3A_384 = vector.extract %reduce_sum3A_383[15] : f32 from vector<16xf32>
      %broadcast_in_dim3A_385 = vector.broadcast %reduce_sum3A_384 : f32 to vector<16xf32>
      %select_n3A_386 = arith.select %eq3A_379, %broadcast_in_dim3A_385, %select_n3A_325 : vector<16xi1>, vector<16xf32>
      %add3A_387 = arith.constant 5 : i32
      %add3A_388 = arith.addi %mul3A_85, %add3A_387 : i32
      %get3A_389 = arith.constant 0 : i32
      %get3A_390 = arith.index_cast %get3A_389 : i32 to index
      %get3A_391 = arith.index_cast %add3A_388 : i32 to index
      %get3A_392 = arith.constant 0 : index
      %get3A_393 = tpu.vector_load %arg9[%get3A_390, %get3A_391, %get3A_392] {strides = array<i32>} : memref<2x80x128xbf16, #tpu.memory_space<vmem>>, vector<32xbf16>,
      %get3A_394 = arith.constant 0 : i32
      %get3A_395 = arith.index_cast %get3A_394 : i32 to index
      %get3A_396 = arith.index_cast %add3A_388 : i32 to index
      %get3A_397 = arith.constant 0 : index
      %get3A_398 = tpu.vector_load %arg10[%get3A_395, %get3A_396, %get3A_397] {strides = array<i32>} : memref<2x80x128xbf16, #tpu.memory_space<vmem>>, vector<32xbf16>,
      %mul3A_399 = arith.mulf %get3A_393, %get3A_398 : vector<32xbf16>
      %get3A_400 = arith.constant 0 : i32
      %get3A_401 = arith.index_cast %get3A_400 : i32 to index
      %get3A_402 = arith.index_cast %add3A_388 : i32 to index
      %get3A_403 = arith.constant 32 : index
      %get3A_404 = tpu.vector_load %arg9[%get3A_401, %get3A_402, %get3A_403] {strides = array<i32>} : memref<2x80x128xbf16, #tpu.memory_space<vmem>>, vector<32xbf16>,
      %get3A_405 = arith.constant 0 : i32
      %get3A_406 = arith.index_cast %get3A_405 : i32 to index
      %get3A_407 = arith.index_cast %add3A_388 : i32 to index
      %get3A_408 = arith.constant 32 : index
      %get3A_409 = tpu.vector_load %arg10[%get3A_406, %get3A_407, %get3A_408] {strides = array<i32>} : memref<2x80x128xbf16, #tpu.memory_space<vmem>>, vector<32xbf16>,
      %mul3A_410 = arith.mulf %get3A_404, %get3A_409 : vector<32xbf16>
      %get3A_411 = arith.constant 0 : i32
      %get3A_412 = arith.index_cast %get3A_411 : i32 to index
      %get3A_413 = arith.index_cast %add3A_388 : i32 to index
      %get3A_414 = arith.constant 64 : index
      %get3A_415 = tpu.vector_load %arg9[%get3A_412, %get3A_413, %get3A_414] {strides = array<i32>} : memref<2x80x128xbf16, #tpu.memory_space<vmem>>, vector<32xbf16>,
      %get3A_416 = arith.constant 0 : i32
      %get3A_417 = arith.index_cast %get3A_416 : i32 to index
      %get3A_418 = arith.index_cast %add3A_388 : i32 to index
      %get3A_419 = arith.constant 64 : index
      %get3A_420 = tpu.vector_load %arg10[%get3A_417, %get3A_418, %get3A_419] {strides = array<i32>} : memref<2x80x128xbf16, #tpu.memory_space<vmem>>, vector<32xbf16>,
      %mul3A_421 = arith.mulf %get3A_415, %get3A_420 : vector<32xbf16>
      %get3A_422 = arith.constant 0 : i32
      %get3A_423 = arith.index_cast %get3A_422 : i32 to index
      %get3A_424 = arith.index_cast %add3A_388 : i32 to index
      %get3A_425 = arith.constant 96 : index
      %get3A_426 = tpu.vector_load %arg9[%get3A_423, %get3A_424, %get3A_425] {strides = array<i32>} : memref<2x80x128xbf16, #tpu.memory_space<vmem>>, vector<32xbf16>,
      %get3A_427 = arith.constant 0 : i32
      %get3A_428 = arith.index_cast %get3A_427 : i32 to index
      %get3A_429 = arith.index_cast %add3A_388 : i32 to index
      %get3A_430 = arith.constant 96 : index
      %get3A_431 = tpu.vector_load %arg10[%get3A_428, %get3A_429, %get3A_430] {strides = array<i32>} : memref<2x80x128xbf16, #tpu.memory_space<vmem>>, vector<32xbf16>,
      %mul3A_432 = arith.mulf %get3A_426, %get3A_431 : vector<32xbf16>
      %add3A_433 = arith.addf %mul3A_399, %mul3A_410 : vector<32xbf16>
      %add3A_434 = arith.addf %mul3A_421, %mul3A_432 : vector<32xbf16>
      %add3A_435 = arith.addf %add3A_433, %add3A_434 : vector<32xbf16>
      %unpack3A_436 = tpu.unpack_subelements %add3A_435, 0 {pack_format = #tpu.pack_format<interleaved>} : vector<32xbf16> -> vector<16xf32>
      %unpack3A_437 = tpu.unpack_subelements %add3A_435, 1 {pack_format = #tpu.pack_format<interleaved>} : vector<32xbf16> -> vector<16xf32>
      %eq3A_438 = arith.constant 5 : i32
      %eq3A_439 = vector.broadcast %eq3A_438 : i32 to vector<16xi32>
      %eq3A_440 = arith.cmpi eq, %iota3A, %eq3A_439 : vector<16xi32>
      %add3A_441 = arith.addf %unpack3A_436, %unpack3A_437 : vector<16xf32>
      %reduce_sum3A_442 = arith.constant true
      %reduce_sum3A_443 = vector.broadcast %reduce_sum3A_442 : i1 to vector<16xi1>
      %reduce_sum3A_444 = tpu.scan <sum>, %add3A_441 masked %reduce_sum3A_443 : vector<16xf32>, vector<16xi1> -> vector<16xf32>
      %reduce_sum3A_445 = vector.extract %reduce_sum3A_444[15] : f32 from vector<16xf32>
      %broadcast_in_dim3A_446 = vector.broadcast %reduce_sum3A_445 : f32 to vector<16xf32>
      %select_n3A_447 = arith.select %eq3A_440, %broadcast_in_dim3A_446, %select_n3A_386 : vector<16xi1>, vector<16xf32>
      %add3A_448 = arith.constant 6 : i32
      %add3A_449 = arith.addi %mul3A_85, %add3A_448 : i32
      %get3A_450 = arith.constant 0 : i32
      %get3A_451 = arith.index_cast %get3A_450 : i32 to index
      %get3A_452 = arith.index_cast %add3A_449 : i32 to index
      %get3A_453 = arith.constant 0 : index
      %get3A_454 = tpu.vector_load %arg9[%get3A_451, %get3A_452, %get3A_453] {strides = array<i32>} : memref<2x80x128xbf16, #tpu.memory_space<vmem>>, vector<32xbf16>,
      %get3A_455 = arith.constant 0 : i32
      %get3A_456 = arith.index_cast %get3A_455 : i32 to index
      %get3A_457 = arith.index_cast %add3A_449 : i32 to index
      %get3A_458 = arith.constant 0 : index
      %get3A_459 = tpu.vector_load %arg10[%get3A_456, %get3A_457, %get3A_458] {strides = array<i32>} : memref<2x80x128xbf16, #tpu.memory_space<vmem>>, vector<32xbf16>,
      %mul3A_460 = arith.mulf %get3A_454, %get3A_459 : vector<32xbf16>
      %get3A_461 = arith.constant 0 : i32
      %get3A_462 = arith.index_cast %get3A_461 : i32 to index
      %get3A_463 = arith.index_cast %add3A_449 : i32 to index
      %get3A_464 = arith.constant 32 : index
      %get3A_465 = tpu.vector_load %arg9[%get3A_462, %get3A_463, %get3A_464] {strides = array<i32>} : memref<2x80x128xbf16, #tpu.memory_space<vmem>>, vector<32xbf16>,
      %get3A_466 = arith.constant 0 : i32
      %get3A_467 = arith.index_cast %get3A_466 : i32 to index
      %get3A_468 = arith.index_cast %add3A_449 : i32 to index
      %get3A_469 = arith.constant 32 : index
      %get3A_470 = tpu.vector_load %arg10[%get3A_467, %get3A_468, %get3A_469] {strides = array<i32>} : memref<2x80x128xbf16, #tpu.memory_space<vmem>>, vector<32xbf16>,
      %mul3A_471 = arith.mulf %get3A_465, %get3A_470 : vector<32xbf16>
      %get3A_472 = arith.constant 0 : i32
      %get3A_473 = arith.index_cast %get3A_472 : i32 to index
      %get3A_474 = arith.index_cast %add3A_449 : i32 to index
      %get3A_475 = arith.constant 64 : index
      %get3A_476 = tpu.vector_load %arg9[%get3A_473, %get3A_474, %get3A_475] {strides = array<i32>} : memref<2x80x128xbf16, #tpu.memory_space<vmem>>, vector<32xbf16>,
      %get3A_477 = arith.constant 0 : i32
      %get3A_478 = arith.index_cast %get3A_477 : i32 to index
      %get3A_479 = arith.index_cast %add3A_449 : i32 to index
      %get3A_480 = arith.constant 64 : index
      %get3A_481 = tpu.vector_load %arg10[%get3A_478, %get3A_479, %get3A_480] {strides = array<i32>} : memref<2x80x128xbf16, #tpu.memory_space<vmem>>, vector<32xbf16>,
      %mul3A_482 = arith.mulf %get3A_476, %get3A_481 : vector<32xbf16>
      %get3A_483 = arith.constant 0 : i32
      %get3A_484 = arith.index_cast %get3A_483 : i32 to index
      %get3A_485 = arith.index_cast %add3A_449 : i32 to index
      %get3A_486 = arith.constant 96 : index
      %get3A_487 = tpu.vector_load %arg9[%get3A_484, %get3A_485, %get3A_486] {strides = array<i32>} : memref<2x80x128xbf16, #tpu.memory_space<vmem>>, vector<32xbf16>,
      %get3A_488 = arith.constant 0 : i32
      %get3A_489 = arith.index_cast %get3A_488 : i32 to index
      %get3A_490 = arith.index_cast %add3A_449 : i32 to index
      %get3A_491 = arith.constant 96 : index
      %get3A_492 = tpu.vector_load %arg10[%get3A_489, %get3A_490, %get3A_491] {strides = array<i32>} : memref<2x80x128xbf16, #tpu.memory_space<vmem>>, vector<32xbf16>,
      %mul3A_493 = arith.mulf %get3A_487, %get3A_492 : vector<32xbf16>
      %add3A_494 = arith.addf %mul3A_460, %mul3A_471 : vector<32xbf16>
      %add3A_495 = arith.addf %mul3A_482, %mul3A_493 : vector<32xbf16>
      %add3A_496 = arith.addf %add3A_494, %add3A_495 : vector<32xbf16>
      %unpack3A_497 = tpu.unpack_subelements %add3A_496, 0 {pack_format = #tpu.pack_format<interleaved>} : vector<32xbf16> -> vector<16xf32>
      %unpack3A_498 = tpu.unpack_subelements %add3A_496, 1 {pack_format = #tpu.pack_format<interleaved>} : vector<32xbf16> -> vector<16xf32>
      %eq3A_499 = arith.constant 6 : i32
      %eq3A_500 = vector.broadcast %eq3A_499 : i32 to vector<16xi32>
      %eq3A_501 = arith.cmpi eq, %iota3A, %eq3A_500 : vector<16xi32>
      %add3A_502 = arith.addf %unpack3A_497, %unpack3A_498 : vector<16xf32>
      %reduce_sum3A_503 = arith.constant true
      %reduce_sum3A_504 = vector.broadcast %reduce_sum3A_503 : i1 to vector<16xi1>
      %reduce_sum3A_505 = tpu.scan <sum>, %add3A_502 masked %reduce_sum3A_504 : vector<16xf32>, vector<16xi1> -> vector<16xf32>
      %reduce_sum3A_506 = vector.extract %reduce_sum3A_505[15] : f32 from vector<16xf32>
      %broadcast_in_dim3A_507 = vector.broadcast %reduce_sum3A_506 : f32 to vector<16xf32>
      %select_n3A_508 = arith.select %eq3A_501, %broadcast_in_dim3A_507, %select_n3A_447 : vector<16xi1>, vector<16xf32>
      %add3A_509 = arith.constant 7 : i32
      %add3A_510 = arith.addi %mul3A_85, %add3A_509 : i32
      %get3A_511 = arith.constant 0 : i32
      %get3A_512 = arith.index_cast %get3A_511 : i32 to index
      %get3A_513 = arith.index_cast %add3A_510 : i32 to index
      %get3A_514 = arith.constant 0 : index
      %get3A_515 = tpu.vector_load %arg9[%get3A_512, %get3A_513, %get3A_514] {strides = array<i32>} : memref<2x80x128xbf16, #tpu.memory_space<vmem>>, vector<32xbf16>,
      %get3A_516 = arith.constant 0 : i32
      %get3A_517 = arith.index_cast %get3A_516 : i32 to index
      %get3A_518 = arith.index_cast %add3A_510 : i32 to index
      %get3A_519 = arith.constant 0 : index
      %get3A_520 = tpu.vector_load %arg10[%get3A_517, %get3A_518, %get3A_519] {strides = array<i32>} : memref<2x80x128xbf16, #tpu.memory_space<vmem>>, vector<32xbf16>,
      %mul3A_521 = arith.mulf %get3A_515, %get3A_520 : vector<32xbf16>
      %get3A_522 = arith.constant 0 : i32
      %get3A_523 = arith.index_cast %get3A_522 : i32 to index
      %get3A_524 = arith.index_cast %add3A_510 : i32 to index
      %get3A_525 = arith.constant 32 : index
      %get3A_526 = tpu.vector_load %arg9[%get3A_523, %get3A_524, %get3A_525] {strides = array<i32>} : memref<2x80x128xbf16, #tpu.memory_space<vmem>>, vector<32xbf16>,
      %get3A_527 = arith.constant 0 : i32
      %get3A_528 = arith.index_cast %get3A_527 : i32 to index
      %get3A_529 = arith.index_cast %add3A_510 : i32 to index
      %get3A_530 = arith.constant 32 : index
      %get3A_531 = tpu.vector_load %arg10[%get3A_528, %get3A_529, %get3A_530] {strides = array<i32>} : memref<2x80x128xbf16, #tpu.memory_space<vmem>>, vector<32xbf16>,
      %mul3A_532 = arith.mulf %get3A_526, %get3A_531 : vector<32xbf16>
      %get3A_533 = arith.constant 0 : i32
      %get3A_534 = arith.index_cast %get3A_533 : i32 to index
      %get3A_535 = arith.index_cast %add3A_510 : i32 to index
      %get3A_536 = arith.constant 64 : index
      %get3A_537 = tpu.vector_load %arg9[%get3A_534, %get3A_535, %get3A_536] {strides = array<i32>} : memref<2x80x128xbf16, #tpu.memory_space<vmem>>, vector<32xbf16>,
      %get3A_538 = arith.constant 0 : i32
      %get3A_539 = arith.index_cast %get3A_538 : i32 to index
      %get3A_540 = arith.index_cast %add3A_510 : i32 to index
      %get3A_541 = arith.constant 64 : index
      %get3A_542 = tpu.vector_load %arg10[%get3A_539, %get3A_540, %get3A_541] {strides = array<i32>} : memref<2x80x128xbf16, #tpu.memory_space<vmem>>, vector<32xbf16>,
      %mul3A_543 = arith.mulf %get3A_537, %get3A_542 : vector<32xbf16>
      %get3A_544 = arith.constant 0 : i32
      %get3A_545 = arith.index_cast %get3A_544 : i32 to index
      %get3A_546 = arith.index_cast %add3A_510 : i32 to index
      %get3A_547 = arith.constant 96 : index
      %get3A_548 = tpu.vector_load %arg9[%get3A_545, %get3A_546, %get3A_547] {strides = array<i32>} : memref<2x80x128xbf16, #tpu.memory_space<vmem>>, vector<32xbf16>,
      %get3A_549 = arith.constant 0 : i32
      %get3A_550 = arith.index_cast %get3A_549 : i32 to index
      %get3A_551 = arith.index_cast %add3A_510 : i32 to index
      %get3A_552 = arith.constant 96 : index
      %get3A_553 = tpu.vector_load %arg10[%get3A_550, %get3A_551, %get3A_552] {strides = array<i32>} : memref<2x80x128xbf16, #tpu.memory_space<vmem>>, vector<32xbf16>,
      %mul3A_554 = arith.mulf %get3A_548, %get3A_553 : vector<32xbf16>
      %add3A_555 = arith.addf %mul3A_521, %mul3A_532 : vector<32xbf16>
      %add3A_556 = arith.addf %mul3A_543, %mul3A_554 : vector<32xbf16>
      %add3A_557 = arith.addf %add3A_555, %add3A_556 : vector<32xbf16>
      %unpack3A_558 = tpu.unpack_subelements %add3A_557, 0 {pack_format = #tpu.pack_format<interleaved>} : vector<32xbf16> -> vector<16xf32>
      %unpack3A_559 = tpu.unpack_subelements %add3A_557, 1 {pack_format = #tpu.pack_format<interleaved>} : vector<32xbf16> -> vector<16xf32>
      %eq3A_560 = arith.constant 7 : i32
      %eq3A_561 = vector.broadcast %eq3A_560 : i32 to vector<16xi32>
      %eq3A_562 = arith.cmpi eq, %iota3A, %eq3A_561 : vector<16xi32>
      %add3A_563 = arith.addf %unpack3A_558, %unpack3A_559 : vector<16xf32>
      %reduce_sum3A_564 = arith.constant true
      %reduce_sum3A_565 = vector.broadcast %reduce_sum3A_564 : i1 to vector<16xi1>
      %reduce_sum3A_566 = tpu.scan <sum>, %add3A_563 masked %reduce_sum3A_565 : vector<16xf32>, vector<16xi1> -> vector<16xf32>
      %reduce_sum3A_567 = vector.extract %reduce_sum3A_566[15] : f32 from vector<16xf32>
      %broadcast_in_dim3A_568 = vector.broadcast %reduce_sum3A_567 : f32 to vector<16xf32>
      %select_n3A_569 = arith.select %eq3A_562, %broadcast_in_dim3A_568, %select_n3A_508 : vector<16xi1>, vector<16xf32>
      %add3A_570 = arith.constant 8 : i32
      %add3A_571 = arith.addi %mul3A_85, %add3A_570 : i32
      %get3A_572 = arith.constant 0 : i32
      %get3A_573 = arith.index_cast %get3A_572 : i32 to index
      %get3A_574 = arith.index_cast %add3A_571 : i32 to index
      %get3A_575 = arith.constant 0 : index
      %get3A_576 = tpu.vector_load %arg9[%get3A_573, %get3A_574, %get3A_575] {strides = array<i32>} : memref<2x80x128xbf16, #tpu.memory_space<vmem>>, vector<32xbf16>,
      %get3A_577 = arith.constant 0 : i32
      %get3A_578 = arith.index_cast %get3A_577 : i32 to index
      %get3A_579 = arith.index_cast %add3A_571 : i32 to index
      %get3A_580 = arith.constant 0 : index
      %get3A_581 = tpu.vector_load %arg10[%get3A_578, %get3A_579, %get3A_580] {strides = array<i32>} : memref<2x80x128xbf16, #tpu.memory_space<vmem>>, vector<32xbf16>,
      %mul3A_582 = arith.mulf %get3A_576, %get3A_581 : vector<32xbf16>
      %get3A_583 = arith.constant 0 : i32
      %get3A_584 = arith.index_cast %get3A_583 : i32 to index
      %get3A_585 = arith.index_cast %add3A_571 : i32 to index
      %get3A_586 = arith.constant 32 : index
      %get3A_587 = tpu.vector_load %arg9[%get3A_584, %get3A_585, %get3A_586] {strides = array<i32>} : memref<2x80x128xbf16, #tpu.memory_space<vmem>>, vector<32xbf16>,
      %get3A_588 = arith.constant 0 : i32
      %get3A_589 = arith.index_cast %get3A_588 : i32 to index
      %get3A_590 = arith.index_cast %add3A_571 : i32 to index
      %get3A_591 = arith.constant 32 : index
      %get3A_592 = tpu.vector_load %arg10[%get3A_589, %get3A_590, %get3A_591] {strides = array<i32>} : memref<2x80x128xbf16, #tpu.memory_space<vmem>>, vector<32xbf16>,
      %mul3A_593 = arith.mulf %get3A_587, %get3A_592 : vector<32xbf16>
      %get3A_594 = arith.constant 0 : i32
      %get3A_595 = arith.index_cast %get3A_594 : i32 to index
      %get3A_596 = arith.index_cast %add3A_571 : i32 to index
      %get3A_597 = arith.constant 64 : index
      %get3A_598 = tpu.vector_load %arg9[%get3A_595, %get3A_596, %get3A_597] {strides = array<i32>} : memref<2x80x128xbf16, #tpu.memory_space<vmem>>, vector<32xbf16>,
      %get3A_599 = arith.constant 0 : i32
      %get3A_600 = arith.index_cast %get3A_599 : i32 to index
      %get3A_601 = arith.index_cast %add3A_571 : i32 to index
      %get3A_602 = arith.constant 64 : index
      %get3A_603 = tpu.vector_load %arg10[%get3A_600, %get3A_601, %get3A_602] {strides = array<i32>} : memref<2x80x128xbf16, #tpu.memory_space<vmem>>, vector<32xbf16>,
      %mul3A_604 = arith.mulf %get3A_598, %get3A_603 : vector<32xbf16>
      %get3A_605 = arith.constant 0 : i32
      %get3A_606 = arith.index_cast %get3A_605 : i32 to index
      %get3A_607 = arith.index_cast %add3A_571 : i32 to index
      %get3A_608 = arith.constant 96 : index
      %get3A_609 = tpu.vector_load %arg9[%get3A_606, %get3A_607, %get3A_608] {strides = array<i32>} : memref<2x80x128xbf16, #tpu.memory_space<vmem>>, vector<32xbf16>,
      %get3A_610 = arith.constant 0 : i32
      %get3A_611 = arith.index_cast %get3A_610 : i32 to index
      %get3A_612 = arith.index_cast %add3A_571 : i32 to index
      %get3A_613 = arith.constant 96 : index
      %get3A_614 = tpu.vector_load %arg10[%get3A_611, %get3A_612, %get3A_613] {strides = array<i32>} : memref<2x80x128xbf16, #tpu.memory_space<vmem>>, vector<32xbf16>,
      %mul3A_615 = arith.mulf %get3A_609, %get3A_614 : vector<32xbf16>
      %add3A_616 = arith.addf %mul3A_582, %mul3A_593 : vector<32xbf16>
      %add3A_617 = arith.addf %mul3A_604, %mul3A_615 : vector<32xbf16>
      %add3A_618 = arith.addf %add3A_616, %add3A_617 : vector<32xbf16>
      %unpack3A_619 = tpu.unpack_subelements %add3A_618, 0 {pack_format = #tpu.pack_format<interleaved>} : vector<32xbf16> -> vector<16xf32>
      %unpack3A_620 = tpu.unpack_subelements %add3A_618, 1 {pack_format = #tpu.pack_format<interleaved>} : vector<32xbf16> -> vector<16xf32>
      %eq3A_621 = arith.constant 8 : i32
      %eq3A_622 = vector.broadcast %eq3A_621 : i32 to vector<16xi32>
      %eq3A_623 = arith.cmpi eq, %iota3A, %eq3A_622 : vector<16xi32>
      %add3A_624 = arith.addf %unpack3A_619, %unpack3A_620 : vector<16xf32>
      %reduce_sum3A_625 = arith.constant true
      %reduce_sum3A_626 = vector.broadcast %reduce_sum3A_625 : i1 to vector<16xi1>
      %reduce_sum3A_627 = tpu.scan <sum>, %add3A_624 masked %reduce_sum3A_626 : vector<16xf32>, vector<16xi1> -> vector<16xf32>
      %reduce_sum3A_628 = vector.extract %reduce_sum3A_627[15] : f32 from vector<16xf32>
      %broadcast_in_dim3A_629 = vector.broadcast %reduce_sum3A_628 : f32 to vector<16xf32>
      %select_n3A_630 = arith.select %eq3A_623, %broadcast_in_dim3A_629, %select_n3A_569 : vector<16xi1>, vector<16xf32>
      %add3A_631 = arith.constant 9 : i32
      %add3A_632 = arith.addi %mul3A_85, %add3A_631 : i32
      %get3A_633 = arith.constant 0 : i32
      %get3A_634 = arith.index_cast %get3A_633 : i32 to index
      %get3A_635 = arith.index_cast %add3A_632 : i32 to index
      %get3A_636 = arith.constant 0 : index
      %get3A_637 = tpu.vector_load %arg9[%get3A_634, %get3A_635, %get3A_636] {strides = array<i32>} : memref<2x80x128xbf16, #tpu.memory_space<vmem>>, vector<32xbf16>,
      %get3A_638 = arith.constant 0 : i32
      %get3A_639 = arith.index_cast %get3A_638 : i32 to index
      %get3A_640 = arith.index_cast %add3A_632 : i32 to index
      %get3A_641 = arith.constant 0 : index
      %get3A_642 = tpu.vector_load %arg10[%get3A_639, %get3A_640, %get3A_641] {strides = array<i32>} : memref<2x80x128xbf16, #tpu.memory_space<vmem>>, vector<32xbf16>,
      %mul3A_643 = arith.mulf %get3A_637, %get3A_642 : vector<32xbf16>
      %get3A_644 = arith.constant 0 : i32
      %get3A_645 = arith.index_cast %get3A_644 : i32 to index
      %get3A_646 = arith.index_cast %add3A_632 : i32 to index
      %get3A_647 = arith.constant 32 : index
      %get3A_648 = tpu.vector_load %arg9[%get3A_645, %get3A_646, %get3A_647] {strides = array<i32>} : memref<2x80x128xbf16, #tpu.memory_space<vmem>>, vector<32xbf16>,
      %get3A_649 = arith.constant 0 : i32
      %get3A_650 = arith.index_cast %get3A_649 : i32 to index
      %get3A_651 = arith.index_cast %add3A_632 : i32 to index
      %get3A_652 = arith.constant 32 : index
      %get3A_653 = tpu.vector_load %arg10[%get3A_650, %get3A_651, %get3A_652] {strides = array<i32>} : memref<2x80x128xbf16, #tpu.memory_space<vmem>>, vector<32xbf16>,
      %mul3A_654 = arith.mulf %get3A_648, %get3A_653 : vector<32xbf16>
      %get3A_655 = arith.constant 0 : i32
      %get3A_656 = arith.index_cast %get3A_655 : i32 to index
      %get3A_657 = arith.index_cast %add3A_632 : i32 to index
      %get3A_658 = arith.constant 64 : index
      %get3A_659 = tpu.vector_load %arg9[%get3A_656, %get3A_657, %get3A_658] {strides = array<i32>} : memref<2x80x128xbf16, #tpu.memory_space<vmem>>, vector<32xbf16>,
      %get3A_660 = arith.constant 0 : i32
      %get3A_661 = arith.index_cast %get3A_660 : i32 to index
      %get3A_662 = arith.index_cast %add3A_632 : i32 to index
      %get3A_663 = arith.constant 64 : index
      %get3A_664 = tpu.vector_load %arg10[%get3A_661, %get3A_662, %get3A_663] {strides = array<i32>} : memref<2x80x128xbf16, #tpu.memory_space<vmem>>, vector<32xbf16>,
      %mul3A_665 = arith.mulf %get3A_659, %get3A_664 : vector<32xbf16>
      %get3A_666 = arith.constant 0 : i32
      %get3A_667 = arith.index_cast %get3A_666 : i32 to index
      %get3A_668 = arith.index_cast %add3A_632 : i32 to index
      %get3A_669 = arith.constant 96 : index
      %get3A_670 = tpu.vector_load %arg9[%get3A_667, %get3A_668, %get3A_669] {strides = array<i32>} : memref<2x80x128xbf16, #tpu.memory_space<vmem>>, vector<32xbf16>,
      %get3A_671 = arith.constant 0 : i32
      %get3A_672 = arith.index_cast %get3A_671 : i32 to index
      %get3A_673 = arith.index_cast %add3A_632 : i32 to index
      %get3A_674 = arith.constant 96 : index
      %get3A_675 = tpu.vector_load %arg10[%get3A_672, %get3A_673, %get3A_674] {strides = array<i32>} : memref<2x80x128xbf16, #tpu.memory_space<vmem>>, vector<32xbf16>,
      %mul3A_676 = arith.mulf %get3A_670, %get3A_675 : vector<32xbf16>
      %add3A_677 = arith.addf %mul3A_643, %mul3A_654 : vector<32xbf16>
      %add3A_678 = arith.addf %mul3A_665, %mul3A_676 : vector<32xbf16>
      %add3A_679 = arith.addf %add3A_677, %add3A_678 : vector<32xbf16>
      %unpack3A_680 = tpu.unpack_subelements %add3A_679, 0 {pack_format = #tpu.pack_format<interleaved>} : vector<32xbf16> -> vector<16xf32>
      %unpack3A_681 = tpu.unpack_subelements %add3A_679, 1 {pack_format = #tpu.pack_format<interleaved>} : vector<32xbf16> -> vector<16xf32>
      %eq3A_682 = arith.constant 9 : i32
      %eq3A_683 = vector.broadcast %eq3A_682 : i32 to vector<16xi32>
      %eq3A_684 = arith.cmpi eq, %iota3A, %eq3A_683 : vector<16xi32>
      %add3A_685 = arith.addf %unpack3A_680, %unpack3A_681 : vector<16xf32>
      %reduce_sum3A_686 = arith.constant true
      %reduce_sum3A_687 = vector.broadcast %reduce_sum3A_686 : i1 to vector<16xi1>
      %reduce_sum3A_688 = tpu.scan <sum>, %add3A_685 masked %reduce_sum3A_687 : vector<16xf32>, vector<16xi1> -> vector<16xf32>
      %reduce_sum3A_689 = vector.extract %reduce_sum3A_688[15] : f32 from vector<16xf32>
      %broadcast_in_dim3A_690 = vector.broadcast %reduce_sum3A_689 : f32 to vector<16xf32>
      %select_n3A_691 = arith.select %eq3A_684, %broadcast_in_dim3A_690, %select_n3A_630 : vector<16xi1>, vector<16xf32>
      %add3A_692 = arith.constant 10 : i32
      %add3A_693 = arith.addi %mul3A_85, %add3A_692 : i32
      %get3A_694 = arith.constant 0 : i32
      %get3A_695 = arith.index_cast %get3A_694 : i32 to index
      %get3A_696 = arith.index_cast %add3A_693 : i32 to index
      %get3A_697 = arith.constant 0 : index
      %get3A_698 = tpu.vector_load %arg9[%get3A_695, %get3A_696, %get3A_697] {strides = array<i32>} : memref<2x80x128xbf16, #tpu.memory_space<vmem>>, vector<32xbf16>,
      %get3A_699 = arith.constant 0 : i32
      %get3A_700 = arith.index_cast %get3A_699 : i32 to index
      %get3A_701 = arith.index_cast %add3A_693 : i32 to index
      %get3A_702 = arith.constant 0 : index
      %get3A_703 = tpu.vector_load %arg10[%get3A_700, %get3A_701, %get3A_702] {strides = array<i32>} : memref<2x80x128xbf16, #tpu.memory_space<vmem>>, vector<32xbf16>,
      %mul3A_704 = arith.mulf %get3A_698, %get3A_703 : vector<32xbf16>
      %get3A_705 = arith.constant 0 : i32
      %get3A_706 = arith.index_cast %get3A_705 : i32 to index
      %get3A_707 = arith.index_cast %add3A_693 : i32 to index
      %get3A_708 = arith.constant 32 : index
      %get3A_709 = tpu.vector_load %arg9[%get3A_706, %get3A_707, %get3A_708] {strides = array<i32>} : memref<2x80x128xbf16, #tpu.memory_space<vmem>>, vector<32xbf16>,
      %get3A_710 = arith.constant 0 : i32
      %get3A_711 = arith.index_cast %get3A_710 : i32 to index
      %get3A_712 = arith.index_cast %add3A_693 : i32 to index
      %get3A_713 = arith.constant 32 : index
      %get3A_714 = tpu.vector_load %arg10[%get3A_711, %get3A_712, %get3A_713] {strides = array<i32>} : memref<2x80x128xbf16, #tpu.memory_space<vmem>>, vector<32xbf16>,
      %mul3A_715 = arith.mulf %get3A_709, %get3A_714 : vector<32xbf16>
      %get3A_716 = arith.constant 0 : i32
      %get3A_717 = arith.index_cast %get3A_716 : i32 to index
      %get3A_718 = arith.index_cast %add3A_693 : i32 to index
      %get3A_719 = arith.constant 64 : index
      %get3A_720 = tpu.vector_load %arg9[%get3A_717, %get3A_718, %get3A_719] {strides = array<i32>} : memref<2x80x128xbf16, #tpu.memory_space<vmem>>, vector<32xbf16>,
      %get3A_721 = arith.constant 0 : i32
      %get3A_722 = arith.index_cast %get3A_721 : i32 to index
      %get3A_723 = arith.index_cast %add3A_693 : i32 to index
      %get3A_724 = arith.constant 64 : index
      %get3A_725 = tpu.vector_load %arg10[%get3A_722, %get3A_723, %get3A_724] {strides = array<i32>} : memref<2x80x128xbf16, #tpu.memory_space<vmem>>, vector<32xbf16>,
      %mul3A_726 = arith.mulf %get3A_720, %get3A_725 : vector<32xbf16>
      %get3A_727 = arith.constant 0 : i32
      %get3A_728 = arith.index_cast %get3A_727 : i32 to index
      %get3A_729 = arith.index_cast %add3A_693 : i32 to index
      %get3A_730 = arith.constant 96 : index
      %get3A_731 = tpu.vector_load %arg9[%get3A_728, %get3A_729, %get3A_730] {strides = array<i32>} : memref<2x80x128xbf16, #tpu.memory_space<vmem>>, vector<32xbf16>,
      %get3A_732 = arith.constant 0 : i32
      %get3A_733 = arith.index_cast %get3A_732 : i32 to index
      %get3A_734 = arith.index_cast %add3A_693 : i32 to index
      %get3A_735 = arith.constant 96 : index
      %get3A_736 = tpu.vector_load %arg10[%get3A_733, %get3A_734, %get3A_735] {strides = array<i32>} : memref<2x80x128xbf16, #tpu.memory_space<vmem>>, vector<32xbf16>,
      %mul3A_737 = arith.mulf %get3A_731, %get3A_736 : vector<32xbf16>
      %add3A_738 = arith.addf %mul3A_704, %mul3A_715 : vector<32xbf16>
      %add3A_739 = arith.addf %mul3A_726, %mul3A_737 : vector<32xbf16>
      %add3A_740 = arith.addf %add3A_738, %add3A_739 : vector<32xbf16>
      %unpack3A_741 = tpu.unpack_subelements %add3A_740, 0 {pack_format = #tpu.pack_format<interleaved>} : vector<32xbf16> -> vector<16xf32>
      %unpack3A_742 = tpu.unpack_subelements %add3A_740, 1 {pack_format = #tpu.pack_format<interleaved>} : vector<32xbf16> -> vector<16xf32>
      %eq3A_743 = arith.constant 10 : i32
      %eq3A_744 = vector.broadcast %eq3A_743 : i32 to vector<16xi32>
      %eq3A_745 = arith.cmpi eq, %iota3A, %eq3A_744 : vector<16xi32>
      %add3A_746 = arith.addf %unpack3A_741, %unpack3A_742 : vector<16xf32>
      %reduce_sum3A_747 = arith.constant true
      %reduce_sum3A_748 = vector.broadcast %reduce_sum3A_747 : i1 to vector<16xi1>
      %reduce_sum3A_749 = tpu.scan <sum>, %add3A_746 masked %reduce_sum3A_748 : vector<16xf32>, vector<16xi1> -> vector<16xf32>
      %reduce_sum3A_750 = vector.extract %reduce_sum3A_749[15] : f32 from vector<16xf32>
      %broadcast_in_dim3A_751 = vector.broadcast %reduce_sum3A_750 : f32 to vector<16xf32>
      %select_n3A_752 = arith.select %eq3A_745, %broadcast_in_dim3A_751, %select_n3A_691 : vector<16xi1>, vector<16xf32>
      %add3A_753 = arith.constant 11 : i32
      %add3A_754 = arith.addi %mul3A_85, %add3A_753 : i32
      %get3A_755 = arith.constant 0 : i32
      %get3A_756 = arith.index_cast %get3A_755 : i32 to index
      %get3A_757 = arith.index_cast %add3A_754 : i32 to index
      %get3A_758 = arith.constant 0 : index
      %get3A_759 = tpu.vector_load %arg9[%get3A_756, %get3A_757, %get3A_758] {strides = array<i32>} : memref<2x80x128xbf16, #tpu.memory_space<vmem>>, vector<32xbf16>,
      %get3A_760 = arith.constant 0 : i32
      %get3A_761 = arith.index_cast %get3A_760 : i32 to index
      %get3A_762 = arith.index_cast %add3A_754 : i32 to index
      %get3A_763 = arith.constant 0 : index
      %get3A_764 = tpu.vector_load %arg10[%get3A_761, %get3A_762, %get3A_763] {strides = array<i32>} : memref<2x80x128xbf16, #tpu.memory_space<vmem>>, vector<32xbf16>,
      %mul3A_765 = arith.mulf %get3A_759, %get3A_764 : vector<32xbf16>
      %get3A_766 = arith.constant 0 : i32
      %get3A_767 = arith.index_cast %get3A_766 : i32 to index
      %get3A_768 = arith.index_cast %add3A_754 : i32 to index
      %get3A_769 = arith.constant 32 : index
      %get3A_770 = tpu.vector_load %arg9[%get3A_767, %get3A_768, %get3A_769] {strides = array<i32>} : memref<2x80x128xbf16, #tpu.memory_space<vmem>>, vector<32xbf16>,
      %get3A_771 = arith.constant 0 : i32
      %get3A_772 = arith.index_cast %get3A_771 : i32 to index
      %get3A_773 = arith.index_cast %add3A_754 : i32 to index
      %get3A_774 = arith.constant 32 : index
      %get3A_775 = tpu.vector_load %arg10[%get3A_772, %get3A_773, %get3A_774] {strides = array<i32>} : memref<2x80x128xbf16, #tpu.memory_space<vmem>>, vector<32xbf16>,
      %mul3A_776 = arith.mulf %get3A_770, %get3A_775 : vector<32xbf16>
      %get3A_777 = arith.constant 0 : i32
      %get3A_778 = arith.index_cast %get3A_777 : i32 to index
      %get3A_779 = arith.index_cast %add3A_754 : i32 to index
      %get3A_780 = arith.constant 64 : index
      %get3A_781 = tpu.vector_load %arg9[%get3A_778, %get3A_779, %get3A_780] {strides = array<i32>} : memref<2x80x128xbf16, #tpu.memory_space<vmem>>, vector<32xbf16>,
      %get3A_782 = arith.constant 0 : i32
      %get3A_783 = arith.index_cast %get3A_782 : i32 to index
      %get3A_784 = arith.index_cast %add3A_754 : i32 to index
      %get3A_785 = arith.constant 64 : index
      %get3A_786 = tpu.vector_load %arg10[%get3A_783, %get3A_784, %get3A_785] {strides = array<i32>} : memref<2x80x128xbf16, #tpu.memory_space<vmem>>, vector<32xbf16>,
      %mul3A_787 = arith.mulf %get3A_781, %get3A_786 : vector<32xbf16>
      %get3A_788 = arith.constant 0 : i32
      %get3A_789 = arith.index_cast %get3A_788 : i32 to index
      %get3A_790 = arith.index_cast %add3A_754 : i32 to index
      %get3A_791 = arith.constant 96 : index
      %get3A_792 = tpu.vector_load %arg9[%get3A_789, %get3A_790, %get3A_791] {strides = array<i32>} : memref<2x80x128xbf16, #tpu.memory_space<vmem>>, vector<32xbf16>,
      %get3A_793 = arith.constant 0 : i32
      %get3A_794 = arith.index_cast %get3A_793 : i32 to index
      %get3A_795 = arith.index_cast %add3A_754 : i32 to index
      %get3A_796 = arith.constant 96 : index
      %get3A_797 = tpu.vector_load %arg10[%get3A_794, %get3A_795, %get3A_796] {strides = array<i32>} : memref<2x80x128xbf16, #tpu.memory_space<vmem>>, vector<32xbf16>,
      %mul3A_798 = arith.mulf %get3A_792, %get3A_797 : vector<32xbf16>
      %add3A_799 = arith.addf %mul3A_765, %mul3A_776 : vector<32xbf16>
      %add3A_800 = arith.addf %mul3A_787, %mul3A_798 : vector<32xbf16>
      %add3A_801 = arith.addf %add3A_799, %add3A_800 : vector<32xbf16>
      %unpack3A_802 = tpu.unpack_subelements %add3A_801, 0 {pack_format = #tpu.pack_format<interleaved>} : vector<32xbf16> -> vector<16xf32>
      %unpack3A_803 = tpu.unpack_subelements %add3A_801, 1 {pack_format = #tpu.pack_format<interleaved>} : vector<32xbf16> -> vector<16xf32>
      %eq3A_804 = arith.constant 11 : i32
      %eq3A_805 = vector.broadcast %eq3A_804 : i32 to vector<16xi32>
      %eq3A_806 = arith.cmpi eq, %iota3A, %eq3A_805 : vector<16xi32>
      %add3A_807 = arith.addf %unpack3A_802, %unpack3A_803 : vector<16xf32>
      %reduce_sum3A_808 = arith.constant true
      %reduce_sum3A_809 = vector.broadcast %reduce_sum3A_808 : i1 to vector<16xi1>
      %reduce_sum3A_810 = tpu.scan <sum>, %add3A_807 masked %reduce_sum3A_809 : vector<16xf32>, vector<16xi1> -> vector<16xf32>
      %reduce_sum3A_811 = vector.extract %reduce_sum3A_810[15] : f32 from vector<16xf32>
      %broadcast_in_dim3A_812 = vector.broadcast %reduce_sum3A_811 : f32 to vector<16xf32>
      %select_n3A_813 = arith.select %eq3A_806, %broadcast_in_dim3A_812, %select_n3A_752 : vector<16xi1>, vector<16xf32>
      %add3A_814 = arith.constant 12 : i32
      %add3A_815 = arith.addi %mul3A_85, %add3A_814 : i32
      %get3A_816 = arith.constant 0 : i32
      %get3A_817 = arith.index_cast %get3A_816 : i32 to index
      %get3A_818 = arith.index_cast %add3A_815 : i32 to index
      %get3A_819 = arith.constant 0 : index
      %get3A_820 = tpu.vector_load %arg9[%get3A_817, %get3A_818, %get3A_819] {strides = array<i32>} : memref<2x80x128xbf16, #tpu.memory_space<vmem>>, vector<32xbf16>,
      %get3A_821 = arith.constant 0 : i32
      %get3A_822 = arith.index_cast %get3A_821 : i32 to index
      %get3A_823 = arith.index_cast %add3A_815 : i32 to index
      %get3A_824 = arith.constant 0 : index
      %get3A_825 = tpu.vector_load %arg10[%get3A_822, %get3A_823, %get3A_824] {strides = array<i32>} : memref<2x80x128xbf16, #tpu.memory_space<vmem>>, vector<32xbf16>,
      %mul3A_826 = arith.mulf %get3A_820, %get3A_825 : vector<32xbf16>
      %get3A_827 = arith.constant 0 : i32
      %get3A_828 = arith.index_cast %get3A_827 : i32 to index
      %get3A_829 = arith.index_cast %add3A_815 : i32 to index
      %get3A_830 = arith.constant 32 : index
      %get3A_831 = tpu.vector_load %arg9[%get3A_828, %get3A_829, %get3A_830] {strides = array<i32>} : memref<2x80x128xbf16, #tpu.memory_space<vmem>>, vector<32xbf16>,
      %get3A_832 = arith.constant 0 : i32
      %get3A_833 = arith.index_cast %get3A_832 : i32 to index
      %get3A_834 = arith.index_cast %add3A_815 : i32 to index
      %get3A_835 = arith.constant 32 : index
      %get3A_836 = tpu.vector_load %arg10[%get3A_833, %get3A_834, %get3A_835] {strides = array<i32>} : memref<2x80x128xbf16, #tpu.memory_space<vmem>>, vector<32xbf16>,
      %mul3A_837 = arith.mulf %get3A_831, %get3A_836 : vector<32xbf16>
      %get3A_838 = arith.constant 0 : i32
      %get3A_839 = arith.index_cast %get3A_838 : i32 to index
      %get3A_840 = arith.index_cast %add3A_815 : i32 to index
      %get3A_841 = arith.constant 64 : index
      %get3A_842 = tpu.vector_load %arg9[%get3A_839, %get3A_840, %get3A_841] {strides = array<i32>} : memref<2x80x128xbf16, #tpu.memory_space<vmem>>, vector<32xbf16>,
      %get3A_843 = arith.constant 0 : i32
      %get3A_844 = arith.index_cast %get3A_843 : i32 to index
      %get3A_845 = arith.index_cast %add3A_815 : i32 to index
      %get3A_846 = arith.constant 64 : index
      %get3A_847 = tpu.vector_load %arg10[%get3A_844, %get3A_845, %get3A_846] {strides = array<i32>} : memref<2x80x128xbf16, #tpu.memory_space<vmem>>, vector<32xbf16>,
      %mul3A_848 = arith.mulf %get3A_842, %get3A_847 : vector<32xbf16>
      %get3A_849 = arith.constant 0 : i32
      %get3A_850 = arith.index_cast %get3A_849 : i32 to index
      %get3A_851 = arith.index_cast %add3A_815 : i32 to index
      %get3A_852 = arith.constant 96 : index
      %get3A_853 = tpu.vector_load %arg9[%get3A_850, %get3A_851, %get3A_852] {strides = array<i32>} : memref<2x80x128xbf16, #tpu.memory_space<vmem>>, vector<32xbf16>,
      %get3A_854 = arith.constant 0 : i32
      %get3A_855 = arith.index_cast %get3A_854 : i32 to index
      %get3A_856 = arith.index_cast %add3A_815 : i32 to index
      %get3A_857 = arith.constant 96 : index
      %get3A_858 = tpu.vector_load %arg10[%get3A_855, %get3A_856, %get3A_857] {strides = array<i32>} : memref<2x80x128xbf16, #tpu.memory_space<vmem>>, vector<32xbf16>,
      %mul3A_859 = arith.mulf %get3A_853, %get3A_858 : vector<32xbf16>
      %add3A_860 = arith.addf %mul3A_826, %mul3A_837 : vector<32xbf16>
      %add3A_861 = arith.addf %mul3A_848, %mul3A_859 : vector<32xbf16>
      %add3A_862 = arith.addf %add3A_860, %add3A_861 : vector<32xbf16>
      %unpack3A_863 = tpu.unpack_subelements %add3A_862, 0 {pack_format = #tpu.pack_format<interleaved>} : vector<32xbf16> -> vector<16xf32>
      %unpack3A_864 = tpu.unpack_subelements %add3A_862, 1 {pack_format = #tpu.pack_format<interleaved>} : vector<32xbf16> -> vector<16xf32>
      %eq3A_865 = arith.constant 12 : i32
      %eq3A_866 = vector.broadcast %eq3A_865 : i32 to vector<16xi32>
      %eq3A_867 = arith.cmpi eq, %iota3A, %eq3A_866 : vector<16xi32>
      %add3A_868 = arith.addf %unpack3A_863, %unpack3A_864 : vector<16xf32>
      %reduce_sum3A_869 = arith.constant true
      %reduce_sum3A_870 = vector.broadcast %reduce_sum3A_869 : i1 to vector<16xi1>
      %reduce_sum3A_871 = tpu.scan <sum>, %add3A_868 masked %reduce_sum3A_870 : vector<16xf32>, vector<16xi1> -> vector<16xf32>
      %reduce_sum3A_872 = vector.extract %reduce_sum3A_871[15] : f32 from vector<16xf32>
      %broadcast_in_dim3A_873 = vector.broadcast %reduce_sum3A_872 : f32 to vector<16xf32>
      %select_n3A_874 = arith.select %eq3A_867, %broadcast_in_dim3A_873, %select_n3A_813 : vector<16xi1>, vector<16xf32>
      %add3A_875 = arith.constant 13 : i32
      %add3A_876 = arith.addi %mul3A_85, %add3A_875 : i32
      %get3A_877 = arith.constant 0 : i32
      %get3A_878 = arith.index_cast %get3A_877 : i32 to index
      %get3A_879 = arith.index_cast %add3A_876 : i32 to index
      %get3A_880 = arith.constant 0 : index
      %get3A_881 = tpu.vector_load %arg9[%get3A_878, %get3A_879, %get3A_880] {strides = array<i32>} : memref<2x80x128xbf16, #tpu.memory_space<vmem>>, vector<32xbf16>,
      %get3A_882 = arith.constant 0 : i32
      %get3A_883 = arith.index_cast %get3A_882 : i32 to index
      %get3A_884 = arith.index_cast %add3A_876 : i32 to index
      %get3A_885 = arith.constant 0 : index
      %get3A_886 = tpu.vector_load %arg10[%get3A_883, %get3A_884, %get3A_885] {strides = array<i32>} : memref<2x80x128xbf16, #tpu.memory_space<vmem>>, vector<32xbf16>,
      %mul3A_887 = arith.mulf %get3A_881, %get3A_886 : vector<32xbf16>
      %get3A_888 = arith.constant 0 : i32
      %get3A_889 = arith.index_cast %get3A_888 : i32 to index
      %get3A_890 = arith.index_cast %add3A_876 : i32 to index
      %get3A_891 = arith.constant 32 : index
      %get3A_892 = tpu.vector_load %arg9[%get3A_889, %get3A_890, %get3A_891] {strides = array<i32>} : memref<2x80x128xbf16, #tpu.memory_space<vmem>>, vector<32xbf16>,
      %get3A_893 = arith.constant 0 : i32
      %get3A_894 = arith.index_cast %get3A_893 : i32 to index
      %get3A_895 = arith.index_cast %add3A_876 : i32 to index
      %get3A_896 = arith.constant 32 : index
      %get3A_897 = tpu.vector_load %arg10[%get3A_894, %get3A_895, %get3A_896] {strides = array<i32>} : memref<2x80x128xbf16, #tpu.memory_space<vmem>>, vector<32xbf16>,
      %mul3A_898 = arith.mulf %get3A_892, %get3A_897 : vector<32xbf16>
      %get3A_899 = arith.constant 0 : i32
      %get3A_900 = arith.index_cast %get3A_899 : i32 to index
      %get3A_901 = arith.index_cast %add3A_876 : i32 to index
      %get3A_902 = arith.constant 64 : index
      %get3A_903 = tpu.vector_load %arg9[%get3A_900, %get3A_901, %get3A_902] {strides = array<i32>} : memref<2x80x128xbf16, #tpu.memory_space<vmem>>, vector<32xbf16>,
      %get3A_904 = arith.constant 0 : i32
      %get3A_905 = arith.index_cast %get3A_904 : i32 to index
      %get3A_906 = arith.index_cast %add3A_876 : i32 to index
      %get3A_907 = arith.constant 64 : index
      %get3A_908 = tpu.vector_load %arg10[%get3A_905, %get3A_906, %get3A_907] {strides = array<i32>} : memref<2x80x128xbf16, #tpu.memory_space<vmem>>, vector<32xbf16>,
      %mul3A_909 = arith.mulf %get3A_903, %get3A_908 : vector<32xbf16>
      %get3A_910 = arith.constant 0 : i32
      %get3A_911 = arith.index_cast %get3A_910 : i32 to index
      %get3A_912 = arith.index_cast %add3A_876 : i32 to index
      %get3A_913 = arith.constant 96 : index
      %get3A_914 = tpu.vector_load %arg9[%get3A_911, %get3A_912, %get3A_913] {strides = array<i32>} : memref<2x80x128xbf16, #tpu.memory_space<vmem>>, vector<32xbf16>,
      %get3A_915 = arith.constant 0 : i32
      %get3A_916 = arith.index_cast %get3A_915 : i32 to index
      %get3A_917 = arith.index_cast %add3A_876 : i32 to index
      %get3A_918 = arith.constant 96 : index
      %get3A_919 = tpu.vector_load %arg10[%get3A_916, %get3A_917, %get3A_918] {strides = array<i32>} : memref<2x80x128xbf16, #tpu.memory_space<vmem>>, vector<32xbf16>,
      %mul3A_920 = arith.mulf %get3A_914, %get3A_919 : vector<32xbf16>
      %add3A_921 = arith.addf %mul3A_887, %mul3A_898 : vector<32xbf16>
      %add3A_922 = arith.addf %mul3A_909, %mul3A_920 : vector<32xbf16>
      %add3A_923 = arith.addf %add3A_921, %add3A_922 : vector<32xbf16>
      %unpack3A_924 = tpu.unpack_subelements %add3A_923, 0 {pack_format = #tpu.pack_format<interleaved>} : vector<32xbf16> -> vector<16xf32>
      %unpack3A_925 = tpu.unpack_subelements %add3A_923, 1 {pack_format = #tpu.pack_format<interleaved>} : vector<32xbf16> -> vector<16xf32>
      %eq3A_926 = arith.constant 13 : i32
      %eq3A_927 = vector.broadcast %eq3A_926 : i32 to vector<16xi32>
      %eq3A_928 = arith.cmpi eq, %iota3A, %eq3A_927 : vector<16xi32>
      %add3A_929 = arith.addf %unpack3A_924, %unpack3A_925 : vector<16xf32>
      %reduce_sum3A_930 = arith.constant true
      %reduce_sum3A_931 = vector.broadcast %reduce_sum3A_930 : i1 to vector<16xi1>
      %reduce_sum3A_932 = tpu.scan <sum>, %add3A_929 masked %reduce_sum3A_931 : vector<16xf32>, vector<16xi1> -> vector<16xf32>
      %reduce_sum3A_933 = vector.extract %reduce_sum3A_932[15] : f32 from vector<16xf32>
      %broadcast_in_dim3A_934 = vector.broadcast %reduce_sum3A_933 : f32 to vector<16xf32>
      %select_n3A_935 = arith.select %eq3A_928, %broadcast_in_dim3A_934, %select_n3A_874 : vector<16xi1>, vector<16xf32>
      %add3A_936 = arith.constant 14 : i32
      %add3A_937 = arith.addi %mul3A_85, %add3A_936 : i32
      %get3A_938 = arith.constant 0 : i32
      %get3A_939 = arith.index_cast %get3A_938 : i32 to index
      %get3A_940 = arith.index_cast %add3A_937 : i32 to index
      %get3A_941 = arith.constant 0 : index
      %get3A_942 = tpu.vector_load %arg9[%get3A_939, %get3A_940, %get3A_941] {strides = array<i32>} : memref<2x80x128xbf16, #tpu.memory_space<vmem>>, vector<32xbf16>,
      %get3A_943 = arith.constant 0 : i32
      %get3A_944 = arith.index_cast %get3A_943 : i32 to index
      %get3A_945 = arith.index_cast %add3A_937 : i32 to index
      %get3A_946 = arith.constant 0 : index
      %get3A_947 = tpu.vector_load %arg10[%get3A_944, %get3A_945, %get3A_946] {strides = array<i32>} : memref<2x80x128xbf16, #tpu.memory_space<vmem>>, vector<32xbf16>,
      %mul3A_948 = arith.mulf %get3A_942, %get3A_947 : vector<32xbf16>
      %get3A_949 = arith.constant 0 : i32
      %get3A_950 = arith.index_cast %get3A_949 : i32 to index
      %get3A_951 = arith.index_cast %add3A_937 : i32 to index
      %get3A_952 = arith.constant 32 : index
      %get3A_953 = tpu.vector_load %arg9[%get3A_950, %get3A_951, %get3A_952] {strides = array<i32>} : memref<2x80x128xbf16, #tpu.memory_space<vmem>>, vector<32xbf16>,
      %get3A_954 = arith.constant 0 : i32
      %get3A_955 = arith.index_cast %get3A_954 : i32 to index
      %get3A_956 = arith.index_cast %add3A_937 : i32 to index
      %get3A_957 = arith.constant 32 : index
      %get3A_958 = tpu.vector_load %arg10[%get3A_955, %get3A_956, %get3A_957] {strides = array<i32>} : memref<2x80x128xbf16, #tpu.memory_space<vmem>>, vector<32xbf16>,
      %mul3A_959 = arith.mulf %get3A_953, %get3A_958 : vector<32xbf16>
      %get3A_960 = arith.constant 0 : i32
      %get3A_961 = arith.index_cast %get3A_960 : i32 to index
      %get3A_962 = arith.index_cast %add3A_937 : i32 to index
      %get3A_963 = arith.constant 64 : index
      %get3A_964 = tpu.vector_load %arg9[%get3A_961, %get3A_962, %get3A_963] {strides = array<i32>} : memref<2x80x128xbf16, #tpu.memory_space<vmem>>, vector<32xbf16>,
      %get3A_965 = arith.constant 0 : i32
      %get3A_966 = arith.index_cast %get3A_965 : i32 to index
      %get3A_967 = arith.index_cast %add3A_937 : i32 to index
      %get3A_968 = arith.constant 64 : index
      %get3A_969 = tpu.vector_load %arg10[%get3A_966, %get3A_967, %get3A_968] {strides = array<i32>} : memref<2x80x128xbf16, #tpu.memory_space<vmem>>, vector<32xbf16>,
      %mul3A_970 = arith.mulf %get3A_964, %get3A_969 : vector<32xbf16>
      %get3A_971 = arith.constant 0 : i32
      %get3A_972 = arith.index_cast %get3A_971 : i32 to index
      %get3A_973 = arith.index_cast %add3A_937 : i32 to index
      %get3A_974 = arith.constant 96 : index
      %get3A_975 = tpu.vector_load %arg9[%get3A_972, %get3A_973, %get3A_974] {strides = array<i32>} : memref<2x80x128xbf16, #tpu.memory_space<vmem>>, vector<32xbf16>,
      %get3A_976 = arith.constant 0 : i32
      %get3A_977 = arith.index_cast %get3A_976 : i32 to index
      %get3A_978 = arith.index_cast %add3A_937 : i32 to index
      %get3A_979 = arith.constant 96 : index
      %get3A_980 = tpu.vector_load %arg10[%get3A_977, %get3A_978, %get3A_979] {strides = array<i32>} : memref<2x80x128xbf16, #tpu.memory_space<vmem>>, vector<32xbf16>,
      %mul3A_981 = arith.mulf %get3A_975, %get3A_980 : vector<32xbf16>
      %add3A_982 = arith.addf %mul3A_948, %mul3A_959 : vector<32xbf16>
      %add3A_983 = arith.addf %mul3A_970, %mul3A_981 : vector<32xbf16>
      %add3A_984 = arith.addf %add3A_982, %add3A_983 : vector<32xbf16>
      %unpack3A_985 = tpu.unpack_subelements %add3A_984, 0 {pack_format = #tpu.pack_format<interleaved>} : vector<32xbf16> -> vector<16xf32>
      %unpack3A_986 = tpu.unpack_subelements %add3A_984, 1 {pack_format = #tpu.pack_format<interleaved>} : vector<32xbf16> -> vector<16xf32>
      %eq3A_987 = arith.constant 14 : i32
      %eq3A_988 = vector.broadcast %eq3A_987 : i32 to vector<16xi32>
      %eq3A_989 = arith.cmpi eq, %iota3A, %eq3A_988 : vector<16xi32>
      %add3A_990 = arith.addf %unpack3A_985, %unpack3A_986 : vector<16xf32>
      %reduce_sum3A_991 = arith.constant true
      %reduce_sum3A_992 = vector.broadcast %reduce_sum3A_991 : i1 to vector<16xi1>
      %reduce_sum3A_993 = tpu.scan <sum>, %add3A_990 masked %reduce_sum3A_992 : vector<16xf32>, vector<16xi1> -> vector<16xf32>
      %reduce_sum3A_994 = vector.extract %reduce_sum3A_993[15] : f32 from vector<16xf32>
      %broadcast_in_dim3A_995 = vector.broadcast %reduce_sum3A_994 : f32 to vector<16xf32>
      %select_n3A_996 = arith.select %eq3A_989, %broadcast_in_dim3A_995, %select_n3A_935 : vector<16xi1>, vector<16xf32>
      %add3A_997 = arith.constant 15 : i32
      %add3A_998 = arith.addi %mul3A_85, %add3A_997 : i32
      %get3A_999 = arith.constant 0 : i32
      %get3A_1000 = arith.index_cast %get3A_999 : i32 to index
      %get3A_1001 = arith.index_cast %add3A_998 : i32 to index
      %get3A_1002 = arith.constant 0 : index
      %get3A_1003 = tpu.vector_load %arg9[%get3A_1000, %get3A_1001, %get3A_1002] {strides = array<i32>} : memref<2x80x128xbf16, #tpu.memory_space<vmem>>, vector<32xbf16>,
      %get3A_1004 = arith.constant 0 : i32
      %get3A_1005 = arith.index_cast %get3A_1004 : i32 to index
      %get3A_1006 = arith.index_cast %add3A_998 : i32 to index
      %get3A_1007 = arith.constant 0 : index
      %get3A_1008 = tpu.vector_load %arg10[%get3A_1005, %get3A_1006, %get3A_1007] {strides = array<i32>} : memref<2x80x128xbf16, #tpu.memory_space<vmem>>, vector<32xbf16>,
      %mul3A_1009 = arith.mulf %get3A_1003, %get3A_1008 : vector<32xbf16>
      %get3A_1010 = arith.constant 0 : i32
      %get3A_1011 = arith.index_cast %get3A_1010 : i32 to index
      %get3A_1012 = arith.index_cast %add3A_998 : i32 to index
      %get3A_1013 = arith.constant 32 : index
      %get3A_1014 = tpu.vector_load %arg9[%get3A_1011, %get3A_1012, %get3A_1013] {strides = array<i32>} : memref<2x80x128xbf16, #tpu.memory_space<vmem>>, vector<32xbf16>,
      %get3A_1015 = arith.constant 0 : i32
      %get3A_1016 = arith.index_cast %get3A_1015 : i32 to index
      %get3A_1017 = arith.index_cast %add3A_998 : i32 to index
      %get3A_1018 = arith.constant 32 : index
      %get3A_1019 = tpu.vector_load %arg10[%get3A_1016, %get3A_1017, %get3A_1018] {strides = array<i32>} : memref<2x80x128xbf16, #tpu.memory_space<vmem>>, vector<32xbf16>,
      %mul3A_1020 = arith.mulf %get3A_1014, %get3A_1019 : vector<32xbf16>
      %get3A_1021 = arith.constant 0 : i32
      %get3A_1022 = arith.index_cast %get3A_1021 : i32 to index
      %get3A_1023 = arith.index_cast %add3A_998 : i32 to index
      %get3A_1024 = arith.constant 64 : index
      %get3A_1025 = tpu.vector_load %arg9[%get3A_1022, %get3A_1023, %get3A_1024] {strides = array<i32>} : memref<2x80x128xbf16, #tpu.memory_space<vmem>>, vector<32xbf16>,
      %get3A_1026 = arith.constant 0 : i32
      %get3A_1027 = arith.index_cast %get3A_1026 : i32 to index
      %get3A_1028 = arith.index_cast %add3A_998 : i32 to index
      %get3A_1029 = arith.constant 64 : index
      %get3A_1030 = tpu.vector_load %arg10[%get3A_1027, %get3A_1028, %get3A_1029] {strides = array<i32>} : memref<2x80x128xbf16, #tpu.memory_space<vmem>>, vector<32xbf16>,
      %mul3A_1031 = arith.mulf %get3A_1025, %get3A_1030 : vector<32xbf16>
      %get3A_1032 = arith.constant 0 : i32
      %get3A_1033 = arith.index_cast %get3A_1032 : i32 to index
      %get3A_1034 = arith.index_cast %add3A_998 : i32 to index
      %get3A_1035 = arith.constant 96 : index
      %get3A_1036 = tpu.vector_load %arg9[%get3A_1033, %get3A_1034, %get3A_1035] {strides = array<i32>} : memref<2x80x128xbf16, #tpu.memory_space<vmem>>, vector<32xbf16>,
      %get3A_1037 = arith.constant 0 : i32
      %get3A_1038 = arith.index_cast %get3A_1037 : i32 to index
      %get3A_1039 = arith.index_cast %add3A_998 : i32 to index
      %get3A_1040 = arith.constant 96 : index
      %get3A_1041 = tpu.vector_load %arg10[%get3A_1038, %get3A_1039, %get3A_1040] {strides = array<i32>} : memref<2x80x128xbf16, #tpu.memory_space<vmem>>, vector<32xbf16>,
      %mul3A_1042 = arith.mulf %get3A_1036, %get3A_1041 : vector<32xbf16>
      %add3A_1043 = arith.addf %mul3A_1009, %mul3A_1020 : vector<32xbf16>
      %add3A_1044 = arith.addf %mul3A_1031, %mul3A_1042 : vector<32xbf16>
      %add3A_1045 = arith.addf %add3A_1043, %add3A_1044 : vector<32xbf16>
      %unpack3A_1046 = tpu.unpack_subelements %add3A_1045, 0 {pack_format = #tpu.pack_format<interleaved>} : vector<32xbf16> -> vector<16xf32>
      %unpack3A_1047 = tpu.unpack_subelements %add3A_1045, 1 {pack_format = #tpu.pack_format<interleaved>} : vector<32xbf16> -> vector<16xf32>
      %eq3A_1048 = arith.constant 15 : i32
      %eq3A_1049 = vector.broadcast %eq3A_1048 : i32 to vector<16xi32>
      %eq3A_1050 = arith.cmpi eq, %iota3A, %eq3A_1049 : vector<16xi32>
      %add3A_1051 = arith.addf %unpack3A_1046, %unpack3A_1047 : vector<16xf32>
      %reduce_sum3A_1052 = arith.constant true
      %reduce_sum3A_1053 = vector.broadcast %reduce_sum3A_1052 : i1 to vector<16xi1>
      %reduce_sum3A_1054 = tpu.scan <sum>, %add3A_1051 masked %reduce_sum3A_1053 : vector<16xf32>, vector<16xi1> -> vector<16xf32>
      %reduce_sum3A_1055 = vector.extract %reduce_sum3A_1054[15] : f32 from vector<16xf32>
      %broadcast_in_dim3A_1056 = vector.broadcast %reduce_sum3A_1055 : f32 to vector<16xf32>
      %select_n3A_1057 = arith.select %eq3A_1050, %broadcast_in_dim3A_1056, %select_n3A_996 : vector<16xi1>, vector<16xf32>
      %add3A_1058 = arith.constant 9920 : i32
      %add3A_1059 = arith.addi %add3A_1058, %mul3A_85 : i32
      %swap3A = arith.index_cast %add3A_1059 : i32 to index
      %swap3A_1060 = tpu.vector_load %arg11[%swap3A] {strides = array<i32>} : memref<10000xf32, #tpu.memory_space<vmem>>, vector<16xf32>,
      tpu.vector_store %arg11[%swap3A], %select_n3A_1057 {strides = array<i32>} : memref<10000xf32, #tpu.memory_space<vmem>>, vector<16xf32>,
    }
    %scan3A_82 = arith.constant 5 : i32
    "tpu.region"() ({
      %run_scoped3A_83 = tpu.sem_alloc : memref<!tpu.dma_semaphore, #tpu.memory_space<semaphore_mem>>
      %dma_start3A_84 = tpu.memref_slice %arg6[%mul3A_2] : memref<320000xf32, #tpu.memory_space<hbm>> -> memref<10000xf32, #tpu.memory_space<hbm>>
      %dma_start3A_85 = tpu.memref_slice %arg6[%mul3A_2] : memref<320000xf32, #tpu.memory_space<hbm>> -> memref<10000xf32, #tpu.memory_space<hbm>>
      tpu.enqueue_dma source(%arg11 : memref<10000xf32, #tpu.memory_space<vmem>>) target(%dma_start3A_85 : memref<10000xf32, #tpu.memory_space<hbm>>) target_semaphore(%run_scoped3A_83 : memref<!tpu.dma_semaphore, #tpu.memory_space<semaphore_mem>>)
      %dma_wait3A_86 = tpu.memref_slice %arg6[%mul3A_2] : memref<320000xf32, #tpu.memory_space<hbm>> -> memref<10000xf32, #tpu.memory_space<hbm>>
      %dma_wait3A_87 = tpu.memref_slice %arg6[%mul3A_2] : memref<320000xf32, #tpu.memory_space<hbm>> -> memref<10000xf32, #tpu.memory_space<hbm>>
      tpu.wait_dma2 semaphore(%run_scoped3A_83 : memref<!tpu.dma_semaphore, #tpu.memory_space<semaphore_mem>>) src(%arg11 : memref<10000xf32, #tpu.memory_space<vmem>>) dst(%dma_wait3A_87 : memref<10000xf32, #tpu.memory_space<hbm>>)
      tpu.yield
    }) : () -> ()
    return
  }
}

</mosaic_0001>

<sc_bundles>
// kernel: _run.3.cloned.1.call-start
scs
__scs_entry_jumppad:
0x0: {  	(pc) =	sbr.rel $0x88, $3  }
0x1: {  	(tag) =	ssettag $0x0;
	lr =	simm.s32 $0x1  }
0x2: {  	[smem:$0x3F9D] =	sst lr;
	_ =	strace $0xD0000000  }
0x3: {  	_ = 	snop  }
0x4: {  	_ = 	snop  }
0x5: {  	_ = 	snop  }
0x6: {  	_ = 	snop  }
0x7: {  	_ = 	snop  }
__scs_overlays_trampoline_lowered:
0x8: {  	[smem:$0x3FAC] =	sst s0  }
0x9: {  	[smem:$0x3FAD] =	sst s1  }
0xa: {  	[smem:$0x3FAE] =	sst s2  }
0xb: {  	[smem:$0x3FAF] =	sst s3  }
0xc: {  	[smem:$0x3FB0] =	sst s4  }
0xd: {  	[smem:$0x3FB1] =	sst s5  }
0xe: {  	[smem:$0x3FB2] =	sst s6  }
0xf: {  	[smem:$0x3FB3] =	sst s7  }
0x10: {  	[smem:$0x3FB4] =	sst s8  }
0x11: {  	[smem:$0x3FB5] =	sst s9;
	s0 =	simm.s32 @!p0 $0x0  }
0x12: {  	s1 =	sld [smem:$0x3F9B];
	s0 =	simm.s32 @p0 $0x1  }
0x13: {  	[smem:$0x3FB6] =	sst s0;
	s0 =	simm.s32 @!p1 $0x0  }
0x14: {  	s2 =	sld [smem:$0x3F9A];
	s0 =	simm.s32 @p1 $0x1  }
0x15: {  	[smem:$0x3FB7] =	sst s0;
	s0 =	simm.s32 @!p2 $0x0  }
0x16: {  	s3 =	sld [smem:$0x3FDB];
	s0 =	simm.s32 @p2 $0x1  }
0x17: {  	s4 =	simm.s32 $0x1BF5;
	[smem:$0x3FB9] =	sst s0  }
0x18: {  	s0 =	sld [smem:$0x3F9C];
	_ =	swait.ge [sflag:s4], $0x0  }
0x19: {  	s7 =	sld [smem:$0x3F9D]  }
0x1a: {  	s8 =	sadd.s32 $0xFFFFE003, lr  }
0x1b: {  	s9 =	sadd.s32 $0xFFFFFEF7, lr;
	s5 =	simm.s32 $0xFFFFFFFF;
	p2 =	slt.u32 s8, $0xFFFFF086  }
0x1c: {  	p1 =	slt.u32 s9, $0xF7A;
	s5 =	simm.s32 @!p2 $0x0  }
0x1d: {  	s5 =	simm.s32 @p1 $0x1;
	p0 =	seq.s32 s7, s2  }
0x1e: {  	s7 =	smul.u32 @!p0 $0xF7A, s2;
	p2 =	seq.s32 @!p0 s5, $0x0  }
0x1f: {  	s9 =	smul.u32 $0xF7A, s1;
	s8 =	simm.s32 @!p0 $0x1BF5;
	p2 =	por !p2, p0  }
0x20: {  	[sflag:s8] =	ssyncset.s32 @!p0 $0xFFFFF086;
	s6 =	sadd.s32 @!p0 s3, s7;
	s7 =	simm.s32 @!p0 $0x108  }
0x21: {  	s3 =	sadd.s32 s3, s9;
	s6 =	sadd.s32 @!p0 $0x88, s6;
	s7 =	simm.s32 @p2 $0x1082  }
0x22: {  	[simem:s7], [sflag:s8] =	dma.local @!p0 [hbm:s6], $0xF7A  }
0x23: {  	s9 =	sor.u32 $0xD0000000, s2;
	s6 =	simm.s32 $0x108;
	_ =	swait.ge @!p0 [sflag:s8], $0x0  }
0x24: {  	s3 =	sadd.s32 $0x88, s3;
	s6 =	simm.s32 @!p1 $0x1082;
	[sflag:s4] =	ssyncset.s32 $0xFFFFF086  }
0x25: {  	[simem:s6], [sflag:s4] =	dma.local [hbm:s3], $0xF7A  }
0x26: {  	[smem:$0x3F9D] =	sst s1;
	(tag) =	ssettag s2;
	_ =	strace s9  }
0x27: {  	s1 =	sld [smem:$0x3FAD]  }
0x28: {  	s2 =	sld [smem:$0x3FAE]  }
0x29: {  	s4 =	sld [smem:$0x3FB0]  }
0x2a: {  	p0 =	seq.s32 s5, $0x0;
	s5 =	sld [smem:$0x3FB1]  }
0x2b: {  	s6 =	sld [smem:$0x3FB2]  }
0x2c: {  	s7 =	sld [smem:$0x3FB3]  }
0x2d: {  	s3 =	simm.s32 $0x108;
	s8 =	sld [smem:$0x3FB4]  }
0x2e: {  	s3 =	simm.s32 @!p0 $0x1082;
	s9 =	sld [smem:$0x3FB5]  }
0x2f: {  	lr =	sadd.s32 s0, s3;
	s0 =	sld [smem:$0x3FAC]  }
0x30: {  	s3 =	sld [smem:$0x3FAF]  }
0x31: {  	[smem:$0x3FB8] =	sst s10  }
0x32: {  	s10 =	sld [smem:$0x3FB6];
	_ =	sdelay $0x3  }
0x33: {  	p0 =	seq.s32 s10, $0x1;
	s10 =	sld [smem:$0x3FB8];
	_ =	sdelay $0x3  }
0x34: {  	[smem:$0x3FB8] =	sst s10  }
0x35: {  	s10 =	sld [smem:$0x3FB7];
	_ =	sdelay $0x3  }
0x36: {  	p1 =	seq.s32 s10, $0x1;
	s10 =	sld [smem:$0x3FB8];
	_ =	sdelay $0x3  }
0x37: {  	[smem:$0x3FB8] =	sst s10  }
0x38: {  	s10 =	sld [smem:$0x3FB9]  }
0x39: {  	_ = 	snop;
	(pc) =	sbr.ind lr, $3  }
0x3a: {  	_ = 	snop  }
0x3b: {  	_ = 	snop  }
0x3c: {  	p2 =	seq.s32 s10, $0x1;
	s10 =	sld [smem:$0x3FB8]  }
0x3d: {  	_ =	shalt  }
0x3e: {  	_ =	shalt  }
0x3f: {  	_ =	shalt  }
0x40: {  	_ =	shalt  }
0x41: {  	_ =	shalt  }
0x42: {  	_ =	shalt  }
0x43: {  	_ =	shalt  }
0x44: {  	_ =	shalt  }
0x45: {  	_ =	shalt  }
0x46: {  	_ =	shalt  }
0x47: {  	_ =	shalt  }
0x48: {  	_ =	shalt  }
0x49: {  	_ =	shalt  }
0x4a: {  	_ =	shalt  }
0x4b: {  	_ =	shalt  }
0x4c: {  	_ =	shalt  }
0x4d: {  	_ =	shalt  }
0x4e: {  	_ =	shalt  }
0x4f: {  	_ =	shalt  }
0x50: {  	_ =	shalt  }
0x51: {  	_ =	shalt  }
0x52: {  	_ =	shalt  }
0x53: {  	_ =	shalt  }
0x54: {  	_ =	shalt  }
0x55: {  	_ =	shalt  }
0x56: {  	_ =	shalt  }
0x57: {  	_ =	shalt  }
0x58: {  	_ =	shalt  }
0x59: {  	_ =	shalt  }
0x5a: {  	_ =	shalt  }
0x5b: {  	_ =	shalt  }
0x5c: {  	_ =	shalt  }
0x5d: {  	_ =	shalt  }
0x5e: {  	_ =	shalt  }
0x5f: {  	_ =	shalt  }
0x60: {  	_ =	shalt  }
0x61: {  	_ =	shalt  }
0x62: {  	_ =	shalt  }
0x63: {  	_ =	shalt  }
0x64: {  	_ =	shalt  }
0x65: {  	_ =	shalt  }
0x66: {  	_ =	shalt  }
0x67: {  	_ =	shalt  }
0x68: {  	_ =	shalt  }
0x69: {  	_ =	shalt  }
0x6a: {  	_ =	shalt  }
0x6b: {  	_ =	shalt  }
0x6c: {  	_ =	shalt  }
0x6d: {  	_ =	shalt  }
0x6e: {  	_ =	shalt  }
0x6f: {  	_ =	shalt  }
0x70: {  	_ =	shalt  }
0x71: {  	_ =	shalt  }
0x72: {  	_ =	shalt  }
0x73: {  	_ =	shalt  }
0x74: {  	_ =	shalt  }
0x75: {  	_ =	shalt  }
0x76: {  	_ =	shalt  }
0x77: {  	_ =	shalt  }
0x78: {  	_ =	shalt  }
0x79: {  	_ =	shalt  }
0x7a: {  	_ =	shalt  }
0x7b: {  	_ =	shalt  }
0x7c: {  	_ =	shalt  }
0x7d: {  	_ =	shalt  }
0x7e: {  	_ =	shalt  }
0x7f: {  	_ =	shalt  }
0x80: {  	_ =	shalt  }
0x81: {  	_ =	shalt  }
0x82: {  	_ =	shalt  }
0x83: {  	_ =	shalt  }
0x84: {  	_ =	shalt  }
0x85: {  	_ =	shalt  }
0x86: {  	_ =	shalt  }
0x87: {  	_ =	shalt  }
.Lfunc_end0:
.L_simem_size_0:
called_computation_lowered:
.L_overlay_start_0:
0x88: {  	s2 =	sld [smem:$0x3FD9]  }
0x89: {  	s3 =	sld [smem:$0x3FFE];
	_ =	sdelay $0x1  }
0x8a: {  	s1 =	srdreg.scid  }
0x8b: {  	s0 =	sand.u32 $0x1, s1  }
0x8c: {  	s17 =	sshll.u32 s0, $0xA;
	s2 =	sadd.s32 s3, s2  }
0x8d: {  	s2 =	sadd.s32 s2, s17  }
0x8e: {  	[smem:$0x3FC4] =	sst s2  }
0x8f: {  	_ = 	snop  }
0x90: {  	s2 =	sld [smem:$0x3FC7]  }
0x91: {  	s18 =	sld [smem:$0x3FC6]  }
0x92: {  	s4 =	sld [smem:$0x3FD0];
	(tm) =	ssettm $0x1  }
0x93: {  	s5 =	sld [smem:$0x3FFB];
	_ =	sdelay $0x3  }
0x94: {  	_ =	strace s5  }
0x95: {  	s5 =	sld [smem:$0x3FFC];
	_ =	sdelay $0x3  }
0x96: {  	_ =	strace s5  }
0x97: {  	s5 =	sld [smem:$0x3FFD];
	_ =	sdelay $0x3  }
0x98: {  	_ =	strace s5  }
0x99: {  	_ =	strace $0x8FFFFFFF  }
0x9a: {  	s19 =	sld [smem:$0x3FDB];
	_ =	sdelay $0x1  }
0x9b: {  	s6 =	simm.s32 $_scs_section_size  }
0x9c: {  	s7 =	simm.s32 $_size__tile_overlayer_lowered;
	s8 =	simm.s32 $_tile_overlayer_lowered  }
0x9d: {  	s22 =	simm.s32 $0x1BFF;
	s21 =	sshll.u32 s8, $0x1;
	s5 =	sadd.s32 s6, s19  }
0x9e: {  	s9 =	simm.s32 $0x0;
	s20 =	sshll.u32 s7, $0x1;
	s7 =	sadd.s32 s21, s5  }
0x9f: {  	[timem:s9], [sflag:s22] =	dma.local [hbm:s7], s20  }
0xa0: {  	_ =	swait.ge [sflag:s22], s20  }
0xa1: {  	s6 =	ssub.s32 $0x0, s20;
	[sflag:s22] =	ssyncset.done $0x0  }
0xa2: {  	[sflag:s22] =	ssyncadd.s32 s6;
	_ =	sdelay $0x1  }
0xa3: {  	s23 =	simm.s32 $0x1B8B  }
0xa4: {  	_ =	swait.ge [sflag:s23], $0x1  }
0xa5: {  	[sflag:s23] =	ssyncset.done $0x0  }
0xa6: {  	s25 =	simm.s32 $0x1B8E;
	s24 =	sld [smem:$0x3FFE];
	[sflag:s23] =	ssyncadd.s32 $0xFFFFFFFF  }
0xa7: {  	s26 =	simm.s32 $execute0_lowered;
	[smem:$0x3FD2] =	sst s25  }
0xa8: {  	s7 =	sshll.u32 s26, $0x1;
	_ =	strace $0x80000046;
	[dreg:$0x1] =	wrdreg $0xFFFFFFFF  }
0xa9: {  	s28 =	simm.s32 $_size_execute0_lowered;
	s5 =	sadd.s32 s5, s7;
	[dreg:$0x0] =	wrdreg $0x0  }
0xaa: {  	s7 =	sshll.u32 s28, $0x1;
	[dreg:$0x2] =	wrdreg s5  }
0xab: {  	[dreg:$0x3] =	wrdreg s7  }
0xac: {  	[dreg:$0x4] =	wrdreg $0xC0  }
0xad: {  	_ =	task [dreg:s9], $0x5FFFF  }
0xae: {  	[dreg:$0x1] =	wrdreg $0xFFFFFFFF  }
0xaf: {  	[dreg:$0x0] =	wrdreg $0x60  }
0xb0: {  	[dreg:$0x2] =	wrdreg s24  }
0xb1: {  	[dreg:$0x3] =	wrdreg s2  }
0xb2: {  	[dreg:$0x4] =	wrdreg s18  }
0xb3: {  	[dreg:$0x5] =	wrdreg s4  }
0xb4: {  	[dreg:$0x6] =	wrdreg $0x78500  }
0xb5: {  	[dreg:$0x7] =	wrdreg $0x114900  }
0xb6: {  	[dreg:$0x8] =	wrdreg $0x9  }
0xb7: {  	_ =	task.clear_ibuf [dreg:s9], $0x9FFFF;
	_ =	strace $0x90000046  }
0xb8: {  	s29 =	simm.s32 $0x9;
	_ =	strace $0x80000048  }
0xb9: {  	_ =	swait.ge [sflag:s29], $0x1  }
0xba: {  	[sflag:s29] =	ssyncadd.s32 $0xFFFFFFFF  }
0xbb: {  	_ =	strace $0x90000048  }
0xbc: {  	_ =	sfence  }
0xbd: {  	s30 =	sld [smem:$0x0];
	_ =	sdelay $0x2  }
0xbe: {  	s31 =	sshll.u32 s1, $0xD;
	s1 =	sshrl.u32 s1, $0x2  }
0xbf: {  	s3 =	sand.u32 $0x4000, s31;
	s1 =	sadd.s32 s1, s30  }
0xc0: {  	s0 =	sor.u32 s3, s0;
	s1 =	sshll.u32 s1, $0x11  }
0xc1: {  	s0 =	sor.u32 s1, s0  }
0xc2: {  	s0 =	sadd.s32 $0x8F2B, s0  }
0xc3: {  	[sflag:s0] =	ssyncadd.remote.s32 $0x1  }
0xc4: {  	_ =	sfence.sel $0xFFFF  }
0xc5: {  	[dreg:$0x0] =	wrdreg $0xFFFFFFFF;
	(pc) =	sbr.abs _section_cstart, $3  }
0xc6: {  	[dreg:$0x1] =	wrdreg $0xFFFFFFFF  }
0xc7: {  	_ =	task.clear_ibuf [dreg:s9], $0x2FFFF;
	_ =	strace $0x9FFFFFFF  }
0xc8: {  	(tm) =	ssettm $0x7FFFFFFF  }
0xc9: {  	_ =	shalt  }
tec
execute0_lowered:
.L_overlay_start_1:
0x0: {  	(tag) =	ssettag $0x1  }
0x1: {  	s0 =	rddreg [dreg:$0x0]  }
0x2: {  	s1 =	rddreg [dreg:$0x1]  }
0x3: {  	s2 =	rddreg [dreg:$0x2]  }
0x4: {  	s3 =	rddreg [dreg:$0x3]  }
0x5: {  	s4 =	rddreg [dreg:$0x4]  }
0x6: {  	s5 =	rddreg [dreg:$0x5];
	s6 =	simm.s32 $0x0  }
0x7: {  	s13 =	stileid.u32;
	s7 =	srdreg.scid;
	s28 =	simm.s32 $0x1540  }
0x8: {  	s29 =	simm.s32 $0x3D40;
	s30 =	simm.s32 $0x2;
	s31 =	simm.s32 $0x3  }
0x9: {  	[smem:$0x7FF] =	sst s6;
	s8 =	smul.u32 $0x13880, s13;
	s7 =	sand.u32 $0x1, s7  }
0xa: {  	s12 =	sshll.u32 s13, $0x1;
	s19 =	sshll.u32 s13, $0x6;
	_ =	strace $0x80000047  }
0xb: {  	s9 =	ssub.s32 $0x2, s7;
	s7 =	sor.u32 s7, s12;
	s10 =	sshrl.u32 s8, $0x4  }
0xc: {  	s11 =	sshrl.u32 s9, $0x1;
	s7 =	smul.u32 $0x2710, s7;
	s18 =	sshrl.u32 s8, $0x1  }
0xd: {  	s8 =	sor.u32 $0x1C04, s19;
	s19 =	simm.s32 $0x4;
	s0 =	sadd.s32 s10, s0  }
0xe: {  	s9 =	ssub.s32 s9, s11;
	s20 =	sadd.s32 s18, s4;
	s10 =	sadd.s32 s18, s5  }
0xf: {  	s21 =	sadd.s32 $0x600, s0;
	s0 =	sadd.s32 $0x14000, s0;
	s22 =	sshrl.u32 s7, $0x3  }
0x10: {  	s14 =	sadd.s32 $0xA0, s7;
	s15 =	sadd.s32 $0xF0, s7;
	s17 =	smax.u32 s9, $0x1  }
0x11: {  	s18 =	sshrl.u32 s20, $0x3;
	s20 =	sshrl.u32 s10, $0x3;
	[dreg:$0x7] =	wrdreg s21  }
0x12: {  	[dreg:$0x8] =	wrdreg s0;
	s23 =	sadd.s32 s1, s22;
	s24 =	sadd.s32 s2, s22  }
0x13: {  	vm0 =	vmmov $0x1;
	vm1 =	vmmov $0x3;
	vm2 =	vmmov $0x7;
	s25 =	sadd.s32 $0xA, s22;
	s16 =	sadd.s32 s3, s22;
	s21 =	simm.s32 $0xA0  }
0x14: {  	vm3 =	vmmov $0xf;
	vm4 =	vmmov $0x1f;
	vm5 =	vmmov $0x3f;
	s22 =	simm.s32 $0x50;
	s3 =	simm.s32 $0x0;
	[dreg:$0x9] =	wrdreg s23  }
0x15: {  	vm6 =	vmmov $0x7f;
	vm7 =	vmmov $0xff;
	vm8 =	vmmov $0x1ff;
	[dreg:$0xa] =	wrdreg s24;
	s26 =	sadd.s32 s1, s25;
	s12 =	sadd.s32 s2, s25  }
0x16: {  	vm9 =	vmmov $0x3ff;
	vm10 =	vmmov $0x7ff;
	vm11 =	vmmov $0xfff;
	s23 =	simm.s32 $0x140;
	s24 =	simm.s32 $0x2940;
	[dreg:$0xb] =	wrdreg s26  }
0x17: {  	vm12 =	vmmov $0x1fff;
	vm13 =	vmmov $0x3fff;
	vm14 =	vmmov $0x7fff;
	s25 =	simm.s32 $0xF0;
	[dreg:$0xc] =	wrdreg s12;
	s26 =	simm.s32 $0x1  }
.LBB2_1:
0x18: {  	s0 =	rddreg [dreg:$0x7]  }
0x19: {  	[spmem:s18], [sflag:s8] =	dma.local [hbm:s0], $0x1388  }
0x1a: {  	_ =	swait.ge [sflag:s19], $0x1388  }
0x1b: {  	[sflag:s19] =	ssyncset.done $0x0  }
0x1c: {  	s9 =	rddreg [dreg:$0x8];
	[sflag:s19] =	ssyncadd.s32 $0xFFFFEC78  }
0x1d: {  	[spmem:s20], [sflag:s8] =	dma.local [hbm:s9], $0x1388  }
0x1e: {  	_ =	swait.ge [sflag:s19], $0x1388  }
0x1f: {  	[sflag:s19] =	ssyncset.done $0x0  }
0x20: {  	[sflag:s19] =	ssyncadd.s32 $0xFFFFEC78  }
0x21: {  	[bflag:$0x0] =	sbarrier.arrive $0xFFFF  }
0x22: {  	s10 =	rddreg [dreg:$0x9]  }
0x23: {  	[tilespmem:s6], [sflag:$0x4] =	stream.linear.gather [hbm4b:s10+s6], $0x50, $0x38;
	[tilespmem:$0x1B0D0] =	vst v63  }
0x24: {  	_ =	swait.ge [sflag:s19], $0x50  }
0x25: {  	[sflag:s19] =	ssyncset.done $0x0  }
0x26: {  	s11 =	rddreg [dreg:$0xa];
	[sflag:s19] =	ssyncadd.s32 $0xFFFFFFB0  }
0x27: {  	[tilespmem:s21], [sflag:$0x4] =	stream.linear.gather [hbm4b:s11+s6], $0x50, $0x38;
	[tilespmem:$0x1B0D0] =	vst v63  }
0x28: {  	_ =	swait.ge [sflag:s19], $0x50  }
0x29: {  	[sflag:s19] =	ssyncset.done $0x0  }
0x2a: {  	[sflag:s19] =	ssyncadd.s32 $0xFFFFFFB0  }
0x2b: {  	[tilespmem:s23], [sflag:$0x2] =	stream.indirect.gather [spmem:s4], $0x40, s6, s22, $0xb8;
	[tilespmem:$0x1B0D0] =	vst v63  }
0x2c: {  	_ = 	snop  }
0x2d: {  	[tilespmem:s24], [sflag:$0x2] =	stream.indirect.gather [spmem:s5], $0x40, s21, s22, $0xb8;
	[tilespmem:$0x1B0D0] =	vst v63  }
0x2e: {  	s0 =	simm.s32 $0x5190;
	s12 =	rddreg [dreg:$0xb]  }
0x2f: {  	[tilespmem:s22], [sflag:$0x1] =	stream.linear.gather [hbm4b:s12+s6], $0x50, $0x38;
	[tilespmem:$0x1B0D0] =	vst v63  }
0x30: {  	s9 =	simm.s32 $0x0;
	s13 =	rddreg [dreg:$0xc];
	s12 =	simm.s32 $0x5140  }
0x31: {  	[tilespmem:s25], [sflag:$0x1] =	stream.linear.gather [hbm4b:s13+s6], $0x50, $0x38;
	[tilespmem:$0x1B0D0] =	vst v63  }
.LBB2_2:
0x32: {  	_ =	swait.ge [sflag:s26], $0x50  }
0x33: {  	[sflag:s26] =	ssyncset.done $0x0  }
0x34: {  	[sflag:s26] =	ssyncadd.s32 $0xFFFFFFB0  }
0x35: {  	_ =	swait.ge [sflag:s26], $0x50  }
0x36: {  	[sflag:s26] =	ssyncset.done $0x0  }
0x37: {  	[sflag:s26] =	ssyncadd.s32 $0xFFFFFFB0  }
0x38: {  	[tilespmem:s28], [sflag:$0x3] =	stream.indirect.gather [spmem:s4], $0x40, s22, s22, $0xb8;
	[tilespmem:$0x1B0D0] =	vst v63  }
0x39: {  	_ = 	snop  }
0x3a: {  	[tilespmem:s29], [sflag:$0x3] =	stream.indirect.gather [spmem:s5], $0x40, s25, s22, $0xb8;
	[tilespmem:$0x1B0D0] =	vst v63  }
0x3b: {  	_ =	swait.ge [sflag:s30], $0x1400  }
0x3c: {  	s10 =	smul.u32 $0xA0, s9;
	[sflag:s30] =	ssyncset.done $0x0  }
0x3d: {  	[sflag:s30] =	ssyncadd.s32 $0xFFFFEC00  }
0x3e: {  	s7 =	sadd.s32 s10, s14;
	_ =	swait.ge [sflag:s30], $0x1400  }
0x3f: {  	s7 =	sshrl.u32 s7, $0x3;
	[sflag:s30] =	ssyncset.done $0x0  }
0x40: {  	s11 =	sadd.s32 s1, s7;
	[sflag:s30] =	ssyncadd.s32 $0xFFFFEC00  }
0x41: {  	[tilespmem:s6], [sflag:$0x1] =	stream.linear.gather [hbm4b:s11+s6], $0x50, $0x38;
	[tilespmem:$0x1B0D0] =	vst v63  }
0x42: {  	s13 =	simm.s32 $0x3F0;
	s7 =	sadd.s32 s2, s7  }
0x43: {  	[tilespmem:s21], [sflag:$0x1] =	stream.linear.gather [hbm4b:s7+s6], $0x50, $0x38;
	[tilespmem:$0x1B0D0] =	vst v63  }
0x44: {  	v16 =	vld [tilespmem:s13+$0x2940]  }
0x45: {  	v15 =	vld [tilespmem:s13+$0x140]  }
0x46: {  	v0 =	vld [tilespmem:s13+$0x2930]  }
0x47: {  	v57 =	vld [tilespmem:s13+$0x130]  }
0x48: {  	v58 =	vld [tilespmem:s13+$0x2920]  }
0x49: {  	v21 =	vld [tilespmem:s13+$0x2900]  }
0x4a: {  	v22 =	vld [tilespmem:s13+$0x100]  }
0x4b: {  	v23 =	vld [tilespmem:s13+$0x28F0]  }
0x4c: {  	v24 =	vld [tilespmem:s13+$0xF0]  }
0x4d: {  	v25 =	vld [tilespmem:s13+$0x28E0]  }
0x4e: {  	v26 =	vld [tilespmem:s13+$0xE0]  }
0x4f: {  	v27 =	vld [tilespmem:s13+$0x28D0]  }
0x50: {  	v28 =	vld [tilespmem:s13+$0xD0]  }
0x51: {  	v29 =	vld [tilespmem:s13+$0x28C0]  }
0x52: {  	v30 =	vld [tilespmem:s13+$0xC0]  }
0x53: {  	v59 =	vld [tilespmem:s13+$0x28B0]  }
0x54: {  	v60 =	vld [tilespmem:s13+$0xB0]  }
0x55: {  	v61 =	vld [tilespmem:s13+$0x28A0]  }
0x56: {  	v31 =	vld [tilespmem:s13+$0x2880]  }
0x57: {  	v32 =	vld [tilespmem:s13+$0x80]  }
0x58: {  	v33 =	vld [tilespmem:s13+$0x2870]  }
0x59: {  	v34 =	vld [tilespmem:s13+$0x70]  }
0x5a: {  	v35 =	vld [tilespmem:s13+$0x2860]  }
0x5b: {  	v36 =	vld [tilespmem:s13+$0x60]  }
0x5c: {  	v37 =	vld [tilespmem:s13+$0x2850]  }
0x5d: {  	v38 =	vld [tilespmem:s13+$0x50]  }
0x5e: {  	v39 =	vld [tilespmem:s13+$0x2840]  }
0x5f: {  	v40 =	vld [tilespmem:s13+$0x40]  }
0x60: {  	v41 =	vld [tilespmem:s13+$0x2830]  }
0x61: {  	v42 =	vld [tilespmem:s13+$0x30]  }
0x62: {  	v43 =	vld [tilespmem:s13+$0x2820]  }
0x63: {  	v44 =	vld [tilespmem:s13+$0x20]  }
0x64: {  	v45 =	vld [tilespmem:s13+$0x2810]  }
0x65: {  	v46 =	vld [tilespmem:s13+$0x10]  }
0x66: {  	v62 =	vld [tilespmem:s13+$0x2800]  }
0x67: {  	v20 =	vld [tilespmem:s13+$0x0]  }
0x68: {  	v63 =	vld [tilespmem:s13+$0x27F0]  }
0x69: {  	v9 =	vld [tilespmem:s13+$0xFFFFFFF0]  }
0x6a: {  	v10 =	vld [tilespmem:s13+$0x27E0]  }
0x6b: {  	v47 =	vld [tilespmem:s13+$0x27C0]  }
0x6c: {  	v48 =	vld [tilespmem:s13+$0xFFFFFFC0]  }
0x6d: {  	v49 =	vld [tilespmem:s13+$0x27B0]  }
0x6e: {  	v50 =	vld [tilespmem:s13+$0xFFFFFFB0]  }
0x6f: {  	v51 =	vld [tilespmem:s13+$0x27A0]  }
0x70: {  	v52 =	vld [tilespmem:s13+$0xFFFFFFA0]  }
0x71: {  	v53 =	vld [tilespmem:s13+$0x2790]  }
0x72: {  	v54 =	vld [tilespmem:s13+$0xFFFFFF90]  }
0x73: {  	v55 =	vld [tilespmem:s13+$0x2780]  }
0x74: {  	v56 =	vld [tilespmem:s13+$0xFFFFFF80]  }
0x75: {  	v11 =	vld [tilespmem:s13+$0x2740]  }
0x76: {  	v4 =	vld [tilespmem:s13+$0xFFFFFF00]  }
0x77: {  	v1 =	vld [tilespmem:s13+$0x26F0]  }
0x78: {  	v6 =	vld [tilespmem:s13+$0x26E0]  }
0x79: {  	v5 =	vld [tilespmem:s13+$0xFFFFFEE0]  }
0x7a: {  	v3 =	vld [tilespmem:s13+$0x26D0]  }
0x7b: {  	v2 =	vld [tilespmem:s13+$0xFFFFFED0]  }
0x7c: {  	v14 =	vld [tilespmem:s13+$0x26C0]  }
0x7d: {  	v7 =	vld [tilespmem:s13+$0xFFFFFEB0]  }
0x7e: {  	v13 =	vld [tilespmem:s13+$0x26A0]  }
0x7f: {  	v12 =	vld [tilespmem:s13+$0xFFFFFEA0]  }
0x80: {  	v8 =	vld [tilespmem:s13+$0xFFFFFE90]  }
0x81: {  	v18 =	vld [tilespmem:s13+$0x2680]  }
0x82: {  	v17 =	vld [tilespmem:s13+$0xFFFFFE80]  }
0x83: {  	v19 =	vld [tilespmem:s13+$0x2670]  }
0x84: {  	[tilespmem:$0x1FEB0] =	vst v57;
	v57 =	vld [tilespmem:s13+$0x2770]  }
0x85: {  	[tilespmem:$0x1FEC0] =	vst v58;
	v58 =	vld [tilespmem:s13+$0xFFFFFF70]  }
0x86: {  	[tilespmem:$0x1FE70] =	vst v59;
	v59 =	vld [tilespmem:s13+$0x2760]  }
0x87: {  	[tilespmem:$0x1FE80] =	vst v60;
	v60 =	vld [tilespmem:s13+$0xFFFFFF60]  }
0x88: {  	[tilespmem:$0x1FE90] =	vst v61;
	v61 =	vld [tilespmem:s13+$0x2750]  }
0x89: {  	[tilespmem:$0x1FDB0] =	vst v62;
	v62 =	vld [tilespmem:s13+$0xFFFFFF50]  }
0x8a: {  	[tilespmem:$0x1FE40] =	vst v63;
	v63 =	vld [tilespmem:s13+$0xFFFFFF40]  }
0x8b: {  	[tilespmem:$0x1FE50] =	vst v9;
	v9 =	vld [tilespmem:s13+$0x2730]  }
0x8c: {  	[tilespmem:$0x1FE60] =	vst v10;
	v10 =	vld [tilespmem:s13+$0xFFFFFF30]  }
0x8d: {  	[tilespmem:$0x1FDC0] =	vst v11;
	v11 =	vld [tilespmem:s13+$0x2720]  }
0x8e: {  	[tilespmem:$0x1FEA0] =	vst v0;
	v0 =	vld [tilespmem:s13+$0xFFFFFEF0]  }
0x8f: {  	[tilespmem:$0x1FDE0] =	vst v19;
	v19 =	vld [tilespmem:s13+$0xFFFFFE70]  }
0x90: {  	v21 =	vmul.bf16 v21, v22;
	v22 =	vld [tilespmem:s13+$0x2640]  }
0x91: {  	v25 =	vmul.bf16 v25, v26;
	v26 =	vld [tilespmem:s13+$0xFFFFFE40]  }
0x92: {  	v23 =	vmul.bf16 v23, v24;
	v24 =	vmul.bf16 v27, v28;
	v27 =	vld [tilespmem:s13+$0x2630]  }
0x93: {  	v28 =	vmul.bf16 v31, v32;
	v31 =	vld [tilespmem:s13+$0x2620]  }
0x94: {  	v32 =	vmul.bf16 v37, v38;
	v38 =	vld [tilespmem:s13+$0x25F0]  }
0x95: {  	v37 =	vld [tilespmem:s13+$0xFFFFFDF0]  }
0x96: {  	v53 =	vmul.bf16 v53, v54;
	v54 =	vmul.bf16 v51, v52;
	v51 =	vld [tilespmem:s13+$0xFFFFFDD0]  }
0x97: {  	v2 =	vmul.bf16 v3, v2;
	v3 =	vmul.bf16 v6, v5;
	v6 =	vld [tilespmem:s13+$0x2560]  }
0x98: {  	v17 =	vmul.bf16 v18, v17;
	v18 =	vld [tilespmem:s13+$0xFFFFFE60]  }
0x99: {  	v21 =	vadd.bf16 v21, v23;
	v23 =	vld [tilespmem:s13+$0xFFFFFE30]  }
0x9a: {  	v24 =	vadd.bf16 v25, v24;
	v25 =	vmul.bf16 v33, v34;
	v34 =	vld [tilespmem:s13+$0xFFFFFE20]  }
0x9b: {  	v33 =	vmul.bf16 v35, v36;
	v36 =	vld [tilespmem:s13+$0x2610]  }
0x9c: {  	v35 =	vld [tilespmem:s13+$0xFFFFFE00]  }
0x9d: {  	v2 =	vadd.bf16 v3, v2;
	v3 =	vld [tilespmem:s13+$0x2550]  }
0x9e: {  	v24 =	vadd.bf16 v21, v24;
	v21 =	vmul.bf16 v16, v15;
	v16 =	vadd.bf16 v33, v32;
	v33 =	vld [tilespmem:s13+$0xFFFFFE10]  }
0x9f: {  	v15 =	vmul.bf16 v29, v30;
	v29 =	vld [tilespmem:s13+$0x2600]  }
0xa0: {  	v25 =	vadd.bf16 v28, v25;
	v28 =	vmul.bf16 v41, v42;
	v42 =	vmul.bf16 v39, v40;
	v40 =	vld [tilespmem:s13+$0xFFFFFDE0]  }
0xa1: {  	v45 =	vmul.bf16 v45, v46;
	v46 =	vmul.bf16 v43, v44;
	v39 =	vadd.bf16 v54, v53;
	v53 =	vld [tilespmem:s13+$0x2580]  }
0xa2: {  	v30 =	vmul.bf16 v47, v48;
	v54 =	vld [tilespmem:s13+$0xFFFFFD80]  }
0xa3: {  	v32 =	vadd.bf16 v46, v45;
	[tilespmem:$0x1FDD0] =	vst v63;
	v63 =	vld [tilespmem:s13+$0x2700];
	v62 =	vmul.bf16 v61, v62;
	v0 =	vmul.bf16 v1, v0  }
0xa4: {  	[tilespmem:$0x1FE30] =	vst v11;
	v11 =	vld [tilespmem:s13+$0xFFFFFEC0];
	v28 =	vadd.bf16 v42, v28;
	v16 =	vadd.bf16 v25, v16;
	v25 =	vmul.bf16 v49, v50  }
0xa5: {  	[tilespmem:$0x1FE20] =	vst v10;
	v10 =	vld [tilespmem:s13+$0x26B0];
	v50 =	vunpack.i.u.bf16.f32 v24;
	v24 =	vunpack.i.l.bf16.f32 v24;
	v49 =	vmul.bf16 v59, v60  }
0xa6: {  	[tilespmem:$0x1FE10] =	vst v9;
	v9 =	vld [tilespmem:s13+$0x2690];
	v59 =	vmul.bf16 v13, v12;
	v13 =	vmul.bf16 v22, v26;
	v24 =	vadd.f32 v24, v50  }
0xa7: {  	[tilespmem:$0x1FDF0] =	vst v19;
	v19 =	vld [tilespmem:s13+$0x2660];
	v12 =	vmul.bf16 v27, v23;
	v25 =	vadd.bf16 v30, v25;
	v28 =	vadd.bf16 v28, v32  }
0xa8: {  	v61 =	vld [tilespmem:$0x1FDB0];
	v30 =	vmul.bf16 v57, v58;
	v48 =	vunpack.i.u.bf16.f32 v16;
	v16 =	vunpack.i.l.bf16.f32 v16  }
0xa9: {  	v60 =	vld [tilespmem:s13+$0xFFFFFD50];
	v58 =	vmul.bf16 v55, v56;
	v42 =	vadd.bf16 v49, v62;
	v16 =	vadd.f32 v16, v48  }
0xaa: {  	v32 =	vld [tilespmem:s13+$0x25E0];
	v12 =	vadd.bf16 v13, v12;
	v13 =	vmul.bf16 v38, v37;
	v23 =	vmul.bf16 v29, v35  }
0xab: {  	v56 =	vld [tilespmem:s13+$0x2570];
	v25 =	vadd.bf16 v25, v39;
	v4 =	vmul.bf16 v63, v4;
	v7 =	vmul.bf16 v10, v7  }
0xac: {  	v57 =	vld [tilespmem:s13+$0xFFFFFD70];
	v30 =	vadd.bf16 v58, v30;
	v58 =	vmul.bf16 v14, v11;
	v8 =	vmul.bf16 v9, v8  }
0xad: {  	v50 =	vld [tilespmem:s13+$0x25D0];
	[tilespmem:$0x1FE00] =	vst v19;
	v52 =	vunpack.i.u.bf16.f32 v28;
	v14 =	vmul.bf16 v36, v33;
	v19 =	vmul.bf16 v31, v34  }
0xae: {  	v27 =	vld [tilespmem:$0x1FDC0];
	v13 =	vadd.bf16 v23, v13;
	v3 =	vmul.bf16 v3, v60;
	v30 =	vadd.bf16 v30, v42  }
0xaf: {  	v29 =	vld [tilespmem:$0x1FDD0];
	v55 =	vunpack.i.u.bf16.f32 v25;
	v0 =	vadd.bf16 v4, v0;
	v7 =	vadd.bf16 v58, v7  }
0xb0: {  	v22 =	vld [tilespmem:s13+$0x25B0];
	v25 =	vunpack.i.l.bf16.f32 v25;
	v8 =	vadd.bf16 v59, v8;
	v14 =	vadd.bf16 v19, v14  }
0xb1: {  	v62 =	vld [tilespmem:s13+$0x25C0];
	v5 =	vadd.f32 v25, v55;
	v26 =	vmul.bf16 v32, v40;
	v1 =	vmul.bf16 v56, v57  }
0xb2: {  	v4 =	vunpack.i.u.bf16.f32 v30;
	v25 =	vunpack.i.l.bf16.f32 v30;
	v30 =	vld [tilespmem:s13+$0xFFFFFD60];
	v0 =	vadd.bf16 v0, v2  }
0xb3: {  	v63 =	vld [tilespmem:s13+$0xFFFFFDC0];
	v7 =	vadd.bf16 v7, v8;
	v4 =	vadd.f32 v25, v4;
	v25 =	vmul.bf16 v50, v51  }
0xb4: {  	v23 =	vld [tilespmem:s13+$0xFFFFFD90];
	v2 =	vmul.bf16 v61, v20;
	v12 =	vadd.bf16 v12, v14;
	v27 =	vmul.bf16 v27, v29  }
0xb5: {  	v8 =	vld [tilespmem:s13+$0xFFFFFDB0];
	v14 =	vunpack.i.u.bf16.f32 v7;
	v7 =	vunpack.i.l.bf16.f32 v7;
	v25 =	vadd.bf16 v26, v25  }
0xb6: {  	v19 =	vld [tilespmem:s13+$0x25A0];
	v20 =	vunpack.i.u.bf16.f32 v0;
	v0 =	vunpack.i.l.bf16.f32 v0;
	v7 =	vadd.f32 v7, v14  }
0xb7: {  	v29 =	vld [tilespmem:s13+$0x2590];
	v14 =	vmul.bf16 v53, v54;
	v13 =	vadd.bf16 v13, v25;
	v6 =	vmul.bf16 v6, v30  }
0xb8: {  	v32 =	vunpack.i.l.bf16.f32 v12;
	v0 =	vadd.f32 v0, v20;
	v20 =	vld [tilespmem:s13+$0xFFFFFDA0];
	v26 =	vunpack.i.u.bf16.f32 v12  }
0xb9: {  	v12 =	vld [tilespmem:s13+$0x2650];
	v1 =	vadd.bf16 v14, v1;
	v14 =	vunpack.i.u.bf16.f32 v13;
	v3 =	vadd.bf16 v6, v3  }
0xba: {  	v25 =	vld [tilespmem:s13+$0xFFFFFE50];
	v6 =	vmul.bf16 v22, v8;
	v8 =	vmul.bf16 v62, v63;
	v13 =	vunpack.i.l.bf16.f32 v13  }
0xbb: {  	v28 =	vunpack.i.l.bf16.f32 v28;
	v1 =	vadd.bf16 v1, v3;
	v3 =	vadd.f32 v13, v14;
	v13 =	vld [tilespmem:$0x1FDE0]  }
0xbc: {  	(xrf2) =	vadd.scan.msk.f32 $0xffff, v24;
	v28 =	vadd.f32 v28, v52;
	v6 =	vadd.bf16 v8, v6;
	v8 =	vld [tilespmem:$0x1FE00]  }
0xbd: {  	(xrf2) =	vadd.scan.msk.f32 $0xffff, v16;
	v14 =	vld [tilespmem:$0x1FDF0]  }
0xbe: {  	v35 =	vld [tilespmem:s13+$0xFFFFFFE0];
	(xrf2) =	vadd.scan.msk.f32 $0xffff, v28;
	v34 =	vmul.bf16 v29, v23;
	v16 =	vmul.bf16 v19, v20  }
0xbf: {  	v33 =	vld [tilespmem:s13+$0xFFFFFF20];
	(xrf2) =	vadd.scan.msk.f32 $0xffff, v5  }
0xc0: {  	(xrf2) =	vadd.scan.msk.f32 $0xffff, v4;
	v19 =	vld [tilespmem:s13+$0x2710];
	v5 =	vadd.bf16 v16, v34;
	v4 =	vunpack.i.u.bf16.f32 v1;
	v1 =	vunpack.i.l.bf16.f32 v1  }
0xc1: {  	v12 =	vmul.bf16 v12, v25;
	v36 =	vadd.f32 v1, v4;
	v4 =	vld [tilespmem:$0x1FE10];
	v8 =	vmul.bf16 v8, v18  }
0xc2: {  	v11 =	vadd.f32 v32, v26;
	v13 =	vmul.bf16 v13, v14;
	v14 =	vld [tilespmem:s13+$0xFFFFFF10]  }
0xc3: {  	(xrf2) =	vadd.scan.msk.f32 $0xffff, v0;
	v37 =	vadd.bf16 v6, v5;
	v6 =	vadd.bf16 v8, v12;
	v8 =	vld [tilespmem:$0x1FE30]  }
0xc4: {  	(xrf2) =	vadd.scan.msk.f32 $0xffff, v7;
	v5 =	vld [tilespmem:$0x1FE20];
	v7 =	vadd.bf16 v17, v13  }
0xc5: {  	v38 =	vld [tilespmem:s13+$0xA0];
	(xrf2) =	vadd.scan.msk.f32 $0xffff, v11  }
0xc6: {  	(xrf2) =	vadd.scan.msk.f32 $0xffff, v3;
	v3 =	vadd.bf16 v7, v6;
	v6 =	vld [tilespmem:$0x1FE40]  }
0xc7: {  	v7 =	vld [tilespmem:$0x1FE50]  }
0xc8: {  	v16 =	vld [tilespmem:s13+$0x27D0];
	v12 =	vmul.bf16 v19, v14;
	v8 =	vmul.bf16 v8, v33  }
0xc9: {  	v4 =	vmul.bf16 v4, v5;
	v5 =	vld [tilespmem:s13+$0xFFFFFFD0]  }
0xca: {  	v40 =	vadd.bf16 v8, v12;
	v8 =	vld [tilespmem:$0x1FE60]  }
0xcb: {  	v13 =	vld [tilespmem:s13+$0x2890]  }
0xcc: {  	v6 =	vmul.bf16 v6, v7;
	v7 =	vld [tilespmem:s13+$0x90];
	v12 =	vunpack.i.u.bf16.f32 v3;
	v3 =	vunpack.i.l.bf16.f32 v3  }
0xcd: {  	v4 =	vadd.bf16 v27, v4;
	v3 =	vadd.f32 v3, v12;
	v12 =	vld [tilespmem:$0x1FE80]  }
0xce: {  	v2 =	vadd.bf16 v2, v6;
	v6 =	vld [tilespmem:$0x1FE90]  }
0xcf: {  	v5 =	vmul.bf16 v16, v5;
	v0 =	vadd.bf16 v4, v40;
	v4 =	vld [tilespmem:$0x1FE70];
	v8 =	vmul.bf16 v8, v35  }
0xd0: {  	v41 =	vld [tilespmem:s13+$0x120]  }
0xd1: {  	v45 =	vld [tilespmem:$0x1FEB0];
	v39 =	vunpack.i.u.bf16.f32 v37;
	v1 =	vunpack.i.l.bf16.f32 v37;
	v5 =	vadd.bf16 v8, v5  }
0xd2: {  	v1 =	vadd.f32 v1, v39;
	v14 =	vld [tilespmem:s13+$0x2910]  }
0xd3: {  	(xrf2) =	vadd.scan.msk.f32 $0xffff, v36;
	v7 =	vmul.bf16 v13, v7;
	v6 =	vmul.bf16 v6, v38;
	v2 =	vadd.bf16 v2, v5;
	v5 =	vld [tilespmem:$0x1FEA0]  }
0xd4: {  	v42, _, _ =	vpop (xrf2);
	(xrf2) =	vadd.scan.msk.f32 $0xffff, v1;
	v4 =	vmul.bf16 v4, v12;
	v12 =	vld [tilespmem:s13+$0x110]  }
0xd5: {  	v43, _, _ =	vpop (xrf2);
	v6 =	vadd.bf16 v6, v7;
	v7 =	vld [tilespmem:$0x1FEC0]  }
0xd6: {  	v16, _, _ =	vpop (xrf2)  }
0xd7: {  	v8, _, _ =	vpop (xrf2)  }
0xd8: {  	(xrf2) =	vadd.scan.msk.f32 $0xffff, v3;
	v44 =	vunpack.i.u.bf16.f32 v0;
	v3, _, _ =	vpop (xrf2);
	v5 =	vmul.bf16 v5, v45  }
0xd9: {  	v0 =	vunpack.i.l.bf16.f32 v0;
	v4 =	vadd.bf16 v15, v4;
	v46, _, _ =	vpop (xrf2);
	v12 =	vmul.bf16 v14, v12  }
0xda: {  	v0 =	vadd.f32 v0, v44;
	v47, _, _ =	vpop (xrf2);
	v7 =	vmul.bf16 v7, v41;
	v5 =	vadd.bf16 v21, v5  }
0xdb: {  	v4 =	vadd.bf16 v4, v6;
	v48, _, _ =	vpop (xrf2)  }
0xdc: {  	(xrf2) =	vadd.scan.msk.f32 $0xffff, v0;
	v13 =	vunpack.i.u.bf16.f32 v2;
	v2 =	vunpack.i.l.bf16.f32 v2;
	v6, _, _ =	vpop (xrf2);
	v7 =	vadd.bf16 v7, v12  }
0xdd: {  	v2 =	vadd.f32 v2, v13;
	v13 =	vunpack.i.u.bf16.f32 v4;
	v4 =	vunpack.i.l.bf16.f32 v4;
	v12, _, _ =	vpop (xrf2)  }
0xde: {  	v49 =	vadd.f32 v4, v13;
	v4 =	vadd.bf16 v5, v7;
	v5, _, _ =	vpop (xrf2)  }
0xdf: {  	(xrf2) =	vadd.scan.msk.f32 $0xffff, v2;
	v5 =	vbroadcast v5, $0xF;
	_ =	sdelay $0x1  }
0xe0: {  	v7 =	vbroadcast v12, $0xF  }
0xe1: {  	v6 =	vbroadcast v6, $0xF  }
0xe2: {  	v0 =	vbroadcast v48, $0xF;
	v12 =	vunpack.i.u.bf16.f32 v4;
	v50 =	vsel vm0, v7, v5;
	v5, _, _ =	vpop (xrf2)  }
0xe3: {  	(xrf2) =	vadd.scan.msk.f32 $0xffff, v49;
	v4 =	vunpack.i.l.bf16.f32 v4;
	v2 =	vsel vm1, v50, v6;
	v5 =	vbroadcast v5, $0xF  }
0xe4: {  	v51 =	vbroadcast v47, $0xF;
	v4 =	vadd.f32 v4, v12;
	v0 =	vsel vm2, v2, v0  }
0xe5: {  	v6, _, _ =	vpop (xrf2);
	v0 =	vsel vm3, v0, v5;
	v5 =	vbroadcast v46, $0xF  }
0xe6: {  	v52 =	vbroadcast v6, $0xF;
	v0 =	vsel vm4, v0, v51  }
0xe7: {  	v3 =	vbroadcast v3, $0xF;
	(xrf2) =	vadd.scan.msk.f32 $0xffff, v4;
	v0 =	vsel vm5, v0, v5  }
0xe8: {  	v4, _, _ =	vpop (xrf2);
	v0 =	vsel vm6, v0, v52  }
0xe9: {  	v0 =	vsel vm7, v0, v3;
	v3 =	vbroadcast v4, $0xF  }
0xea: {  	v53 =	vbroadcast v8, $0xF;
	_ =	sdelay $0x1  }
0xeb: {  	v54 =	vbroadcast v16, $0xF;
	v0 =	vsel vm8, v0, v53  }
0xec: {  	v1 =	vbroadcast v43, $0xF;
	v0 =	vsel vm9, v0, v3;
	v3, _, _ =	vpop (xrf2)  }
0xed: {  	v0 =	vsel vm10, v0, v54;
	v55 =	vbroadcast v3, $0xF  }
0xee: {  	v56 =	vbroadcast v42, $0xF;
	v0 =	vsel vm11, v0, v1  }
0xef: {  	v0 =	vsel vm12, v0, v55  }
0xf0: {  	v57, _, _ =	vpop (xrf2);
	v0 =	vsel vm13, v0, v56  }
0xf1: {  	v0 =	vsel vm14, v0, v57  }
0xf2: {  	s11 =	simm.s32 $0x7F0;
	[tilespmem:s12+$0x0] =	vst v0  }
0xf3: {  	v13 =	vld [tilespmem:s11+$0x2940]  }
0xf4: {  	v0 =	vld [tilespmem:s11+$0x140]  }
0xf5: {  	v58 =	vld [tilespmem:s11+$0x2930]  }
0xf6: {  	v59 =	vld [tilespmem:s11+$0x130]  }
0xf7: {  	v18 =	vld [tilespmem:s11+$0x2920]  }
0xf8: {  	v21 =	vld [tilespmem:s11+$0x2900]  }
0xf9: {  	v24 =	vld [tilespmem:s11+$0x100]  }
0xfa: {  	v25 =	vld [tilespmem:s11+$0x28F0]  }
0xfb: {  	v26 =	vld [tilespmem:s11+$0xF0]  }
0xfc: {  	v27 =	vld [tilespmem:s11+$0x28E0]  }
0xfd: {  	v28 =	vld [tilespmem:s11+$0xE0]  }
0xfe: {  	v29 =	vld [tilespmem:s11+$0x28D0]  }
0xff: {  	v30 =	vld [tilespmem:s11+$0xD0]  }
0x100: {  	v11 =	vld [tilespmem:s11+$0x28C0]  }
0x101: {  	v12 =	vld [tilespmem:s11+$0xC0]  }
0x102: {  	v60 =	vld [tilespmem:s11+$0x28B0]  }
0x103: {  	v61 =	vld [tilespmem:s11+$0xB0]  }
0x104: {  	v62 =	vld [tilespmem:s11+$0x28A0]  }
0x105: {  	v33 =	vld [tilespmem:s11+$0x2880]  }
0x106: {  	v34 =	vld [tilespmem:s11+$0x80]  }
0x107: {  	v35 =	vld [tilespmem:s11+$0x2870]  }
0x108: {  	v36 =	vld [tilespmem:s11+$0x70]  }
0x109: {  	v37 =	vld [tilespmem:s11+$0x2860]  }
0x10a: {  	v38 =	vld [tilespmem:s11+$0x60]  }
0x10b: {  	v39 =	vld [tilespmem:s11+$0x2850]  }
0x10c: {  	v40 =	vld [tilespmem:s11+$0x50]  }
0x10d: {  	v41 =	vld [tilespmem:s11+$0x2840]  }
0x10e: {  	v42 =	vld [tilespmem:s11+$0x40]  }
0x10f: {  	v43 =	vld [tilespmem:s11+$0x2830]  }
0x110: {  	v44 =	vld [tilespmem:s11+$0x30]  }
0x111: {  	v45 =	vld [tilespmem:s11+$0x2820]  }
0x112: {  	v46 =	vld [tilespmem:s11+$0x20]  }
0x113: {  	v47 =	vld [tilespmem:s11+$0x2810]  }
0x114: {  	v48 =	vld [tilespmem:s11+$0x10]  }
0x115: {  	v7 =	vld [tilespmem:s11+$0x2800]  }
0x116: {  	v8 =	vld [tilespmem:s11+$0x0]  }
0x117: {  	v63 =	vld [tilespmem:s11+$0x27F0]  }
0x118: {  	v9 =	vld [tilespmem:s11+$0xFFFFFFF0]  }
0x119: {  	v10 =	vld [tilespmem:s11+$0x27E0]  }
0x11a: {  	v49 =	vld [tilespmem:s11+$0x27C0]  }
0x11b: {  	v50 =	vld [tilespmem:s11+$0xFFFFFFC0]  }
0x11c: {  	v51 =	vld [tilespmem:s11+$0x27B0]  }
0x11d: {  	v52 =	vld [tilespmem:s11+$0xFFFFFFB0]  }
0x11e: {  	v53 =	vld [tilespmem:s11+$0x27A0]  }
0x11f: {  	v54 =	vld [tilespmem:s11+$0xFFFFFFA0]  }
0x120: {  	v55 =	vld [tilespmem:s11+$0x2790]  }
0x121: {  	v56 =	vld [tilespmem:s11+$0xFFFFFF90]  }
0x122: {  	v57 =	vld [tilespmem:s11+$0x2780]  }
0x123: {  	v1 =	vld [tilespmem:s11+$0xFFFFFF50]  }
0x124: {  	v32 =	vld [tilespmem:s11+$0x2730]  }
0x125: {  	v22 =	vld [tilespmem:s11+$0xFFFFFF00]  }
0x126: {  	v3 =	vld [tilespmem:s11+$0x26F0]  }
0x127: {  	v2 =	vld [tilespmem:s11+$0xFFFFFEF0]  }
0x128: {  	v4 =	vld [tilespmem:s11+$0x26E0]  }
0x129: {  	v31 =	vld [tilespmem:s11+$0x26D0]  }
0x12a: {  	v23 =	vld [tilespmem:s11+$0xFFFFFED0]  }
0x12b: {  	v16 =	vld [tilespmem:s11+$0x26C0]  }
0x12c: {  	v17 =	vld [tilespmem:s11+$0xFFFFFEC0]  }
0x12d: {  	v14 =	vld [tilespmem:s11+$0x26A0]  }
0x12e: {  	v15 =	vld [tilespmem:s11+$0xFFFFFEA0]  }
0x12f: {  	v19 =	vld [tilespmem:s11+$0x2690]  }
0x130: {  	v20 =	vld [tilespmem:s11+$0xFFFFFE90]  }
0x131: {  	v5 =	vld [tilespmem:s11+$0x2680]  }
0x132: {  	v6 =	vld [tilespmem:s11+$0xFFFFFE80]  }
0x133: {  	[tilespmem:$0x1FED0] =	vst v58;
	v58 =	vld [tilespmem:s11+$0xFFFFFF80]  }
0x134: {  	[tilespmem:$0x1FEE0] =	vst v59;
	v59 =	vld [tilespmem:s11+$0x2770]  }
0x135: {  	[tilespmem:$0x1FEF0] =	vst v60;
	v60 =	vld [tilespmem:s11+$0xFFFFFF70]  }
0x136: {  	[tilespmem:$0x1FF00] =	vst v61;
	v61 =	vld [tilespmem:s11+$0x2760]  }
0x137: {  	[tilespmem:$0x1FF10] =	vst v62;
	v62 =	vld [tilespmem:s11+$0xFFFFFF60]  }
0x138: {  	[tilespmem:$0x1FF20] =	vst v63;
	v63 =	vld [tilespmem:s11+$0x2750]  }
0x139: {  	[tilespmem:$0x1FF30] =	vst v9;
	v9 =	vld [tilespmem:s11+$0x2740]  }
0x13a: {  	[tilespmem:$0x1FF40] =	vst v10;
	v10 =	vld [tilespmem:s11+$0xFFFFFF40]  }
0x13b: {  	[tilespmem:$0x1FF50] =	vst v32;
	v32 =	vld [tilespmem:s11+$0xFFFFFF30]  }
0x13c: {  	[tilespmem:$0x1FFB0] =	vst v4;
	v4 =	vld [tilespmem:s11+$0xFFFFFEE0]  }
0x13d: {  	v25 =	vmul.bf16 v25, v26;
	v21 =	vmul.bf16 v21, v24;
	v24 =	vld [tilespmem:s11+$0xFFFFFE40]  }
0x13e: {  	v26 =	vmul.bf16 v27, v28;
	v28 =	vmul.bf16 v33, v34;
	v33 =	vld [tilespmem:s11+$0xFFFFFE30]  }
0x13f: {  	v34 =	vld [tilespmem:s11+$0x2620]  }
0x140: {  	v27 =	vmul.bf16 v35, v36;
	v35 =	vld [tilespmem:s11+$0xFFFFFE20]  }
0x141: {  	v36 =	vld [tilespmem:s11+$0x2610]  }
0x142: {  	v21 =	vadd.bf16 v21, v25;
	v25 =	vadd.bf16 v28, v27;
	v28 =	vmul.bf16 v41, v42;
	v42 =	vld [tilespmem:s11+$0x25F0]  }
0x143: {  	v41 =	vld [tilespmem:s11+$0xFFFFFDF0]  }
0x144: {  	v27 =	vmul.bf16 v43, v44;
	v44 =	vld [tilespmem:s11+$0xFFFFFDE0]  }
0x145: {  	[tilespmem:$0x1FFC0] =	vst v4;
	v4 =	vld [tilespmem:s11+$0x26B0]  }
0x146: {  	[tilespmem:$0x1FF60] =	vst v32;
	v32 =	vld [tilespmem:s11+$0x2720]  }
0x147: {  	[tilespmem:$0x1FFF0] =	vst v24;
	v24 =	vmul.bf16 v29, v30;
	v30 =	vld [tilespmem:s11+$0x2630]  }
0x148: {  	v29 =	vmul.bf16 v37, v38;
	v37 =	vld [tilespmem:s11+$0xFFFFFE10]  }
0x149: {  	v38 =	vld [tilespmem:s11+$0x2600]  }
0x14a: {  	[tilespmem:$0x1FFD0] =	vst v4;
	v4 =	vld [tilespmem:s11+$0xFFFFFEB0]  }
0x14b: {  	v34 =	vmul.bf16 v34, v35;
	v35 =	vld [tilespmem:s11+$0xFFFFFDB0]  }
0x14c: {  	v24 =	vadd.bf16 v26, v24;
	v26 =	vmul.bf16 v39, v40;
	v39 =	vld [tilespmem:s11+$0xFFFFFE00]  }
0x14d: {  	v40 =	vld [tilespmem:s11+$0x25E0]  }
0x14e: {  	v21 =	vadd.bf16 v21, v24;
	v24 =	vmul.bf16 v47, v48;
	v47 =	vmul.bf16 v13, v0;
	v0 =	vld [tilespmem:s11+$0x25D0]  }
0x14f: {  	[tilespmem:$0x1FFE0] =	vst v4;
	v4 =	vld [tilespmem:s11+$0x2670]  }
0x150: {  	v26 =	vadd.bf16 v29, v26;
	v29 =	vmul.bf16 v45, v46;
	v46 =	vld [tilespmem:s11+$0xFFFFFDD0]  }
0x151: {  	v27 =	vadd.bf16 v28, v27;
	v28 =	vmul.bf16 v49, v50;
	[tilespmem:$0x1FF70] =	vst v32;
	v32 =	vld [tilespmem:s11+$0x2700];
	v36 =	vmul.bf16 v36, v37  }
0x152: {  	v37 =	vld [tilespmem:s11+$0xFFFFFDA0];
	v25 =	vadd.bf16 v25, v26;
	v26 =	vmul.bf16 v51, v52;
	v52 =	vmul.bf16 v53, v54  }
0x153: {  	v54 =	vmul.bf16 v57, v58;
	v57 =	vmul.bf16 v3, v2;
	v3 =	vld [tilespmem:$0x1FFB0]  }
0x154: {  	v41 =	vmul.bf16 v42, v41;
	v24 =	vadd.bf16 v29, v24;
	v29 =	vmul.bf16 v55, v56;
	[tilespmem:$0x1FF80] =	vst v4;
	v4 =	vld [tilespmem:s11+$0xFFFFFE70]  }
0x155: {  	v53 =	vunpack.i.u.bf16.f32 v21;
	v21 =	vunpack.i.l.bf16.f32 v21;
	v55 =	vmul.bf16 v61, v62;
	v61 =	vld [tilespmem:$0x1FFD0]  }
0x156: {  	v21 =	vadd.f32 v21, v53;
	v26 =	vadd.bf16 v28, v26;
	v28 =	vmul.bf16 v59, v60;
	v60 =	vld [tilespmem:$0x1FFC0]  }
0x157: {  	v53 =	vmul.bf16 v30, v33;
	v33 =	vld [tilespmem:s11+$0xFFFFFD50];
	v29 =	vadd.bf16 v52, v29;
	v27 =	vadd.bf16 v27, v24  }
0x158: {  	v30 =	vld [tilespmem:s11+$0x25C0];
	v24 =	vmul.bf16 v63, v1;
	v56 =	vunpack.i.u.bf16.f32 v25;
	v25 =	vunpack.i.l.bf16.f32 v25  }
0x159: {  	(xrf2) =	vadd.scan.msk.f32 $0xffff, v21;
	v21 =	vmul.bf16 v31, v23;
	v26 =	vadd.bf16 v26, v29;
	[tilespmem:$0x1FF90] =	vst v4;
	v4 =	vld [tilespmem:s11+$0x2660]  }
0x15a: {  	v29 =	vadd.f32 v25, v56;
	v45 =	vadd.bf16 v55, v24;
	v25 =	vunpack.i.u.bf16.f32 v27;
	v24 =	vld [tilespmem:s11+$0x2580]  }
0x15b: {  	v28 =	vadd.bf16 v54, v28;
	v27 =	vunpack.i.l.bf16.f32 v27;
	v23 =	vmul.bf16 v3, v60;
	v3 =	vld [tilespmem:$0x1FFE0]  }
0x15c: {  	v62 =	vmul.bf16 v16, v17;
	v58 =	vmul.bf16 v32, v22;
	v54 =	vld [tilespmem:$0x1FFF0];
	v43 =	vadd.f32 v27, v25  }
0x15d: {  	v25 =	vld [tilespmem:s11+$0xFFFFFD80];
	v22 =	vunpack.i.u.bf16.f32 v26;
	v27 =	vunpack.i.l.bf16.f32 v26;
	v59 =	vadd.bf16 v28, v45;
	(xrf2) =	vadd.scan.msk.f32 $0xffff, v29  }
0x15e: {  	v63 =	vmul.bf16 v14, v15;
	v2 =	vadd.bf16 v58, v57;
	v22 =	vadd.f32 v27, v22;
	[tilespmem:$0x1FFA0] =	vst v4;
	v4 =	vld [tilespmem:s11+$0x2640]  }
0x15f: {  	v26 =	vld [tilespmem:s11+$0x2570];
	v31 =	vunpack.i.u.bf16.f32 v59;
	v32 =	vunpack.i.l.bf16.f32 v59;
	v21 =	vadd.bf16 v23, v21  }
0x160: {  	v28 =	vld [tilespmem:s11+$0xFFFFFD70];
	v59 =	vadd.bf16 v34, v36;
	v23 =	vmul.bf16 v19, v20;
	v3 =	vmul.bf16 v61, v3  }
0x161: {  	v48 =	vmul.bf16 v11, v12;
	v29 =	vld [tilespmem:s11+$0xFFFFFD60];
	v52 =	vadd.f32 v32, v31;
	v56 =	vadd.bf16 v2, v21  }
0x162: {  	v40 =	vmul.bf16 v40, v44;
	v27 =	vld [tilespmem:s11+$0x2560];
	v23 =	vadd.bf16 v63, v23;
	v3 =	vadd.bf16 v62, v3  }
0x163: {  	v34 =	vld [tilespmem:s11+$0x25B0];
	v60 =	vunpack.i.u.bf16.f32 v56;
	v61 =	vunpack.i.l.bf16.f32 v56;
	v55 =	vmul.bf16 v4, v54  }
0x164: {  	(xrf2) =	vadd.scan.msk.f32 $0xffff, v43;
	v36 =	vld [tilespmem:s11+$0x25A0];
	v62 =	vmul.bf16 v38, v39;
	v58 =	vadd.bf16 v3, v23;
	v23 =	vmul.bf16 v0, v46  }
0x165: {  	v31 =	vld [tilespmem:s11+$0x2550];
	(xrf2) =	vadd.scan.msk.f32 $0xffff, v22;
	v22 =	vmul.bf16 v9, v10;
	v63 =	vadd.f32 v61, v60;
	v57 =	vadd.bf16 v55, v53  }
0x166: {  	v32 =	vld [tilespmem:s11+$0xFFFFFDC0];
	v21 =	vmul.bf16 v7, v8;
	(xrf2) =	vadd.scan.msk.f32 $0xffff, v52;
	v12, _, _ =	vpop (xrf2);
	v39 =	vadd.bf16 v40, v23;
	v40 =	vadd.bf16 v62, v41  }
0x167: {  	s7 =	smov.u32 s12;
	s13 =	simm.s32 $0x2FC0;
	v13, _, _ =	vpop (xrf2);
	(xrf2) =	vadd.scan.msk.f32 $0xffff, v63;
	v41 =	vunpack.i.u.bf16.f32 v58;
	v23 =	vld [tilespmem:s11+$0x2590];
	v42 =	vunpack.i.l.bf16.f32 v58;
	v38 =	vadd.bf16 v57, v59  }
.LBB2_3:
0x168: {  	v43 =	vld [tilespmem:s11+$0xFFFFFD90]  }
0x169: {  	v51 =	vld [tilespmem:s11+$0x2650]  }
0x16a: {  	v52 =	vld [tilespmem:s11+$0xFFFFFE50]  }
0x16b: {  	v53 =	vld [tilespmem:s11+$0xFFFFFF20]  }
0x16c: {  	v55 =	vld [tilespmem:s11+$0x2710]  }
0x16d: {  	v56 =	vld [tilespmem:$0x1FF80]  }
0x16e: {  	v1 =	vld [tilespmem:$0x1FF90]  }
0x16f: {  	v17 =	vld [tilespmem:s11+$0xFFFFFF10]  }
0x170: {  	v57 =	vld [tilespmem:$0x1FFA0]  }
0x171: {  	v58 =	vld [tilespmem:$0x1FF50]  }
0x172: {  	v59 =	vld [tilespmem:$0x1FF60]  }
0x173: {  	v11 =	vld [tilespmem:s11+$0xFFFFFFD0]  }
0x174: {  	v61 =	vld [tilespmem:$0x1FF70]  }
0x175: {  	v44 =	vunpack.i.u.bf16.f32 v38;
	v62 =	vld [tilespmem:$0x1FF20];
	v45 =	vmul.bf16 v5, v6;
	v26 =	vmul.bf16 v26, v28  }
0x176: {  	v0 =	vadd.f32 v42, v41;
	v63 =	vld [tilespmem:$0x1FF30];
	v24 =	vmul.bf16 v24, v25;
	v31 =	vmul.bf16 v31, v33  }
0x177: {  	v8 =	vld [tilespmem:s11+$0x90];
	v25 =	vadd.bf16 v40, v39;
	v27 =	vmul.bf16 v27, v29;
	v30 =	vmul.bf16 v30, v32  }
0x178: {  	v28 =	vld [tilespmem:s11+$0xFFFFFE60];
	v29 =	vunpack.i.l.bf16.f32 v38;
	v54 =	vmul.bf16 v36, v37;
	v23 =	vmul.bf16 v23, v43  }
0x179: {  	v33 =	vld [tilespmem:$0x1FF40];
	v29 =	vadd.f32 v29, v44;
	v16 =	vmul.bf16 v56, v1;
	v9 =	vmul.bf16 v61, v53  }
0x17a: {  	v19, _, _ =	vpop (xrf2);
	(xrf2) =	vadd.scan.msk.f32 $0xffff, v0;
	v5 =	vld [tilespmem:s11+$0x110];
	v24 =	vadd.bf16 v24, v26;
	v26 =	vunpack.i.u.bf16.f32 v25;
	v25 =	vunpack.i.l.bf16.f32 v25  }
0x17b: {  	v37 =	vld [tilespmem:$0x1FF10];
	v27 =	vadd.bf16 v27, v31;
	v31 =	vmul.bf16 v34, v35;
	v2 =	vadd.f32 v25, v26  }
0x17c: {  	v39 =	vld [tilespmem:$0x1FED0];
	v17 =	vmul.bf16 v55, v17;
	v23 =	vadd.bf16 v54, v23;
	v60 =	vadd.bf16 v45, v16  }
0x17d: {  	v20, _, _ =	vpop (xrf2);
	v10 =	vmul.bf16 v58, v59;
	v34 =	vld [tilespmem:$0x1FEF0];
	(xrf2) =	vadd.scan.msk.f32 $0xffff, v29;
	v24 =	vadd.bf16 v24, v27;
	v27 =	vadd.bf16 v30, v31  }
0x17e: {  	v9 =	vadd.bf16 v9, v17;
	v30 =	vmul.bf16 v51, v52;
	v31 =	vld [tilespmem:s11+$0x27D0];
	v14 =	vmul.bf16 v57, v28  }
0x17f: {  	v32 =	vadd.bf16 v22, v10;
	v28 =	vld [tilespmem:s11+$0xFFFFFFE0];
	v23 =	vadd.bf16 v27, v23  }
0x180: {  	v35 =	vld [tilespmem:$0x1FF00];
	v26, _, _ =	vpop (xrf2);
	(xrf2) =	vadd.scan.msk.f32 $0xffff, v2;
	v29 =	vunpack.i.u.bf16.f32 v24;
	v24 =	vunpack.i.l.bf16.f32 v24;
	v14 =	vadd.bf16 v14, v30  }
0x181: {  	v27 =	vld [tilespmem:s11+$0xA0];
	v24 =	vadd.f32 v24, v29;
	v29 =	vunpack.i.u.bf16.f32 v23;
	v23 =	vunpack.i.l.bf16.f32 v23  }
0x182: {  	v30 =	vld [tilespmem:s11+$0x2890];
	v23 =	vadd.f32 v23, v29;
	v14 =	vadd.bf16 v60, v14  }
0x183: {  	v40 =	vld [tilespmem:$0x1FEE0];
	v7 =	vmul.bf16 v62, v63;
	v9 =	vadd.bf16 v32, v9;
	v25, _, _ =	vpop (xrf2);
	(xrf2) =	vadd.scan.msk.f32 $0xffff, v24;
	v11 =	vmul.bf16 v31, v11  }
0x184: {  	v17 =	vld [tilespmem:s11+$0x120];
	v16, _, _ =	vpop (xrf2);
	v6 =	vmul.bf16 v33, v28;
	v22 =	vunpack.i.u.bf16.f32 v14;
	v14 =	vunpack.i.l.bf16.f32 v14;
	(xrf2) =	vadd.scan.msk.f32 $0xffff, v23  }
0x185: {  	v7 =	vadd.bf16 v21, v7;
	v24 =	vld [tilespmem:s11+$0x2910];
	v14 =	vadd.f32 v14, v22  }
0x186: {  	v4 =	vmul.bf16 v34, v35;
	v38 =	vunpack.i.u.bf16.f32 v9;
	v6 =	vadd.bf16 v6, v11  }
0x187: {  	v9 =	vunpack.i.l.bf16.f32 v9;
	v3 =	vmul.bf16 v37, v27;
	v8 =	vmul.bf16 v30, v8;
	v36, _, _ =	vpop (xrf2);
	(xrf2) =	vadd.scan.msk.f32 $0xffff, v14  }
0x188: {  	v1 =	vmul.bf16 v39, v40;
	v9 =	vadd.f32 v9, v38;
	v6 =	vadd.bf16 v7, v6  }
0x189: {  	v42 =	vmul.bf16 v18, v17;
	v3 =	vadd.bf16 v3, v8;
	v8 =	vadd.bf16 v48, v4  }
0x18a: {  	v5 =	vmul.bf16 v24, v5;
	v41, _, _ =	vpop (xrf2);
	(xrf2) =	vadd.scan.msk.f32 $0xffff, v9;
	v7 =	vunpack.i.u.bf16.f32 v6;
	v6 =	vunpack.i.l.bf16.f32 v6  }
0x18b: {  	v3 =	vadd.bf16 v8, v3;
	v6 =	vadd.f32 v6, v7  }
0x18c: {  	v0 =	vadd.bf16 v42, v5;
	v7 =	vadd.bf16 v47, v1  }
0x18d: {  	v5 =	vunpack.i.u.bf16.f32 v3;
	v3 =	vunpack.i.l.bf16.f32 v3;
	v4, _, _ =	vpop (xrf2);
	(xrf2) =	vadd.scan.msk.f32 $0xffff, v6  }
0x18e: {  	v3 =	vadd.f32 v3, v5;
	v0 =	vadd.bf16 v7, v0;
	v43, _, _ =	vpop (xrf2)  }
0x18f: {  	v6 =	vbroadcast v4, $0xF;
	v1 =	vbroadcast v43, $0xF  }
0x190: {  	v2 =	vbroadcast v41, $0xF;
	v5 =	vunpack.i.u.bf16.f32 v0;
	(xrf2) =	vadd.scan.msk.f32 $0xffff, v3  }
0x191: {  	v3 =	vbroadcast v36, $0xF;
	v0 =	vunpack.i.l.bf16.f32 v0;
	v1 =	vsel vm0, v6, v1;
	v4, _, _ =	vpop (xrf2)  }
0x192: {  	v0 =	vadd.f32 v0, v5;
	v1 =	vsel vm1, v1, v2;
	v44 =	vbroadcast v4, $0xF  }
0x193: {  	v1 =	vsel vm2, v1, v3;
	v3 =	vbroadcast v16, $0xF  }
0x194: {  	v45 =	vbroadcast v25, $0xF;
	v4, _, _ =	vpop (xrf2);
	(xrf2) =	vadd.scan.msk.f32 $0xffff, v0;
	v1 =	vsel vm3, v1, v44  }
0x195: {  	v47 =	vbroadcast v4, $0xF;
	v46 =	vsel vm4, v1, v3  }
0x196: {  	v48 =	vbroadcast v26, $0xF;
	v0 =	vsel vm5, v46, v45  }
0x197: {  	v49 =	vbroadcast v20, $0xF;
	v0 =	vsel vm6, v0, v47;
	v3, _, _ =	vpop (xrf2)  }
0x198: {  	v0 =	vsel vm7, v0, v48;
	v50 =	vbroadcast v3, $0xF  }
0x199: {  	v51 =	vbroadcast v19, $0xF;
	v0 =	vsel vm8, v0, v49  }
0x19a: {  	v52 =	vbroadcast v13, $0xF;
	v3, _, _ =	vpop (xrf2);
	v0 =	vsel vm9, v0, v50  }
0x19b: {  	v3 =	vbroadcast v3, $0xF;
	v0 =	vsel vm10, v0, v51  }
0x19c: {  	v53 =	vbroadcast v12, $0xF;
	v0 =	vsel vm11, v0, v52  }
0x19d: {  	v0 =	vsel vm12, v0, v3  }
0x19e: {  	v54, _, _ =	vpop (xrf2);
	v0 =	vsel vm13, v0, v53  }
0x19f: {  	s7 =	sadd.s32 $0x10, s7;
	v0 =	vsel vm14, v0, v54  }
0x1a0: {  	s11 =	sshra.s32 s13, $0x2;
	[tilespmem:s7+$0x0] =	vst v0  }
0x1a1: {  	v23 =	vld [tilespmem:s11+$0x2940]  }
0x1a2: {  	v22 =	vld [tilespmem:s11+$0x140]  }
0x1a3: {  	v0 =	vld [tilespmem:s11+$0x2930]  }
0x1a4: {  	v55 =	vld [tilespmem:s11+$0x130]  }
0x1a5: {  	v56 =	vld [tilespmem:s11+$0x2920]  }
0x1a6: {  	v25 =	vld [tilespmem:s11+$0x2900]  }
0x1a7: {  	v26 =	vld [tilespmem:s11+$0x100]  }
0x1a8: {  	v28 =	vld [tilespmem:s11+$0x28F0]  }
0x1a9: {  	v30 =	vld [tilespmem:s11+$0xF0]  }
0x1aa: {  	v27 =	vld [tilespmem:s11+$0x28E0]  }
0x1ab: {  	v31 =	vld [tilespmem:s11+$0x28D0]  }
0x1ac: {  	v33 =	vld [tilespmem:s11+$0xD0]  }
0x1ad: {  	v21 =	vld [tilespmem:s11+$0x28C0]  }
0x1ae: {  	v24 =	vld [tilespmem:s11+$0xC0]  }
0x1af: {  	v57 =	vld [tilespmem:s11+$0x28B0]  }
0x1b0: {  	v58 =	vld [tilespmem:s11+$0xB0]  }
0x1b1: {  	v59 =	vld [tilespmem:s11+$0x28A0]  }
0x1b2: {  	v32 =	vld [tilespmem:s11+$0x2880]  }
0x1b3: {  	v35 =	vld [tilespmem:s11+$0x80]  }
0x1b4: {  	v40 =	vld [tilespmem:s11+$0x2870]  }
0x1b5: {  	v43 =	vld [tilespmem:s11+$0x70]  }
0x1b6: {  	v36 =	vld [tilespmem:s11+$0x2860]  }
0x1b7: {  	v39 =	vld [tilespmem:s11+$0x60]  }
0x1b8: {  	v44 =	vld [tilespmem:s11+$0x2850]  }
0x1b9: {  	v47 =	vld [tilespmem:s11+$0x50]  }
0x1ba: {  	v34 =	vld [tilespmem:s11+$0x2840]  }
0x1bb: {  	v37 =	vld [tilespmem:s11+$0x40]  }
0x1bc: {  	v42 =	vld [tilespmem:s11+$0x2830]  }
0x1bd: {  	v45 =	vld [tilespmem:s11+$0x30]  }
0x1be: {  	v38 =	vld [tilespmem:s11+$0x2820]  }
0x1bf: {  	v41 =	vld [tilespmem:s11+$0x20]  }
0x1c0: {  	v46 =	vld [tilespmem:s11+$0x2810]  }
0x1c1: {  	v48 =	vld [tilespmem:s11+$0x10]  }
0x1c2: {  	v60 =	vld [tilespmem:s11+$0x2800]  }
0x1c3: {  	v61 =	vld [tilespmem:s11+$0x0]  }
0x1c4: {  	v62 =	vld [tilespmem:s11+$0x27F0]  }
0x1c5: {  	v63 =	vld [tilespmem:s11+$0xFFFFFFF0]  }
0x1c6: {  	v9 =	vld [tilespmem:s11+$0x27E0]  }
0x1c7: {  	v49 =	vld [tilespmem:s11+$0x27C0]  }
0x1c8: {  	v50 =	vld [tilespmem:s11+$0xFFFFFFC0]  }
0x1c9: {  	v51 =	vld [tilespmem:s11+$0x27B0]  }
0x1ca: {  	v52 =	vld [tilespmem:s11+$0xFFFFFFB0]  }
0x1cb: {  	v53 =	vld [tilespmem:s11+$0x27A0]  }
0x1cc: {  	v54 =	vld [tilespmem:s11+$0xFFFFFFA0]  }
0x1cd: {  	v29 =	vld [tilespmem:s11+$0xFFFFFF50]  }
0x1ce: {  	v10 =	vld [tilespmem:s11+$0x2740]  }
0x1cf: {  	v11 =	vld [tilespmem:s11+$0xFFFFFF40]  }
0x1d0: {  	v1 =	vld [tilespmem:s11+$0x2700]  }
0x1d1: {  	v2 =	vld [tilespmem:s11+$0xFFFFFF00]  }
0x1d2: {  	v3 =	vld [tilespmem:s11+$0x26F0]  }
0x1d3: {  	v4 =	vld [tilespmem:s11+$0xFFFFFEF0]  }
0x1d4: {  	v5 =	vld [tilespmem:s11+$0x26E0]  }
0x1d5: {  	v6 =	vld [tilespmem:s11+$0xFFFFFEE0]  }
0x1d6: {  	v7 =	vld [tilespmem:s11+$0x26D0]  }
0x1d7: {  	v8 =	vld [tilespmem:s11+$0xFFFFFED0]  }
0x1d8: {  	v14 =	vld [tilespmem:s11+$0xFFFFFEB0]  }
0x1d9: {  	v12 =	vld [tilespmem:s11+$0x26A0]  }
0x1da: {  	v13 =	vld [tilespmem:s11+$0xFFFFFEA0]  }
0x1db: {  	v16 =	vld [tilespmem:s11+$0x2690]  }
0x1dc: {  	v15 =	vld [tilespmem:s11+$0xFFFFFE90]  }
0x1dd: {  	v17 =	vld [tilespmem:s11+$0x2680]  }
0x1de: {  	v19 =	vld [tilespmem:s11+$0xFFFFFE40]  }
0x1df: {  	v18 =	vld [tilespmem:s11+$0x2630]  }
0x1e0: {  	v20 =	vld [tilespmem:s11+$0xFFFFFE30]  }
0x1e1: {  	[tilespmem:$0x1FED0] =	vst v0;
	v0 =	vld [tilespmem:s11+$0xE0]  }
0x1e2: {  	[tilespmem:$0x1FEE0] =	vst v55;
	v55 =	vld [tilespmem:s11+$0x2790]  }
0x1e3: {  	[tilespmem:$0x1FD60] =	vst v56;
	v56 =	vld [tilespmem:s11+$0xFFFFFF90]  }
0x1e4: {  	[tilespmem:$0x1FEF0] =	vst v57;
	v57 =	vld [tilespmem:s11+$0x2780]  }
0x1e5: {  	[tilespmem:$0x1FF00] =	vst v58;
	v58 =	vld [tilespmem:s11+$0xFFFFFF80]  }
0x1e6: {  	[tilespmem:$0x1FF10] =	vst v59;
	v59 =	vld [tilespmem:s11+$0x2770]  }
0x1e7: {  	[tilespmem:$0x1FD40] =	vst v60;
	v60 =	vld [tilespmem:s11+$0xFFFFFF70]  }
0x1e8: {  	[tilespmem:$0x1FD50] =	vst v61;
	v61 =	vld [tilespmem:s11+$0x2760]  }
0x1e9: {  	[tilespmem:$0x1FF20] =	vst v62;
	v62 =	vld [tilespmem:s11+$0xFFFFFF60]  }
0x1ea: {  	[tilespmem:$0x1FF30] =	vst v63;
	v63 =	vld [tilespmem:s11+$0x2750]  }
0x1eb: {  	[tilespmem:$0x1FF40] =	vst v9;
	v9 =	vld [tilespmem:s11+$0x2730]  }
0x1ec: {  	[tilespmem:$0x1FD70] =	vst v10;
	v10 =	vld [tilespmem:s11+$0xFFFFFF30]  }
0x1ed: {  	[tilespmem:$0x1FD80] =	vst v11;
	v11 =	vld [tilespmem:s11+$0x2720]  }
0x1ee: {  	[tilespmem:$0x1FDA0] =	vst v17;
	v17 =	vld [tilespmem:s11+$0xFFFFFE80];
	v28 =	vmul.bf16 v28, v30  }
0x1ef: {  	v25 =	vmul.bf16 v25, v26;
	v30 =	vmul.bf16 v36, v39;
	v36 =	vld [tilespmem:s11+$0x2610]  }
0x1f0: {  	v26 =	vmul.bf16 v31, v33;
	v31 =	vmul.bf16 v34, v37;
	v37 =	vld [tilespmem:s11+$0x2600]  }
0x1f1: {  	v39 =	vld [tilespmem:s11+$0x25F0]  }
0x1f2: {  	v3 =	vmul.bf16 v3, v4;
	v1 =	vmul.bf16 v1, v2;
	v33 =	vld [tilespmem:s11+$0xFFFFFD50]  }
0x1f3: {  	v4 =	vmul.bf16 v7, v8;
	v5 =	vmul.bf16 v5, v6;
	v34 =	vld [tilespmem:s11+$0x25B0]  }
0x1f4: {  	v25 =	vadd.bf16 v25, v28;
	v28 =	vmul.bf16 v32, v35;
	v35 =	vld [tilespmem:s11+$0xFFFFFE20]  }
0x1f5: {  	v1 =	vadd.bf16 v1, v3;
	v4 =	vadd.bf16 v5, v4;
	v32 =	vld [tilespmem:s11+$0xFFFFFDC0]  }
0x1f6: {  	v27 =	vmul.bf16 v27, v0;
	v0 =	vld [tilespmem:s11+$0x2620]  }
0x1f7: {  	v1 =	vadd.bf16 v1, v4;
	v4 =	vld [tilespmem:$0x1FD40]  }
0x1f8: {  	[tilespmem:$0x1FF50] =	vst v9;
	v9 =	vld [tilespmem:s11+$0x26C0];
	v26 =	vadd.bf16 v27, v26  }
0x1f9: {  	[tilespmem:$0x1FD90] =	vst v17;
	v17 =	vld [tilespmem:s11+$0x2670];
	v29 =	vmul.bf16 v63, v29;
	v27 =	vmul.bf16 v40, v43  }
0x1fa: {  	[tilespmem:$0x1FF60] =	vst v10;
	v10 =	vld [tilespmem:s11+$0xFFFFFEC0];
	v25 =	vadd.bf16 v25, v26;
	v26 =	vmul.bf16 v44, v47;
	v47 =	vmul.bf16 v23, v22  }
0x1fb: {  	[tilespmem:$0x1FF70] =	vst v11;
	v11 =	vld [tilespmem:s11+$0x26B0];
	v27 =	vadd.bf16 v28, v27;
	v23 =	vmul.bf16 v42, v45;
	v0 =	vmul.bf16 v0, v35  }
0x1fc: {  	v63 =	vld [tilespmem:$0x1FD70];
	v26 =	vadd.bf16 v30, v26;
	v30 =	vmul.bf16 v46, v48;
	v46 =	vmul.bf16 v38, v41  }
0x1fd: {  	v22 =	vld [tilespmem:s11+$0xFFFFFE10];
	v28 =	vunpack.i.u.bf16.f32 v25;
	v23 =	vadd.bf16 v31, v23;
	v48 =	vmul.bf16 v21, v24  }
0x1fe: {  	[tilespmem:$0x1FF80] =	vst v17;
	v17 =	vld [tilespmem:s11+$0xFFFFFE70];
	v21 =	vmul.bf16 v51, v52;
	v26 =	vadd.bf16 v27, v26;
	v27 =	vadd.bf16 v46, v30  }
0x1ff: {  	v35 =	vld [tilespmem:s11+$0xFFFFFDB0];
	v25 =	vunpack.i.l.bf16.f32 v25;
	v31 =	vmul.bf16 v53, v54;
	v30 =	vmul.bf16 v55, v56  }
0x200: {  	v38 =	vld [tilespmem:s11+$0xFFFFFE00];
	v25 =	vadd.f32 v25, v28;
	v28 =	vmul.bf16 v57, v58;
	v23 =	vadd.bf16 v23, v27  }
0x201: {  	v52 =	vld [tilespmem:s11+$0xFFFFFDF0];
	v27 =	vmul.bf16 v59, v60;
	v30 =	vadd.bf16 v31, v30;
	v31 =	vmul.bf16 v61, v62  }
0x202: {  	v57 =	vld [tilespmem:s11+$0x25D0]  }
0x203: {  	v24 =	vmul.bf16 v49, v50;
	v58 =	vld [tilespmem:s11+$0xFFFFFDD0];
	v29 =	vadd.bf16 v31, v29;
	v27 =	vadd.bf16 v28, v27  }
0x204: {  	[tilespmem:$0x1FF90] =	vst v17;
	v17 =	vld [tilespmem:s11+$0x2660]  }
0x205: {  	v55 =	vld [tilespmem:s11+$0x25E0];
	v21 =	vadd.bf16 v24, v21;
	v60 =	vadd.bf16 v27, v29  }
0x206: {  	v7 =	vmul.bf16 v11, v14;
	v8 =	vmul.bf16 v9, v10;
	v56 =	vld [tilespmem:s11+$0xFFFFFDE0];
	v24 =	vunpack.i.u.bf16.f32 v26  }
0x207: {  	(xrf2) =	vadd.scan.msk.f32 $0xffff, v25;
	v25 =	vld [tilespmem:s11+$0xFFFFFD80];
	v21 =	vadd.bf16 v21, v30;
	v3 =	vunpack.i.u.bf16.f32 v60;
	v2 =	vunpack.i.l.bf16.f32 v60  }
0x208: {  	v26 =	vunpack.i.l.bf16.f32 v26;
	v2 =	vadd.f32 v2, v3;
	v3 =	vadd.bf16 v8, v7;
	v7 =	vld [tilespmem:$0x1FD50]  }
0x209: {  	v59 =	vadd.f32 v26, v24;
	v30 =	vunpack.i.u.bf16.f32 v23;
	v23 =	vunpack.i.l.bf16.f32 v23;
	[tilespmem:$0x1FFA0] =	vst v17;
	v17 =	vld [tilespmem:s11+$0x2640]  }
0x20a: {  	v24 =	vld [tilespmem:s11+$0x2580];
	v23 =	vadd.f32 v23, v30;
	v31 =	vunpack.i.u.bf16.f32 v21;
	v21 =	vunpack.i.l.bf16.f32 v21  }
0x20b: {  	v26 =	vld [tilespmem:s11+$0x2570];
	(xrf2) =	vadd.scan.msk.f32 $0xffff, v59;
	v6 =	vadd.f32 v21, v31  }
0x20c: {  	v28 =	vld [tilespmem:s11+$0xFFFFFD70];
	(xrf2) =	vadd.scan.msk.f32 $0xffff, v23  }
0x20d: {  	v30 =	vld [tilespmem:s11+$0x25C0];
	(xrf2) =	vadd.scan.msk.f32 $0xffff, v6;
	v6 =	vmul.bf16 v36, v22;
	v21 =	vmul.bf16 v4, v7  }
0x20e: {  	v27 =	vld [tilespmem:s11+$0x2560];
	v4 =	vmul.bf16 v18, v20;
	v7 =	vmul.bf16 v17, v19  }
0x20f: {  	v5 =	vmul.bf16 v16, v15;
	v61 =	vmul.bf16 v12, v13;
	v29 =	vld [tilespmem:s11+$0xFFFFFD60]  }
0x210: {  	v31 =	vld [tilespmem:s11+$0x2550];
	v0 =	vadd.bf16 v0, v6;
	v4 =	vadd.bf16 v7, v4  }
0x211: {  	v5 =	vadd.bf16 v61, v5;
	v62 =	vmul.bf16 v57, v58;
	v23 =	vld [tilespmem:s11+$0x2590]  }
0x212: {  	p0 =	sne.s32 s13, $0x4FC0;
	v6 =	vmul.bf16 v55, v56;
	v7 =	vmul.bf16 v37, v38;
	v38 =	vadd.bf16 v4, v0;
	v4 =	vld [tilespmem:$0x1FD80]  }
.Ltmp0:
0x213: {  	v8 =	vunpack.i.u.bf16.f32 v1;
	v1 =	vunpack.i.l.bf16.f32 v1;
	v36 =	vld [tilespmem:s11+$0x25A0];
	(pc) =	sbr.rel @p0 .LBB2_3-.Ltmp0, $4  }
0x214: {  	v3 =	vadd.bf16 v3, v5;
	v5 =	vmul.bf16 v39, v52;
	v39 =	vadd.bf16 v6, v62;
	v6 =	vld [tilespmem:$0x1FD90]  }
0x215: {  	v1 =	vadd.f32 v1, v8;
	v18 =	vld [tilespmem:$0x1FD60]  }
0x216: {  	v12, _, _ =	vpop (xrf2);
	(xrf2) =	vadd.scan.msk.f32 $0xffff, v2;
	v41 =	vunpack.i.u.bf16.f32 v3;
	v37 =	vld [tilespmem:s11+$0xFFFFFDA0]  }
0x217: {  	s13 =	sadd.s32 $0x1000, s13;
	v42 =	vunpack.i.l.bf16.f32 v3;
	v13, _, _ =	vpop (xrf2);
	(xrf2) =	vadd.scan.msk.f32 $0xffff, v1;
	v40 =	vadd.bf16 v7, v5;
	v5 =	vld [tilespmem:$0x1FDA0];
	v22 =	vmul.bf16 v63, v4  }
0x218: {  	_ =	sdelay $0x1  }
0x219: {  	v4 =	vmul.bf16 v26, v28  }
0x21a: {  	v0 =	vld [tilespmem:s11+$0xFFFFFD90];
	v8 =	vmul.bf16 v31, v33;
	v9 =	vmul.bf16 v27, v29  }
0x21b: {  	v7 =	vld [tilespmem:s11+$0xFFFFFE60];
	v2 =	vmul.bf16 v5, v6;
	v5 =	vmul.bf16 v24, v25;
	v6 =	vadd.bf16 v40, v39  }
0x21c: {  	v11 =	vld [tilespmem:s11+$0x2650];
	v8 =	vadd.bf16 v9, v8  }
0x21d: {  	v59 =	vld [tilespmem:s11+$0xFFFFFE50];
	v4 =	vadd.bf16 v5, v4;
	v5 =	vunpack.i.u.bf16.f32 v6;
	v6 =	vunpack.i.l.bf16.f32 v6  }
0x21e: {  	v5 =	vadd.f32 v6, v5;
	v6 =	vld [tilespmem:$0x1FF80]  }
0x21f: {  	v4 =	vadd.bf16 v4, v8;
	v8 =	vld [tilespmem:$0x1FF90]  }
0x220: {  	v60 =	vmul.bf16 v34, v35;
	v14 =	vmul.bf16 v30, v32;
	v15 =	vld [tilespmem:s11+$0xFFFFFF20]  }
0x221: {  	v17 =	vld [tilespmem:s11+$0x2710];
	v16 =	vmul.bf16 v36, v37;
	v0 =	vmul.bf16 v23, v0  }
0x222: {  	v62 =	vld [tilespmem:$0x1FF50];
	v9 =	vadd.bf16 v14, v60  }
0x223: {  	v14 =	vld [tilespmem:$0x1FFA0];
	v0 =	vadd.bf16 v16, v0;
	v16 =	vunpack.i.u.bf16.f32 v4;
	v4 =	vunpack.i.l.bf16.f32 v4  }
0x224: {  	v4 =	vadd.f32 v4, v16;
	v16 =	vld [tilespmem:$0x1FF60];
	v6 =	vmul.bf16 v6, v8  }
0x225: {  	v8 =	vld [tilespmem:s11+$0xFFFFFF10]  }
0x226: {  	v2 =	vadd.bf16 v2, v6;
	v6 =	vld [tilespmem:$0x1FF70]  }
0x227: {  	v1 =	vunpack.i.u.bf16.f32 v38;
	v3 =	vadd.f32 v42, v41;
	v10 =	vunpack.i.l.bf16.f32 v38;
	v61 =	vld [tilespmem:s11+$0x27D0]  }
0x228: {  	v32 =	vld [tilespmem:s11+$0x2890];
	v1 =	vadd.f32 v10, v1;
	v10 =	vmul.bf16 v11, v59;
	v7 =	vmul.bf16 v14, v7  }
0x229: {  	v34 =	vld [tilespmem:$0x1FF20]  }
0x22a: {  	(xrf2) =	vadd.scan.msk.f32 $0xffff, v3;
	v39 =	vld [tilespmem:$0x1FF10];
	v0 =	vadd.bf16 v9, v0;
	v3 =	vadd.bf16 v7, v10;
	v9 =	vmul.bf16 v62, v16  }
0x22b: {  	(xrf2) =	vadd.scan.msk.f32 $0xffff, v1;
	v14 =	vld [tilespmem:s11+$0xFFFFFFE0];
	v8 =	vmul.bf16 v17, v8;
	v6 =	vmul.bf16 v6, v15  }
0x22c: {  	(xrf2) =	vadd.scan.msk.f32 $0xffff, v5;
	v16 =	vld [tilespmem:s11+$0xFFFFFFD0];
	v33 =	vadd.bf16 v2, v3  }
0x22d: {  	(xrf2) =	vadd.scan.msk.f32 $0xffff, v4;
	v3 =	vld [tilespmem:$0x1FF30];
	v5 =	vadd.bf16 v22, v9;
	v4 =	vadd.bf16 v6, v8  }
0x22e: {  	v6 =	vld [tilespmem:$0x1FF40]  }
0x22f: {  	v37 =	vadd.bf16 v5, v4;
	v4 =	vld [tilespmem:$0x1FEF0]  }
0x230: {  	v5 =	vld [tilespmem:$0x1FF00]  }
0x231: {  	v7 =	vld [tilespmem:s11+$0xA0]  }
0x232: {  	v63 =	vunpack.i.u.bf16.f32 v0;
	v2 =	vmul.bf16 v34, v3;
	v3 =	vld [tilespmem:s11+$0x90]  }
0x233: {  	v0 =	vunpack.i.l.bf16.f32 v0;
	v11 =	vmul.bf16 v61, v16;
	v8 =	vld [tilespmem:s11+$0x120];
	v6 =	vmul.bf16 v6, v14  }
0x234: {  	v0 =	vadd.f32 v0, v63;
	v14 =	vld [tilespmem:s11+$0x2910]  }
0x235: {  	v2 =	vadd.bf16 v21, v2;
	v4 =	vmul.bf16 v4, v5;
	v5 =	vld [tilespmem:s11+$0x110];
	v6 =	vadd.bf16 v6, v11  }
0x236: {  	v42 =	vld [tilespmem:$0x1FEE0];
	(xrf2) =	vadd.scan.msk.f32 $0xffff, v0  }
0x237: {  	v7 =	vmul.bf16 v39, v7;
	v3 =	vmul.bf16 v32, v3;
	v2 =	vadd.bf16 v2, v6;
	v6 =	vld [tilespmem:$0x1FED0]  }
0x238: {  	v38, _, _ =	vpop (xrf2);
	v35 =	vunpack.i.u.bf16.f32 v33;
	v1 =	vunpack.i.l.bf16.f32 v33  }
0x239: {  	v40, _, _ =	vpop (xrf2);
	v36 =	vadd.f32 v1, v35;
	v3 =	vadd.bf16 v7, v3  }
0x23a: {  	v41, _, _ =	vpop (xrf2);
	v7 =	vmul.bf16 v18, v8;
	v4 =	vadd.bf16 v48, v4;
	v5 =	vmul.bf16 v14, v5  }
0x23b: {  	v43, _, _ =	vpop (xrf2);
	(xrf2) =	vadd.scan.msk.f32 $0xffff, v36;
	v15 =	vunpack.i.u.bf16.f32 v37;
	v1 =	vunpack.i.l.bf16.f32 v37  }
0x23c: {  	v1 =	vadd.f32 v1, v15;
	v8, _, _ =	vpop (xrf2);
	v6 =	vmul.bf16 v6, v42;
	v5 =	vadd.bf16 v7, v5  }
0x23d: {  	v44, _, _ =	vpop (xrf2);
	v3 =	vadd.bf16 v4, v3  }
0x23e: {  	(xrf2) =	vadd.scan.msk.f32 $0xffff, v1;
	v15 =	vunpack.i.u.bf16.f32 v2;
	v2 =	vunpack.i.l.bf16.f32 v2;
	v4, _, _ =	vpop (xrf2);
	v6 =	vadd.bf16 v47, v6  }
0x23f: {  	v2 =	vadd.f32 v2, v15;
	v14 =	vunpack.i.u.bf16.f32 v3;
	v3 =	vunpack.i.l.bf16.f32 v3;
	v7, _, _ =	vpop (xrf2)  }
0x240: {  	v45 =	vadd.f32 v3, v14;
	v3 =	vadd.bf16 v6, v5;
	v5, _, _ =	vpop (xrf2)  }
0x241: {  	(xrf2) =	vadd.scan.msk.f32 $0xffff, v2;
	v5 =	vbroadcast v5, $0xF;
	_ =	sdelay $0x1  }
0x242: {  	v6 =	vbroadcast v7, $0xF  }
0x243: {  	v1 =	vbroadcast v44, $0xF;
	v4 =	vbroadcast v4, $0xF;
	(xrf2) =	vadd.scan.msk.f32 $0xffff, v45  }
0x244: {  	v7 =	vunpack.i.u.bf16.f32 v3;
	v3 =	vunpack.i.l.bf16.f32 v3;
	v46 =	vsel vm0, v6, v5;
	v5, _, _ =	vpop (xrf2)  }
0x245: {  	v3 =	vadd.f32 v3, v7;
	v2 =	vsel vm1, v46, v4;
	v4 =	vbroadcast v5, $0xF  }
0x246: {  	v47 =	vbroadcast v8, $0xF;
	v1 =	vsel vm2, v2, v1  }
0x247: {  	(xrf2) =	vadd.scan.msk.f32 $0xffff, v3;
	v5, _, _ =	vpop (xrf2);
	v1 =	vsel vm3, v1, v4;
	v4 =	vbroadcast v43, $0xF  }
0x248: {  	v48 =	vbroadcast v5, $0xF;
	v1 =	vsel vm4, v1, v47  }
0x249: {  	v0 =	vbroadcast v41, $0xF;
	v1 =	vsel vm5, v1, v4  }
0x24a: {  	v49 =	vbroadcast v40, $0xF;
	v3, _, _ =	vpop (xrf2);
	v1 =	vsel vm6, v1, v48  }
0x24b: {  	v50 =	vbroadcast v3, $0xF;
	v0 =	vsel vm7, v1, v0  }
0x24c: {  	v51 =	vbroadcast v38, $0xF;
	v0 =	vsel vm8, v0, v49  }
0x24d: {  	v52 =	vbroadcast v13, $0xF;
	v3, _, _ =	vpop (xrf2);
	v0 =	vsel vm9, v0, v50  }
0x24e: {  	v53 =	vbroadcast v3, $0xF;
	v0 =	vsel vm10, v0, v51  }
0x24f: {  	v54 =	vbroadcast v12, $0xF;
	v0 =	vsel vm11, v0, v52  }
0x250: {  	v0 =	vsel vm12, v0, v53  }
0x251: {  	v55, _, _ =	vpop (xrf2);
	v0 =	vsel vm13, v0, v54  }
0x252: {  	s7 =	sadd.s32 $0x10, s7;
	v0 =	vsel vm14, v0, v55  }
0x253: {  	[tilespmem:s7+$0x0] =	vst v0  }
0x254: {  	_ =	swait.ge [sflag:s26], $0x50  }
0x255: {  	[sflag:s26] =	ssyncset.done $0x0  }
0x256: {  	[sflag:s26] =	ssyncadd.s32 $0xFFFFFFB0  }
0x257: {  	_ =	swait.ge [sflag:s26], $0x50  }
0x258: {  	[sflag:s26] =	ssyncset.done $0x0  }
0x259: {  	[sflag:s26] =	ssyncadd.s32 $0xFFFFFFB0  }
0x25a: {  	[tilespmem:s23], [sflag:$0x2] =	stream.indirect.gather [spmem:s4], $0x40, s6, s22, $0xb8;
	[tilespmem:$0x1B0D0] =	vst v63  }
0x25b: {  	_ = 	snop  }
0x25c: {  	[tilespmem:s24], [sflag:$0x2] =	stream.indirect.gather [spmem:s5], $0x40, s21, s22, $0xb8;
	[tilespmem:$0x1B0D0] =	vst v63  }
0x25d: {  	_ =	swait.ge [sflag:s31], $0x1400  }
0x25e: {  	s11 =	sshllo.u32 s9, $0x1;
	[sflag:s31] =	ssyncset.done $0x0  }
0x25f: {  	p0 =	sgt.u32 s11, $0x7A;
	[sflag:s31] =	ssyncadd.s32 $0xFFFFEC00  }
0x260: {  	s7 =	sadd.s32 @!p0 s10, s15;
	_ =	swait.ge [sflag:s31], $0x1400  }
0x261: {  	s11 =	simm.s32 @!p0 $0x0;
	s7 =	sshrl.u32 @!p0 s7, $0x3;
	[sflag:s31] =	ssyncset.done $0x0  }
0x262: {  	s13 =	simm.s32 @!p0 $0x50;
	s10 =	sadd.s32 @!p0 s1, s7;
	[sflag:s31] =	ssyncadd.s32 $0xFFFFEC00  }
0x263: {  	[tilespmem:s13], [sflag:$0x1] =	stream.linear.gather @!p0 [hbm4b:s10+s11], $0x50, $0x38;
	[tilespmem:$0x1B0D0] =	vst v63  }
0x264: {  	s7 =	sadd.s32 @!p0 s2, s7;
	s10 =	simm.s32 @!p0 $0xF0;
	s13 =	simm.s32 $0x0  }
0x265: {  	[tilespmem:s10], [sflag:$0x1] =	stream.linear.gather @!p0 [hbm4b:s7+s11], $0x50, $0x38;
	[tilespmem:$0x1B0D0] =	vst v63  }
0x266: {  	v16 =	vld [tilespmem:s13+$0x4130]  }
0x267: {  	v15 =	vld [tilespmem:s13+$0x1930]  }
0x268: {  	v56 =	vld [tilespmem:s13+$0x4120]  }
0x269: {  	v57 =	vld [tilespmem:s13+$0x1920]  }
0x26a: {  	v58 =	vld [tilespmem:s13+$0x4110]  }
0x26b: {  	v21 =	vld [tilespmem:s13+$0x40F0]  }
0x26c: {  	v22 =	vld [tilespmem:s13+$0x18F0]  }
0x26d: {  	v23 =	vld [tilespmem:s13+$0x40E0]  }
0x26e: {  	v24 =	vld [tilespmem:s13+$0x18E0]  }
0x26f: {  	v25 =	vld [tilespmem:s13+$0x40D0]  }
0x270: {  	v26 =	vld [tilespmem:s13+$0x18D0]  }
0x271: {  	v27 =	vld [tilespmem:s13+$0x40C0]  }
0x272: {  	v28 =	vld [tilespmem:s13+$0x18C0]  }
0x273: {  	v29 =	vld [tilespmem:s13+$0x40B0]  }
0x274: {  	v30 =	vld [tilespmem:s13+$0x18B0]  }
0x275: {  	v59 =	vld [tilespmem:s13+$0x40A0]  }
0x276: {  	v60 =	vld [tilespmem:s13+$0x18A0]  }
0x277: {  	v61 =	vld [tilespmem:s13+$0x4090]  }
0x278: {  	v31 =	vld [tilespmem:s13+$0x4070]  }
0x279: {  	v32 =	vld [tilespmem:s13+$0x1870]  }
0x27a: {  	v33 =	vld [tilespmem:s13+$0x4060]  }
0x27b: {  	v34 =	vld [tilespmem:s13+$0x1860]  }
0x27c: {  	v35 =	vld [tilespmem:s13+$0x4050]  }
0x27d: {  	v36 =	vld [tilespmem:s13+$0x1850]  }
0x27e: {  	v37 =	vld [tilespmem:s13+$0x4040]  }
0x27f: {  	v38 =	vld [tilespmem:s13+$0x1840]  }
0x280: {  	v39 =	vld [tilespmem:s13+$0x4030]  }
0x281: {  	v40 =	vld [tilespmem:s13+$0x1830]  }
0x282: {  	v41 =	vld [tilespmem:s13+$0x4020]  }
0x283: {  	v42 =	vld [tilespmem:s13+$0x1820]  }
0x284: {  	v43 =	vld [tilespmem:s13+$0x4010]  }
0x285: {  	v44 =	vld [tilespmem:s13+$0x1810]  }
0x286: {  	v45 =	vld [tilespmem:s13+$0x4000]  }
0x287: {  	v46 =	vld [tilespmem:s13+$0x1800]  }
0x288: {  	v62 =	vld [tilespmem:s13+$0x3FF0]  }
0x289: {  	v20 =	vld [tilespmem:s13+$0x17F0]  }
0x28a: {  	v63 =	vld [tilespmem:s13+$0x3FE0]  }
0x28b: {  	v9 =	vld [tilespmem:s13+$0x17E0]  }
0x28c: {  	v10 =	vld [tilespmem:s13+$0x3FD0]  }
0x28d: {  	v47 =	vld [tilespmem:s13+$0x3FB0]  }
0x28e: {  	v48 =	vld [tilespmem:s13+$0x17B0]  }
0x28f: {  	v49 =	vld [tilespmem:s13+$0x3FA0]  }
0x290: {  	v50 =	vld [tilespmem:s13+$0x17A0]  }
0x291: {  	v51 =	vld [tilespmem:s13+$0x3F90]  }
0x292: {  	v52 =	vld [tilespmem:s13+$0x1790]  }
0x293: {  	v53 =	vld [tilespmem:s13+$0x3F80]  }
0x294: {  	v54 =	vld [tilespmem:s13+$0x1780]  }
0x295: {  	v55 =	vld [tilespmem:s13+$0x3F70]  }
0x296: {  	v11 =	vld [tilespmem:s13+$0x3F30]  }
0x297: {  	v4 =	vld [tilespmem:s13+$0x16F0]  }
0x298: {  	v1 =	vld [tilespmem:s13+$0x3EE0]  }
0x299: {  	v0 =	vld [tilespmem:s13+$0x16E0]  }
0x29a: {  	v6 =	vld [tilespmem:s13+$0x3ED0]  }
0x29b: {  	v5 =	vld [tilespmem:s13+$0x16D0]  }
0x29c: {  	v3 =	vld [tilespmem:s13+$0x3EC0]  }
0x29d: {  	v2 =	vld [tilespmem:s13+$0x16C0]  }
0x29e: {  	v14 =	vld [tilespmem:s13+$0x3EB0]  }
0x29f: {  	v7 =	vld [tilespmem:s13+$0x16A0]  }
0x2a0: {  	v13 =	vld [tilespmem:s13+$0x3E90]  }
0x2a1: {  	v12 =	vld [tilespmem:s13+$0x1690]  }
0x2a2: {  	v8 =	vld [tilespmem:s13+$0x1680]  }
0x2a3: {  	v18 =	vld [tilespmem:s13+$0x3E70]  }
0x2a4: {  	v17 =	vld [tilespmem:s13+$0x1670]  }
0x2a5: {  	v19 =	vld [tilespmem:s13+$0x3E60]  }
0x2a6: {  	[tilespmem:$0x1FBE0] =	vst v56;
	v56 =	vld [tilespmem:s13+$0x1770]  }
0x2a7: {  	[tilespmem:$0x1FBF0] =	vst v57;
	v57 =	vld [tilespmem:s13+$0x3F60]  }
0x2a8: {  	[tilespmem:$0x1FC00] =	vst v58;
	v58 =	vld [tilespmem:s13+$0x1760]  }
0x2a9: {  	[tilespmem:$0x1FBB0] =	vst v59;
	v59 =	vld [tilespmem:s13+$0x3F50]  }
0x2aa: {  	[tilespmem:$0x1FBC0] =	vst v60;
	v60 =	vld [tilespmem:s13+$0x1750]  }
0x2ab: {  	[tilespmem:$0x1FBD0] =	vst v61;
	v61 =	vld [tilespmem:s13+$0x3F40]  }
0x2ac: {  	[tilespmem:$0x1FAF0] =	vst v62;
	v62 =	vld [tilespmem:s13+$0x1740]  }
0x2ad: {  	[tilespmem:$0x1FB80] =	vst v63;
	v63 =	vld [tilespmem:s13+$0x1730]  }
0x2ae: {  	[tilespmem:$0x1FB90] =	vst v9;
	v9 =	vld [tilespmem:s13+$0x3F20]  }
0x2af: {  	[tilespmem:$0x1FBA0] =	vst v10;
	v10 =	vld [tilespmem:s13+$0x1720]  }
0x2b0: {  	[tilespmem:$0x1FB00] =	vst v11;
	v11 =	vld [tilespmem:s13+$0x3F10]  }
0x2b1: {  	[tilespmem:$0x1FB20] =	vst v19;
	v19 =	vld [tilespmem:s13+$0x1660]  }
0x2b2: {  	v21 =	vmul.bf16 v21, v22;
	v22 =	vld [tilespmem:s13+$0x3E30]  }
0x2b3: {  	v25 =	vmul.bf16 v25, v26;
	v26 =	vld [tilespmem:s13+$0x1630]  }
0x2b4: {  	v23 =	vmul.bf16 v23, v24;
	v24 =	vmul.bf16 v27, v28;
	v27 =	vld [tilespmem:s13+$0x3E20]  }
0x2b5: {  	v28 =	vmul.bf16 v31, v32;
	v31 =	vld [tilespmem:s13+$0x3E10]  }
0x2b6: {  	v32 =	vmul.bf16 v37, v38;
	v38 =	vld [tilespmem:s13+$0x3DE0]  }
0x2b7: {  	v37 =	vld [tilespmem:s13+$0x15E0]  }
0x2b8: {  	v53 =	vmul.bf16 v53, v54;
	v54 =	vmul.bf16 v51, v52;
	v51 =	vld [tilespmem:s13+$0x15C0]  }
0x2b9: {  	v2 =	vmul.bf16 v3, v2;
	v3 =	vmul.bf16 v6, v5;
	v6 =	vld [tilespmem:s13+$0x3D50]  }
0x2ba: {  	v17 =	vmul.bf16 v18, v17;
	v18 =	vld [tilespmem:s13+$0x1650]  }
0x2bb: {  	v21 =	vadd.bf16 v21, v23;
	v23 =	vld [tilespmem:s13+$0x1620]  }
0x2bc: {  	v24 =	vadd.bf16 v25, v24;
	v25 =	vmul.bf16 v33, v34;
	v34 =	vld [tilespmem:s13+$0x1610]  }
0x2bd: {  	v33 =	vmul.bf16 v35, v36;
	v36 =	vld [tilespmem:s13+$0x3E00]  }
0x2be: {  	v35 =	vld [tilespmem:s13+$0x15F0]  }
0x2bf: {  	v2 =	vadd.bf16 v3, v2;
	v3 =	vld [tilespmem:s13+$0x3D40]  }
0x2c0: {  	v24 =	vadd.bf16 v21, v24;
	v21 =	vmul.bf16 v16, v15;
	v16 =	vadd.bf16 v33, v32;
	v33 =	vld [tilespmem:s13+$0x1600]  }
0x2c1: {  	v15 =	vmul.bf16 v29, v30;
	v29 =	vld [tilespmem:s13+$0x3DF0]  }
0x2c2: {  	v25 =	vadd.bf16 v28, v25;
	v28 =	vmul.bf16 v41, v42;
	v42 =	vmul.bf16 v39, v40;
	v40 =	vld [tilespmem:s13+$0x15D0]  }
0x2c3: {  	v45 =	vmul.bf16 v45, v46;
	v46 =	vmul.bf16 v43, v44;
	v39 =	vadd.bf16 v54, v53;
	v53 =	vld [tilespmem:s13+$0x3D70]  }
0x2c4: {  	v0 =	vmul.bf16 v1, v0;
	v54 =	vld [tilespmem:s13+$0x1570]  }
0x2c5: {  	v30 =	vmul.bf16 v47, v48;
	v32 =	vadd.bf16 v46, v45;
	[tilespmem:$0x1FB10] =	vst v63;
	v63 =	vld [tilespmem:s13+$0x3EF0];
	v62 =	vmul.bf16 v61, v62  }
0x2c6: {  	[tilespmem:$0x1FB70] =	vst v11;
	v11 =	vld [tilespmem:s13+$0x16B0];
	v28 =	vadd.bf16 v42, v28;
	v16 =	vadd.bf16 v25, v16;
	v25 =	vmul.bf16 v49, v50  }
0x2c7: {  	[tilespmem:$0x1FB60] =	vst v10;
	v10 =	vld [tilespmem:s13+$0x3EA0];
	v50 =	vunpack.i.u.bf16.f32 v24;
	v24 =	vunpack.i.l.bf16.f32 v24;
	v49 =	vmul.bf16 v59, v60  }
0x2c8: {  	[tilespmem:$0x1FB50] =	vst v9;
	v9 =	vld [tilespmem:s13+$0x3E80];
	v59 =	vmul.bf16 v13, v12;
	v13 =	vmul.bf16 v22, v26;
	v24 =	vadd.f32 v24, v50  }
0x2c9: {  	[tilespmem:$0x1FB30] =	vst v19;
	v19 =	vld [tilespmem:s13+$0x3E50];
	v12 =	vmul.bf16 v27, v23;
	v25 =	vadd.bf16 v30, v25;
	v28 =	vadd.bf16 v28, v32  }
0x2ca: {  	v61 =	vld [tilespmem:$0x1FAF0];
	v30 =	vmul.bf16 v57, v58;
	v48 =	vunpack.i.u.bf16.f32 v16;
	v16 =	vunpack.i.l.bf16.f32 v16  }
0x2cb: {  	v60 =	vld [tilespmem:s13+$0x1540];
	v58 =	vmul.bf16 v55, v56;
	v42 =	vadd.bf16 v49, v62;
	v16 =	vadd.f32 v16, v48  }
0x2cc: {  	v32 =	vld [tilespmem:s13+$0x3DD0];
	v12 =	vadd.bf16 v13, v12;
	v13 =	vmul.bf16 v38, v37;
	v23 =	vmul.bf16 v29, v35  }
0x2cd: {  	v56 =	vld [tilespmem:s13+$0x3D60];
	v25 =	vadd.bf16 v25, v39;
	v4 =	vmul.bf16 v63, v4;
	v7 =	vmul.bf16 v10, v7  }
0x2ce: {  	v57 =	vld [tilespmem:s13+$0x1560];
	v30 =	vadd.bf16 v58, v30;
	v58 =	vmul.bf16 v14, v11;
	v8 =	vmul.bf16 v9, v8  }
0x2cf: {  	v50 =	vld [tilespmem:s13+$0x3DC0];
	[tilespmem:$0x1FB40] =	vst v19;
	v52 =	vunpack.i.u.bf16.f32 v28;
	v14 =	vmul.bf16 v36, v33;
	v19 =	vmul.bf16 v31, v34  }
0x2d0: {  	v27 =	vld [tilespmem:$0x1FB00];
	v13 =	vadd.bf16 v23, v13;
	v3 =	vmul.bf16 v3, v60;
	v30 =	vadd.bf16 v30, v42  }
0x2d1: {  	v29 =	vld [tilespmem:$0x1FB10];
	v55 =	vunpack.i.u.bf16.f32 v25;
	v0 =	vadd.bf16 v4, v0;
	v7 =	vadd.bf16 v58, v7  }
0x2d2: {  	v22 =	vld [tilespmem:s13+$0x3DA0];
	v25 =	vunpack.i.l.bf16.f32 v25;
	v8 =	vadd.bf16 v59, v8;
	v14 =	vadd.bf16 v19, v14  }
0x2d3: {  	v62 =	vld [tilespmem:s13+$0x3DB0];
	v5 =	vadd.f32 v25, v55;
	v26 =	vmul.bf16 v32, v40;
	v1 =	vmul.bf16 v56, v57  }
0x2d4: {  	v4 =	vunpack.i.u.bf16.f32 v30;
	v25 =	vunpack.i.l.bf16.f32 v30;
	v30 =	vld [tilespmem:s13+$0x1550];
	v0 =	vadd.bf16 v0, v2  }
0x2d5: {  	v63 =	vld [tilespmem:s13+$0x15B0];
	v7 =	vadd.bf16 v7, v8;
	v4 =	vadd.f32 v25, v4;
	v25 =	vmul.bf16 v50, v51  }
0x2d6: {  	v23 =	vld [tilespmem:s13+$0x1580];
	v2 =	vmul.bf16 v61, v20;
	v12 =	vadd.bf16 v12, v14;
	v27 =	vmul.bf16 v27, v29  }
0x2d7: {  	v8 =	vld [tilespmem:s13+$0x15A0];
	v14 =	vunpack.i.u.bf16.f32 v7;
	v7 =	vunpack.i.l.bf16.f32 v7;
	v25 =	vadd.bf16 v26, v25  }
0x2d8: {  	v19 =	vld [tilespmem:s13+$0x3D90];
	v20 =	vunpack.i.u.bf16.f32 v0;
	v0 =	vunpack.i.l.bf16.f32 v0;
	v7 =	vadd.f32 v7, v14  }
0x2d9: {  	v29 =	vld [tilespmem:s13+$0x3D80];
	v14 =	vmul.bf16 v53, v54;
	v13 =	vadd.bf16 v13, v25;
	v6 =	vmul.bf16 v6, v30  }
0x2da: {  	v32 =	vunpack.i.l.bf16.f32 v12;
	v0 =	vadd.f32 v0, v20;
	v20 =	vld [tilespmem:s13+$0x1590];
	v26 =	vunpack.i.u.bf16.f32 v12  }
0x2db: {  	v12 =	vld [tilespmem:s13+$0x3E40];
	v1 =	vadd.bf16 v14, v1;
	v14 =	vunpack.i.u.bf16.f32 v13;
	v3 =	vadd.bf16 v6, v3  }
0x2dc: {  	v25 =	vld [tilespmem:s13+$0x1640];
	v6 =	vmul.bf16 v22, v8;
	v8 =	vmul.bf16 v62, v63;
	v13 =	vunpack.i.l.bf16.f32 v13  }
0x2dd: {  	v28 =	vunpack.i.l.bf16.f32 v28;
	v1 =	vadd.bf16 v1, v3;
	v3 =	vadd.f32 v13, v14;
	v13 =	vld [tilespmem:$0x1FB20]  }
0x2de: {  	(xrf2) =	vadd.scan.msk.f32 $0xffff, v24;
	v28 =	vadd.f32 v28, v52;
	v6 =	vadd.bf16 v8, v6;
	v8 =	vld [tilespmem:$0x1FB40]  }
0x2df: {  	(xrf2) =	vadd.scan.msk.f32 $0xffff, v16;
	v14 =	vld [tilespmem:$0x1FB30]  }
0x2e0: {  	v35 =	vld [tilespmem:s13+$0x17D0];
	(xrf2) =	vadd.scan.msk.f32 $0xffff, v28;
	v34 =	vmul.bf16 v29, v23;
	v16 =	vmul.bf16 v19, v20  }
0x2e1: {  	v33 =	vld [tilespmem:s13+$0x1710];
	(xrf2) =	vadd.scan.msk.f32 $0xffff, v5  }
0x2e2: {  	(xrf2) =	vadd.scan.msk.f32 $0xffff, v4;
	v19 =	vld [tilespmem:s13+$0x3F00];
	v5 =	vadd.bf16 v16, v34;
	v4 =	vunpack.i.u.bf16.f32 v1;
	v1 =	vunpack.i.l.bf16.f32 v1  }
0x2e3: {  	v12 =	vmul.bf16 v12, v25;
	v36 =	vadd.f32 v1, v4;
	v4 =	vld [tilespmem:$0x1FB50];
	v8 =	vmul.bf16 v8, v18  }
0x2e4: {  	v11 =	vadd.f32 v32, v26;
	v13 =	vmul.bf16 v13, v14;
	v14 =	vld [tilespmem:s13+$0x1700]  }
0x2e5: {  	(xrf2) =	vadd.scan.msk.f32 $0xffff, v0;
	v37 =	vadd.bf16 v6, v5;
	v6 =	vadd.bf16 v8, v12;
	v8 =	vld [tilespmem:$0x1FB70]  }
0x2e6: {  	(xrf2) =	vadd.scan.msk.f32 $0xffff, v7;
	v5 =	vld [tilespmem:$0x1FB60];
	v7 =	vadd.bf16 v17, v13  }
0x2e7: {  	v38 =	vld [tilespmem:s13+$0x1890];
	(xrf2) =	vadd.scan.msk.f32 $0xffff, v11  }
0x2e8: {  	(xrf2) =	vadd.scan.msk.f32 $0xffff, v3;
	v3 =	vadd.bf16 v7, v6;
	v6 =	vld [tilespmem:$0x1FB80]  }
0x2e9: {  	v7 =	vld [tilespmem:$0x1FB90]  }
0x2ea: {  	v16 =	vld [tilespmem:s13+$0x3FC0];
	v12 =	vmul.bf16 v19, v14;
	v8 =	vmul.bf16 v8, v33  }
0x2eb: {  	v4 =	vmul.bf16 v4, v5;
	v5 =	vld [tilespmem:s13+$0x17C0]  }
0x2ec: {  	v40 =	vadd.bf16 v8, v12;
	v8 =	vld [tilespmem:$0x1FBA0]  }
0x2ed: {  	v13 =	vld [tilespmem:s13+$0x4080]  }
0x2ee: {  	v6 =	vmul.bf16 v6, v7;
	v7 =	vld [tilespmem:s13+$0x1880];
	v12 =	vunpack.i.u.bf16.f32 v3;
	v3 =	vunpack.i.l.bf16.f32 v3  }
0x2ef: {  	v4 =	vadd.bf16 v27, v4;
	v3 =	vadd.f32 v3, v12;
	v12 =	vld [tilespmem:$0x1FBC0]  }
0x2f0: {  	v2 =	vadd.bf16 v2, v6;
	v6 =	vld [tilespmem:$0x1FBD0]  }
0x2f1: {  	v5 =	vmul.bf16 v16, v5;
	v0 =	vadd.bf16 v4, v40;
	v4 =	vld [tilespmem:$0x1FBB0];
	v8 =	vmul.bf16 v8, v35  }
0x2f2: {  	v41 =	vld [tilespmem:s13+$0x1910]  }
0x2f3: {  	v45 =	vld [tilespmem:$0x1FBF0];
	v39 =	vunpack.i.u.bf16.f32 v37;
	v1 =	vunpack.i.l.bf16.f32 v37;
	v5 =	vadd.bf16 v8, v5  }
0x2f4: {  	v1 =	vadd.f32 v1, v39;
	v14 =	vld [tilespmem:s13+$0x4100]  }
0x2f5: {  	(xrf2) =	vadd.scan.msk.f32 $0xffff, v36;
	v7 =	vmul.bf16 v13, v7;
	v6 =	vmul.bf16 v6, v38;
	v2 =	vadd.bf16 v2, v5;
	v5 =	vld [tilespmem:$0x1FBE0]  }
0x2f6: {  	v42, _, _ =	vpop (xrf2);
	(xrf2) =	vadd.scan.msk.f32 $0xffff, v1;
	v4 =	vmul.bf16 v4, v12;
	v12 =	vld [tilespmem:s13+$0x1900]  }
0x2f7: {  	v43, _, _ =	vpop (xrf2);
	v6 =	vadd.bf16 v6, v7;
	v7 =	vld [tilespmem:$0x1FC00]  }
0x2f8: {  	v16, _, _ =	vpop (xrf2)  }
0x2f9: {  	v8, _, _ =	vpop (xrf2)  }
0x2fa: {  	(xrf2) =	vadd.scan.msk.f32 $0xffff, v3;
	v44 =	vunpack.i.u.bf16.f32 v0;
	v3, _, _ =	vpop (xrf2);
	v5 =	vmul.bf16 v5, v45  }
0x2fb: {  	v0 =	vunpack.i.l.bf16.f32 v0;
	v4 =	vadd.bf16 v15, v4;
	v46, _, _ =	vpop (xrf2);
	v12 =	vmul.bf16 v14, v12  }
0x2fc: {  	v0 =	vadd.f32 v0, v44;
	v47, _, _ =	vpop (xrf2);
	v7 =	vmul.bf16 v7, v41;
	v5 =	vadd.bf16 v21, v5  }
0x2fd: {  	v4 =	vadd.bf16 v4, v6;
	v48, _, _ =	vpop (xrf2)  }
0x2fe: {  	(xrf2) =	vadd.scan.msk.f32 $0xffff, v0;
	v13 =	vunpack.i.u.bf16.f32 v2;
	v2 =	vunpack.i.l.bf16.f32 v2;
	v6, _, _ =	vpop (xrf2);
	v7 =	vadd.bf16 v7, v12  }
0x2ff: {  	v2 =	vadd.f32 v2, v13;
	v13 =	vunpack.i.u.bf16.f32 v4;
	v4 =	vunpack.i.l.bf16.f32 v4;
	v12, _, _ =	vpop (xrf2)  }
0x300: {  	v49 =	vadd.f32 v4, v13;
	v4 =	vadd.bf16 v5, v7;
	v5, _, _ =	vpop (xrf2)  }
0x301: {  	(xrf2) =	vadd.scan.msk.f32 $0xffff, v2;
	v5 =	vbroadcast v5, $0xF;
	_ =	sdelay $0x1  }
0x302: {  	v7 =	vbroadcast v12, $0xF  }
0x303: {  	v6 =	vbroadcast v6, $0xF  }
0x304: {  	v0 =	vbroadcast v48, $0xF;
	v12 =	vunpack.i.u.bf16.f32 v4;
	v50 =	vsel vm0, v7, v5;
	v5, _, _ =	vpop (xrf2)  }
0x305: {  	(xrf2) =	vadd.scan.msk.f32 $0xffff, v49;
	v4 =	vunpack.i.l.bf16.f32 v4;
	v2 =	vsel vm1, v50, v6;
	v5 =	vbroadcast v5, $0xF  }
0x306: {  	v51 =	vbroadcast v47, $0xF;
	v4 =	vadd.f32 v4, v12;
	v0 =	vsel vm2, v2, v0  }
0x307: {  	v6, _, _ =	vpop (xrf2);
	v0 =	vsel vm3, v0, v5;
	v5 =	vbroadcast v46, $0xF  }
0x308: {  	v52 =	vbroadcast v6, $0xF;
	v0 =	vsel vm4, v0, v51  }
0x309: {  	v3 =	vbroadcast v3, $0xF;
	(xrf2) =	vadd.scan.msk.f32 $0xffff, v4;
	v0 =	vsel vm5, v0, v5  }
0x30a: {  	v4, _, _ =	vpop (xrf2);
	v0 =	vsel vm6, v0, v52  }
0x30b: {  	v0 =	vsel vm7, v0, v3;
	v3 =	vbroadcast v4, $0xF  }
0x30c: {  	v53 =	vbroadcast v8, $0xF;
	_ =	sdelay $0x1  }
0x30d: {  	v54 =	vbroadcast v16, $0xF;
	v0 =	vsel vm8, v0, v53  }
0x30e: {  	v1 =	vbroadcast v43, $0xF;
	v0 =	vsel vm9, v0, v3;
	v3, _, _ =	vpop (xrf2)  }
0x30f: {  	v0 =	vsel vm10, v0, v54;
	v55 =	vbroadcast v3, $0xF  }
0x310: {  	v56 =	vbroadcast v42, $0xF;
	v0 =	vsel vm11, v0, v1  }
0x311: {  	v0 =	vsel vm12, v0, v55  }
0x312: {  	v57, _, _ =	vpop (xrf2);
	v0 =	vsel vm13, v0, v56  }
0x313: {  	v0 =	vsel vm14, v0, v57  }
0x314: {  	s10 =	simm.s32 $0x400;
	[tilespmem:s0+$0x0] =	vst v0  }
0x315: {  	v13 =	vld [tilespmem:s10+$0x4130]  }
0x316: {  	v0 =	vld [tilespmem:s10+$0x1930]  }
0x317: {  	v58 =	vld [tilespmem:s10+$0x4120]  }
0x318: {  	v59 =	vld [tilespmem:s10+$0x1920]  }
0x319: {  	v18 =	vld [tilespmem:s10+$0x4110]  }
0x31a: {  	v21 =	vld [tilespmem:s10+$0x40F0]  }
0x31b: {  	v24 =	vld [tilespmem:s10+$0x18F0]  }
0x31c: {  	v25 =	vld [tilespmem:s10+$0x40E0]  }
0x31d: {  	v26 =	vld [tilespmem:s10+$0x18E0]  }
0x31e: {  	v27 =	vld [tilespmem:s10+$0x40D0]  }
0x31f: {  	v28 =	vld [tilespmem:s10+$0x18D0]  }
0x320: {  	v29 =	vld [tilespmem:s10+$0x40C0]  }
0x321: {  	v30 =	vld [tilespmem:s10+$0x18C0]  }
0x322: {  	v11 =	vld [tilespmem:s10+$0x40B0]  }
0x323: {  	v12 =	vld [tilespmem:s10+$0x18B0]  }
0x324: {  	v60 =	vld [tilespmem:s10+$0x40A0]  }
0x325: {  	v61 =	vld [tilespmem:s10+$0x18A0]  }
0x326: {  	v62 =	vld [tilespmem:s10+$0x4090]  }
0x327: {  	v33 =	vld [tilespmem:s10+$0x4070]  }
0x328: {  	v34 =	vld [tilespmem:s10+$0x1870]  }
0x329: {  	v35 =	vld [tilespmem:s10+$0x4060]  }
0x32a: {  	v36 =	vld [tilespmem:s10+$0x1860]  }
0x32b: {  	v37 =	vld [tilespmem:s10+$0x4050]  }
0x32c: {  	v38 =	vld [tilespmem:s10+$0x1850]  }
0x32d: {  	v39 =	vld [tilespmem:s10+$0x4040]  }
0x32e: {  	v40 =	vld [tilespmem:s10+$0x1840]  }
0x32f: {  	v41 =	vld [tilespmem:s10+$0x4030]  }
0x330: {  	v42 =	vld [tilespmem:s10+$0x1830]  }
0x331: {  	v43 =	vld [tilespmem:s10+$0x4020]  }
0x332: {  	v44 =	vld [tilespmem:s10+$0x1820]  }
0x333: {  	v45 =	vld [tilespmem:s10+$0x4010]  }
0x334: {  	v46 =	vld [tilespmem:s10+$0x1810]  }
0x335: {  	v47 =	vld [tilespmem:s10+$0x4000]  }
0x336: {  	v48 =	vld [tilespmem:s10+$0x1800]  }
0x337: {  	v7 =	vld [tilespmem:s10+$0x3FF0]  }
0x338: {  	v8 =	vld [tilespmem:s10+$0x17F0]  }
0x339: {  	v63 =	vld [tilespmem:s10+$0x3FE0]  }
0x33a: {  	v9 =	vld [tilespmem:s10+$0x17E0]  }
0x33b: {  	v10 =	vld [tilespmem:s10+$0x3FD0]  }
0x33c: {  	v49 =	vld [tilespmem:s10+$0x3FB0]  }
0x33d: {  	v50 =	vld [tilespmem:s10+$0x17B0]  }
0x33e: {  	v51 =	vld [tilespmem:s10+$0x3FA0]  }
0x33f: {  	v52 =	vld [tilespmem:s10+$0x17A0]  }
0x340: {  	v53 =	vld [tilespmem:s10+$0x3F90]  }
0x341: {  	v54 =	vld [tilespmem:s10+$0x1790]  }
0x342: {  	v55 =	vld [tilespmem:s10+$0x3F80]  }
0x343: {  	v56 =	vld [tilespmem:s10+$0x1780]  }
0x344: {  	v57 =	vld [tilespmem:s10+$0x3F70]  }
0x345: {  	v1 =	vld [tilespmem:s10+$0x1740]  }
0x346: {  	v32 =	vld [tilespmem:s10+$0x3F20]  }
0x347: {  	v22 =	vld [tilespmem:s10+$0x16F0]  }
0x348: {  	v3 =	vld [tilespmem:s10+$0x3EE0]  }
0x349: {  	v2 =	vld [tilespmem:s10+$0x16E0]  }
0x34a: {  	v4 =	vld [tilespmem:s10+$0x3ED0]  }
0x34b: {  	v31 =	vld [tilespmem:s10+$0x3EC0]  }
0x34c: {  	v23 =	vld [tilespmem:s10+$0x16C0]  }
0x34d: {  	v16 =	vld [tilespmem:s10+$0x3EB0]  }
0x34e: {  	v17 =	vld [tilespmem:s10+$0x16B0]  }
0x34f: {  	v14 =	vld [tilespmem:s10+$0x3E90]  }
0x350: {  	v15 =	vld [tilespmem:s10+$0x1690]  }
0x351: {  	v19 =	vld [tilespmem:s10+$0x3E80]  }
0x352: {  	v20 =	vld [tilespmem:s10+$0x1680]  }
0x353: {  	v5 =	vld [tilespmem:s10+$0x3E70]  }
0x354: {  	v6 =	vld [tilespmem:s10+$0x1670]  }
0x355: {  	[tilespmem:$0x1FC10] =	vst v58;
	v58 =	vld [tilespmem:s10+$0x1770]  }
0x356: {  	[tilespmem:$0x1FC20] =	vst v59;
	v59 =	vld [tilespmem:s10+$0x3F60]  }
0x357: {  	[tilespmem:$0x1FC30] =	vst v60;
	v60 =	vld [tilespmem:s10+$0x1760]  }
0x358: {  	[tilespmem:$0x1FC40] =	vst v61;
	v61 =	vld [tilespmem:s10+$0x3F50]  }
0x359: {  	[tilespmem:$0x1FC50] =	vst v62;
	v62 =	vld [tilespmem:s10+$0x1750]  }
0x35a: {  	[tilespmem:$0x1FC60] =	vst v63;
	v63 =	vld [tilespmem:s10+$0x3F40]  }
0x35b: {  	[tilespmem:$0x1FC70] =	vst v9;
	v9 =	vld [tilespmem:s10+$0x3F30]  }
0x35c: {  	[tilespmem:$0x1FC80] =	vst v10;
	v10 =	vld [tilespmem:s10+$0x1730]  }
0x35d: {  	[tilespmem:$0x1FC90] =	vst v32;
	v32 =	vld [tilespmem:s10+$0x1720]  }
0x35e: {  	[tilespmem:$0x1FCF0] =	vst v4;
	v4 =	vld [tilespmem:s10+$0x16D0]  }
0x35f: {  	v25 =	vmul.bf16 v25, v26;
	v21 =	vmul.bf16 v21, v24;
	v24 =	vld [tilespmem:s10+$0x1630]  }
0x360: {  	v26 =	vmul.bf16 v27, v28;
	v28 =	vmul.bf16 v33, v34;
	v33 =	vld [tilespmem:s10+$0x1620]  }
0x361: {  	v34 =	vld [tilespmem:s10+$0x3E10]  }
0x362: {  	v27 =	vmul.bf16 v35, v36;
	v35 =	vld [tilespmem:s10+$0x1610]  }
0x363: {  	v36 =	vld [tilespmem:s10+$0x3E00]  }
0x364: {  	v21 =	vadd.bf16 v21, v25;
	v25 =	vadd.bf16 v28, v27;
	v28 =	vmul.bf16 v41, v42;
	v42 =	vld [tilespmem:s10+$0x3DE0]  }
0x365: {  	v41 =	vld [tilespmem:s10+$0x15E0]  }
0x366: {  	v27 =	vmul.bf16 v43, v44;
	v44 =	vld [tilespmem:s10+$0x15D0]  }
0x367: {  	[tilespmem:$0x1FD00] =	vst v4;
	v4 =	vld [tilespmem:s10+$0x3EA0]  }
0x368: {  	[tilespmem:$0x1FCA0] =	vst v32;
	v32 =	vld [tilespmem:s10+$0x3F10]  }
0x369: {  	[tilespmem:$0x1FD30] =	vst v24;
	v24 =	vmul.bf16 v29, v30;
	v30 =	vld [tilespmem:s10+$0x3E20]  }
0x36a: {  	v29 =	vmul.bf16 v37, v38;
	v37 =	vld [tilespmem:s10+$0x1600]  }
0x36b: {  	v38 =	vld [tilespmem:s10+$0x3DF0]  }
0x36c: {  	[tilespmem:$0x1FD10] =	vst v4;
	v4 =	vld [tilespmem:s10+$0x16A0]  }
0x36d: {  	v34 =	vmul.bf16 v34, v35;
	v35 =	vld [tilespmem:s10+$0x15A0]  }
0x36e: {  	v24 =	vadd.bf16 v26, v24;
	v26 =	vmul.bf16 v39, v40;
	v39 =	vld [tilespmem:s10+$0x15F0]  }
0x36f: {  	v40 =	vld [tilespmem:s10+$0x3DD0]  }
0x370: {  	v21 =	vadd.bf16 v21, v24;
	v24 =	vmul.bf16 v47, v48;
	v47 =	vmul.bf16 v13, v0;
	v0 =	vld [tilespmem:s10+$0x3DC0]  }
0x371: {  	[tilespmem:$0x1FD20] =	vst v4;
	v4 =	vld [tilespmem:s10+$0x3E60]  }
0x372: {  	v26 =	vadd.bf16 v29, v26;
	v29 =	vmul.bf16 v45, v46;
	v46 =	vld [tilespmem:s10+$0x15C0]  }
0x373: {  	v27 =	vadd.bf16 v28, v27;
	v28 =	vmul.bf16 v49, v50;
	[tilespmem:$0x1FCB0] =	vst v32;
	v32 =	vld [tilespmem:s10+$0x3EF0];
	v36 =	vmul.bf16 v36, v37  }
0x374: {  	v37 =	vld [tilespmem:s10+$0x1590];
	v25 =	vadd.bf16 v25, v26;
	v26 =	vmul.bf16 v51, v52;
	v52 =	vmul.bf16 v53, v54  }
0x375: {  	v54 =	vmul.bf16 v57, v58;
	v57 =	vmul.bf16 v3, v2;
	v3 =	vld [tilespmem:$0x1FCF0]  }
0x376: {  	v41 =	vmul.bf16 v42, v41;
	v24 =	vadd.bf16 v29, v24;
	v29 =	vmul.bf16 v55, v56;
	[tilespmem:$0x1FCC0] =	vst v4;
	v4 =	vld [tilespmem:s10+$0x1660]  }
0x377: {  	v53 =	vunpack.i.u.bf16.f32 v21;
	v21 =	vunpack.i.l.bf16.f32 v21;
	v55 =	vmul.bf16 v61, v62;
	v61 =	vld [tilespmem:$0x1FD10]  }
0x378: {  	v21 =	vadd.f32 v21, v53;
	v26 =	vadd.bf16 v28, v26;
	v28 =	vmul.bf16 v59, v60;
	v60 =	vld [tilespmem:$0x1FD00]  }
0x379: {  	v53 =	vmul.bf16 v30, v33;
	v33 =	vld [tilespmem:s10+$0x1540];
	v29 =	vadd.bf16 v52, v29;
	v27 =	vadd.bf16 v27, v24  }
0x37a: {  	v30 =	vld [tilespmem:s10+$0x3DB0];
	v24 =	vmul.bf16 v63, v1;
	v56 =	vunpack.i.u.bf16.f32 v25;
	v25 =	vunpack.i.l.bf16.f32 v25  }
0x37b: {  	(xrf2) =	vadd.scan.msk.f32 $0xffff, v21;
	v21 =	vmul.bf16 v31, v23;
	v26 =	vadd.bf16 v26, v29;
	[tilespmem:$0x1FCD0] =	vst v4;
	v4 =	vld [tilespmem:s10+$0x3E50]  }
0x37c: {  	v29 =	vadd.f32 v25, v56;
	v45 =	vadd.bf16 v55, v24;
	v25 =	vunpack.i.u.bf16.f32 v27;
	v24 =	vld [tilespmem:s10+$0x3D70]  }
0x37d: {  	v28 =	vadd.bf16 v54, v28;
	v27 =	vunpack.i.l.bf16.f32 v27;
	v23 =	vmul.bf16 v3, v60;
	v3 =	vld [tilespmem:$0x1FD20]  }
0x37e: {  	v62 =	vmul.bf16 v16, v17;
	v58 =	vmul.bf16 v32, v22;
	v54 =	vld [tilespmem:$0x1FD30];
	v43 =	vadd.f32 v27, v25  }
0x37f: {  	v25 =	vld [tilespmem:s10+$0x1570];
	v22 =	vunpack.i.u.bf16.f32 v26;
	v27 =	vunpack.i.l.bf16.f32 v26;
	v59 =	vadd.bf16 v28, v45;
	(xrf2) =	vadd.scan.msk.f32 $0xffff, v29  }
0x380: {  	v63 =	vmul.bf16 v14, v15;
	v2 =	vadd.bf16 v58, v57;
	v22 =	vadd.f32 v27, v22;
	[tilespmem:$0x1FCE0] =	vst v4;
	v4 =	vld [tilespmem:s10+$0x3E30]  }
0x381: {  	v26 =	vld [tilespmem:s10+$0x3D60];
	v31 =	vunpack.i.u.bf16.f32 v59;
	v32 =	vunpack.i.l.bf16.f32 v59;
	v21 =	vadd.bf16 v23, v21  }
0x382: {  	v28 =	vld [tilespmem:s10+$0x1560];
	v59 =	vadd.bf16 v34, v36;
	v23 =	vmul.bf16 v19, v20;
	v3 =	vmul.bf16 v61, v3  }
0x383: {  	v48 =	vmul.bf16 v11, v12;
	v29 =	vld [tilespmem:s10+$0x1550];
	v52 =	vadd.f32 v32, v31;
	v56 =	vadd.bf16 v2, v21  }
0x384: {  	v40 =	vmul.bf16 v40, v44;
	v27 =	vld [tilespmem:s10+$0x3D50];
	v23 =	vadd.bf16 v63, v23;
	v3 =	vadd.bf16 v62, v3  }
0x385: {  	v34 =	vld [tilespmem:s10+$0x3DA0];
	v60 =	vunpack.i.u.bf16.f32 v56;
	v61 =	vunpack.i.l.bf16.f32 v56;
	v55 =	vmul.bf16 v4, v54  }
0x386: {  	(xrf2) =	vadd.scan.msk.f32 $0xffff, v43;
	v36 =	vld [tilespmem:s10+$0x3D90];
	v62 =	vmul.bf16 v38, v39;
	v58 =	vadd.bf16 v3, v23;
	v23 =	vmul.bf16 v0, v46  }
0x387: {  	v31 =	vld [tilespmem:s10+$0x3D40];
	(xrf2) =	vadd.scan.msk.f32 $0xffff, v22;
	v22 =	vmul.bf16 v9, v10;
	v63 =	vadd.f32 v61, v60;
	v57 =	vadd.bf16 v55, v53  }
0x388: {  	v32 =	vld [tilespmem:s10+$0x15B0];
	v21 =	vmul.bf16 v7, v8;
	(xrf2) =	vadd.scan.msk.f32 $0xffff, v52;
	v12, _, _ =	vpop (xrf2);
	v39 =	vadd.bf16 v40, v23;
	v40 =	vadd.bf16 v62, v41  }
0x389: {  	s7 =	simm.s32 $0x2000;
	s11 =	smov.u32 s0;
	v13, _, _ =	vpop (xrf2);
	(xrf2) =	vadd.scan.msk.f32 $0xffff, v63;
	v41 =	vunpack.i.u.bf16.f32 v58;
	v23 =	vld [tilespmem:s10+$0x3D80];
	v42 =	vunpack.i.l.bf16.f32 v58;
	v38 =	vadd.bf16 v57, v59  }
.LBB2_5:
0x38a: {  	v43 =	vld [tilespmem:s10+$0x1580]  }
0x38b: {  	v51 =	vld [tilespmem:s10+$0x3E40]  }
0x38c: {  	v52 =	vld [tilespmem:s10+$0x1640]  }
0x38d: {  	v53 =	vld [tilespmem:s10+$0x1710]  }
0x38e: {  	v55 =	vld [tilespmem:s10+$0x3F00]  }
0x38f: {  	v56 =	vld [tilespmem:$0x1FCC0]  }
0x390: {  	v1 =	vld [tilespmem:$0x1FCD0]  }
0x391: {  	v17 =	vld [tilespmem:s10+$0x1700]  }
0x392: {  	v57 =	vld [tilespmem:$0x1FCE0]  }
0x393: {  	v58 =	vld [tilespmem:$0x1FC90]  }
0x394: {  	v59 =	vld [tilespmem:$0x1FCA0]  }
0x395: {  	v11 =	vld [tilespmem:s10+$0x17C0]  }
0x396: {  	v61 =	vld [tilespmem:$0x1FCB0]  }
0x397: {  	v44 =	vunpack.i.u.bf16.f32 v38;
	v62 =	vld [tilespmem:$0x1FC60];
	v45 =	vmul.bf16 v5, v6;
	v26 =	vmul.bf16 v26, v28  }
0x398: {  	v0 =	vadd.f32 v42, v41;
	v63 =	vld [tilespmem:$0x1FC70];
	v24 =	vmul.bf16 v24, v25;
	v31 =	vmul.bf16 v31, v33  }
0x399: {  	v8 =	vld [tilespmem:s10+$0x1880];
	v25 =	vadd.bf16 v40, v39;
	v27 =	vmul.bf16 v27, v29;
	v30 =	vmul.bf16 v30, v32  }
0x39a: {  	v28 =	vld [tilespmem:s10+$0x1650];
	v29 =	vunpack.i.l.bf16.f32 v38;
	v54 =	vmul.bf16 v36, v37;
	v23 =	vmul.bf16 v23, v43  }
0x39b: {  	v33 =	vld [tilespmem:$0x1FC80];
	v29 =	vadd.f32 v29, v44;
	v16 =	vmul.bf16 v56, v1;
	v9 =	vmul.bf16 v61, v53  }
0x39c: {  	v19, _, _ =	vpop (xrf2);
	(xrf2) =	vadd.scan.msk.f32 $0xffff, v0;
	v5 =	vld [tilespmem:s10+$0x1900];
	v24 =	vadd.bf16 v24, v26;
	v26 =	vunpack.i.u.bf16.f32 v25;
	v25 =	vunpack.i.l.bf16.f32 v25  }
0x39d: {  	v37 =	vld [tilespmem:$0x1FC50];
	v27 =	vadd.bf16 v27, v31;
	v31 =	vmul.bf16 v34, v35;
	v2 =	vadd.f32 v25, v26  }
0x39e: {  	v39 =	vld [tilespmem:$0x1FC10];
	v17 =	vmul.bf16 v55, v17;
	v23 =	vadd.bf16 v54, v23;
	v60 =	vadd.bf16 v45, v16  }
0x39f: {  	v20, _, _ =	vpop (xrf2);
	v10 =	vmul.bf16 v58, v59;
	v34 =	vld [tilespmem:$0x1FC30];
	(xrf2) =	vadd.scan.msk.f32 $0xffff, v29;
	v24 =	vadd.bf16 v24, v27;
	v27 =	vadd.bf16 v30, v31  }
0x3a0: {  	v9 =	vadd.bf16 v9, v17;
	v30 =	vmul.bf16 v51, v52;
	v31 =	vld [tilespmem:s10+$0x3FC0];
	v14 =	vmul.bf16 v57, v28  }
0x3a1: {  	v32 =	vadd.bf16 v22, v10;
	v28 =	vld [tilespmem:s10+$0x17D0];
	v23 =	vadd.bf16 v27, v23  }
0x3a2: {  	v35 =	vld [tilespmem:$0x1FC40];
	v26, _, _ =	vpop (xrf2);
	(xrf2) =	vadd.scan.msk.f32 $0xffff, v2;
	v29 =	vunpack.i.u.bf16.f32 v24;
	v24 =	vunpack.i.l.bf16.f32 v24;
	v14 =	vadd.bf16 v14, v30  }
0x3a3: {  	v27 =	vld [tilespmem:s10+$0x1890];
	v24 =	vadd.f32 v24, v29;
	v29 =	vunpack.i.u.bf16.f32 v23;
	v23 =	vunpack.i.l.bf16.f32 v23  }
0x3a4: {  	v30 =	vld [tilespmem:s10+$0x4080];
	v23 =	vadd.f32 v23, v29;
	v14 =	vadd.bf16 v60, v14  }
0x3a5: {  	v40 =	vld [tilespmem:$0x1FC20];
	v7 =	vmul.bf16 v62, v63;
	v9 =	vadd.bf16 v32, v9;
	v25, _, _ =	vpop (xrf2);
	(xrf2) =	vadd.scan.msk.f32 $0xffff, v24;
	v11 =	vmul.bf16 v31, v11  }
0x3a6: {  	v17 =	vld [tilespmem:s10+$0x1910];
	v16, _, _ =	vpop (xrf2);
	v6 =	vmul.bf16 v33, v28;
	v22 =	vunpack.i.u.bf16.f32 v14;
	v14 =	vunpack.i.l.bf16.f32 v14;
	(xrf2) =	vadd.scan.msk.f32 $0xffff, v23  }
0x3a7: {  	v7 =	vadd.bf16 v21, v7;
	v24 =	vld [tilespmem:s10+$0x4100];
	v14 =	vadd.f32 v14, v22  }
0x3a8: {  	v4 =	vmul.bf16 v34, v35;
	v38 =	vunpack.i.u.bf16.f32 v9;
	v6 =	vadd.bf16 v6, v11  }
0x3a9: {  	v9 =	vunpack.i.l.bf16.f32 v9;
	v3 =	vmul.bf16 v37, v27;
	v8 =	vmul.bf16 v30, v8;
	v36, _, _ =	vpop (xrf2);
	(xrf2) =	vadd.scan.msk.f32 $0xffff, v14  }
0x3aa: {  	v1 =	vmul.bf16 v39, v40;
	v9 =	vadd.f32 v9, v38;
	v6 =	vadd.bf16 v7, v6  }
0x3ab: {  	v42 =	vmul.bf16 v18, v17;
	v3 =	vadd.bf16 v3, v8;
	v8 =	vadd.bf16 v48, v4  }
0x3ac: {  	v5 =	vmul.bf16 v24, v5;
	v41, _, _ =	vpop (xrf2);
	(xrf2) =	vadd.scan.msk.f32 $0xffff, v9;
	v7 =	vunpack.i.u.bf16.f32 v6;
	v6 =	vunpack.i.l.bf16.f32 v6  }
0x3ad: {  	v3 =	vadd.bf16 v8, v3;
	v6 =	vadd.f32 v6, v7  }
0x3ae: {  	v0 =	vadd.bf16 v42, v5;
	v7 =	vadd.bf16 v47, v1  }
0x3af: {  	v5 =	vunpack.i.u.bf16.f32 v3;
	v3 =	vunpack.i.l.bf16.f32 v3;
	v4, _, _ =	vpop (xrf2);
	(xrf2) =	vadd.scan.msk.f32 $0xffff, v6  }
0x3b0: {  	v3 =	vadd.f32 v3, v5;
	v0 =	vadd.bf16 v7, v0;
	v43, _, _ =	vpop (xrf2)  }
0x3b1: {  	v6 =	vbroadcast v4, $0xF;
	v1 =	vbroadcast v43, $0xF  }
0x3b2: {  	v2 =	vbroadcast v41, $0xF;
	v5 =	vunpack.i.u.bf16.f32 v0;
	(xrf2) =	vadd.scan.msk.f32 $0xffff, v3  }
0x3b3: {  	v3 =	vbroadcast v36, $0xF;
	v0 =	vunpack.i.l.bf16.f32 v0;
	v1 =	vsel vm0, v6, v1;
	v4, _, _ =	vpop (xrf2)  }
0x3b4: {  	v0 =	vadd.f32 v0, v5;
	v1 =	vsel vm1, v1, v2;
	v44 =	vbroadcast v4, $0xF  }
0x3b5: {  	v1 =	vsel vm2, v1, v3;
	v3 =	vbroadcast v16, $0xF  }
0x3b6: {  	v45 =	vbroadcast v25, $0xF;
	v4, _, _ =	vpop (xrf2);
	(xrf2) =	vadd.scan.msk.f32 $0xffff, v0;
	v1 =	vsel vm3, v1, v44  }
0x3b7: {  	v47 =	vbroadcast v4, $0xF;
	v46 =	vsel vm4, v1, v3  }
0x3b8: {  	v48 =	vbroadcast v26, $0xF;
	v0 =	vsel vm5, v46, v45  }
0x3b9: {  	v49 =	vbroadcast v20, $0xF;
	v0 =	vsel vm6, v0, v47;
	v3, _, _ =	vpop (xrf2)  }
0x3ba: {  	v0 =	vsel vm7, v0, v48;
	v50 =	vbroadcast v3, $0xF  }
0x3bb: {  	v51 =	vbroadcast v19, $0xF;
	v0 =	vsel vm8, v0, v49  }
0x3bc: {  	v52 =	vbroadcast v13, $0xF;
	v3, _, _ =	vpop (xrf2);
	v0 =	vsel vm9, v0, v50  }
0x3bd: {  	v3 =	vbroadcast v3, $0xF;
	v0 =	vsel vm10, v0, v51  }
0x3be: {  	v53 =	vbroadcast v12, $0xF;
	v0 =	vsel vm11, v0, v52  }
0x3bf: {  	v0 =	vsel vm12, v0, v3  }
0x3c0: {  	v54, _, _ =	vpop (xrf2);
	v0 =	vsel vm13, v0, v53  }
0x3c1: {  	s11 =	sadd.s32 $0x10, s11;
	v0 =	vsel vm14, v0, v54  }
0x3c2: {  	s10 =	sshra.s32 s7, $0x2;
	[tilespmem:s11+$0x0] =	vst v0  }
0x3c3: {  	v23 =	vld [tilespmem:s10+$0x4130]  }
0x3c4: {  	v22 =	vld [tilespmem:s10+$0x1930]  }
0x3c5: {  	v0 =	vld [tilespmem:s10+$0x4120]  }
0x3c6: {  	v55 =	vld [tilespmem:s10+$0x1920]  }
0x3c7: {  	v56 =	vld [tilespmem:s10+$0x4110]  }
0x3c8: {  	v25 =	vld [tilespmem:s10+$0x40F0]  }
0x3c9: {  	v26 =	vld [tilespmem:s10+$0x18F0]  }
0x3ca: {  	v28 =	vld [tilespmem:s10+$0x40E0]  }
0x3cb: {  	v30 =	vld [tilespmem:s10+$0x18E0]  }
0x3cc: {  	v27 =	vld [tilespmem:s10+$0x40D0]  }
0x3cd: {  	v31 =	vld [tilespmem:s10+$0x40C0]  }
0x3ce: {  	v33 =	vld [tilespmem:s10+$0x18C0]  }
0x3cf: {  	v21 =	vld [tilespmem:s10+$0x40B0]  }
0x3d0: {  	v24 =	vld [tilespmem:s10+$0x18B0]  }
0x3d1: {  	v57 =	vld [tilespmem:s10+$0x40A0]  }
0x3d2: {  	v58 =	vld [tilespmem:s10+$0x18A0]  }
0x3d3: {  	v59 =	vld [tilespmem:s10+$0x4090]  }
0x3d4: {  	v32 =	vld [tilespmem:s10+$0x4070]  }
0x3d5: {  	v35 =	vld [tilespmem:s10+$0x1870]  }
0x3d6: {  	v40 =	vld [tilespmem:s10+$0x4060]  }
0x3d7: {  	v43 =	vld [tilespmem:s10+$0x1860]  }
0x3d8: {  	v36 =	vld [tilespmem:s10+$0x4050]  }
0x3d9: {  	v39 =	vld [tilespmem:s10+$0x1850]  }
0x3da: {  	v44 =	vld [tilespmem:s10+$0x4040]  }
0x3db: {  	v47 =	vld [tilespmem:s10+$0x1840]  }
0x3dc: {  	v34 =	vld [tilespmem:s10+$0x4030]  }
0x3dd: {  	v37 =	vld [tilespmem:s10+$0x1830]  }
0x3de: {  	v42 =	vld [tilespmem:s10+$0x4020]  }
0x3df: {  	v45 =	vld [tilespmem:s10+$0x1820]  }
0x3e0: {  	v38 =	vld [tilespmem:s10+$0x4010]  }
0x3e1: {  	v41 =	vld [tilespmem:s10+$0x1810]  }
0x3e2: {  	v46 =	vld [tilespmem:s10+$0x4000]  }
0x3e3: {  	v48 =	vld [tilespmem:s10+$0x1800]  }
0x3e4: {  	v60 =	vld [tilespmem:s10+$0x3FF0]  }
0x3e5: {  	v61 =	vld [tilespmem:s10+$0x17F0]  }
0x3e6: {  	v62 =	vld [tilespmem:s10+$0x3FE0]  }
0x3e7: {  	v63 =	vld [tilespmem:s10+$0x17E0]  }
0x3e8: {  	v9 =	vld [tilespmem:s10+$0x3FD0]  }
0x3e9: {  	v49 =	vld [tilespmem:s10+$0x3FB0]  }
0x3ea: {  	v50 =	vld [tilespmem:s10+$0x17B0]  }
0x3eb: {  	v51 =	vld [tilespmem:s10+$0x3FA0]  }
0x3ec: {  	v52 =	vld [tilespmem:s10+$0x17A0]  }
0x3ed: {  	v53 =	vld [tilespmem:s10+$0x3F90]  }
0x3ee: {  	v54 =	vld [tilespmem:s10+$0x1790]  }
0x3ef: {  	v29 =	vld [tilespmem:s10+$0x1740]  }
0x3f0: {  	v10 =	vld [tilespmem:s10+$0x3F30]  }
0x3f1: {  	v11 =	vld [tilespmem:s10+$0x1730]  }
0x3f2: {  	v1 =	vld [tilespmem:s10+$0x3EF0]  }
0x3f3: {  	v2 =	vld [tilespmem:s10+$0x16F0]  }
0x3f4: {  	v3 =	vld [tilespmem:s10+$0x3EE0]  }
0x3f5: {  	v4 =	vld [tilespmem:s10+$0x16E0]  }
0x3f6: {  	v5 =	vld [tilespmem:s10+$0x3ED0]  }
0x3f7: {  	v6 =	vld [tilespmem:s10+$0x16D0]  }
0x3f8: {  	v7 =	vld [tilespmem:s10+$0x3EC0]  }
0x3f9: {  	v8 =	vld [tilespmem:s10+$0x16C0]  }
0x3fa: {  	v14 =	vld [tilespmem:s10+$0x16A0]  }
0x3fb: {  	v12 =	vld [tilespmem:s10+$0x3E90]  }
0x3fc: {  	v13 =	vld [tilespmem:s10+$0x1690]  }
0x3fd: {  	v16 =	vld [tilespmem:s10+$0x3E80]  }
0x3fe: {  	v15 =	vld [tilespmem:s10+$0x1680]  }
0x3ff: {  	v17 =	vld [tilespmem:s10+$0x3E70]  }
0x400: {  	v19 =	vld [tilespmem:s10+$0x1630]  }
0x401: {  	v18 =	vld [tilespmem:s10+$0x3E20]  }
0x402: {  	v20 =	vld [tilespmem:s10+$0x1620]  }
0x403: {  	[tilespmem:$0x1FC10] =	vst v0;
	v0 =	vld [tilespmem:s10+$0x18D0]  }
0x404: {  	[tilespmem:$0x1FC20] =	vst v55;
	v55 =	vld [tilespmem:s10+$0x3F80]  }
0x405: {  	[tilespmem:$0x1FAA0] =	vst v56;
	v56 =	vld [tilespmem:s10+$0x1780]  }
0x406: {  	[tilespmem:$0x1FC30] =	vst v57;
	v57 =	vld [tilespmem:s10+$0x3F70]  }
0x407: {  	[tilespmem:$0x1FC40] =	vst v58;
	v58 =	vld [tilespmem:s10+$0x1770]  }
0x408: {  	[tilespmem:$0x1FC50] =	vst v59;
	v59 =	vld [tilespmem:s10+$0x3F60]  }
0x409: {  	[tilespmem:$0x1FA80] =	vst v60;
	v60 =	vld [tilespmem:s10+$0x1760]  }
0x40a: {  	[tilespmem:$0x1FA90] =	vst v61;
	v61 =	vld [tilespmem:s10+$0x3F50]  }
0x40b: {  	[tilespmem:$0x1FC60] =	vst v62;
	v62 =	vld [tilespmem:s10+$0x1750]  }
0x40c: {  	[tilespmem:$0x1FC70] =	vst v63;
	v63 =	vld [tilespmem:s10+$0x3F40]  }
0x40d: {  	[tilespmem:$0x1FC80] =	vst v9;
	v9 =	vld [tilespmem:s10+$0x3F20]  }
0x40e: {  	[tilespmem:$0x1FAB0] =	vst v10;
	v10 =	vld [tilespmem:s10+$0x1720]  }
0x40f: {  	[tilespmem:$0x1FAC0] =	vst v11;
	v11 =	vld [tilespmem:s10+$0x3F10]  }
0x410: {  	[tilespmem:$0x1FAE0] =	vst v17;
	v17 =	vld [tilespmem:s10+$0x1670];
	v28 =	vmul.bf16 v28, v30  }
0x411: {  	v25 =	vmul.bf16 v25, v26;
	v30 =	vmul.bf16 v36, v39;
	v36 =	vld [tilespmem:s10+$0x3E00]  }
0x412: {  	v26 =	vmul.bf16 v31, v33;
	v31 =	vmul.bf16 v34, v37;
	v37 =	vld [tilespmem:s10+$0x3DF0]  }
0x413: {  	v39 =	vld [tilespmem:s10+$0x3DE0]  }
0x414: {  	v3 =	vmul.bf16 v3, v4;
	v1 =	vmul.bf16 v1, v2;
	v33 =	vld [tilespmem:s10+$0x1540]  }
0x415: {  	v4 =	vmul.bf16 v7, v8;
	v5 =	vmul.bf16 v5, v6;
	v34 =	vld [tilespmem:s10+$0x3DA0]  }
0x416: {  	v25 =	vadd.bf16 v25, v28;
	v28 =	vmul.bf16 v32, v35;
	v35 =	vld [tilespmem:s10+$0x1610]  }
0x417: {  	v1 =	vadd.bf16 v1, v3;
	v4 =	vadd.bf16 v5, v4;
	v32 =	vld [tilespmem:s10+$0x15B0]  }
0x418: {  	v27 =	vmul.bf16 v27, v0;
	v0 =	vld [tilespmem:s10+$0x3E10]  }
0x419: {  	v1 =	vadd.bf16 v1, v4;
	v4 =	vld [tilespmem:$0x1FA80]  }
0x41a: {  	[tilespmem:$0x1FC90] =	vst v9;
	v9 =	vld [tilespmem:s10+$0x3EB0];
	v26 =	vadd.bf16 v27, v26  }
0x41b: {  	[tilespmem:$0x1FAD0] =	vst v17;
	v17 =	vld [tilespmem:s10+$0x3E60];
	v29 =	vmul.bf16 v63, v29;
	v27 =	vmul.bf16 v40, v43  }
0x41c: {  	[tilespmem:$0x1FCA0] =	vst v10;
	v10 =	vld [tilespmem:s10+$0x16B0];
	v25 =	vadd.bf16 v25, v26;
	v26 =	vmul.bf16 v44, v47;
	v47 =	vmul.bf16 v23, v22  }
0x41d: {  	[tilespmem:$0x1FCB0] =	vst v11;
	v11 =	vld [tilespmem:s10+$0x3EA0];
	v27 =	vadd.bf16 v28, v27;
	v23 =	vmul.bf16 v42, v45;
	v0 =	vmul.bf16 v0, v35  }
0x41e: {  	v63 =	vld [tilespmem:$0x1FAB0];
	v26 =	vadd.bf16 v30, v26;
	v30 =	vmul.bf16 v46, v48;
	v46 =	vmul.bf16 v38, v41  }
0x41f: {  	v22 =	vld [tilespmem:s10+$0x1600];
	v28 =	vunpack.i.u.bf16.f32 v25;
	v23 =	vadd.bf16 v31, v23;
	v48 =	vmul.bf16 v21, v24  }
0x420: {  	[tilespmem:$0x1FCC0] =	vst v17;
	v17 =	vld [tilespmem:s10+$0x1660];
	v21 =	vmul.bf16 v51, v52;
	v26 =	vadd.bf16 v27, v26;
	v27 =	vadd.bf16 v46, v30  }
0x421: {  	v35 =	vld [tilespmem:s10+$0x15A0];
	v25 =	vunpack.i.l.bf16.f32 v25;
	v31 =	vmul.bf16 v53, v54;
	v30 =	vmul.bf16 v55, v56  }
0x422: {  	v38 =	vld [tilespmem:s10+$0x15F0];
	v25 =	vadd.f32 v25, v28;
	v28 =	vmul.bf16 v57, v58;
	v23 =	vadd.bf16 v23, v27  }
0x423: {  	v52 =	vld [tilespmem:s10+$0x15E0];
	v27 =	vmul.bf16 v59, v60;
	v30 =	vadd.bf16 v31, v30;
	v31 =	vmul.bf16 v61, v62  }
0x424: {  	v57 =	vld [tilespmem:s10+$0x3DC0]  }
0x425: {  	v24 =	vmul.bf16 v49, v50;
	v58 =	vld [tilespmem:s10+$0x15C0];
	v29 =	vadd.bf16 v31, v29;
	v27 =	vadd.bf16 v28, v27  }
0x426: {  	[tilespmem:$0x1FCD0] =	vst v17;
	v17 =	vld [tilespmem:s10+$0x3E50]  }
0x427: {  	v55 =	vld [tilespmem:s10+$0x3DD0];
	v21 =	vadd.bf16 v24, v21;
	v60 =	vadd.bf16 v27, v29  }
0x428: {  	v7 =	vmul.bf16 v11, v14;
	v8 =	vmul.bf16 v9, v10;
	v56 =	vld [tilespmem:s10+$0x15D0];
	v24 =	vunpack.i.u.bf16.f32 v26  }
0x429: {  	(xrf2) =	vadd.scan.msk.f32 $0xffff, v25;
	v25 =	vld [tilespmem:s10+$0x1570];
	v21 =	vadd.bf16 v21, v30;
	v3 =	vunpack.i.u.bf16.f32 v60;
	v2 =	vunpack.i.l.bf16.f32 v60  }
0x42a: {  	v26 =	vunpack.i.l.bf16.f32 v26;
	v2 =	vadd.f32 v2, v3;
	v3 =	vadd.bf16 v8, v7;
	v7 =	vld [tilespmem:$0x1FA90]  }
0x42b: {  	v59 =	vadd.f32 v26, v24;
	v30 =	vunpack.i.u.bf16.f32 v23;
	v23 =	vunpack.i.l.bf16.f32 v23;
	[tilespmem:$0x1FCE0] =	vst v17;
	v17 =	vld [tilespmem:s10+$0x3E30]  }
0x42c: {  	v24 =	vld [tilespmem:s10+$0x3D70];
	v23 =	vadd.f32 v23, v30;
	v31 =	vunpack.i.u.bf16.f32 v21;
	v21 =	vunpack.i.l.bf16.f32 v21  }
0x42d: {  	v26 =	vld [tilespmem:s10+$0x3D60];
	(xrf2) =	vadd.scan.msk.f32 $0xffff, v59;
	v6 =	vadd.f32 v21, v31  }
0x42e: {  	v28 =	vld [tilespmem:s10+$0x1560];
	(xrf2) =	vadd.scan.msk.f32 $0xffff, v23  }
0x42f: {  	v30 =	vld [tilespmem:s10+$0x3DB0];
	(xrf2) =	vadd.scan.msk.f32 $0xffff, v6;
	v6 =	vmul.bf16 v36, v22;
	v21 =	vmul.bf16 v4, v7  }
0x430: {  	v27 =	vld [tilespmem:s10+$0x3D50];
	v4 =	vmul.bf16 v18, v20;
	v7 =	vmul.bf16 v17, v19  }
0x431: {  	v5 =	vmul.bf16 v16, v15;
	v61 =	vmul.bf16 v12, v13;
	v29 =	vld [tilespmem:s10+$0x1550]  }
0x432: {  	v31 =	vld [tilespmem:s10+$0x3D40];
	v0 =	vadd.bf16 v0, v6;
	v4 =	vadd.bf16 v7, v4  }
0x433: {  	v5 =	vadd.bf16 v61, v5;
	v62 =	vmul.bf16 v57, v58;
	v23 =	vld [tilespmem:s10+$0x3D80]  }
0x434: {  	p0 =	sne.s32 s7, $0x4000;
	v6 =	vmul.bf16 v55, v56;
	v7 =	vmul.bf16 v37, v38;
	v38 =	vadd.bf16 v4, v0;
	v4 =	vld [tilespmem:$0x1FAC0]  }
.Ltmp1:
0x435: {  	v8 =	vunpack.i.u.bf16.f32 v1;
	v1 =	vunpack.i.l.bf16.f32 v1;
	v36 =	vld [tilespmem:s10+$0x3D90];
	(pc) =	sbr.rel @p0 .LBB2_5-.Ltmp1, $4  }
0x436: {  	v3 =	vadd.bf16 v3, v5;
	v5 =	vmul.bf16 v39, v52;
	v39 =	vadd.bf16 v6, v62;
	v6 =	vld [tilespmem:$0x1FAD0]  }
0x437: {  	v1 =	vadd.f32 v1, v8;
	v18 =	vld [tilespmem:$0x1FAA0]  }
0x438: {  	v12, _, _ =	vpop (xrf2);
	(xrf2) =	vadd.scan.msk.f32 $0xffff, v2;
	v41 =	vunpack.i.u.bf16.f32 v3;
	v37 =	vld [tilespmem:s10+$0x1590]  }
0x439: {  	s7 =	sadd.s32 $0x1000, s7;
	v42 =	vunpack.i.l.bf16.f32 v3;
	v13, _, _ =	vpop (xrf2);
	(xrf2) =	vadd.scan.msk.f32 $0xffff, v1;
	v40 =	vadd.bf16 v7, v5;
	v5 =	vld [tilespmem:$0x1FAE0];
	v22 =	vmul.bf16 v63, v4  }
0x43a: {  	v0 =	vld [tilespmem:s10+$0x1580]  }
0x43b: {  	v7 =	vld [tilespmem:s10+$0x1650]  }
0x43c: {  	v11 =	vld [tilespmem:s10+$0x3E40]  }
0x43d: {  	v15 =	vld [tilespmem:s10+$0x1710]  }
0x43e: {  	v17 =	vld [tilespmem:s10+$0x3F00]  }
0x43f: {  	v3 =	vadd.f32 v42, v41;
	v41 =	vld [tilespmem:$0x1FCC0]  }
0x440: {  	v42 =	vld [tilespmem:$0x1FCD0]  }
0x441: {  	v43 =	vld [tilespmem:s10+$0x1700]  }
0x442: {  	v44 =	vld [tilespmem:$0x1FCE0]  }
0x443: {  	v45 =	vld [tilespmem:s10+$0x17D0]  }
0x444: {  	v49 =	vld [tilespmem:s10+$0x3FC0]  }
0x445: {  	v50 =	vld [tilespmem:$0x1FC90]  }
0x446: {  	v51 =	vld [tilespmem:$0x1FCA0]  }
0x447: {  	v1 =	vunpack.i.u.bf16.f32 v38;
	v4 =	vmul.bf16 v26, v28;
	v26 =	vmul.bf16 v24, v25;
	v52 =	vld [tilespmem:s10+$0x17C0]  }
0x448: {  	v8 =	vmul.bf16 v31, v33;
	v9 =	vmul.bf16 v27, v29;
	v10 =	vunpack.i.l.bf16.f32 v38;
	v54 =	vld [tilespmem:$0x1FCB0]  }
0x449: {  	v57 =	vld [tilespmem:s10+$0x4080];
	v28 =	vadd.bf16 v40, v39;
	v1 =	vadd.f32 v10, v1  }
0x44a: {  	v14 =	vmul.bf16 v30, v32;
	v61 =	vld [tilespmem:s10+$0x1880];
	v4 =	vadd.bf16 v26, v4;
	v8 =	vadd.bf16 v9, v8  }
0x44b: {  	v39 =	vld [tilespmem:s10+$0x1640];
	v40 =	vmul.bf16 v34, v35;
	v38 =	vunpack.i.u.bf16.f32 v28;
	v16 =	vmul.bf16 v36, v37  }
0x44c: {  	v55 =	vld [tilespmem:s10+$0x1890];
	v2 =	vmul.bf16 v5, v6;
	v6 =	vunpack.i.l.bf16.f32 v28;
	v4 =	vadd.bf16 v4, v8  }
0x44d: {  	v59 =	vld [tilespmem:$0x1FC60];
	v0 =	vmul.bf16 v23, v0;
	v5 =	vadd.f32 v6, v38;
	v6 =	vmul.bf16 v41, v42  }
0x44e: {  	v60 =	vld [tilespmem:$0x1FC70];
	v9 =	vadd.bf16 v14, v40;
	v7 =	vmul.bf16 v44, v7;
	v8 =	vmul.bf16 v17, v43  }
0x44f: {  	v29 =	vld [tilespmem:$0x1FC50];
	(xrf2) =	vadd.scan.msk.f32 $0xffff, v3;
	v3 =	vmul.bf16 v57, v61;
	v46 =	vunpack.i.u.bf16.f32 v4;
	v0 =	vadd.bf16 v16, v0  }
0x450: {  	v17 =	vld [tilespmem:$0x1FC80];
	v4 =	vunpack.i.l.bf16.f32 v4;
	v10 =	vmul.bf16 v11, v39;
	v11 =	vmul.bf16 v49, v52  }
0x451: {  	v25 =	vld [tilespmem:$0x1FC30];
	v2 =	vadd.bf16 v2, v6;
	v6 =	vmul.bf16 v54, v15;
	v0 =	vadd.bf16 v9, v0  }
0x452: {  	v26 =	vld [tilespmem:$0x1FC40];
	v4 =	vadd.f32 v4, v46;
	v53 =	vadd.bf16 v7, v10;
	v9 =	vmul.bf16 v50, v51  }
0x453: {  	(xrf2) =	vadd.scan.msk.f32 $0xffff, v1;
	v62 =	vadd.bf16 v6, v8;
	v56 =	vunpack.i.u.bf16.f32 v0;
	v0 =	vunpack.i.l.bf16.f32 v0  }
0x454: {  	v19 =	vld [tilespmem:s10+$0x1910];
	(xrf2) =	vadd.scan.msk.f32 $0xffff, v5;
	v7 =	vmul.bf16 v29, v55;
	v58 =	vadd.bf16 v2, v53;
	v0 =	vadd.f32 v0, v56  }
0x455: {  	v27 =	vld [tilespmem:s10+$0x1900];
	(xrf2) =	vadd.scan.msk.f32 $0xffff, v4;
	v2 =	vmul.bf16 v59, v60;
	v6 =	vmul.bf16 v17, v45;
	v63 =	vadd.bf16 v22, v9  }
0x456: {  	v33 =	vld [tilespmem:$0x1FC10];
	v3 =	vadd.bf16 v7, v3;
	v20 =	vunpack.i.u.bf16.f32 v58;
	v1 =	vunpack.i.l.bf16.f32 v58;
	(xrf2) =	vadd.scan.msk.f32 $0xffff, v0  }
0x457: {  	v34 =	vld [tilespmem:$0x1FC20];
	v4 =	vmul.bf16 v25, v26;
	v23 =	vadd.f32 v1, v20;
	v24 =	vadd.bf16 v63, v62  }
0x458: {  	v28, _, _ =	vpop (xrf2);
	v22 =	vld [tilespmem:s10+$0x4100];
	v6 =	vadd.bf16 v6, v11;
	v2 =	vadd.bf16 v21, v2  }
0x459: {  	v30, _, _ =	vpop (xrf2);
	v4 =	vadd.bf16 v48, v4;
	v31 =	vunpack.i.u.bf16.f32 v24;
	v1 =	vunpack.i.l.bf16.f32 v24;
	(xrf2) =	vadd.scan.msk.f32 $0xffff, v23  }
0x45a: {  	v32, _, _ =	vpop (xrf2);
	v2 =	vadd.bf16 v2, v6;
	v1 =	vadd.f32 v1, v31  }
0x45b: {  	v36 =	vmul.bf16 v18, v19;
	v35, _, _ =	vpop (xrf2)  }
0x45c: {  	v37, _, _ =	vpop (xrf2);
	v3 =	vadd.bf16 v4, v3;
	v38 =	vunpack.i.u.bf16.f32 v2;
	v2 =	vunpack.i.l.bf16.f32 v2;
	(xrf2) =	vadd.scan.msk.f32 $0xffff, v1  }
0x45d: {  	v39, _, _ =	vpop (xrf2);
	v6 =	vmul.bf16 v33, v34;
	v5 =	vmul.bf16 v22, v27;
	v2 =	vadd.f32 v2, v38  }
0x45e: {  	v42 =	vunpack.i.u.bf16.f32 v3;
	v40, _, _ =	vpop (xrf2)  }
0x45f: {  	v3 =	vunpack.i.l.bf16.f32 v3;
	v6 =	vadd.bf16 v47, v6;
	v5 =	vadd.bf16 v36, v5;
	v41, _, _ =	vpop (xrf2);
	(xrf2) =	vadd.scan.msk.f32 $0xffff, v2  }
0x460: {  	v43 =	vadd.f32 v3, v42;
	v45, _, _ =	vpop (xrf2)  }
0x461: {  	v44 =	vadd.bf16 v6, v5;
	v46 =	vbroadcast v41, $0xF;
	v5 =	vbroadcast v45, $0xF  }
0x462: {  	v4 =	vbroadcast v40, $0xF;
	v1 =	vbroadcast v39, $0xF;
	(xrf2) =	vadd.scan.msk.f32 $0xffff, v43  }
0x463: {  	v47 =	vunpack.i.u.bf16.f32 v44;
	v3 =	vunpack.i.l.bf16.f32 v44;
	v49, _, _ =	vpop (xrf2);
	v48 =	vsel vm0, v46, v5  }
0x464: {  	v3 =	vadd.f32 v3, v47;
	v50 =	vbroadcast v49, $0xF;
	v2 =	vsel vm1, v48, v4  }
0x465: {  	v51 =	vbroadcast v37, $0xF;
	v1 =	vsel vm2, v2, v1  }
0x466: {  	v52 =	vbroadcast v35, $0xF;
	(xrf2) =	vadd.scan.msk.f32 $0xffff, v3;
	v53, _, _ =	vpop (xrf2);
	v1 =	vsel vm3, v1, v50  }
0x467: {  	v54 =	vbroadcast v53, $0xF;
	v1 =	vsel vm4, v1, v51  }
0x468: {  	v0 =	vbroadcast v32, $0xF;
	v1 =	vsel vm5, v1, v52  }
0x469: {  	v55 =	vbroadcast v30, $0xF;
	v56, _, _ =	vpop (xrf2);
	v1 =	vsel vm6, v1, v54  }
0x46a: {  	v57 =	vbroadcast v56, $0xF;
	v0 =	vsel vm7, v1, v0  }
0x46b: {  	v58 =	vbroadcast v28, $0xF;
	v0 =	vsel vm8, v0, v55  }
0x46c: {  	s9 =	sadd.s32 $0x1, s9;
	v59 =	vbroadcast v13, $0xF;
	v60, _, _ =	vpop (xrf2);
	v0 =	vsel vm9, v0, v57  }
0x46d: {  	p0 =	sne.s32 s9, $0x3E;
	v61 =	vbroadcast v60, $0xF;
	v0 =	vsel vm10, v0, v58  }
.Ltmp2:
0x46e: {  	v62 =	vbroadcast v12, $0xF;
	v0 =	vsel vm11, v0, v59;
	(pc) =	sbr.rel @p0 .LBB2_2-.Ltmp2, $4  }
0x46f: {  	v0 =	vsel vm12, v0, v61  }
0x470: {  	v63, _, _ =	vpop (xrf2);
	v0 =	vsel vm13, v0, v62  }
0x471: {  	s7 =	sadd.s32 $0x10, s11;
	v0 =	vsel vm14, v0, v63  }
0x472: {  	s12 =	sadd.s32 $0xA0, s12;
	s0 =	sadd.s32 $0xA0, s0;
	[tilespmem:s7+$0x0] =	vst v0  }
0x473: {  	_ =	swait.ge [sflag:s30], $0x1400  }
0x474: {  	[sflag:s30] =	ssyncset.done $0x0  }
0x475: {  	[sflag:s30] =	ssyncadd.s32 $0xFFFFEC00  }
0x476: {  	_ =	swait.ge [sflag:s30], $0x1400  }
0x477: {  	[sflag:s30] =	ssyncset.done $0x0  }
0x478: {  	s0 =	simm.s32 $0x3F0;
	[sflag:s30] =	ssyncadd.s32 $0xFFFFEC00  }
0x479: {  	v16 =	vld [tilespmem:s0+$0x2940]  }
0x47a: {  	v15 =	vld [tilespmem:s0+$0x140]  }
0x47b: {  	v0 =	vld [tilespmem:s0+$0x2930]  }
0x47c: {  	v57 =	vld [tilespmem:s0+$0x130]  }
0x47d: {  	v58 =	vld [tilespmem:s0+$0x2920]  }
0x47e: {  	v21 =	vld [tilespmem:s0+$0x2900]  }
0x47f: {  	v22 =	vld [tilespmem:s0+$0x100]  }
0x480: {  	v23 =	vld [tilespmem:s0+$0x28F0]  }
0x481: {  	v24 =	vld [tilespmem:s0+$0xF0]  }
0x482: {  	v25 =	vld [tilespmem:s0+$0x28E0]  }
0x483: {  	v26 =	vld [tilespmem:s0+$0xE0]  }
0x484: {  	v27 =	vld [tilespmem:s0+$0x28D0]  }
0x485: {  	v28 =	vld [tilespmem:s0+$0xD0]  }
0x486: {  	v29 =	vld [tilespmem:s0+$0x28C0]  }
0x487: {  	v30 =	vld [tilespmem:s0+$0xC0]  }
0x488: {  	v59 =	vld [tilespmem:s0+$0x28B0]  }
0x489: {  	v60 =	vld [tilespmem:s0+$0xB0]  }
0x48a: {  	v61 =	vld [tilespmem:s0+$0x28A0]  }
0x48b: {  	v31 =	vld [tilespmem:s0+$0x2880]  }
0x48c: {  	v32 =	vld [tilespmem:s0+$0x80]  }
0x48d: {  	v33 =	vld [tilespmem:s0+$0x2870]  }
0x48e: {  	v34 =	vld [tilespmem:s0+$0x70]  }
0x48f: {  	v35 =	vld [tilespmem:s0+$0x2860]  }
0x490: {  	v36 =	vld [tilespmem:s0+$0x60]  }
0x491: {  	v37 =	vld [tilespmem:s0+$0x2850]  }
0x492: {  	v38 =	vld [tilespmem:s0+$0x50]  }
0x493: {  	v39 =	vld [tilespmem:s0+$0x2840]  }
0x494: {  	v40 =	vld [tilespmem:s0+$0x40]  }
0x495: {  	v41 =	vld [tilespmem:s0+$0x2830]  }
0x496: {  	v42 =	vld [tilespmem:s0+$0x30]  }
0x497: {  	v43 =	vld [tilespmem:s0+$0x2820]  }
0x498: {  	v44 =	vld [tilespmem:s0+$0x20]  }
0x499: {  	v45 =	vld [tilespmem:s0+$0x2810]  }
0x49a: {  	v46 =	vld [tilespmem:s0+$0x10]  }
0x49b: {  	v62 =	vld [tilespmem:s0+$0x2800]  }
0x49c: {  	v20 =	vld [tilespmem:s0+$0x0]  }
0x49d: {  	v63 =	vld [tilespmem:s0+$0x27F0]  }
0x49e: {  	v9 =	vld [tilespmem:s0+$0xFFFFFFF0]  }
0x49f: {  	v10 =	vld [tilespmem:s0+$0x27E0]  }
0x4a0: {  	v47 =	vld [tilespmem:s0+$0x27C0]  }
0x4a1: {  	v48 =	vld [tilespmem:s0+$0xFFFFFFC0]  }
0x4a2: {  	v49 =	vld [tilespmem:s0+$0x27B0]  }
0x4a3: {  	v50 =	vld [tilespmem:s0+$0xFFFFFFB0]  }
0x4a4: {  	v51 =	vld [tilespmem:s0+$0x27A0]  }
0x4a5: {  	v52 =	vld [tilespmem:s0+$0xFFFFFFA0]  }
0x4a6: {  	v53 =	vld [tilespmem:s0+$0x2790]  }
0x4a7: {  	v54 =	vld [tilespmem:s0+$0xFFFFFF90]  }
0x4a8: {  	v55 =	vld [tilespmem:s0+$0x2780]  }
0x4a9: {  	v56 =	vld [tilespmem:s0+$0xFFFFFF80]  }
0x4aa: {  	v11 =	vld [tilespmem:s0+$0x2740]  }
0x4ab: {  	v4 =	vld [tilespmem:s0+$0xFFFFFF00]  }
0x4ac: {  	v1 =	vld [tilespmem:s0+$0x26F0]  }
0x4ad: {  	v6 =	vld [tilespmem:s0+$0x26E0]  }
0x4ae: {  	v5 =	vld [tilespmem:s0+$0xFFFFFEE0]  }
0x4af: {  	v3 =	vld [tilespmem:s0+$0x26D0]  }
0x4b0: {  	v2 =	vld [tilespmem:s0+$0xFFFFFED0]  }
0x4b1: {  	v14 =	vld [tilespmem:s0+$0x26C0]  }
0x4b2: {  	v7 =	vld [tilespmem:s0+$0xFFFFFEB0]  }
0x4b3: {  	v13 =	vld [tilespmem:s0+$0x26A0]  }
0x4b4: {  	v12 =	vld [tilespmem:s0+$0xFFFFFEA0]  }
0x4b5: {  	v8 =	vld [tilespmem:s0+$0xFFFFFE90]  }
0x4b6: {  	v18 =	vld [tilespmem:s0+$0x2680]  }
0x4b7: {  	v17 =	vld [tilespmem:s0+$0xFFFFFE80]  }
0x4b8: {  	v19 =	vld [tilespmem:s0+$0x2670]  }
0x4b9: {  	[tilespmem:$0x1F930] =	vst v57;
	v57 =	vld [tilespmem:s0+$0x2770]  }
0x4ba: {  	[tilespmem:$0x1F940] =	vst v58;
	v58 =	vld [tilespmem:s0+$0xFFFFFF70]  }
0x4bb: {  	[tilespmem:$0x1F8F0] =	vst v59;
	v59 =	vld [tilespmem:s0+$0x2760]  }
0x4bc: {  	[tilespmem:$0x1F900] =	vst v60;
	v60 =	vld [tilespmem:s0+$0xFFFFFF60]  }
0x4bd: {  	[tilespmem:$0x1F910] =	vst v61;
	v61 =	vld [tilespmem:s0+$0x2750]  }
0x4be: {  	[tilespmem:$0x1F830] =	vst v62;
	v62 =	vld [tilespmem:s0+$0xFFFFFF50]  }
0x4bf: {  	[tilespmem:$0x1F8C0] =	vst v63;
	v63 =	vld [tilespmem:s0+$0xFFFFFF40]  }
0x4c0: {  	[tilespmem:$0x1F8D0] =	vst v9;
	v9 =	vld [tilespmem:s0+$0x2730]  }
0x4c1: {  	[tilespmem:$0x1F8E0] =	vst v10;
	v10 =	vld [tilespmem:s0+$0xFFFFFF30]  }
0x4c2: {  	[tilespmem:$0x1F840] =	vst v11;
	v11 =	vld [tilespmem:s0+$0x2720]  }
0x4c3: {  	[tilespmem:$0x1F920] =	vst v0;
	v0 =	vld [tilespmem:s0+$0xFFFFFEF0]  }
0x4c4: {  	[tilespmem:$0x1F860] =	vst v19;
	v19 =	vld [tilespmem:s0+$0xFFFFFE70]  }
0x4c5: {  	v21 =	vmul.bf16 v21, v22;
	v22 =	vld [tilespmem:s0+$0x2640]  }
0x4c6: {  	v25 =	vmul.bf16 v25, v26;
	v26 =	vld [tilespmem:s0+$0xFFFFFE40]  }
0x4c7: {  	v23 =	vmul.bf16 v23, v24;
	v24 =	vmul.bf16 v27, v28;
	v27 =	vld [tilespmem:s0+$0x2630]  }
0x4c8: {  	v28 =	vmul.bf16 v31, v32;
	v31 =	vld [tilespmem:s0+$0x2620]  }
0x4c9: {  	v32 =	vmul.bf16 v37, v38;
	v38 =	vld [tilespmem:s0+$0x25F0]  }
0x4ca: {  	v37 =	vld [tilespmem:s0+$0xFFFFFDF0]  }
0x4cb: {  	v53 =	vmul.bf16 v53, v54;
	v54 =	vmul.bf16 v51, v52;
	v51 =	vld [tilespmem:s0+$0xFFFFFDD0]  }
0x4cc: {  	v2 =	vmul.bf16 v3, v2;
	v3 =	vmul.bf16 v6, v5;
	v6 =	vld [tilespmem:s0+$0x2560]  }
0x4cd: {  	v17 =	vmul.bf16 v18, v17;
	v18 =	vld [tilespmem:s0+$0xFFFFFE60]  }
0x4ce: {  	v21 =	vadd.bf16 v21, v23;
	v23 =	vld [tilespmem:s0+$0xFFFFFE30]  }
0x4cf: {  	v24 =	vadd.bf16 v25, v24;
	v25 =	vmul.bf16 v33, v34;
	v34 =	vld [tilespmem:s0+$0xFFFFFE20]  }
0x4d0: {  	v33 =	vmul.bf16 v35, v36;
	v36 =	vld [tilespmem:s0+$0x2610]  }
0x4d1: {  	v35 =	vld [tilespmem:s0+$0xFFFFFE00]  }
0x4d2: {  	v2 =	vadd.bf16 v3, v2;
	v3 =	vld [tilespmem:s0+$0x2550]  }
0x4d3: {  	v24 =	vadd.bf16 v21, v24;
	v21 =	vmul.bf16 v16, v15;
	v16 =	vadd.bf16 v33, v32;
	v33 =	vld [tilespmem:s0+$0xFFFFFE10]  }
0x4d4: {  	v15 =	vmul.bf16 v29, v30;
	v29 =	vld [tilespmem:s0+$0x2600]  }
0x4d5: {  	v25 =	vadd.bf16 v28, v25;
	v28 =	vmul.bf16 v41, v42;
	v42 =	vmul.bf16 v39, v40;
	v40 =	vld [tilespmem:s0+$0xFFFFFDE0]  }
0x4d6: {  	v45 =	vmul.bf16 v45, v46;
	v46 =	vmul.bf16 v43, v44;
	v39 =	vadd.bf16 v54, v53;
	v53 =	vld [tilespmem:s0+$0x2580]  }
0x4d7: {  	v30 =	vmul.bf16 v47, v48;
	v54 =	vld [tilespmem:s0+$0xFFFFFD80]  }
0x4d8: {  	v32 =	vadd.bf16 v46, v45;
	[tilespmem:$0x1F850] =	vst v63;
	v63 =	vld [tilespmem:s0+$0x2700];
	v62 =	vmul.bf16 v61, v62;
	v0 =	vmul.bf16 v1, v0  }
0x4d9: {  	[tilespmem:$0x1F8B0] =	vst v11;
	v11 =	vld [tilespmem:s0+$0xFFFFFEC0];
	v28 =	vadd.bf16 v42, v28;
	v16 =	vadd.bf16 v25, v16;
	v25 =	vmul.bf16 v49, v50  }
0x4da: {  	[tilespmem:$0x1F8A0] =	vst v10;
	v10 =	vld [tilespmem:s0+$0x26B0];
	v50 =	vunpack.i.u.bf16.f32 v24;
	v24 =	vunpack.i.l.bf16.f32 v24;
	v49 =	vmul.bf16 v59, v60  }
0x4db: {  	[tilespmem:$0x1F890] =	vst v9;
	v9 =	vld [tilespmem:s0+$0x2690];
	v59 =	vmul.bf16 v13, v12;
	v13 =	vmul.bf16 v22, v26;
	v24 =	vadd.f32 v24, v50  }
0x4dc: {  	[tilespmem:$0x1F870] =	vst v19;
	v19 =	vld [tilespmem:s0+$0x2660];
	v12 =	vmul.bf16 v27, v23;
	v25 =	vadd.bf16 v30, v25;
	v28 =	vadd.bf16 v28, v32  }
0x4dd: {  	v61 =	vld [tilespmem:$0x1F830];
	v30 =	vmul.bf16 v57, v58;
	v48 =	vunpack.i.u.bf16.f32 v16;
	v16 =	vunpack.i.l.bf16.f32 v16  }
0x4de: {  	v60 =	vld [tilespmem:s0+$0xFFFFFD50];
	v58 =	vmul.bf16 v55, v56;
	v42 =	vadd.bf16 v49, v62;
	v16 =	vadd.f32 v16, v48  }
0x4df: {  	v32 =	vld [tilespmem:s0+$0x25E0];
	v12 =	vadd.bf16 v13, v12;
	v13 =	vmul.bf16 v38, v37;
	v23 =	vmul.bf16 v29, v35  }
0x4e0: {  	v56 =	vld [tilespmem:s0+$0x2570];
	v25 =	vadd.bf16 v25, v39;
	v4 =	vmul.bf16 v63, v4;
	v7 =	vmul.bf16 v10, v7  }
0x4e1: {  	v57 =	vld [tilespmem:s0+$0xFFFFFD70];
	v30 =	vadd.bf16 v58, v30;
	v58 =	vmul.bf16 v14, v11;
	v8 =	vmul.bf16 v9, v8  }
0x4e2: {  	v50 =	vld [tilespmem:s0+$0x25D0];
	[tilespmem:$0x1F880] =	vst v19;
	v52 =	vunpack.i.u.bf16.f32 v28;
	v14 =	vmul.bf16 v36, v33;
	v19 =	vmul.bf16 v31, v34  }
0x4e3: {  	v27 =	vld [tilespmem:$0x1F840];
	v13 =	vadd.bf16 v23, v13;
	v3 =	vmul.bf16 v3, v60;
	v30 =	vadd.bf16 v30, v42  }
0x4e4: {  	v29 =	vld [tilespmem:$0x1F850];
	v55 =	vunpack.i.u.bf16.f32 v25;
	v0 =	vadd.bf16 v4, v0;
	v7 =	vadd.bf16 v58, v7  }
0x4e5: {  	v22 =	vld [tilespmem:s0+$0x25B0];
	v25 =	vunpack.i.l.bf16.f32 v25;
	v8 =	vadd.bf16 v59, v8;
	v14 =	vadd.bf16 v19, v14  }
0x4e6: {  	v62 =	vld [tilespmem:s0+$0x25C0];
	v5 =	vadd.f32 v25, v55;
	v26 =	vmul.bf16 v32, v40;
	v1 =	vmul.bf16 v56, v57  }
0x4e7: {  	v4 =	vunpack.i.u.bf16.f32 v30;
	v25 =	vunpack.i.l.bf16.f32 v30;
	v30 =	vld [tilespmem:s0+$0xFFFFFD60];
	v0 =	vadd.bf16 v0, v2  }
0x4e8: {  	v63 =	vld [tilespmem:s0+$0xFFFFFDC0];
	v7 =	vadd.bf16 v7, v8;
	v4 =	vadd.f32 v25, v4;
	v25 =	vmul.bf16 v50, v51  }
0x4e9: {  	v23 =	vld [tilespmem:s0+$0xFFFFFD90];
	v2 =	vmul.bf16 v61, v20;
	v12 =	vadd.bf16 v12, v14;
	v27 =	vmul.bf16 v27, v29  }
0x4ea: {  	v8 =	vld [tilespmem:s0+$0xFFFFFDB0];
	v14 =	vunpack.i.u.bf16.f32 v7;
	v7 =	vunpack.i.l.bf16.f32 v7;
	v25 =	vadd.bf16 v26, v25  }
0x4eb: {  	v19 =	vld [tilespmem:s0+$0x25A0];
	v20 =	vunpack.i.u.bf16.f32 v0;
	v0 =	vunpack.i.l.bf16.f32 v0;
	v7 =	vadd.f32 v7, v14  }
0x4ec: {  	v29 =	vld [tilespmem:s0+$0x2590];
	v14 =	vmul.bf16 v53, v54;
	v13 =	vadd.bf16 v13, v25;
	v6 =	vmul.bf16 v6, v30  }
0x4ed: {  	v32 =	vunpack.i.l.bf16.f32 v12;
	v0 =	vadd.f32 v0, v20;
	v20 =	vld [tilespmem:s0+$0xFFFFFDA0];
	v26 =	vunpack.i.u.bf16.f32 v12  }
0x4ee: {  	v12 =	vld [tilespmem:s0+$0x2650];
	v1 =	vadd.bf16 v14, v1;
	v14 =	vunpack.i.u.bf16.f32 v13;
	v3 =	vadd.bf16 v6, v3  }
0x4ef: {  	v25 =	vld [tilespmem:s0+$0xFFFFFE50];
	v6 =	vmul.bf16 v22, v8;
	v8 =	vmul.bf16 v62, v63;
	v13 =	vunpack.i.l.bf16.f32 v13  }
0x4f0: {  	v28 =	vunpack.i.l.bf16.f32 v28;
	v1 =	vadd.bf16 v1, v3;
	v3 =	vadd.f32 v13, v14;
	v13 =	vld [tilespmem:$0x1F860]  }
0x4f1: {  	(xrf2) =	vadd.scan.msk.f32 $0xffff, v24;
	v28 =	vadd.f32 v28, v52;
	v6 =	vadd.bf16 v8, v6;
	v8 =	vld [tilespmem:$0x1F880]  }
0x4f2: {  	(xrf2) =	vadd.scan.msk.f32 $0xffff, v16;
	v14 =	vld [tilespmem:$0x1F870]  }
0x4f3: {  	v35 =	vld [tilespmem:s0+$0xFFFFFFE0];
	(xrf2) =	vadd.scan.msk.f32 $0xffff, v28;
	v34 =	vmul.bf16 v29, v23;
	v16 =	vmul.bf16 v19, v20  }
0x4f4: {  	v33 =	vld [tilespmem:s0+$0xFFFFFF20];
	(xrf2) =	vadd.scan.msk.f32 $0xffff, v5  }
0x4f5: {  	(xrf2) =	vadd.scan.msk.f32 $0xffff, v4;
	v19 =	vld [tilespmem:s0+$0x2710];
	v5 =	vadd.bf16 v16, v34;
	v4 =	vunpack.i.u.bf16.f32 v1;
	v1 =	vunpack.i.l.bf16.f32 v1  }
0x4f6: {  	v12 =	vmul.bf16 v12, v25;
	v36 =	vadd.f32 v1, v4;
	v4 =	vld [tilespmem:$0x1F890];
	v8 =	vmul.bf16 v8, v18  }
0x4f7: {  	v11 =	vadd.f32 v32, v26;
	v13 =	vmul.bf16 v13, v14;
	v14 =	vld [tilespmem:s0+$0xFFFFFF10]  }
0x4f8: {  	(xrf2) =	vadd.scan.msk.f32 $0xffff, v0;
	v37 =	vadd.bf16 v6, v5;
	v6 =	vadd.bf16 v8, v12;
	v8 =	vld [tilespmem:$0x1F8B0]  }
0x4f9: {  	(xrf2) =	vadd.scan.msk.f32 $0xffff, v7;
	v5 =	vld [tilespmem:$0x1F8A0];
	v7 =	vadd.bf16 v17, v13  }
0x4fa: {  	v38 =	vld [tilespmem:s0+$0xA0];
	(xrf2) =	vadd.scan.msk.f32 $0xffff, v11  }
0x4fb: {  	(xrf2) =	vadd.scan.msk.f32 $0xffff, v3;
	v3 =	vadd.bf16 v7, v6;
	v6 =	vld [tilespmem:$0x1F8C0]  }
0x4fc: {  	v7 =	vld [tilespmem:$0x1F8D0]  }
0x4fd: {  	v16 =	vld [tilespmem:s0+$0x27D0];
	v12 =	vmul.bf16 v19, v14;
	v8 =	vmul.bf16 v8, v33  }
0x4fe: {  	v4 =	vmul.bf16 v4, v5;
	v5 =	vld [tilespmem:s0+$0xFFFFFFD0]  }
0x4ff: {  	v40 =	vadd.bf16 v8, v12;
	v8 =	vld [tilespmem:$0x1F8E0]  }
0x500: {  	v13 =	vld [tilespmem:s0+$0x2890]  }
0x501: {  	v6 =	vmul.bf16 v6, v7;
	v7 =	vld [tilespmem:s0+$0x90];
	v12 =	vunpack.i.u.bf16.f32 v3;
	v3 =	vunpack.i.l.bf16.f32 v3  }
0x502: {  	v4 =	vadd.bf16 v27, v4;
	v3 =	vadd.f32 v3, v12;
	v12 =	vld [tilespmem:$0x1F900]  }
0x503: {  	v2 =	vadd.bf16 v2, v6;
	v6 =	vld [tilespmem:$0x1F910]  }
0x504: {  	v5 =	vmul.bf16 v16, v5;
	v0 =	vadd.bf16 v4, v40;
	v4 =	vld [tilespmem:$0x1F8F0];
	v8 =	vmul.bf16 v8, v35  }
0x505: {  	v41 =	vld [tilespmem:s0+$0x120]  }
0x506: {  	v45 =	vld [tilespmem:$0x1F930];
	v39 =	vunpack.i.u.bf16.f32 v37;
	v1 =	vunpack.i.l.bf16.f32 v37;
	v5 =	vadd.bf16 v8, v5  }
0x507: {  	v1 =	vadd.f32 v1, v39;
	v14 =	vld [tilespmem:s0+$0x2910]  }
0x508: {  	(xrf2) =	vadd.scan.msk.f32 $0xffff, v36;
	v7 =	vmul.bf16 v13, v7;
	v6 =	vmul.bf16 v6, v38;
	v2 =	vadd.bf16 v2, v5;
	v5 =	vld [tilespmem:$0x1F920]  }
0x509: {  	v42, _, _ =	vpop (xrf2);
	(xrf2) =	vadd.scan.msk.f32 $0xffff, v1;
	v4 =	vmul.bf16 v4, v12;
	v12 =	vld [tilespmem:s0+$0x110]  }
0x50a: {  	v43, _, _ =	vpop (xrf2);
	v6 =	vadd.bf16 v6, v7;
	v7 =	vld [tilespmem:$0x1F940]  }
0x50b: {  	v16, _, _ =	vpop (xrf2)  }
0x50c: {  	v8, _, _ =	vpop (xrf2)  }
0x50d: {  	(xrf2) =	vadd.scan.msk.f32 $0xffff, v3;
	v44 =	vunpack.i.u.bf16.f32 v0;
	v3, _, _ =	vpop (xrf2);
	v5 =	vmul.bf16 v5, v45  }
0x50e: {  	v0 =	vunpack.i.l.bf16.f32 v0;
	v4 =	vadd.bf16 v15, v4;
	v46, _, _ =	vpop (xrf2);
	v12 =	vmul.bf16 v14, v12  }
0x50f: {  	v0 =	vadd.f32 v0, v44;
	v47, _, _ =	vpop (xrf2);
	v7 =	vmul.bf16 v7, v41;
	v5 =	vadd.bf16 v21, v5  }
0x510: {  	v4 =	vadd.bf16 v4, v6;
	v48, _, _ =	vpop (xrf2)  }
0x511: {  	(xrf2) =	vadd.scan.msk.f32 $0xffff, v0;
	v13 =	vunpack.i.u.bf16.f32 v2;
	v2 =	vunpack.i.l.bf16.f32 v2;
	v6, _, _ =	vpop (xrf2);
	v7 =	vadd.bf16 v7, v12  }
0x512: {  	v2 =	vadd.f32 v2, v13;
	v13 =	vunpack.i.u.bf16.f32 v4;
	v4 =	vunpack.i.l.bf16.f32 v4;
	v12, _, _ =	vpop (xrf2)  }
0x513: {  	v49 =	vadd.f32 v4, v13;
	v4 =	vadd.bf16 v5, v7;
	v5, _, _ =	vpop (xrf2)  }
0x514: {  	(xrf2) =	vadd.scan.msk.f32 $0xffff, v2;
	v5 =	vbroadcast v5, $0xF;
	_ =	sdelay $0x1  }
0x515: {  	v7 =	vbroadcast v12, $0xF  }
0x516: {  	v6 =	vbroadcast v6, $0xF  }
0x517: {  	v0 =	vbroadcast v48, $0xF;
	v12 =	vunpack.i.u.bf16.f32 v4;
	v50 =	vsel vm0, v7, v5;
	v5, _, _ =	vpop (xrf2)  }
0x518: {  	(xrf2) =	vadd.scan.msk.f32 $0xffff, v49;
	v4 =	vunpack.i.l.bf16.f32 v4;
	v2 =	vsel vm1, v50, v6;
	v5 =	vbroadcast v5, $0xF  }
0x519: {  	v51 =	vbroadcast v47, $0xF;
	v4 =	vadd.f32 v4, v12;
	v0 =	vsel vm2, v2, v0  }
0x51a: {  	v6, _, _ =	vpop (xrf2);
	v0 =	vsel vm3, v0, v5;
	v5 =	vbroadcast v46, $0xF  }
0x51b: {  	v52 =	vbroadcast v6, $0xF;
	v0 =	vsel vm4, v0, v51  }
0x51c: {  	v3 =	vbroadcast v3, $0xF;
	(xrf2) =	vadd.scan.msk.f32 $0xffff, v4;
	v0 =	vsel vm5, v0, v5  }
0x51d: {  	v4, _, _ =	vpop (xrf2);
	v0 =	vsel vm6, v0, v52  }
0x51e: {  	v0 =	vsel vm7, v0, v3;
	v3 =	vbroadcast v4, $0xF  }
0x51f: {  	v53 =	vbroadcast v8, $0xF;
	_ =	sdelay $0x1  }
0x520: {  	v54 =	vbroadcast v16, $0xF;
	v0 =	vsel vm8, v0, v53  }
0x521: {  	v1 =	vbroadcast v43, $0xF;
	v0 =	vsel vm9, v0, v3;
	v3, _, _ =	vpop (xrf2)  }
0x522: {  	v0 =	vsel vm10, v0, v54;
	v55 =	vbroadcast v3, $0xF  }
0x523: {  	v56 =	vbroadcast v42, $0xF;
	v0 =	vsel vm11, v0, v1  }
0x524: {  	v0 =	vsel vm12, v0, v55  }
0x525: {  	v57, _, _ =	vpop (xrf2);
	v0 =	vsel vm13, v0, v56  }
0x526: {  	s0 =	simm.s32 $0x7800;
	v0 =	vsel vm14, v0, v57  }
0x527: {  	s7 =	simm.s32 $0x7F0;
	[tilespmem:s0+$0x0] =	vst v0  }
0x528: {  	v13 =	vld [tilespmem:s7+$0x2940]  }
0x529: {  	v0 =	vld [tilespmem:s7+$0x140]  }
0x52a: {  	v58 =	vld [tilespmem:s7+$0x2930]  }
0x52b: {  	v59 =	vld [tilespmem:s7+$0x130]  }
0x52c: {  	v18 =	vld [tilespmem:s7+$0x2920]  }
0x52d: {  	v21 =	vld [tilespmem:s7+$0x2900]  }
0x52e: {  	v24 =	vld [tilespmem:s7+$0x100]  }
0x52f: {  	v25 =	vld [tilespmem:s7+$0x28F0]  }
0x530: {  	v26 =	vld [tilespmem:s7+$0xF0]  }
0x531: {  	v27 =	vld [tilespmem:s7+$0x28E0]  }
0x532: {  	v28 =	vld [tilespmem:s7+$0xE0]  }
0x533: {  	v29 =	vld [tilespmem:s7+$0x28D0]  }
0x534: {  	v30 =	vld [tilespmem:s7+$0xD0]  }
0x535: {  	v11 =	vld [tilespmem:s7+$0x28C0]  }
0x536: {  	v12 =	vld [tilespmem:s7+$0xC0]  }
0x537: {  	v60 =	vld [tilespmem:s7+$0x28B0]  }
0x538: {  	v61 =	vld [tilespmem:s7+$0xB0]  }
0x539: {  	v62 =	vld [tilespmem:s7+$0x28A0]  }
0x53a: {  	v33 =	vld [tilespmem:s7+$0x2880]  }
0x53b: {  	v34 =	vld [tilespmem:s7+$0x80]  }
0x53c: {  	v35 =	vld [tilespmem:s7+$0x2870]  }
0x53d: {  	v36 =	vld [tilespmem:s7+$0x70]  }
0x53e: {  	v37 =	vld [tilespmem:s7+$0x2860]  }
0x53f: {  	v38 =	vld [tilespmem:s7+$0x60]  }
0x540: {  	v39 =	vld [tilespmem:s7+$0x2850]  }
0x541: {  	v40 =	vld [tilespmem:s7+$0x50]  }
0x542: {  	v41 =	vld [tilespmem:s7+$0x2840]  }
0x543: {  	v42 =	vld [tilespmem:s7+$0x40]  }
0x544: {  	v43 =	vld [tilespmem:s7+$0x2830]  }
0x545: {  	v44 =	vld [tilespmem:s7+$0x30]  }
0x546: {  	v45 =	vld [tilespmem:s7+$0x2820]  }
0x547: {  	v46 =	vld [tilespmem:s7+$0x20]  }
0x548: {  	v47 =	vld [tilespmem:s7+$0x2810]  }
0x549: {  	v48 =	vld [tilespmem:s7+$0x10]  }
0x54a: {  	v7 =	vld [tilespmem:s7+$0x2800]  }
0x54b: {  	v8 =	vld [tilespmem:s7+$0x0]  }
0x54c: {  	v63 =	vld [tilespmem:s7+$0x27F0]  }
0x54d: {  	v9 =	vld [tilespmem:s7+$0xFFFFFFF0]  }
0x54e: {  	v10 =	vld [tilespmem:s7+$0x27E0]  }
0x54f: {  	v49 =	vld [tilespmem:s7+$0x27C0]  }
0x550: {  	v50 =	vld [tilespmem:s7+$0xFFFFFFC0]  }
0x551: {  	v51 =	vld [tilespmem:s7+$0x27B0]  }
0x552: {  	v52 =	vld [tilespmem:s7+$0xFFFFFFB0]  }
0x553: {  	v53 =	vld [tilespmem:s7+$0x27A0]  }
0x554: {  	v54 =	vld [tilespmem:s7+$0xFFFFFFA0]  }
0x555: {  	v55 =	vld [tilespmem:s7+$0x2790]  }
0x556: {  	v56 =	vld [tilespmem:s7+$0xFFFFFF90]  }
0x557: {  	v57 =	vld [tilespmem:s7+$0x2780]  }
0x558: {  	v1 =	vld [tilespmem:s7+$0xFFFFFF50]  }
0x559: {  	v32 =	vld [tilespmem:s7+$0x2730]  }
0x55a: {  	v22 =	vld [tilespmem:s7+$0xFFFFFF00]  }
0x55b: {  	v3 =	vld [tilespmem:s7+$0x26F0]  }
0x55c: {  	v2 =	vld [tilespmem:s7+$0xFFFFFEF0]  }
0x55d: {  	v4 =	vld [tilespmem:s7+$0x26E0]  }
0x55e: {  	v31 =	vld [tilespmem:s7+$0x26D0]  }
0x55f: {  	v23 =	vld [tilespmem:s7+$0xFFFFFED0]  }
0x560: {  	v16 =	vld [tilespmem:s7+$0x26C0]  }
0x561: {  	v17 =	vld [tilespmem:s7+$0xFFFFFEC0]  }
0x562: {  	v14 =	vld [tilespmem:s7+$0x26A0]  }
0x563: {  	v15 =	vld [tilespmem:s7+$0xFFFFFEA0]  }
0x564: {  	v19 =	vld [tilespmem:s7+$0x2690]  }
0x565: {  	v20 =	vld [tilespmem:s7+$0xFFFFFE90]  }
0x566: {  	v5 =	vld [tilespmem:s7+$0x2680]  }
0x567: {  	v6 =	vld [tilespmem:s7+$0xFFFFFE80]  }
0x568: {  	[tilespmem:$0x1F950] =	vst v58;
	v58 =	vld [tilespmem:s7+$0xFFFFFF80]  }
0x569: {  	[tilespmem:$0x1F960] =	vst v59;
	v59 =	vld [tilespmem:s7+$0x2770]  }
0x56a: {  	[tilespmem:$0x1F970] =	vst v60;
	v60 =	vld [tilespmem:s7+$0xFFFFFF70]  }
0x56b: {  	[tilespmem:$0x1F980] =	vst v61;
	v61 =	vld [tilespmem:s7+$0x2760]  }
0x56c: {  	[tilespmem:$0x1F990] =	vst v62;
	v62 =	vld [tilespmem:s7+$0xFFFFFF60]  }
0x56d: {  	[tilespmem:$0x1F9A0] =	vst v63;
	v63 =	vld [tilespmem:s7+$0x2750]  }
0x56e: {  	[tilespmem:$0x1F9B0] =	vst v9;
	v9 =	vld [tilespmem:s7+$0x2740]  }
0x56f: {  	[tilespmem:$0x1F9C0] =	vst v10;
	v10 =	vld [tilespmem:s7+$0xFFFFFF40]  }
0x570: {  	[tilespmem:$0x1F9D0] =	vst v32;
	v32 =	vld [tilespmem:s7+$0xFFFFFF30]  }
0x571: {  	[tilespmem:$0x1FA30] =	vst v4;
	v4 =	vld [tilespmem:s7+$0xFFFFFEE0]  }
0x572: {  	v25 =	vmul.bf16 v25, v26;
	v21 =	vmul.bf16 v21, v24;
	v24 =	vld [tilespmem:s7+$0xFFFFFE40]  }
0x573: {  	v26 =	vmul.bf16 v27, v28;
	v28 =	vmul.bf16 v33, v34;
	v33 =	vld [tilespmem:s7+$0xFFFFFE30]  }
0x574: {  	v34 =	vld [tilespmem:s7+$0x2620]  }
0x575: {  	v27 =	vmul.bf16 v35, v36;
	v35 =	vld [tilespmem:s7+$0xFFFFFE20]  }
0x576: {  	v36 =	vld [tilespmem:s7+$0x2610]  }
0x577: {  	v21 =	vadd.bf16 v21, v25;
	v25 =	vadd.bf16 v28, v27;
	v28 =	vmul.bf16 v41, v42;
	v42 =	vld [tilespmem:s7+$0x25F0]  }
0x578: {  	v41 =	vld [tilespmem:s7+$0xFFFFFDF0]  }
0x579: {  	v27 =	vmul.bf16 v43, v44;
	v44 =	vld [tilespmem:s7+$0xFFFFFDE0]  }
0x57a: {  	[tilespmem:$0x1FA40] =	vst v4;
	v4 =	vld [tilespmem:s7+$0x26B0]  }
0x57b: {  	[tilespmem:$0x1F9E0] =	vst v32;
	v32 =	vld [tilespmem:s7+$0x2720]  }
0x57c: {  	[tilespmem:$0x1FA70] =	vst v24;
	v24 =	vmul.bf16 v29, v30;
	v30 =	vld [tilespmem:s7+$0x2630]  }
0x57d: {  	v29 =	vmul.bf16 v37, v38;
	v37 =	vld [tilespmem:s7+$0xFFFFFE10]  }
0x57e: {  	v38 =	vld [tilespmem:s7+$0x2600]  }
0x57f: {  	[tilespmem:$0x1FA50] =	vst v4;
	v4 =	vld [tilespmem:s7+$0xFFFFFEB0]  }
0x580: {  	v34 =	vmul.bf16 v34, v35;
	v35 =	vld [tilespmem:s7+$0xFFFFFDB0]  }
0x581: {  	v24 =	vadd.bf16 v26, v24;
	v26 =	vmul.bf16 v39, v40;
	v39 =	vld [tilespmem:s7+$0xFFFFFE00]  }
0x582: {  	v40 =	vld [tilespmem:s7+$0x25E0]  }
0x583: {  	v21 =	vadd.bf16 v21, v24;
	v24 =	vmul.bf16 v47, v48;
	v47 =	vmul.bf16 v13, v0;
	v0 =	vld [tilespmem:s7+$0x25D0]  }
0x584: {  	[tilespmem:$0x1FA60] =	vst v4;
	v4 =	vld [tilespmem:s7+$0x2670]  }
0x585: {  	v26 =	vadd.bf16 v29, v26;
	v29 =	vmul.bf16 v45, v46;
	v46 =	vld [tilespmem:s7+$0xFFFFFDD0]  }
0x586: {  	v27 =	vadd.bf16 v28, v27;
	v28 =	vmul.bf16 v49, v50;
	[tilespmem:$0x1F9F0] =	vst v32;
	v32 =	vld [tilespmem:s7+$0x2700];
	v36 =	vmul.bf16 v36, v37  }
0x587: {  	v37 =	vld [tilespmem:s7+$0xFFFFFDA0];
	v25 =	vadd.bf16 v25, v26;
	v26 =	vmul.bf16 v51, v52;
	v52 =	vmul.bf16 v53, v54  }
0x588: {  	v54 =	vmul.bf16 v57, v58;
	v57 =	vmul.bf16 v3, v2;
	v3 =	vld [tilespmem:$0x1FA30]  }
0x589: {  	v41 =	vmul.bf16 v42, v41;
	v24 =	vadd.bf16 v29, v24;
	v29 =	vmul.bf16 v55, v56;
	[tilespmem:$0x1FA00] =	vst v4;
	v4 =	vld [tilespmem:s7+$0xFFFFFE70]  }
0x58a: {  	v53 =	vunpack.i.u.bf16.f32 v21;
	v21 =	vunpack.i.l.bf16.f32 v21;
	v55 =	vmul.bf16 v61, v62;
	v61 =	vld [tilespmem:$0x1FA50]  }
0x58b: {  	v21 =	vadd.f32 v21, v53;
	v26 =	vadd.bf16 v28, v26;
	v28 =	vmul.bf16 v59, v60;
	v60 =	vld [tilespmem:$0x1FA40]  }
0x58c: {  	v53 =	vmul.bf16 v30, v33;
	v33 =	vld [tilespmem:s7+$0xFFFFFD50];
	v29 =	vadd.bf16 v52, v29;
	v27 =	vadd.bf16 v27, v24  }
0x58d: {  	v30 =	vld [tilespmem:s7+$0x25C0];
	v24 =	vmul.bf16 v63, v1;
	v56 =	vunpack.i.u.bf16.f32 v25;
	v25 =	vunpack.i.l.bf16.f32 v25  }
0x58e: {  	(xrf2) =	vadd.scan.msk.f32 $0xffff, v21;
	v21 =	vmul.bf16 v31, v23;
	v26 =	vadd.bf16 v26, v29;
	[tilespmem:$0x1FA10] =	vst v4;
	v4 =	vld [tilespmem:s7+$0x2660]  }
0x58f: {  	v29 =	vadd.f32 v25, v56;
	v45 =	vadd.bf16 v55, v24;
	v25 =	vunpack.i.u.bf16.f32 v27;
	v24 =	vld [tilespmem:s7+$0x2580]  }
0x590: {  	v28 =	vadd.bf16 v54, v28;
	v27 =	vunpack.i.l.bf16.f32 v27;
	v23 =	vmul.bf16 v3, v60;
	v3 =	vld [tilespmem:$0x1FA60]  }
0x591: {  	v62 =	vmul.bf16 v16, v17;
	v58 =	vmul.bf16 v32, v22;
	v54 =	vld [tilespmem:$0x1FA70];
	v43 =	vadd.f32 v27, v25  }
0x592: {  	v25 =	vld [tilespmem:s7+$0xFFFFFD80];
	v22 =	vunpack.i.u.bf16.f32 v26;
	v27 =	vunpack.i.l.bf16.f32 v26;
	v59 =	vadd.bf16 v28, v45;
	(xrf2) =	vadd.scan.msk.f32 $0xffff, v29  }
0x593: {  	v63 =	vmul.bf16 v14, v15;
	v2 =	vadd.bf16 v58, v57;
	v22 =	vadd.f32 v27, v22;
	[tilespmem:$0x1FA20] =	vst v4;
	v4 =	vld [tilespmem:s7+$0x2640]  }
0x594: {  	v26 =	vld [tilespmem:s7+$0x2570];
	v31 =	vunpack.i.u.bf16.f32 v59;
	v32 =	vunpack.i.l.bf16.f32 v59;
	v21 =	vadd.bf16 v23, v21  }
0x595: {  	v28 =	vld [tilespmem:s7+$0xFFFFFD70];
	v59 =	vadd.bf16 v34, v36;
	v23 =	vmul.bf16 v19, v20;
	v3 =	vmul.bf16 v61, v3  }
0x596: {  	v48 =	vmul.bf16 v11, v12;
	v29 =	vld [tilespmem:s7+$0xFFFFFD60];
	v52 =	vadd.f32 v32, v31;
	v56 =	vadd.bf16 v2, v21  }
0x597: {  	v40 =	vmul.bf16 v40, v44;
	v27 =	vld [tilespmem:s7+$0x2560];
	v23 =	vadd.bf16 v63, v23;
	v3 =	vadd.bf16 v62, v3  }
0x598: {  	v34 =	vld [tilespmem:s7+$0x25B0];
	v60 =	vunpack.i.u.bf16.f32 v56;
	v61 =	vunpack.i.l.bf16.f32 v56;
	v55 =	vmul.bf16 v4, v54  }
0x599: {  	(xrf2) =	vadd.scan.msk.f32 $0xffff, v43;
	v36 =	vld [tilespmem:s7+$0x25A0];
	v62 =	vmul.bf16 v38, v39;
	v58 =	vadd.bf16 v3, v23;
	v23 =	vmul.bf16 v0, v46  }
0x59a: {  	v31 =	vld [tilespmem:s7+$0x2550];
	(xrf2) =	vadd.scan.msk.f32 $0xffff, v22;
	v22 =	vmul.bf16 v9, v10;
	v63 =	vadd.f32 v61, v60;
	v57 =	vadd.bf16 v55, v53  }
0x59b: {  	v32 =	vld [tilespmem:s7+$0xFFFFFDC0];
	v21 =	vmul.bf16 v7, v8;
	(xrf2) =	vadd.scan.msk.f32 $0xffff, v52;
	v12, _, _ =	vpop (xrf2);
	v39 =	vadd.bf16 v40, v23;
	v40 =	vadd.bf16 v62, v41  }
0x59c: {  	s9 =	simm.s32 $0x2FC0;
	v13, _, _ =	vpop (xrf2);
	(xrf2) =	vadd.scan.msk.f32 $0xffff, v63;
	v41 =	vunpack.i.u.bf16.f32 v58;
	v23 =	vld [tilespmem:s7+$0x2590];
	v42 =	vunpack.i.l.bf16.f32 v58;
	v38 =	vadd.bf16 v57, v59  }
.LBB2_8:
0x59d: {  	v43 =	vld [tilespmem:s7+$0xFFFFFD90]  }
0x59e: {  	v51 =	vld [tilespmem:s7+$0x2650]  }
0x59f: {  	v52 =	vld [tilespmem:s7+$0xFFFFFE50]  }
0x5a0: {  	v53 =	vld [tilespmem:s7+$0xFFFFFF20]  }
0x5a1: {  	v55 =	vld [tilespmem:s7+$0x2710]  }
0x5a2: {  	v56 =	vld [tilespmem:$0x1FA00]  }
0x5a3: {  	v1 =	vld [tilespmem:$0x1FA10]  }
0x5a4: {  	v17 =	vld [tilespmem:s7+$0xFFFFFF10]  }
0x5a5: {  	v57 =	vld [tilespmem:$0x1FA20]  }
0x5a6: {  	v58 =	vld [tilespmem:$0x1F9D0]  }
0x5a7: {  	v59 =	vld [tilespmem:$0x1F9E0]  }
0x5a8: {  	v11 =	vld [tilespmem:s7+$0xFFFFFFD0]  }
0x5a9: {  	v61 =	vld [tilespmem:$0x1F9F0]  }
0x5aa: {  	v44 =	vunpack.i.u.bf16.f32 v38;
	v62 =	vld [tilespmem:$0x1F9A0];
	v45 =	vmul.bf16 v5, v6;
	v26 =	vmul.bf16 v26, v28  }
0x5ab: {  	v0 =	vadd.f32 v42, v41;
	v63 =	vld [tilespmem:$0x1F9B0];
	v24 =	vmul.bf16 v24, v25;
	v31 =	vmul.bf16 v31, v33  }
0x5ac: {  	v8 =	vld [tilespmem:s7+$0x90];
	v25 =	vadd.bf16 v40, v39;
	v27 =	vmul.bf16 v27, v29;
	v30 =	vmul.bf16 v30, v32  }
0x5ad: {  	v28 =	vld [tilespmem:s7+$0xFFFFFE60];
	v29 =	vunpack.i.l.bf16.f32 v38;
	v54 =	vmul.bf16 v36, v37;
	v23 =	vmul.bf16 v23, v43  }
0x5ae: {  	v33 =	vld [tilespmem:$0x1F9C0];
	v29 =	vadd.f32 v29, v44;
	v16 =	vmul.bf16 v56, v1;
	v9 =	vmul.bf16 v61, v53  }
0x5af: {  	v19, _, _ =	vpop (xrf2);
	(xrf2) =	vadd.scan.msk.f32 $0xffff, v0;
	v5 =	vld [tilespmem:s7+$0x110];
	v24 =	vadd.bf16 v24, v26;
	v26 =	vunpack.i.u.bf16.f32 v25;
	v25 =	vunpack.i.l.bf16.f32 v25  }
0x5b0: {  	v37 =	vld [tilespmem:$0x1F990];
	v27 =	vadd.bf16 v27, v31;
	v31 =	vmul.bf16 v34, v35;
	v2 =	vadd.f32 v25, v26  }
0x5b1: {  	v39 =	vld [tilespmem:$0x1F950];
	v17 =	vmul.bf16 v55, v17;
	v23 =	vadd.bf16 v54, v23;
	v60 =	vadd.bf16 v45, v16  }
0x5b2: {  	v20, _, _ =	vpop (xrf2);
	v10 =	vmul.bf16 v58, v59;
	v34 =	vld [tilespmem:$0x1F970];
	(xrf2) =	vadd.scan.msk.f32 $0xffff, v29;
	v24 =	vadd.bf16 v24, v27;
	v27 =	vadd.bf16 v30, v31  }
0x5b3: {  	v9 =	vadd.bf16 v9, v17;
	v30 =	vmul.bf16 v51, v52;
	v31 =	vld [tilespmem:s7+$0x27D0];
	v14 =	vmul.bf16 v57, v28  }
0x5b4: {  	v32 =	vadd.bf16 v22, v10;
	v28 =	vld [tilespmem:s7+$0xFFFFFFE0];
	v23 =	vadd.bf16 v27, v23  }
0x5b5: {  	v35 =	vld [tilespmem:$0x1F980];
	v26, _, _ =	vpop (xrf2);
	(xrf2) =	vadd.scan.msk.f32 $0xffff, v2;
	v29 =	vunpack.i.u.bf16.f32 v24;
	v24 =	vunpack.i.l.bf16.f32 v24;
	v14 =	vadd.bf16 v14, v30  }
0x5b6: {  	v27 =	vld [tilespmem:s7+$0xA0];
	v24 =	vadd.f32 v24, v29;
	v29 =	vunpack.i.u.bf16.f32 v23;
	v23 =	vunpack.i.l.bf16.f32 v23  }
0x5b7: {  	v30 =	vld [tilespmem:s7+$0x2890];
	v23 =	vadd.f32 v23, v29;
	v14 =	vadd.bf16 v60, v14  }
0x5b8: {  	v40 =	vld [tilespmem:$0x1F960];
	v7 =	vmul.bf16 v62, v63;
	v9 =	vadd.bf16 v32, v9;
	v25, _, _ =	vpop (xrf2);
	(xrf2) =	vadd.scan.msk.f32 $0xffff, v24;
	v11 =	vmul.bf16 v31, v11  }
0x5b9: {  	v17 =	vld [tilespmem:s7+$0x120];
	v16, _, _ =	vpop (xrf2);
	v6 =	vmul.bf16 v33, v28;
	v22 =	vunpack.i.u.bf16.f32 v14;
	v14 =	vunpack.i.l.bf16.f32 v14;
	(xrf2) =	vadd.scan.msk.f32 $0xffff, v23  }
0x5ba: {  	v7 =	vadd.bf16 v21, v7;
	v24 =	vld [tilespmem:s7+$0x2910];
	v14 =	vadd.f32 v14, v22  }
0x5bb: {  	v4 =	vmul.bf16 v34, v35;
	v38 =	vunpack.i.u.bf16.f32 v9;
	v6 =	vadd.bf16 v6, v11  }
0x5bc: {  	v9 =	vunpack.i.l.bf16.f32 v9;
	v3 =	vmul.bf16 v37, v27;
	v8 =	vmul.bf16 v30, v8;
	v36, _, _ =	vpop (xrf2);
	(xrf2) =	vadd.scan.msk.f32 $0xffff, v14  }
0x5bd: {  	v1 =	vmul.bf16 v39, v40;
	v9 =	vadd.f32 v9, v38;
	v6 =	vadd.bf16 v7, v6  }
0x5be: {  	v42 =	vmul.bf16 v18, v17;
	v3 =	vadd.bf16 v3, v8;
	v8 =	vadd.bf16 v48, v4  }
0x5bf: {  	v5 =	vmul.bf16 v24, v5;
	v41, _, _ =	vpop (xrf2);
	(xrf2) =	vadd.scan.msk.f32 $0xffff, v9;
	v7 =	vunpack.i.u.bf16.f32 v6;
	v6 =	vunpack.i.l.bf16.f32 v6  }
0x5c0: {  	v3 =	vadd.bf16 v8, v3;
	v6 =	vadd.f32 v6, v7  }
0x5c1: {  	v0 =	vadd.bf16 v42, v5;
	v7 =	vadd.bf16 v47, v1  }
0x5c2: {  	v5 =	vunpack.i.u.bf16.f32 v3;
	v3 =	vunpack.i.l.bf16.f32 v3;
	v4, _, _ =	vpop (xrf2);
	(xrf2) =	vadd.scan.msk.f32 $0xffff, v6  }
0x5c3: {  	v3 =	vadd.f32 v3, v5;
	v0 =	vadd.bf16 v7, v0;
	v43, _, _ =	vpop (xrf2)  }
0x5c4: {  	v6 =	vbroadcast v4, $0xF;
	v1 =	vbroadcast v43, $0xF  }
0x5c5: {  	v2 =	vbroadcast v41, $0xF;
	v5 =	vunpack.i.u.bf16.f32 v0;
	(xrf2) =	vadd.scan.msk.f32 $0xffff, v3  }
0x5c6: {  	v3 =	vbroadcast v36, $0xF;
	v0 =	vunpack.i.l.bf16.f32 v0;
	v1 =	vsel vm0, v6, v1;
	v4, _, _ =	vpop (xrf2)  }
0x5c7: {  	v0 =	vadd.f32 v0, v5;
	v1 =	vsel vm1, v1, v2;
	v44 =	vbroadcast v4, $0xF  }
0x5c8: {  	v1 =	vsel vm2, v1, v3;
	v3 =	vbroadcast v16, $0xF  }
0x5c9: {  	v45 =	vbroadcast v25, $0xF;
	v4, _, _ =	vpop (xrf2);
	(xrf2) =	vadd.scan.msk.f32 $0xffff, v0;
	v1 =	vsel vm3, v1, v44  }
0x5ca: {  	v47 =	vbroadcast v4, $0xF;
	v46 =	vsel vm4, v1, v3  }
0x5cb: {  	v48 =	vbroadcast v26, $0xF;
	v0 =	vsel vm5, v46, v45  }
0x5cc: {  	v49 =	vbroadcast v20, $0xF;
	v0 =	vsel vm6, v0, v47;
	v3, _, _ =	vpop (xrf2)  }
0x5cd: {  	v0 =	vsel vm7, v0, v48;
	v50 =	vbroadcast v3, $0xF  }
0x5ce: {  	v51 =	vbroadcast v19, $0xF;
	v0 =	vsel vm8, v0, v49  }
0x5cf: {  	v52 =	vbroadcast v13, $0xF;
	v3, _, _ =	vpop (xrf2);
	v0 =	vsel vm9, v0, v50  }
0x5d0: {  	v3 =	vbroadcast v3, $0xF;
	v0 =	vsel vm10, v0, v51  }
0x5d1: {  	v53 =	vbroadcast v12, $0xF;
	v0 =	vsel vm11, v0, v52  }
0x5d2: {  	v0 =	vsel vm12, v0, v3  }
0x5d3: {  	v54, _, _ =	vpop (xrf2);
	v0 =	vsel vm13, v0, v53  }
0x5d4: {  	s0 =	sadd.s32 $0x10, s0;
	v0 =	vsel vm14, v0, v54  }
0x5d5: {  	s7 =	sshra.s32 s9, $0x2;
	[tilespmem:s0+$0x0] =	vst v0  }
0x5d6: {  	v23 =	vld [tilespmem:s7+$0x2940]  }
0x5d7: {  	v22 =	vld [tilespmem:s7+$0x140]  }
0x5d8: {  	v0 =	vld [tilespmem:s7+$0x2930]  }
0x5d9: {  	v55 =	vld [tilespmem:s7+$0x130]  }
0x5da: {  	v56 =	vld [tilespmem:s7+$0x2920]  }
0x5db: {  	v25 =	vld [tilespmem:s7+$0x2900]  }
0x5dc: {  	v26 =	vld [tilespmem:s7+$0x100]  }
0x5dd: {  	v28 =	vld [tilespmem:s7+$0x28F0]  }
0x5de: {  	v30 =	vld [tilespmem:s7+$0xF0]  }
0x5df: {  	v27 =	vld [tilespmem:s7+$0x28E0]  }
0x5e0: {  	v31 =	vld [tilespmem:s7+$0x28D0]  }
0x5e1: {  	v33 =	vld [tilespmem:s7+$0xD0]  }
0x5e2: {  	v21 =	vld [tilespmem:s7+$0x28C0]  }
0x5e3: {  	v24 =	vld [tilespmem:s7+$0xC0]  }
0x5e4: {  	v57 =	vld [tilespmem:s7+$0x28B0]  }
0x5e5: {  	v58 =	vld [tilespmem:s7+$0xB0]  }
0x5e6: {  	v59 =	vld [tilespmem:s7+$0x28A0]  }
0x5e7: {  	v32 =	vld [tilespmem:s7+$0x2880]  }
0x5e8: {  	v35 =	vld [tilespmem:s7+$0x80]  }
0x5e9: {  	v40 =	vld [tilespmem:s7+$0x2870]  }
0x5ea: {  	v43 =	vld [tilespmem:s7+$0x70]  }
0x5eb: {  	v36 =	vld [tilespmem:s7+$0x2860]  }
0x5ec: {  	v39 =	vld [tilespmem:s7+$0x60]  }
0x5ed: {  	v44 =	vld [tilespmem:s7+$0x2850]  }
0x5ee: {  	v47 =	vld [tilespmem:s7+$0x50]  }
0x5ef: {  	v34 =	vld [tilespmem:s7+$0x2840]  }
0x5f0: {  	v37 =	vld [tilespmem:s7+$0x40]  }
0x5f1: {  	v42 =	vld [tilespmem:s7+$0x2830]  }
0x5f2: {  	v45 =	vld [tilespmem:s7+$0x30]  }
0x5f3: {  	v38 =	vld [tilespmem:s7+$0x2820]  }
0x5f4: {  	v41 =	vld [tilespmem:s7+$0x20]  }
0x5f5: {  	v46 =	vld [tilespmem:s7+$0x2810]  }
0x5f6: {  	v48 =	vld [tilespmem:s7+$0x10]  }
0x5f7: {  	v60 =	vld [tilespmem:s7+$0x2800]  }
0x5f8: {  	v61 =	vld [tilespmem:s7+$0x0]  }
0x5f9: {  	v62 =	vld [tilespmem:s7+$0x27F0]  }
0x5fa: {  	v63 =	vld [tilespmem:s7+$0xFFFFFFF0]  }
0x5fb: {  	v9 =	vld [tilespmem:s7+$0x27E0]  }
0x5fc: {  	v49 =	vld [tilespmem:s7+$0x27C0]  }
0x5fd: {  	v50 =	vld [tilespmem:s7+$0xFFFFFFC0]  }
0x5fe: {  	v51 =	vld [tilespmem:s7+$0x27B0]  }
0x5ff: {  	v52 =	vld [tilespmem:s7+$0xFFFFFFB0]  }
0x600: {  	v53 =	vld [tilespmem:s7+$0x27A0]  }
0x601: {  	v54 =	vld [tilespmem:s7+$0xFFFFFFA0]  }
0x602: {  	v29 =	vld [tilespmem:s7+$0xFFFFFF50]  }
0x603: {  	v10 =	vld [tilespmem:s7+$0x2740]  }
0x604: {  	v11 =	vld [tilespmem:s7+$0xFFFFFF40]  }
0x605: {  	v1 =	vld [tilespmem:s7+$0x2700]  }
0x606: {  	v2 =	vld [tilespmem:s7+$0xFFFFFF00]  }
0x607: {  	v3 =	vld [tilespmem:s7+$0x26F0]  }
0x608: {  	v4 =	vld [tilespmem:s7+$0xFFFFFEF0]  }
0x609: {  	v5 =	vld [tilespmem:s7+$0x26E0]  }
0x60a: {  	v6 =	vld [tilespmem:s7+$0xFFFFFEE0]  }
0x60b: {  	v7 =	vld [tilespmem:s7+$0x26D0]  }
0x60c: {  	v8 =	vld [tilespmem:s7+$0xFFFFFED0]  }
0x60d: {  	v14 =	vld [tilespmem:s7+$0xFFFFFEB0]  }
0x60e: {  	v12 =	vld [tilespmem:s7+$0x26A0]  }
0x60f: {  	v13 =	vld [tilespmem:s7+$0xFFFFFEA0]  }
0x610: {  	v16 =	vld [tilespmem:s7+$0x2690]  }
0x611: {  	v15 =	vld [tilespmem:s7+$0xFFFFFE90]  }
0x612: {  	v17 =	vld [tilespmem:s7+$0x2680]  }
0x613: {  	v19 =	vld [tilespmem:s7+$0xFFFFFE40]  }
0x614: {  	v18 =	vld [tilespmem:s7+$0x2630]  }
0x615: {  	v20 =	vld [tilespmem:s7+$0xFFFFFE30]  }
0x616: {  	[tilespmem:$0x1F950] =	vst v0;
	v0 =	vld [tilespmem:s7+$0xE0]  }
0x617: {  	[tilespmem:$0x1F960] =	vst v55;
	v55 =	vld [tilespmem:s7+$0x2790]  }
0x618: {  	[tilespmem:$0x1F7E0] =	vst v56;
	v56 =	vld [tilespmem:s7+$0xFFFFFF90]  }
0x619: {  	[tilespmem:$0x1F970] =	vst v57;
	v57 =	vld [tilespmem:s7+$0x2780]  }
0x61a: {  	[tilespmem:$0x1F980] =	vst v58;
	v58 =	vld [tilespmem:s7+$0xFFFFFF80]  }
0x61b: {  	[tilespmem:$0x1F990] =	vst v59;
	v59 =	vld [tilespmem:s7+$0x2770]  }
0x61c: {  	[tilespmem:$0x1F7C0] =	vst v60;
	v60 =	vld [tilespmem:s7+$0xFFFFFF70]  }
0x61d: {  	[tilespmem:$0x1F7D0] =	vst v61;
	v61 =	vld [tilespmem:s7+$0x2760]  }
0x61e: {  	[tilespmem:$0x1F9A0] =	vst v62;
	v62 =	vld [tilespmem:s7+$0xFFFFFF60]  }
0x61f: {  	[tilespmem:$0x1F9B0] =	vst v63;
	v63 =	vld [tilespmem:s7+$0x2750]  }
0x620: {  	[tilespmem:$0x1F9C0] =	vst v9;
	v9 =	vld [tilespmem:s7+$0x2730]  }
0x621: {  	[tilespmem:$0x1F7F0] =	vst v10;
	v10 =	vld [tilespmem:s7+$0xFFFFFF30]  }
0x622: {  	[tilespmem:$0x1F800] =	vst v11;
	v11 =	vld [tilespmem:s7+$0x2720]  }
0x623: {  	[tilespmem:$0x1F820] =	vst v17;
	v17 =	vld [tilespmem:s7+$0xFFFFFE80];
	v28 =	vmul.bf16 v28, v30  }
0x624: {  	v25 =	vmul.bf16 v25, v26;
	v30 =	vmul.bf16 v36, v39;
	v36 =	vld [tilespmem:s7+$0x2610]  }
0x625: {  	v26 =	vmul.bf16 v31, v33;
	v31 =	vmul.bf16 v34, v37;
	v37 =	vld [tilespmem:s7+$0x2600]  }
0x626: {  	v39 =	vld [tilespmem:s7+$0x25F0]  }
0x627: {  	v3 =	vmul.bf16 v3, v4;
	v1 =	vmul.bf16 v1, v2;
	v33 =	vld [tilespmem:s7+$0xFFFFFD50]  }
0x628: {  	v4 =	vmul.bf16 v7, v8;
	v5 =	vmul.bf16 v5, v6;
	v34 =	vld [tilespmem:s7+$0x25B0]  }
0x629: {  	v25 =	vadd.bf16 v25, v28;
	v28 =	vmul.bf16 v32, v35;
	v35 =	vld [tilespmem:s7+$0xFFFFFE20]  }
0x62a: {  	v1 =	vadd.bf16 v1, v3;
	v4 =	vadd.bf16 v5, v4;
	v32 =	vld [tilespmem:s7+$0xFFFFFDC0]  }
0x62b: {  	v27 =	vmul.bf16 v27, v0;
	v0 =	vld [tilespmem:s7+$0x2620]  }
0x62c: {  	v1 =	vadd.bf16 v1, v4;
	v4 =	vld [tilespmem:$0x1F7C0]  }
0x62d: {  	[tilespmem:$0x1F9D0] =	vst v9;
	v9 =	vld [tilespmem:s7+$0x26C0];
	v26 =	vadd.bf16 v27, v26  }
0x62e: {  	[tilespmem:$0x1F810] =	vst v17;
	v17 =	vld [tilespmem:s7+$0x2670];
	v29 =	vmul.bf16 v63, v29;
	v27 =	vmul.bf16 v40, v43  }
0x62f: {  	[tilespmem:$0x1F9E0] =	vst v10;
	v10 =	vld [tilespmem:s7+$0xFFFFFEC0];
	v25 =	vadd.bf16 v25, v26;
	v26 =	vmul.bf16 v44, v47;
	v47 =	vmul.bf16 v23, v22  }
0x630: {  	[tilespmem:$0x1F9F0] =	vst v11;
	v11 =	vld [tilespmem:s7+$0x26B0];
	v27 =	vadd.bf16 v28, v27;
	v23 =	vmul.bf16 v42, v45;
	v0 =	vmul.bf16 v0, v35  }
0x631: {  	v63 =	vld [tilespmem:$0x1F7F0];
	v26 =	vadd.bf16 v30, v26;
	v30 =	vmul.bf16 v46, v48;
	v46 =	vmul.bf16 v38, v41  }
0x632: {  	v22 =	vld [tilespmem:s7+$0xFFFFFE10];
	v28 =	vunpack.i.u.bf16.f32 v25;
	v23 =	vadd.bf16 v31, v23;
	v48 =	vmul.bf16 v21, v24  }
0x633: {  	[tilespmem:$0x1FA00] =	vst v17;
	v17 =	vld [tilespmem:s7+$0xFFFFFE70];
	v21 =	vmul.bf16 v51, v52;
	v26 =	vadd.bf16 v27, v26;
	v27 =	vadd.bf16 v46, v30  }
0x634: {  	v35 =	vld [tilespmem:s7+$0xFFFFFDB0];
	v25 =	vunpack.i.l.bf16.f32 v25;
	v31 =	vmul.bf16 v53, v54;
	v30 =	vmul.bf16 v55, v56  }
0x635: {  	v38 =	vld [tilespmem:s7+$0xFFFFFE00];
	v25 =	vadd.f32 v25, v28;
	v28 =	vmul.bf16 v57, v58;
	v23 =	vadd.bf16 v23, v27  }
0x636: {  	v52 =	vld [tilespmem:s7+$0xFFFFFDF0];
	v27 =	vmul.bf16 v59, v60;
	v30 =	vadd.bf16 v31, v30;
	v31 =	vmul.bf16 v61, v62  }
0x637: {  	v57 =	vld [tilespmem:s7+$0x25D0]  }
0x638: {  	v24 =	vmul.bf16 v49, v50;
	v58 =	vld [tilespmem:s7+$0xFFFFFDD0];
	v29 =	vadd.bf16 v31, v29;
	v27 =	vadd.bf16 v28, v27  }
0x639: {  	[tilespmem:$0x1FA10] =	vst v17;
	v17 =	vld [tilespmem:s7+$0x2660]  }
0x63a: {  	v55 =	vld [tilespmem:s7+$0x25E0];
	v21 =	vadd.bf16 v24, v21;
	v60 =	vadd.bf16 v27, v29  }
0x63b: {  	v7 =	vmul.bf16 v11, v14;
	v8 =	vmul.bf16 v9, v10;
	v56 =	vld [tilespmem:s7+$0xFFFFFDE0];
	v24 =	vunpack.i.u.bf16.f32 v26  }
0x63c: {  	(xrf2) =	vadd.scan.msk.f32 $0xffff, v25;
	v25 =	vld [tilespmem:s7+$0xFFFFFD80];
	v21 =	vadd.bf16 v21, v30;
	v3 =	vunpack.i.u.bf16.f32 v60;
	v2 =	vunpack.i.l.bf16.f32 v60  }
0x63d: {  	v26 =	vunpack.i.l.bf16.f32 v26;
	v2 =	vadd.f32 v2, v3;
	v3 =	vadd.bf16 v8, v7;
	v7 =	vld [tilespmem:$0x1F7D0]  }
0x63e: {  	v59 =	vadd.f32 v26, v24;
	v30 =	vunpack.i.u.bf16.f32 v23;
	v23 =	vunpack.i.l.bf16.f32 v23;
	[tilespmem:$0x1FA20] =	vst v17;
	v17 =	vld [tilespmem:s7+$0x2640]  }
0x63f: {  	v24 =	vld [tilespmem:s7+$0x2580];
	v23 =	vadd.f32 v23, v30;
	v31 =	vunpack.i.u.bf16.f32 v21;
	v21 =	vunpack.i.l.bf16.f32 v21  }
0x640: {  	v26 =	vld [tilespmem:s7+$0x2570];
	(xrf2) =	vadd.scan.msk.f32 $0xffff, v59;
	v6 =	vadd.f32 v21, v31  }
0x641: {  	v28 =	vld [tilespmem:s7+$0xFFFFFD70];
	(xrf2) =	vadd.scan.msk.f32 $0xffff, v23  }
0x642: {  	v30 =	vld [tilespmem:s7+$0x25C0];
	(xrf2) =	vadd.scan.msk.f32 $0xffff, v6;
	v6 =	vmul.bf16 v36, v22;
	v21 =	vmul.bf16 v4, v7  }
0x643: {  	v27 =	vld [tilespmem:s7+$0x2560];
	v4 =	vmul.bf16 v18, v20;
	v7 =	vmul.bf16 v17, v19  }
0x644: {  	v5 =	vmul.bf16 v16, v15;
	v61 =	vmul.bf16 v12, v13;
	v29 =	vld [tilespmem:s7+$0xFFFFFD60]  }
0x645: {  	v31 =	vld [tilespmem:s7+$0x2550];
	v0 =	vadd.bf16 v0, v6;
	v4 =	vadd.bf16 v7, v4  }
0x646: {  	v5 =	vadd.bf16 v61, v5;
	v62 =	vmul.bf16 v57, v58;
	v23 =	vld [tilespmem:s7+$0x2590]  }
0x647: {  	p0 =	sne.s32 s9, $0x4FC0;
	v6 =	vmul.bf16 v55, v56;
	v7 =	vmul.bf16 v37, v38;
	v38 =	vadd.bf16 v4, v0;
	v4 =	vld [tilespmem:$0x1F800]  }
.Ltmp3:
0x648: {  	v8 =	vunpack.i.u.bf16.f32 v1;
	v1 =	vunpack.i.l.bf16.f32 v1;
	v36 =	vld [tilespmem:s7+$0x25A0];
	(pc) =	sbr.rel @p0 .LBB2_8-.Ltmp3, $4  }
0x649: {  	v3 =	vadd.bf16 v3, v5;
	v5 =	vmul.bf16 v39, v52;
	v39 =	vadd.bf16 v6, v62;
	v6 =	vld [tilespmem:$0x1F810]  }
0x64a: {  	v1 =	vadd.f32 v1, v8;
	v18 =	vld [tilespmem:$0x1F7E0]  }
0x64b: {  	v12, _, _ =	vpop (xrf2);
	(xrf2) =	vadd.scan.msk.f32 $0xffff, v2;
	v41 =	vunpack.i.u.bf16.f32 v3;
	v37 =	vld [tilespmem:s7+$0xFFFFFDA0]  }
0x64c: {  	s9 =	sadd.s32 $0x1000, s9;
	v42 =	vunpack.i.l.bf16.f32 v3;
	v13, _, _ =	vpop (xrf2);
	(xrf2) =	vadd.scan.msk.f32 $0xffff, v1;
	v40 =	vadd.bf16 v7, v5;
	v5 =	vld [tilespmem:$0x1F820];
	v22 =	vmul.bf16 v63, v4  }
0x64d: {  	v0 =	vld [tilespmem:s7+$0xFFFFFD90]  }
0x64e: {  	v7 =	vld [tilespmem:s7+$0xFFFFFE60]  }
0x64f: {  	v11 =	vld [tilespmem:s7+$0x2650]  }
0x650: {  	v15 =	vld [tilespmem:s7+$0xFFFFFF20]  }
0x651: {  	v17 =	vld [tilespmem:s7+$0x2710]  }
0x652: {  	v3 =	vadd.f32 v42, v41;
	v41 =	vld [tilespmem:$0x1FA00]  }
0x653: {  	v42 =	vld [tilespmem:$0x1FA10]  }
0x654: {  	v43 =	vld [tilespmem:s7+$0xFFFFFF10]  }
0x655: {  	v44 =	vld [tilespmem:$0x1FA20]  }
0x656: {  	v45 =	vld [tilespmem:s7+$0xFFFFFFE0]  }
0x657: {  	v49 =	vld [tilespmem:s7+$0x27D0]  }
0x658: {  	v50 =	vld [tilespmem:$0x1F9D0]  }
0x659: {  	v51 =	vld [tilespmem:$0x1F9E0]  }
0x65a: {  	v1 =	vunpack.i.u.bf16.f32 v38;
	v4 =	vmul.bf16 v26, v28;
	v26 =	vmul.bf16 v24, v25;
	v52 =	vld [tilespmem:s7+$0xFFFFFFD0]  }
0x65b: {  	v8 =	vmul.bf16 v31, v33;
	v9 =	vmul.bf16 v27, v29;
	v10 =	vunpack.i.l.bf16.f32 v38;
	v54 =	vld [tilespmem:$0x1F9F0]  }
0x65c: {  	v57 =	vld [tilespmem:s7+$0x2890];
	v28 =	vadd.bf16 v40, v39;
	v1 =	vadd.f32 v10, v1  }
0x65d: {  	v14 =	vmul.bf16 v30, v32;
	v61 =	vld [tilespmem:s7+$0x90];
	v4 =	vadd.bf16 v26, v4;
	v8 =	vadd.bf16 v9, v8  }
0x65e: {  	v39 =	vld [tilespmem:s7+$0xFFFFFE50];
	v40 =	vmul.bf16 v34, v35;
	v38 =	vunpack.i.u.bf16.f32 v28;
	v16 =	vmul.bf16 v36, v37  }
0x65f: {  	v55 =	vld [tilespmem:s7+$0xA0];
	v2 =	vmul.bf16 v5, v6;
	v6 =	vunpack.i.l.bf16.f32 v28;
	v4 =	vadd.bf16 v4, v8  }
0x660: {  	v59 =	vld [tilespmem:$0x1F9A0];
	v0 =	vmul.bf16 v23, v0;
	v5 =	vadd.f32 v6, v38;
	v6 =	vmul.bf16 v41, v42  }
0x661: {  	v60 =	vld [tilespmem:$0x1F9B0];
	v9 =	vadd.bf16 v14, v40;
	v7 =	vmul.bf16 v44, v7;
	v8 =	vmul.bf16 v17, v43  }
0x662: {  	v29 =	vld [tilespmem:$0x1F990];
	(xrf2) =	vadd.scan.msk.f32 $0xffff, v3;
	v3 =	vmul.bf16 v57, v61;
	v46 =	vunpack.i.u.bf16.f32 v4;
	v0 =	vadd.bf16 v16, v0  }
0x663: {  	v17 =	vld [tilespmem:$0x1F9C0];
	v4 =	vunpack.i.l.bf16.f32 v4;
	v10 =	vmul.bf16 v11, v39;
	v11 =	vmul.bf16 v49, v52  }
0x664: {  	v25 =	vld [tilespmem:$0x1F970];
	v2 =	vadd.bf16 v2, v6;
	v6 =	vmul.bf16 v54, v15;
	v0 =	vadd.bf16 v9, v0  }
0x665: {  	v26 =	vld [tilespmem:$0x1F980];
	v4 =	vadd.f32 v4, v46;
	v53 =	vadd.bf16 v7, v10;
	v9 =	vmul.bf16 v50, v51  }
0x666: {  	(xrf2) =	vadd.scan.msk.f32 $0xffff, v1;
	v62 =	vadd.bf16 v6, v8;
	v56 =	vunpack.i.u.bf16.f32 v0;
	v0 =	vunpack.i.l.bf16.f32 v0  }
0x667: {  	v19 =	vld [tilespmem:s7+$0x120];
	(xrf2) =	vadd.scan.msk.f32 $0xffff, v5;
	v7 =	vmul.bf16 v29, v55;
	v58 =	vadd.bf16 v2, v53;
	v0 =	vadd.f32 v0, v56  }
0x668: {  	v27 =	vld [tilespmem:s7+$0x110];
	(xrf2) =	vadd.scan.msk.f32 $0xffff, v4;
	v2 =	vmul.bf16 v59, v60;
	v6 =	vmul.bf16 v17, v45;
	v63 =	vadd.bf16 v22, v9  }
0x669: {  	v33 =	vld [tilespmem:$0x1F950];
	v3 =	vadd.bf16 v7, v3;
	v20 =	vunpack.i.u.bf16.f32 v58;
	v1 =	vunpack.i.l.bf16.f32 v58;
	(xrf2) =	vadd.scan.msk.f32 $0xffff, v0  }
0x66a: {  	v34 =	vld [tilespmem:$0x1F960];
	v4 =	vmul.bf16 v25, v26;
	v23 =	vadd.f32 v1, v20;
	v24 =	vadd.bf16 v63, v62  }
0x66b: {  	v28, _, _ =	vpop (xrf2);
	v22 =	vld [tilespmem:s7+$0x2910];
	v6 =	vadd.bf16 v6, v11;
	v2 =	vadd.bf16 v21, v2  }
0x66c: {  	v30, _, _ =	vpop (xrf2);
	v4 =	vadd.bf16 v48, v4;
	v31 =	vunpack.i.u.bf16.f32 v24;
	v1 =	vunpack.i.l.bf16.f32 v24;
	(xrf2) =	vadd.scan.msk.f32 $0xffff, v23  }
0x66d: {  	v32, _, _ =	vpop (xrf2);
	v2 =	vadd.bf16 v2, v6;
	v1 =	vadd.f32 v1, v31  }
0x66e: {  	v36 =	vmul.bf16 v18, v19;
	v35, _, _ =	vpop (xrf2)  }
0x66f: {  	v37, _, _ =	vpop (xrf2);
	v3 =	vadd.bf16 v4, v3;
	v38 =	vunpack.i.u.bf16.f32 v2;
	v2 =	vunpack.i.l.bf16.f32 v2;
	(xrf2) =	vadd.scan.msk.f32 $0xffff, v1  }
0x670: {  	v39, _, _ =	vpop (xrf2);
	v6 =	vmul.bf16 v33, v34;
	v5 =	vmul.bf16 v22, v27;
	v2 =	vadd.f32 v2, v38  }
0x671: {  	v42 =	vunpack.i.u.bf16.f32 v3;
	v40, _, _ =	vpop (xrf2)  }
0x672: {  	v3 =	vunpack.i.l.bf16.f32 v3;
	v6 =	vadd.bf16 v47, v6;
	v5 =	vadd.bf16 v36, v5;
	v41, _, _ =	vpop (xrf2);
	(xrf2) =	vadd.scan.msk.f32 $0xffff, v2  }
0x673: {  	v43 =	vadd.f32 v3, v42;
	v45, _, _ =	vpop (xrf2)  }
0x674: {  	v44 =	vadd.bf16 v6, v5;
	v46 =	vbroadcast v41, $0xF;
	v5 =	vbroadcast v45, $0xF  }
0x675: {  	v4 =	vbroadcast v40, $0xF;
	v1 =	vbroadcast v39, $0xF;
	(xrf2) =	vadd.scan.msk.f32 $0xffff, v43  }
0x676: {  	v47 =	vunpack.i.u.bf16.f32 v44;
	v3 =	vunpack.i.l.bf16.f32 v44;
	v49, _, _ =	vpop (xrf2);
	v48 =	vsel vm0, v46, v5  }
0x677: {  	v3 =	vadd.f32 v3, v47;
	v50 =	vbroadcast v49, $0xF;
	v2 =	vsel vm1, v48, v4  }
0x678: {  	v51 =	vbroadcast v37, $0xF;
	v1 =	vsel vm2, v2, v1  }
0x679: {  	v52 =	vbroadcast v35, $0xF;
	(xrf2) =	vadd.scan.msk.f32 $0xffff, v3;
	v53, _, _ =	vpop (xrf2);
	v1 =	vsel vm3, v1, v50  }
0x67a: {  	v54 =	vbroadcast v53, $0xF;
	v1 =	vsel vm4, v1, v51  }
0x67b: {  	v0 =	vbroadcast v32, $0xF;
	v1 =	vsel vm5, v1, v52  }
0x67c: {  	v55 =	vbroadcast v30, $0xF;
	v56, _, _ =	vpop (xrf2);
	v1 =	vsel vm6, v1, v54  }
0x67d: {  	v57 =	vbroadcast v56, $0xF;
	v0 =	vsel vm7, v1, v0  }
0x67e: {  	v58 =	vbroadcast v28, $0xF;
	v0 =	vsel vm8, v0, v55  }
0x67f: {  	v59 =	vbroadcast v13, $0xF;
	v60, _, _ =	vpop (xrf2);
	v0 =	vsel vm9, v0, v57  }
0x680: {  	v61 =	vbroadcast v60, $0xF;
	v0 =	vsel vm10, v0, v58  }
0x681: {  	v62 =	vbroadcast v12, $0xF;
	v0 =	vsel vm11, v0, v59  }
0x682: {  	v0 =	vsel vm12, v0, v61  }
0x683: {  	s3 =	sadd.s32 $0x1, s3;
	v63, _, _ =	vpop (xrf2);
	v0 =	vsel vm13, v0, v62  }
0x684: {  	s0 =	sadd.s32 $0x10, s0;
	p0 =	sne.s32 s3, s17;
	v0 =	vsel vm14, v0, v63  }
.Ltmp4:
0x685: {  	s13 =	simm.s32 $0x5140;
	[tilespmem:s0+$0x0] =	vst v0;
	(pc) =	sbr.rel @p0 .LBB2_1-.Ltmp4, $4  }
0x686: {  	[hbm4b:s16+s6] =	stream.linear.scatter [tilespmem:s13], [sflag:$0x4], $0x2710, $0x38;
	[tilespmem:$0x1B0D0] =	vst v63  }
0x687: {  	_ =	swait.ge [sflag:s19], $0x2710  }
0x688: {  	[sflag:s19] =	ssyncset.done $0x0  }
0x689: {  	[sflag:s19] =	ssyncadd.s32 $0xFFFFD8F0  }
0x68a: {  	_ =	sfence.sel $0x180000  }
0x68b: {  	[bflag:$0x0] =	sbarrier.arrive $0xFFFF  }
0x68c: {  	_ =	strace $0x90000047  }
0x68d: {  	s0 =	stileid.u32;
	[bflag:$0x2] =	sbarrier.arrive $0xFFFF  }
0x68e: {  	p0 =	sne.s32 s0, $0x0;
	s0 =	rddreg [dreg:$0x6]  }
0x68f: {  	s0 =	sadd.s32 @!p0 $0x100000, s0  }
0x690: {  	[sflag:s0] =	ssyncadd.tile.s32 @!p0 $0x1;
	_ =	shalt  }
.Lfunc_end2:
_tile_overlayer_lowered:
.L_overlay_start_2:
0x691: {  	(tag) =	ssettag $0x2  }
0x692: {  	s0 =	rddreg [dreg:$0x0];
	s2 =	stileid.u32  }
0x693: {  	s1 =	rddreg [dreg:$0x1];
	p0 =	sne.s32 s2, $0x0  }
0x694: {  	s3 =	rddreg [dreg:$0x2];
	[bflag:$0x3] =	sbarrier.arrive $0xFFFF;
	s2 =	simm.s32 @!p0 $0x1C04  }
0x695: {  	[timem:s3], [sflag:s2] =	dma.local @!p0 [hbm:s0], s1  }
0x696: {  	s0 =	simm.s32 @!p0 $0x4  }
0x697: {  	_ =	swait.ge @!p0 [sflag:s0], s1  }
0x698: {  	s1 =	ssub.s32 @!p0 $0x0, s1;
	[sflag:s0] =	ssyncset.done @!p0 $0x0  }
0x699: {  	[sflag:s0] =	ssyncadd.s32 @!p0 s1  }
0x69a: {  	[bflag:$0x3] =	sbarrier.arrive $0xFFFF  }
0x69b: {  	_ =	shalt  }

</sc_bundles>
